<compile_context>
chip_gen: v7x
topology: tpu7x:2x2x1
jax: 0.10.2.dev20260603
libtpu: 0.0.44.dev20260713+nightly
codegen_flags: <defaults>
</compile_context>

<pallas_src>
import functools

import jax
import jax.numpy as jnp
from jax import lax
from jax.experimental import pallas as pl
from jax.experimental.pallas import tpu as pltpu
from jax.experimental.pallas import tpu_sc as plsc

N = 10000
NPAD = 10240
D = 128
E = 320000
NG = 64
NC = 2
NS = 16
NW = NC * NS
CHUNK = 128
CPT = 80
HCPT = CPT // 2
EPAD = NW * CPT * CHUNK
ROWS_PT = NPAD // NS
MB = 1000
GRID = N // MB
_HI = lax.Precision.HIGHEST

def _edge_body(hs, srcp, dstp, out, idx_s, idx_d, rows0, rows1, acc,
               sem0, sem1, sem2, sem3):
    c = lax.axis_index("c")
    s = lax.axis_index("s")
    wid = c * NS + s

    def zr(i, carry):
        for j in range(8):
            rows0[i, pl.ds(j * 16, 16)] = jnp.zeros((16,), jnp.float32)
        return carry

    lax.fori_loop(0, CHUNK, zr, 0)
    for k in range(ROWS_PT // CHUNK):
        pltpu.sync_copy(rows0, acc.at[pl.ds(s * ROWS_PT + k * CHUNK, CHUNK)])
    plsc.subcore_barrier()

    for phase in range(2):
        pltpu.sync_copy(srcp.at[wid, pl.ds(phase * HCPT, HCPT)], idx_s)
        pltpu.sync_copy(dstp.at[wid, pl.ds(phase * HCPT, HCPT)], idx_d)
        pltpu.async_copy(hs.at[idx_s.at[0]], rows0, sem0)
        pltpu.async_copy(hs.at[idx_s.at[1]], rows1, sem1)

        def body(i, carry):
            j = 2 * i
            pltpu.make_async_copy(hs.at[idx_s.at[j]], rows0, sem0).wait()
            pltpu.async_copy(rows0, acc.at[idx_d.at[j]], sem2, add=True)
            pltpu.make_async_copy(hs.at[idx_s.at[j + 1]], rows1, sem1).wait()
            pltpu.async_copy(rows1, acc.at[idx_d.at[j + 1]], sem3, add=True)
            pltpu.make_async_copy(rows0, acc.at[idx_d.at[j]], sem2).wait()
            pltpu.async_copy(hs.at[idx_s.at[j + 2]], rows0, sem0)
            pltpu.make_async_copy(rows1, acc.at[idx_d.at[j + 1]], sem3).wait()
            pltpu.async_copy(hs.at[idx_s.at[j + 3]], rows1, sem1)
            return carry

        lax.fori_loop(0, HCPT // 2 - 1, body, 0)
        j = HCPT - 2
        pltpu.make_async_copy(hs.at[idx_s.at[j]], rows0, sem0).wait()
        pltpu.async_copy(rows0, acc.at[idx_d.at[j]], sem2, add=True)
        pltpu.make_async_copy(hs.at[idx_s.at[j + 1]], rows1, sem1).wait()
        pltpu.async_copy(rows1, acc.at[idx_d.at[j + 1]], sem3, add=True)
        pltpu.make_async_copy(rows0, acc.at[idx_d.at[j]], sem2).wait()
        pltpu.make_async_copy(rows1, acc.at[idx_d.at[j + 1]], sem3).wait()

    plsc.subcore_barrier()
    for k in range(ROWS_PT // CHUNK):
        base = s * ROWS_PT + k * CHUNK
        pltpu.sync_copy(acc.at[pl.ds(base, CHUNK)], rows0)
        pltpu.sync_copy(rows0, out.at[c, pl.ds(base, CHUNK)])


@functools.cache
def _edge_kernel():
    mesh = plsc.VectorSubcoreMesh(core_axis_name="c", subcore_axis_name="s",
                                  num_cores=NC, num_subcores=NS)
    return pl.kernel(
        _edge_body,
        out_type=jax.ShapeDtypeStruct((NC, NPAD, D), jnp.float32),
        mesh=mesh,
        scratch_types=[
            pltpu.VMEM((HCPT, CHUNK), jnp.int32),
            pltpu.VMEM((HCPT, CHUNK), jnp.int32),
            pltpu.VMEM((CHUNK, D), jnp.float32),
            pltpu.VMEM((CHUNK, D), jnp.float32),
            pltpu.VMEM_SHARED((NPAD, D), jnp.float32),
            pltpu.SemaphoreType.DMA,
            pltpu.SemaphoreType.DMA,
            pltpu.SemaphoreType.DMA,
            pltpu.SemaphoreType.DMA,
        ],
    )


def _edge_call(hs, srcp, dstp):
    return _edge_kernel()(hs, srcp, dstp)


def _deg_body(dstp, out, idx_d, rows0, acc, sem0, sem1):
    c = lax.axis_index("c")
    s = lax.axis_index("s")
    wid = c * NS + s

    def zr(i, carry):
        for j in range(8):
            rows0[i, pl.ds(j * 16, 16)] = jnp.zeros((16,), jnp.float32)
        return carry

    lax.fori_loop(0, CHUNK, zr, 0)
    for k in range(ROWS_PT // CHUNK):
        pltpu.sync_copy(rows0, acc.at[pl.ds(s * ROWS_PT + k * CHUNK, CHUNK)])

    def on(i, carry):
        for j in range(8):
            rows0[i, pl.ds(j * 16, 16)] = jnp.ones((16,), jnp.float32)
        return carry

    lax.fori_loop(0, CHUNK, on, 0)
    plsc.subcore_barrier()

    for phase in range(2):
        pltpu.sync_copy(dstp.at[wid, pl.ds(phase * HCPT, HCPT)], idx_d)

        def body(i, carry):
            j = 2 * i
            pltpu.async_copy(rows0, acc.at[idx_d.at[j]], sem0, add=True)
            pltpu.async_copy(rows0, acc.at[idx_d.at[j + 1]], sem1, add=True)
            pltpu.make_async_copy(rows0, acc.at[idx_d.at[j]], sem0).wait()
            pltpu.make_async_copy(rows0, acc.at[idx_d.at[j + 1]], sem1).wait()
            return carry

        lax.fori_loop(0, HCPT // 2, body, 0)

    plsc.subcore_barrier()
    for k in range(ROWS_PT // CHUNK):
        base = s * ROWS_PT + k * CHUNK
        pltpu.sync_copy(acc.at[pl.ds(base, CHUNK)], rows0)
        pltpu.sync_copy(rows0, out.at[c, pl.ds(base, CHUNK)])


@functools.cache
def _deg_kernel():
    mesh = plsc.VectorSubcoreMesh(core_axis_name="c", subcore_axis_name="s",
                                  num_cores=NC, num_subcores=NS)
    return pl.kernel(
        _deg_body,
        out_type=jax.ShapeDtypeStruct((NC, NPAD, D), jnp.float32),
        mesh=mesh,
        scratch_types=[
            pltpu.VMEM((HCPT, CHUNK), jnp.int32),
            pltpu.VMEM((CHUNK, D), jnp.float32),
            pltpu.VMEM_SHARED((NPAD, D), jnp.float32),
            pltpu.SemaphoreType.DMA,
            pltpu.SemaphoreType.DMA,
        ],
    )


def _k1_body(x_ref, w_ref, degp_ref, hs_ref, dinv_ref):
    deg = degp_ref[0][:, 0:1] + degp_ref[1][:, 0:1] + 1.0
    dinv = 1.0 / jnp.sqrt(deg)
    y = jnp.dot(x_ref[...], w_ref[...],
                preferred_element_type=jnp.float32)
    hs_ref[...] = y * dinv
    dinv_ref[...] = dinv


def _k1_call(x, w, degp):
    return pl.pallas_call(
        _k1_body,
        grid=(GRID,),
        in_specs=[
            pl.BlockSpec((MB, D), lambda i: (i, 0)),
            pl.BlockSpec((D, D), lambda i: (0, 0)),
            pl.BlockSpec((NC, MB, D), lambda i: (0, i, 0)),
        ],
        out_specs=[
            pl.BlockSpec((MB, D), lambda i: (i, 0)),
            pl.BlockSpec((MB, 1), lambda i: (i, 0)),
        ],
        out_shape=[
            jax.ShapeDtypeStruct((N, D), jnp.float32),
            jax.ShapeDtypeStruct((N, 1), jnp.float32),
        ],
    )(x, w, degp)


def _kc_body(p_ref, hsp_ref, dinv_ref, b_ref, w_ref, hsn_ref):
    dinv = dinv_ref[...]
    h = dinv * (p_ref[0] + p_ref[1] + hsp_ref[...]) + b_ref[...]
    h = jnp.maximum(h, 0.0)
    hsn_ref[...] = jnp.dot(h, w_ref[...],
                           preferred_element_type=jnp.float32) * dinv


def _kc_call(p, hsp, dinv, b, w):
    return pl.pallas_call(
        _kc_body,
        grid=(GRID,),
        in_specs=[
            pl.BlockSpec((NC, MB, D), lambda i: (0, i, 0)),
            pl.BlockSpec((MB, D), lambda i: (i, 0)),
            pl.BlockSpec((MB, 1), lambda i: (i, 0)),
            pl.BlockSpec((1, D), lambda i: (0, 0)),
            pl.BlockSpec((D, D), lambda i: (0, 0)),
        ],
        out_specs=pl.BlockSpec((MB, D), lambda i: (i, 0)),
        out_shape=jax.ShapeDtypeStruct((N, D), jnp.float32),
    )(p, hsp, dinv, b, w)


def _k7_body(p_ref, hsp_ref, dinv_ref, b_ref, bidx_ref, wh_ref, bh_ref,
             out_ref, pool_acc, cnt_acc):
    i = pl.program_id(0)

    @pl.when(i == 0)
    def _():
        pool_acc[...] = jnp.zeros_like(pool_acc)
        cnt_acc[...] = jnp.zeros_like(cnt_acc)

    dinv = dinv_ref[...]
    h = dinv * (p_ref[0] + p_ref[1] + hsp_ref[...]) + b_ref[...]
    h = jnp.maximum(h, 0.0)
    oh = (bidx_ref[...] == lax.broadcasted_iota(jnp.int32, (1, NG), 1)
          ).astype(jnp.float32)
    pool_acc[...] += lax.dot_general(oh, h, (((0,), (0,)), ((), ())),
                                     precision=_HI,
                                     preferred_element_type=jnp.float32)
    cnt_acc[...] += lax.dot_general(oh, jnp.ones((MB, 1), jnp.float32),
                                    (((0,), (0,)), ((), ())),
                                    precision=_HI,
                                    preferred_element_type=jnp.float32)

    @pl.when(i == GRID - 1)
    def _():
        pm = pool_acc[...] / jnp.maximum(cnt_acc[...], 1.0)
        out_ref[...] = jnp.dot(pm, wh_ref[...],
                               preferred_element_type=jnp.float32) + bh_ref[...]


def _k7_call(p, hsp, dinv, b, bidx, wh, bh):
    return pl.pallas_call(
        _k7_body,
        grid=(GRID,),
        in_specs=[
            pl.BlockSpec((NC, MB, D), lambda i: (0, i, 0)),
            pl.BlockSpec((MB, D), lambda i: (i, 0)),
            pl.BlockSpec((MB, 1), lambda i: (i, 0)),
            pl.BlockSpec((1, D), lambda i: (0, 0)),
            pl.BlockSpec((MB, 1), lambda i: (i, 0)),
            pl.BlockSpec((D, 1), lambda i: (0, 0)),
            pl.BlockSpec((1, 1), lambda i: (0, 0)),
        ],
        out_specs=pl.BlockSpec((NG, 1), lambda i: (0, 0)),
        out_shape=jax.ShapeDtypeStruct((NG, 1), jnp.float32),
        scratch_shapes=[
            pltpu.VMEM((NG, D), jnp.float32),
            pltpu.VMEM((NG, 1), jnp.float32),
        ],
    )(p, hsp, dinv, b, bidx, wh, bh)


def kernel(x, edge_index, batch_idx, W1, b1, W2, b2, W3, b3, Wh, bh):
    src = edge_index[0]
    dst = edge_index[1]
    pad = EPAD - E
    srcp = jnp.concatenate([src, jnp.zeros((pad,), jnp.int32)]
                           ).reshape(NW, CPT, CHUNK)
    dstp = jnp.concatenate([dst, jnp.full((pad,), N, jnp.int32)]
                           ).reshape(NW, CPT, CHUNK)
    degp = _deg_kernel()(dstp)
    hs1, dinv = _k1_call(x, W1, degp)
    p1 = _edge_call(hs1, srcp, dstp)
    hs2 = _kc_call(p1, hs1, dinv, b1.reshape(1, D), W2)
    p2 = _edge_call(hs2, srcp, dstp)
    hs3 = _kc_call(p2, hs2, dinv, b2.reshape(1, D), W3)
    p3 = _edge_call(hs3, srcp, dstp)
    out = _k7_call(p3, hs3, dinv, b3.reshape(1, D),
                   batch_idx.reshape(N, 1), Wh, bh.reshape(1, 1))
    return out.reshape(NG)

# --- scband reference (transcript-rebuilt; emitter-appended) ---
"""Pipeline reference for scband-graph-level-gnn-7816840478749 (READ-ONLY COPY).

The authoritative reference and input builder live on the scoring server;
editing this copy changes nothing except your own understanding.
"""

import jax, jax.numpy as jnp
import numpy as np

N_NODES = 10000
N_EDGES = 320000
D_FEAT = 128
C_HIDDEN = 128
C_OUT = 1
N_GRAPHS = 64


def setup_inputs(seed: int = 0) -> dict:
    key = jax.random.key(seed)
    ks = jax.random.split(key, 12)
    x = jax.random.normal(ks[0], (N_NODES, D_FEAT), dtype=jnp.float32)
    edge_index = jax.random.randint(ks[1], (2, N_EDGES), 0, N_NODES, dtype=jnp.int64 if jax.config.jax_enable_x64 else jnp.int32).astype(jnp.int32)
    batch_idx = jnp.sort(jax.random.randint(ks[2], (N_NODES,), 0, N_GRAPHS).astype(jnp.int32))
    s = 1.0 / np.sqrt(C_HIDDEN)
    W1 = jax.random.uniform(ks[3], (D_FEAT, C_HIDDEN), jnp.float32, -s, s)
    b1 = jnp.zeros((C_HIDDEN,), jnp.float32)
    W2 = jax.random.uniform(ks[4], (C_HIDDEN, C_HIDDEN), jnp.float32, -s, s)
    b2 = jnp.zeros((C_HIDDEN,), jnp.float32)
    W3 = jax.random.uniform(ks[5], (C_HIDDEN, C_HIDDEN), jnp.float32, -s, s)
    b3 = jnp.zeros((C_HIDDEN,), jnp.float32)
    Wh = jax.random.uniform(ks[6], (C_HIDDEN, C_OUT), jnp.float32, -s, s)
    bh = jnp.zeros((C_OUT,), jnp.float32)
    return {"x": x, "edge_index": edge_index, "batch_idx": batch_idx,
            "W1": W1, "b1": b1, "W2": W2, "b2": b2, "W3": W3, "b3": b3,
            "Wh": Wh, "bh": bh}


def _gcn_layer(h, src, dst, W, b, n_nodes):
    # GCNConv with added self-loops and symmetric normalization
    h = h @ W
    self_loop = jnp.arange(n_nodes, dtype=src.dtype)
    src2 = jnp.concatenate([src, self_loop])
    dst2 = jnp.concatenate([dst, self_loop])
    ones = jnp.ones((src2.shape[0],), jnp.float32)
    deg = jax.ops.segment_sum(ones, dst2, num_segments=n_nodes)
    dinv = jnp.where(deg > 0, 1.0 / jnp.sqrt(deg), 0.0)
    norm = dinv[src2] * dinv[dst2]
    msg = h[src2] * norm[:, None]
    out = jax.ops.segment_sum(msg, dst2, num_segments=n_nodes)
    return out + b


def reference(x, edge_index, batch_idx, W1, b1, W2, b2, W3, b3, Wh, bh):
    src = edge_index[0]
    dst = edge_index[1]
    n = x.shape[0]
    h = _gcn_layer(x, src, dst, W1, b1, n)
    h = jax.nn.relu(h)
    h = _gcn_layer(h, src, dst, W2, b2, n)
    h = jax.nn.relu(h)
    h = _gcn_layer(h, src, dst, W3, b3, n)
    h = jax.nn.relu(h)
    # global mean pool per graph
    pooled = jax.ops.segment_sum(h, batch_idx, num_segments=N_GRAPHS)
    counts = jax.ops.segment_sum(jnp.ones((n,), jnp.float32), batch_idx, num_segments=N_GRAPHS)
    pooled = pooled / jnp.maximum(counts, 1.0)[:, None]
    out = pooled @ Wh + bh
    return out.squeeze(-1)

if __name__ == "__main__":
    import jax
    _d = setup_inputs()
    print(jax.jit(kernel)(*tuple(_d.values())))

</pallas_src>

<mosaic_0001>
#map = affine_map<(d0, d1) -> (0, 0)>
#map1 = affine_map<(d0, d1) -> (0, 0, 0)>
module attributes {stable_mosaic.version = 14 : i64} {
  func.func @_edge_body(%arg0: i32, %arg1: i32, %arg2: memref<10000x128xf32, #tpu.memory_space<hbm>>, %arg3: memref<32x80x128xi32, #tpu.memory_space<hbm>>, %arg4: memref<32x80x128xi32, #tpu.memory_space<hbm>>, %arg5: memref<2x10240x128xf32, #tpu.memory_space<hbm>>, %arg6: memref<40x128xi32, #tpu.memory_space<vmem>>, %arg7: memref<40x128xi32, #tpu.memory_space<vmem>>, %arg8: memref<128x128xf32, #tpu.memory_space<vmem>>, %arg9: memref<128x128xf32, #tpu.memory_space<vmem>>, %arg10: memref<10240x128xf32, #tpu.memory_space<vmem_shared>>, %arg11: memref<!tpu.dma_semaphore, #tpu.memory_space<semaphore_mem>>, %arg12: memref<!tpu.dma_semaphore, #tpu.memory_space<semaphore_mem>>, %arg13: memref<!tpu.dma_semaphore, #tpu.memory_space<semaphore_mem>>, %arg14: memref<!tpu.dma_semaphore, #tpu.memory_space<semaphore_mem>>) attributes {dimension_semantics = [#tpu.dimension_semantics<core_parallel>, #tpu.dimension_semantics<subcore_parallel>], iteration_bounds = array<i64: 2, 16>, scalar_prefetch = 0 : i64, scratch_operands = 9 : i64, tpu.core_type = #tpu.core_type<sc_vector_subcore>, window_params = [{transform_indices = #map}, {transform_indices = #map1}, {transform_indices = #map1}, {transform_indices = #map1}]} {
    %mul3A = arith.constant 16 : i32
    %mul3A_0 = arith.muli %arg0, %mul3A : i32
    %add3A = arith.addi %mul3A_0, %arg1 : i32
    %scan3A = arith.constant 0 : i32
    %scan3A_1 = arith.constant 0 : i32
    %scan3A_2 = arith.constant 128 : i32
    %scan3A_3 = arith.addi %scan3A_1, %scan3A_2 : i32
    %scan3A_4 = arith.constant 1 : i32
    scf.for %scan3A_169 = %scan3A_1 to %scan3A_3 step %scan3A_4  : i32 {
      %broadcast_in_dim3A = arith.constant 0.000000e+00 : f32
      %broadcast_in_dim3A_170 = vector.broadcast %broadcast_in_dim3A : f32 to vector<16xf32>
      %swap3A = arith.index_cast %scan3A_169 : i32 to index
      %swap3A_171 = arith.constant 0 : index
      %swap3A_172 = tpu.vector_load %arg8[%swap3A, %swap3A_171] {strides = array<i32>} : memref<128x128xf32, #tpu.memory_space<vmem>>, vector<1x16xf32>,
      %swap3A_173 = vector.shape_cast %swap3A_172 : vector<1x16xf32> to vector<16xf32>
      %swap3A_174 = vector.shape_cast %broadcast_in_dim3A_170 : vector<16xf32> to vector<1x16xf32>
      tpu.vector_store %arg8[%swap3A, %swap3A_171], %swap3A_174 {strides = array<i32>} : memref<128x128xf32, #tpu.memory_space<vmem>>, vector<1x16xf32>,
      %broadcast_in_dim3A_175 = arith.constant 0.000000e+00 : f32
      %broadcast_in_dim3A_176 = vector.broadcast %broadcast_in_dim3A_175 : f32 to vector<16xf32>
      %swap3A_177 = arith.index_cast %scan3A_169 : i32 to index
      %swap3A_178 = arith.constant 16 : index
      %swap3A_179 = tpu.vector_load %arg8[%swap3A_177, %swap3A_178] {strides = array<i32>} : memref<128x128xf32, #tpu.memory_space<vmem>>, vector<1x16xf32>,
      %swap3A_180 = vector.shape_cast %swap3A_179 : vector<1x16xf32> to vector<16xf32>
      %swap3A_181 = vector.shape_cast %broadcast_in_dim3A_176 : vector<16xf32> to vector<1x16xf32>
      tpu.vector_store %arg8[%swap3A_177, %swap3A_178], %swap3A_181 {strides = array<i32>} : memref<128x128xf32, #tpu.memory_space<vmem>>, vector<1x16xf32>,
      %broadcast_in_dim3A_182 = arith.constant 0.000000e+00 : f32
      %broadcast_in_dim3A_183 = vector.broadcast %broadcast_in_dim3A_182 : f32 to vector<16xf32>
      %swap3A_184 = arith.index_cast %scan3A_169 : i32 to index
      %swap3A_185 = arith.constant 32 : index
      %swap3A_186 = tpu.vector_load %arg8[%swap3A_184, %swap3A_185] {strides = array<i32>} : memref<128x128xf32, #tpu.memory_space<vmem>>, vector<1x16xf32>,
      %swap3A_187 = vector.shape_cast %swap3A_186 : vector<1x16xf32> to vector<16xf32>
      %swap3A_188 = vector.shape_cast %broadcast_in_dim3A_183 : vector<16xf32> to vector<1x16xf32>
      tpu.vector_store %arg8[%swap3A_184, %swap3A_185], %swap3A_188 {strides = array<i32>} : memref<128x128xf32, #tpu.memory_space<vmem>>, vector<1x16xf32>,
      %broadcast_in_dim3A_189 = arith.constant 0.000000e+00 : f32
      %broadcast_in_dim3A_190 = vector.broadcast %broadcast_in_dim3A_189 : f32 to vector<16xf32>
      %swap3A_191 = arith.index_cast %scan3A_169 : i32 to index
      %swap3A_192 = arith.constant 48 : index
      %swap3A_193 = tpu.vector_load %arg8[%swap3A_191, %swap3A_192] {strides = array<i32>} : memref<128x128xf32, #tpu.memory_space<vmem>>, vector<1x16xf32>,
      %swap3A_194 = vector.shape_cast %swap3A_193 : vector<1x16xf32> to vector<16xf32>
      %swap3A_195 = vector.shape_cast %broadcast_in_dim3A_190 : vector<16xf32> to vector<1x16xf32>
      tpu.vector_store %arg8[%swap3A_191, %swap3A_192], %swap3A_195 {strides = array<i32>} : memref<128x128xf32, #tpu.memory_space<vmem>>, vector<1x16xf32>,
      %broadcast_in_dim3A_196 = arith.constant 0.000000e+00 : f32
      %broadcast_in_dim3A_197 = vector.broadcast %broadcast_in_dim3A_196 : f32 to vector<16xf32>
      %swap3A_198 = arith.index_cast %scan3A_169 : i32 to index
      %swap3A_199 = arith.constant 64 : index
      %swap3A_200 = tpu.vector_load %arg8[%swap3A_198, %swap3A_199] {strides = array<i32>} : memref<128x128xf32, #tpu.memory_space<vmem>>, vector<1x16xf32>,
      %swap3A_201 = vector.shape_cast %swap3A_200 : vector<1x16xf32> to vector<16xf32>
      %swap3A_202 = vector.shape_cast %broadcast_in_dim3A_197 : vector<16xf32> to vector<1x16xf32>
      tpu.vector_store %arg8[%swap3A_198, %swap3A_199], %swap3A_202 {strides = array<i32>} : memref<128x128xf32, #tpu.memory_space<vmem>>, vector<1x16xf32>,
      %broadcast_in_dim3A_203 = arith.constant 0.000000e+00 : f32
      %broadcast_in_dim3A_204 = vector.broadcast %broadcast_in_dim3A_203 : f32 to vector<16xf32>
      %swap3A_205 = arith.index_cast %scan3A_169 : i32 to index
      %swap3A_206 = arith.constant 80 : index
      %swap3A_207 = tpu.vector_load %arg8[%swap3A_205, %swap3A_206] {strides = array<i32>} : memref<128x128xf32, #tpu.memory_space<vmem>>, vector<1x16xf32>,
      %swap3A_208 = vector.shape_cast %swap3A_207 : vector<1x16xf32> to vector<16xf32>
      %swap3A_209 = vector.shape_cast %broadcast_in_dim3A_204 : vector<16xf32> to vector<1x16xf32>
      tpu.vector_store %arg8[%swap3A_205, %swap3A_206], %swap3A_209 {strides = array<i32>} : memref<128x128xf32, #tpu.memory_space<vmem>>, vector<1x16xf32>,
      %broadcast_in_dim3A_210 = arith.constant 0.000000e+00 : f32
      %broadcast_in_dim3A_211 = vector.broadcast %broadcast_in_dim3A_210 : f32 to vector<16xf32>
      %swap3A_212 = arith.index_cast %scan3A_169 : i32 to index
      %swap3A_213 = arith.constant 96 : index
      %swap3A_214 = tpu.vector_load %arg8[%swap3A_212, %swap3A_213] {strides = array<i32>} : memref<128x128xf32, #tpu.memory_space<vmem>>, vector<1x16xf32>,
      %swap3A_215 = vector.shape_cast %swap3A_214 : vector<1x16xf32> to vector<16xf32>
      %swap3A_216 = vector.shape_cast %broadcast_in_dim3A_211 : vector<16xf32> to vector<1x16xf32>
      tpu.vector_store %arg8[%swap3A_212, %swap3A_213], %swap3A_216 {strides = array<i32>} : memref<128x128xf32, #tpu.memory_space<vmem>>, vector<1x16xf32>,
      %broadcast_in_dim3A_217 = arith.constant 0.000000e+00 : f32
      %broadcast_in_dim3A_218 = vector.broadcast %broadcast_in_dim3A_217 : f32 to vector<16xf32>
      %swap3A_219 = arith.index_cast %scan3A_169 : i32 to index
      %swap3A_220 = arith.constant 112 : index
      %swap3A_221 = tpu.vector_load %arg8[%swap3A_219, %swap3A_220] {strides = array<i32>} : memref<128x128xf32, #tpu.memory_space<vmem>>, vector<1x16xf32>,
      %swap3A_222 = vector.shape_cast %swap3A_221 : vector<1x16xf32> to vector<16xf32>
      %swap3A_223 = vector.shape_cast %broadcast_in_dim3A_218 : vector<16xf32> to vector<1x16xf32>
      tpu.vector_store %arg8[%swap3A_219, %swap3A_220], %swap3A_223 {strides = array<i32>} : memref<128x128xf32, #tpu.memory_space<vmem>>, vector<1x16xf32>,
    }
    %scan3A_5 = arith.constant 128 : i32
    %mul3A_6 = arith.constant 640 : i32
    %mul3A_7 = arith.muli %arg1, %mul3A_6 : i32
    %add3A_8 = arith.constant 0 : i32
    %add3A_9 = arith.addi %mul3A_7, %add3A_8 : i32
    "tpu.region"() ({
      %run_scoped3A = tpu.sem_alloc : memref<!tpu.dma_semaphore, #tpu.memory_space<semaphore_mem>>
      %dma_start3A_169 = arith.constant 0 : i32
      %dma_start3A_170 = tpu.memref_slice %arg10[%add3A_9, %dma_start3A_169] : memref<10240x128xf32, #tpu.memory_space<vmem_shared>> -> memref<128x128xf32, #tpu.memory_space<vmem_shared>>
      %dma_start3A_171 = arith.constant 0 : i32
      %dma_start3A_172 = tpu.memref_slice %arg10[%add3A_9, %dma_start3A_171] : memref<10240x128xf32, #tpu.memory_space<vmem_shared>> -> memref<128x128xf32, #tpu.memory_space<vmem_shared>>
      tpu.enqueue_dma source(%arg8 : memref<128x128xf32, #tpu.memory_space<vmem>>) target(%dma_start3A_172 : memref<128x128xf32, #tpu.memory_space<vmem_shared>>) target_semaphore(%run_scoped3A : memref<!tpu.dma_semaphore, #tpu.memory_space<semaphore_mem>>)
      %dma_wait3A_173 = arith.constant 0 : i32
      %dma_wait3A_174 = tpu.memref_slice %arg10[%add3A_9, %dma_wait3A_173] : memref<10240x128xf32, #tpu.memory_space<vmem_shared>> -> memref<128x128xf32, #tpu.memory_space<vmem_shared>>
      %dma_wait3A_175 = arith.constant 0 : i32
      %dma_wait3A_176 = tpu.memref_slice %arg10[%add3A_9, %dma_wait3A_175] : memref<10240x128xf32, #tpu.memory_space<vmem_shared>> -> memref<128x128xf32, #tpu.memory_space<vmem_shared>>
      tpu.wait_dma2 semaphore(%run_scoped3A : memref<!tpu.dma_semaphore, #tpu.memory_space<semaphore_mem>>) src(%arg8 : memref<128x128xf32, #tpu.memory_space<vmem>>) dst(%dma_wait3A_176 : memref<128x128xf32, #tpu.memory_space<vmem_shared>>)
      tpu.yield
    }) : () -> ()
    %mul3A_10 = arith.constant 640 : i32
    %mul3A_11 = arith.muli %arg1, %mul3A_10 : i32
    %add3A_12 = arith.constant 128 : i32
    %add3A_13 = arith.addi %mul3A_11, %add3A_12 : i32
    "tpu.region"() ({
      %run_scoped3A = tpu.sem_alloc : memref<!tpu.dma_semaphore, #tpu.memory_space<semaphore_mem>>
      %dma_start3A_169 = arith.constant 0 : i32
      %dma_start3A_170 = tpu.memref_slice %arg10[%add3A_13, %dma_start3A_169] : memref<10240x128xf32, #tpu.memory_space<vmem_shared>> -> memref<128x128xf32, #tpu.memory_space<vmem_shared>>
      %dma_start3A_171 = arith.constant 0 : i32
      %dma_start3A_172 = tpu.memref_slice %arg10[%add3A_13, %dma_start3A_171] : memref<10240x128xf32, #tpu.memory_space<vmem_shared>> -> memref<128x128xf32, #tpu.memory_space<vmem_shared>>
      tpu.enqueue_dma source(%arg8 : memref<128x128xf32, #tpu.memory_space<vmem>>) target(%dma_start3A_172 : memref<128x128xf32, #tpu.memory_space<vmem_shared>>) target_semaphore(%run_scoped3A : memref<!tpu.dma_semaphore, #tpu.memory_space<semaphore_mem>>)
      %dma_wait3A_173 = arith.constant 0 : i32
      %dma_wait3A_174 = tpu.memref_slice %arg10[%add3A_13, %dma_wait3A_173] : memref<10240x128xf32, #tpu.memory_space<vmem_shared>> -> memref<128x128xf32, #tpu.memory_space<vmem_shared>>
      %dma_wait3A_175 = arith.constant 0 : i32
      %dma_wait3A_176 = tpu.memref_slice %arg10[%add3A_13, %dma_wait3A_175] : memref<10240x128xf32, #tpu.memory_space<vmem_shared>> -> memref<128x128xf32, #tpu.memory_space<vmem_shared>>
      tpu.wait_dma2 semaphore(%run_scoped3A : memref<!tpu.dma_semaphore, #tpu.memory_space<semaphore_mem>>) src(%arg8 : memref<128x128xf32, #tpu.memory_space<vmem>>) dst(%dma_wait3A_176 : memref<128x128xf32, #tpu.memory_space<vmem_shared>>)
      tpu.yield
    }) : () -> ()
    %mul3A_14 = arith.constant 640 : i32
    %mul3A_15 = arith.muli %arg1, %mul3A_14 : i32
    %add3A_16 = arith.constant 256 : i32
    %add3A_17 = arith.addi %mul3A_15, %add3A_16 : i32
    "tpu.region"() ({
      %run_scoped3A = tpu.sem_alloc : memref<!tpu.dma_semaphore, #tpu.memory_space<semaphore_mem>>
      %dma_start3A_169 = arith.constant 0 : i32
      %dma_start3A_170 = tpu.memref_slice %arg10[%add3A_17, %dma_start3A_169] : memref<10240x128xf32, #tpu.memory_space<vmem_shared>> -> memref<128x128xf32, #tpu.memory_space<vmem_shared>>
      %dma_start3A_171 = arith.constant 0 : i32
      %dma_start3A_172 = tpu.memref_slice %arg10[%add3A_17, %dma_start3A_171] : memref<10240x128xf32, #tpu.memory_space<vmem_shared>> -> memref<128x128xf32, #tpu.memory_space<vmem_shared>>
      tpu.enqueue_dma source(%arg8 : memref<128x128xf32, #tpu.memory_space<vmem>>) target(%dma_start3A_172 : memref<128x128xf32, #tpu.memory_space<vmem_shared>>) target_semaphore(%run_scoped3A : memref<!tpu.dma_semaphore, #tpu.memory_space<semaphore_mem>>)
      %dma_wait3A_173 = arith.constant 0 : i32
      %dma_wait3A_174 = tpu.memref_slice %arg10[%add3A_17, %dma_wait3A_173] : memref<10240x128xf32, #tpu.memory_space<vmem_shared>> -> memref<128x128xf32, #tpu.memory_space<vmem_shared>>
      %dma_wait3A_175 = arith.constant 0 : i32
      %dma_wait3A_176 = tpu.memref_slice %arg10[%add3A_17, %dma_wait3A_175] : memref<10240x128xf32, #tpu.memory_space<vmem_shared>> -> memref<128x128xf32, #tpu.memory_space<vmem_shared>>
      tpu.wait_dma2 semaphore(%run_scoped3A : memref<!tpu.dma_semaphore, #tpu.memory_space<semaphore_mem>>) src(%arg8 : memref<128x128xf32, #tpu.memory_space<vmem>>) dst(%dma_wait3A_176 : memref<128x128xf32, #tpu.memory_space<vmem_shared>>)
      tpu.yield
    }) : () -> ()
    %mul3A_18 = arith.constant 640 : i32
    %mul3A_19 = arith.muli %arg1, %mul3A_18 : i32
    %add3A_20 = arith.constant 384 : i32
    %add3A_21 = arith.addi %mul3A_19, %add3A_20 : i32
    "tpu.region"() ({
      %run_scoped3A = tpu.sem_alloc : memref<!tpu.dma_semaphore, #tpu.memory_space<semaphore_mem>>
      %dma_start3A_169 = arith.constant 0 : i32
      %dma_start3A_170 = tpu.memref_slice %arg10[%add3A_21, %dma_start3A_169] : memref<10240x128xf32, #tpu.memory_space<vmem_shared>> -> memref<128x128xf32, #tpu.memory_space<vmem_shared>>
      %dma_start3A_171 = arith.constant 0 : i32
      %dma_start3A_172 = tpu.memref_slice %arg10[%add3A_21, %dma_start3A_171] : memref<10240x128xf32, #tpu.memory_space<vmem_shared>> -> memref<128x128xf32, #tpu.memory_space<vmem_shared>>
      tpu.enqueue_dma source(%arg8 : memref<128x128xf32, #tpu.memory_space<vmem>>) target(%dma_start3A_172 : memref<128x128xf32, #tpu.memory_space<vmem_shared>>) target_semaphore(%run_scoped3A : memref<!tpu.dma_semaphore, #tpu.memory_space<semaphore_mem>>)
      %dma_wait3A_173 = arith.constant 0 : i32
      %dma_wait3A_174 = tpu.memref_slice %arg10[%add3A_21, %dma_wait3A_173] : memref<10240x128xf32, #tpu.memory_space<vmem_shared>> -> memref<128x128xf32, #tpu.memory_space<vmem_shared>>
      %dma_wait3A_175 = arith.constant 0 : i32
      %dma_wait3A_176 = tpu.memref_slice %arg10[%add3A_21, %dma_wait3A_175] : memref<10240x128xf32, #tpu.memory_space<vmem_shared>> -> memref<128x128xf32, #tpu.memory_space<vmem_shared>>
      tpu.wait_dma2 semaphore(%run_scoped3A : memref<!tpu.dma_semaphore, #tpu.memory_space<semaphore_mem>>) src(%arg8 : memref<128x128xf32, #tpu.memory_space<vmem>>) dst(%dma_wait3A_176 : memref<128x128xf32, #tpu.memory_space<vmem_shared>>)
      tpu.yield
    }) : () -> ()
    %mul3A_22 = arith.constant 640 : i32
    %mul3A_23 = arith.muli %arg1, %mul3A_22 : i32
    %add3A_24 = arith.constant 512 : i32
    %add3A_25 = arith.addi %mul3A_23, %add3A_24 : i32
    "tpu.region"() ({
      %run_scoped3A = tpu.sem_alloc : memref<!tpu.dma_semaphore, #tpu.memory_space<semaphore_mem>>
      %dma_start3A_169 = arith.constant 0 : i32
      %dma_start3A_170 = tpu.memref_slice %arg10[%add3A_25, %dma_start3A_169] : memref<10240x128xf32, #tpu.memory_space<vmem_shared>> -> memref<128x128xf32, #tpu.memory_space<vmem_shared>>
      %dma_start3A_171 = arith.constant 0 : i32
      %dma_start3A_172 = tpu.memref_slice %arg10[%add3A_25, %dma_start3A_171] : memref<10240x128xf32, #tpu.memory_space<vmem_shared>> -> memref<128x128xf32, #tpu.memory_space<vmem_shared>>
      tpu.enqueue_dma source(%arg8 : memref<128x128xf32, #tpu.memory_space<vmem>>) target(%dma_start3A_172 : memref<128x128xf32, #tpu.memory_space<vmem_shared>>) target_semaphore(%run_scoped3A : memref<!tpu.dma_semaphore, #tpu.memory_space<semaphore_mem>>)
      %dma_wait3A_173 = arith.constant 0 : i32
      %dma_wait3A_174 = tpu.memref_slice %arg10[%add3A_25, %dma_wait3A_173] : memref<10240x128xf32, #tpu.memory_space<vmem_shared>> -> memref<128x128xf32, #tpu.memory_space<vmem_shared>>
      %dma_wait3A_175 = arith.constant 0 : i32
      %dma_wait3A_176 = tpu.memref_slice %arg10[%add3A_25, %dma_wait3A_175] : memref<10240x128xf32, #tpu.memory_space<vmem_shared>> -> memref<128x128xf32, #tpu.memory_space<vmem_shared>>
      tpu.wait_dma2 semaphore(%run_scoped3A : memref<!tpu.dma_semaphore, #tpu.memory_space<semaphore_mem>>) src(%arg8 : memref<128x128xf32, #tpu.memory_space<vmem>>) dst(%dma_wait3A_176 : memref<128x128xf32, #tpu.memory_space<vmem_shared>>)
      tpu.yield
    }) : () -> ()
    %barrier3A = arith.constant 0 : index
    tpu.barrier barrier_id(%barrier3A)
    "tpu.region"() ({
      %run_scoped3A = tpu.sem_alloc : memref<!tpu.dma_semaphore, #tpu.memory_space<semaphore_mem>>
      %dma_start3A_169 = arith.constant 0 : i32
      %dma_start3A_170 = arith.constant 0 : i32
      %dma_start3A_171 = tpu.memref_slice %arg3[%add3A, %dma_start3A_169, %dma_start3A_170] : memref<32x80x128xi32, #tpu.memory_space<hbm>> -> memref<1x40x128xi32, #tpu.memory_space<hbm>>
      %dma_start3A_172 = tpu.memref_squeeze %dma_start3A_171 : memref<1x40x128xi32, #tpu.memory_space<hbm>> -> memref<40x128xi32, #tpu.memory_space<hbm>>
      %dma_start3A_173 = arith.constant 0 : i32
      %dma_start3A_174 = arith.constant 0 : i32
      %dma_start3A_175 = tpu.memref_slice %arg3[%add3A, %dma_start3A_173, %dma_start3A_174] : memref<32x80x128xi32, #tpu.memory_space<hbm>> -> memref<1x40x128xi32, #tpu.memory_space<hbm>>
      %dma_start3A_176 = tpu.memref_squeeze %dma_start3A_175 : memref<1x40x128xi32, #tpu.memory_space<hbm>> -> memref<40x128xi32, #tpu.memory_space<hbm>>
      tpu.enqueue_dma source(%dma_start3A_176 : memref<40x128xi32, #tpu.memory_space<hbm>>) target(%arg6 : memref<40x128xi32, #tpu.memory_space<vmem>>) target_semaphore(%run_scoped3A : memref<!tpu.dma_semaphore, #tpu.memory_space<semaphore_mem>>)
      %dma_wait3A_177 = arith.constant 0 : i32
      %dma_wait3A_178 = arith.constant 0 : i32
      %dma_wait3A_179 = tpu.memref_slice %arg3[%add3A, %dma_wait3A_177, %dma_wait3A_178] : memref<32x80x128xi32, #tpu.memory_space<hbm>> -> memref<1x40x128xi32, #tpu.memory_space<hbm>>
      %dma_wait3A_180 = tpu.memref_squeeze %dma_wait3A_179 : memref<1x40x128xi32, #tpu.memory_space<hbm>> -> memref<40x128xi32, #tpu.memory_space<hbm>>
      %dma_wait3A_181 = arith.constant 0 : i32
      %dma_wait3A_182 = arith.constant 0 : i32
      %dma_wait3A_183 = tpu.memref_slice %arg3[%add3A, %dma_wait3A_181, %dma_wait3A_182] : memref<32x80x128xi32, #tpu.memory_space<hbm>> -> memref<1x40x128xi32, #tpu.memory_space<hbm>>
      %dma_wait3A_184 = tpu.memref_squeeze %dma_wait3A_183 : memref<1x40x128xi32, #tpu.memory_space<hbm>> -> memref<40x128xi32, #tpu.memory_space<hbm>>
      tpu.wait_dma2 semaphore(%run_scoped3A : memref<!tpu.dma_semaphore, #tpu.memory_space<semaphore_mem>>) src(%dma_wait3A_184 : memref<40x128xi32, #tpu.memory_space<hbm>>) dst(%arg6 : memref<40x128xi32, #tpu.memory_space<vmem>>)
      tpu.yield
    }) : () -> ()
    "tpu.region"() ({
      %run_scoped3A = tpu.sem_alloc : memref<!tpu.dma_semaphore, #tpu.memory_space<semaphore_mem>>
      %dma_start3A_169 = arith.constant 0 : i32
      %dma_start3A_170 = arith.constant 0 : i32
      %dma_start3A_171 = tpu.memref_slice %arg4[%add3A, %dma_start3A_169, %dma_start3A_170] : memref<32x80x128xi32, #tpu.memory_space<hbm>> -> memref<1x40x128xi32, #tpu.memory_space<hbm>>
      %dma_start3A_172 = tpu.memref_squeeze %dma_start3A_171 : memref<1x40x128xi32, #tpu.memory_space<hbm>> -> memref<40x128xi32, #tpu.memory_space<hbm>>
      %dma_start3A_173 = arith.constant 0 : i32
      %dma_start3A_174 = arith.constant 0 : i32
      %dma_start3A_175 = tpu.memref_slice %arg4[%add3A, %dma_start3A_173, %dma_start3A_174] : memref<32x80x128xi32, #tpu.memory_space<hbm>> -> memref<1x40x128xi32, #tpu.memory_space<hbm>>
      %dma_start3A_176 = tpu.memref_squeeze %dma_start3A_175 : memref<1x40x128xi32, #tpu.memory_space<hbm>> -> memref<40x128xi32, #tpu.memory_space<hbm>>
      tpu.enqueue_dma source(%dma_start3A_176 : memref<40x128xi32, #tpu.memory_space<hbm>>) target(%arg7 : memref<40x128xi32, #tpu.memory_space<vmem>>) target_semaphore(%run_scoped3A : memref<!tpu.dma_semaphore, #tpu.memory_space<semaphore_mem>>)
      %dma_wait3A_177 = arith.constant 0 : i32
      %dma_wait3A_178 = arith.constant 0 : i32
      %dma_wait3A_179 = tpu.memref_slice %arg4[%add3A, %dma_wait3A_177, %dma_wait3A_178] : memref<32x80x128xi32, #tpu.memory_space<hbm>> -> memref<1x40x128xi32, #tpu.memory_space<hbm>>
      %dma_wait3A_180 = tpu.memref_squeeze %dma_wait3A_179 : memref<1x40x128xi32, #tpu.memory_space<hbm>> -> memref<40x128xi32, #tpu.memory_space<hbm>>
      %dma_wait3A_181 = arith.constant 0 : i32
      %dma_wait3A_182 = arith.constant 0 : i32
      %dma_wait3A_183 = tpu.memref_slice %arg4[%add3A, %dma_wait3A_181, %dma_wait3A_182] : memref<32x80x128xi32, #tpu.memory_space<hbm>> -> memref<1x40x128xi32, #tpu.memory_space<hbm>>
      %dma_wait3A_184 = tpu.memref_squeeze %dma_wait3A_183 : memref<1x40x128xi32, #tpu.memory_space<hbm>> -> memref<40x128xi32, #tpu.memory_space<hbm>>
      tpu.wait_dma2 semaphore(%run_scoped3A : memref<!tpu.dma_semaphore, #tpu.memory_space<semaphore_mem>>) src(%dma_wait3A_184 : memref<40x128xi32, #tpu.memory_space<hbm>>) dst(%arg7 : memref<40x128xi32, #tpu.memory_space<vmem>>)
      tpu.yield
    }) : () -> ()
    %dma_start3A = arith.constant 0 : i32
    %dma_start3A_26 = arith.constant 0 : i32
    %dma_start3A_27 = tpu.memref_slice %arg6[%dma_start3A, %dma_start3A_26] : memref<40x128xi32, #tpu.memory_space<vmem>> -> memref<1x128xi32, #tpu.memory_space<vmem>>
    %dma_start3A_28 = tpu.memref_squeeze %dma_start3A_27 : memref<1x128xi32, #tpu.memory_space<vmem>> -> memref<128xi32, #tpu.memory_space<vmem>>
    %dma_start3A_29 = arith.constant 0 : i32
    %dma_start3A_30 = arith.constant 0 : i32
    %dma_start3A_31 = tpu.memref_slice %arg2[%dma_start3A_29, %dma_start3A_30] : memref<10000x128xf32, #tpu.memory_space<hbm>> -> memref<10000x128xf32, #tpu.memory_space<hbm>>
    tpu.enqueue_indirect_dma source(%dma_start3A_31 : memref<10000x128xf32, #tpu.memory_space<hbm>>) target(%arg8 : memref<128x128xf32, #tpu.memory_space<vmem>>) offsets(%dma_start3A_28 : memref<128xi32, #tpu.memory_space<vmem>>) semaphore(%arg11 : memref<!tpu.dma_semaphore, #tpu.memory_space<semaphore_mem>>)
    %dma_start3A_32 = arith.constant 1 : i32
    %dma_start3A_33 = arith.constant 0 : i32
    %dma_start3A_34 = tpu.memref_slice %arg6[%dma_start3A_32, %dma_start3A_33] : memref<40x128xi32, #tpu.memory_space<vmem>> -> memref<1x128xi32, #tpu.memory_space<vmem>>
    %dma_start3A_35 = tpu.memref_squeeze %dma_start3A_34 : memref<1x128xi32, #tpu.memory_space<vmem>> -> memref<128xi32, #tpu.memory_space<vmem>>
    %dma_start3A_36 = arith.constant 0 : i32
    %dma_start3A_37 = arith.constant 0 : i32
    %dma_start3A_38 = tpu.memref_slice %arg2[%dma_start3A_36, %dma_start3A_37] : memref<10000x128xf32, #tpu.memory_space<hbm>> -> memref<10000x128xf32, #tpu.memory_space<hbm>>
    tpu.enqueue_indirect_dma source(%dma_start3A_38 : memref<10000x128xf32, #tpu.memory_space<hbm>>) target(%arg9 : memref<128x128xf32, #tpu.memory_space<vmem>>) offsets(%dma_start3A_35 : memref<128xi32, #tpu.memory_space<vmem>>) semaphore(%arg12 : memref<!tpu.dma_semaphore, #tpu.memory_space<semaphore_mem>>)
    %scan3A_39 = arith.constant 0 : i32
    %scan3A_40 = arith.constant 0 : i32
    %scan3A_41 = arith.constant 19 : i32
    %scan3A_42 = arith.addi %scan3A_40, %scan3A_41 : i32
    %scan3A_43 = arith.constant 1 : i32
    scf.for %scan3A_169 = %scan3A_40 to %scan3A_42 step %scan3A_43  : i32 {
      %mul3A_170 = arith.constant 2 : i32
      %mul3A_171 = arith.muli %mul3A_170, %scan3A_169 : i32
      %dma_wait3A_172 = arith.constant 0 : i32
      %dma_wait3A_173 = tpu.memref_slice %arg6[%mul3A_171, %dma_wait3A_172] : memref<40x128xi32, #tpu.memory_space<vmem>> -> memref<1x128xi32, #tpu.memory_space<vmem>>
      %dma_wait3A_174 = tpu.memref_squeeze %dma_wait3A_173 : memref<1x128xi32, #tpu.memory_space<vmem>> -> memref<128xi32, #tpu.memory_space<vmem>>
      %dma_wait3A_175 = arith.constant 0 : i32
      %dma_wait3A_176 = arith.constant 0 : i32
      %dma_wait3A_177 = tpu.memref_slice %arg2[%dma_wait3A_175, %dma_wait3A_176] : memref<10000x128xf32, #tpu.memory_space<hbm>> -> memref<10000x128xf32, #tpu.memory_space<hbm>>
      tpu.wait_indirect_dma semaphore(%arg11 : memref<!tpu.dma_semaphore, #tpu.memory_space<semaphore_mem>>) src(%dma_wait3A_177 : memref<10000x128xf32, #tpu.memory_space<hbm>>) dst(%arg8 : memref<128x128xf32, #tpu.memory_space<vmem>>)
      %dma_start3A_178 = arith.constant 0 : i32
      %dma_start3A_179 = tpu.memref_slice %arg7[%mul3A_171, %dma_start3A_178] : memref<40x128xi32, #tpu.memory_space<vmem>> -> memref<1x128xi32, #tpu.memory_space<vmem>>
      %dma_start3A_180 = tpu.memref_squeeze %dma_start3A_179 : memref<1x128xi32, #tpu.memory_space<vmem>> -> memref<128xi32, #tpu.memory_space<vmem>>
      %dma_start3A_181 = arith.constant 0 : i32
      %dma_start3A_182 = arith.constant 0 : i32
      %dma_start3A_183 = tpu.memref_slice %arg10[%dma_start3A_181, %dma_start3A_182] : memref<10240x128xf32, #tpu.memory_space<vmem_shared>> -> memref<10240x128xf32, #tpu.memory_space<vmem_shared>>
      tpu.enqueue_indirect_dma source(%arg8 : memref<128x128xf32, #tpu.memory_space<vmem>>) target(%dma_start3A_183 : memref<10240x128xf32, #tpu.memory_space<vmem_shared>>) offsets(%dma_start3A_180 : memref<128xi32, #tpu.memory_space<vmem>>) semaphore(%arg13 : memref<!tpu.dma_semaphore, #tpu.memory_space<semaphore_mem>>) {add = true}
      %add3A_184 = arith.constant 1 : i32
      %add3A_185 = arith.addi %mul3A_171, %add3A_184 : i32
      %dma_wait3A_186 = arith.constant 0 : i32
      %dma_wait3A_187 = tpu.memref_slice %arg6[%add3A_185, %dma_wait3A_186] : memref<40x128xi32, #tpu.memory_space<vmem>> -> memref<1x128xi32, #tpu.memory_space<vmem>>
      %dma_wait3A_188 = tpu.memref_squeeze %dma_wait3A_187 : memref<1x128xi32, #tpu.memory_space<vmem>> -> memref<128xi32, #tpu.memory_space<vmem>>
      %dma_wait3A_189 = arith.constant 0 : i32
      %dma_wait3A_190 = arith.constant 0 : i32
      %dma_wait3A_191 = tpu.memref_slice %arg2[%dma_wait3A_189, %dma_wait3A_190] : memref<10000x128xf32, #tpu.memory_space<hbm>> -> memref<10000x128xf32, #tpu.memory_space<hbm>>
      tpu.wait_indirect_dma semaphore(%arg12 : memref<!tpu.dma_semaphore, #tpu.memory_space<semaphore_mem>>) src(%dma_wait3A_191 : memref<10000x128xf32, #tpu.memory_space<hbm>>) dst(%arg9 : memref<128x128xf32, #tpu.memory_space<vmem>>)
      %add3A_192 = arith.constant 1 : i32
      %add3A_193 = arith.addi %mul3A_171, %add3A_192 : i32
      %dma_start3A_194 = arith.constant 0 : i32
      %dma_start3A_195 = tpu.memref_slice %arg7[%add3A_193, %dma_start3A_194] : memref<40x128xi32, #tpu.memory_space<vmem>> -> memref<1x128xi32, #tpu.memory_space<vmem>>
      %dma_start3A_196 = tpu.memref_squeeze %dma_start3A_195 : memref<1x128xi32, #tpu.memory_space<vmem>> -> memref<128xi32, #tpu.memory_space<vmem>>
      %dma_start3A_197 = arith.constant 0 : i32
      %dma_start3A_198 = arith.constant 0 : i32
      %dma_start3A_199 = tpu.memref_slice %arg10[%dma_start3A_197, %dma_start3A_198] : memref<10240x128xf32, #tpu.memory_space<vmem_shared>> -> memref<10240x128xf32, #tpu.memory_space<vmem_shared>>
      tpu.enqueue_indirect_dma source(%arg9 : memref<128x128xf32, #tpu.memory_space<vmem>>) target(%dma_start3A_199 : memref<10240x128xf32, #tpu.memory_space<vmem_shared>>) offsets(%dma_start3A_196 : memref<128xi32, #tpu.memory_space<vmem>>) semaphore(%arg14 : memref<!tpu.dma_semaphore, #tpu.memory_space<semaphore_mem>>) {add = true}
      %dma_wait3A_200 = arith.constant 0 : i32
      %dma_wait3A_201 = tpu.memref_slice %arg7[%mul3A_171, %dma_wait3A_200] : memref<40x128xi32, #tpu.memory_space<vmem>> -> memref<1x128xi32, #tpu.memory_space<vmem>>
      %dma_wait3A_202 = tpu.memref_squeeze %dma_wait3A_201 : memref<1x128xi32, #tpu.memory_space<vmem>> -> memref<128xi32, #tpu.memory_space<vmem>>
      %dma_wait3A_203 = arith.constant 0 : i32
      %dma_wait3A_204 = arith.constant 0 : i32
      %dma_wait3A_205 = tpu.memref_slice %arg10[%dma_wait3A_203, %dma_wait3A_204] : memref<10240x128xf32, #tpu.memory_space<vmem_shared>> -> memref<10240x128xf32, #tpu.memory_space<vmem_shared>>
      tpu.wait_indirect_dma semaphore(%arg13 : memref<!tpu.dma_semaphore, #tpu.memory_space<semaphore_mem>>) src(%arg8 : memref<128x128xf32, #tpu.memory_space<vmem>>) dst(%dma_wait3A_205 : memref<10240x128xf32, #tpu.memory_space<vmem_shared>>)
      %add3A_206 = arith.constant 2 : i32
      %add3A_207 = arith.addi %mul3A_171, %add3A_206 : i32
      %dma_start3A_208 = arith.constant 0 : i32
      %dma_start3A_209 = tpu.memref_slice %arg6[%add3A_207, %dma_start3A_208] : memref<40x128xi32, #tpu.memory_space<vmem>> -> memref<1x128xi32, #tpu.memory_space<vmem>>
      %dma_start3A_210 = tpu.memref_squeeze %dma_start3A_209 : memref<1x128xi32, #tpu.memory_space<vmem>> -> memref<128xi32, #tpu.memory_space<vmem>>
      %dma_start3A_211 = arith.constant 0 : i32
      %dma_start3A_212 = arith.constant 0 : i32
      %dma_start3A_213 = tpu.memref_slice %arg2[%dma_start3A_211, %dma_start3A_212] : memref<10000x128xf32, #tpu.memory_space<hbm>> -> memref<10000x128xf32, #tpu.memory_space<hbm>>
      tpu.enqueue_indirect_dma source(%dma_start3A_213 : memref<10000x128xf32, #tpu.memory_space<hbm>>) target(%arg8 : memref<128x128xf32, #tpu.memory_space<vmem>>) offsets(%dma_start3A_210 : memref<128xi32, #tpu.memory_space<vmem>>) semaphore(%arg11 : memref<!tpu.dma_semaphore, #tpu.memory_space<semaphore_mem>>)
      %add3A_214 = arith.constant 1 : i32
      %add3A_215 = arith.addi %mul3A_171, %add3A_214 : i32
      %dma_wait3A_216 = arith.constant 0 : i32
      %dma_wait3A_217 = tpu.memref_slice %arg7[%add3A_215, %dma_wait3A_216] : memref<40x128xi32, #tpu.memory_space<vmem>> -> memref<1x128xi32, #tpu.memory_space<vmem>>
      %dma_wait3A_218 = tpu.memref_squeeze %dma_wait3A_217 : memref<1x128xi32, #tpu.memory_space<vmem>> -> memref<128xi32, #tpu.memory_space<vmem>>
      %dma_wait3A_219 = arith.constant 0 : i32
      %dma_wait3A_220 = arith.constant 0 : i32
      %dma_wait3A_221 = tpu.memref_slice %arg10[%dma_wait3A_219, %dma_wait3A_220] : memref<10240x128xf32, #tpu.memory_space<vmem_shared>> -> memref<10240x128xf32, #tpu.memory_space<vmem_shared>>
      tpu.wait_indirect_dma semaphore(%arg14 : memref<!tpu.dma_semaphore, #tpu.memory_space<semaphore_mem>>) src(%arg9 : memref<128x128xf32, #tpu.memory_space<vmem>>) dst(%dma_wait3A_221 : memref<10240x128xf32, #tpu.memory_space<vmem_shared>>)
      %add3A_222 = arith.constant 3 : i32
      %add3A_223 = arith.addi %mul3A_171, %add3A_222 : i32
      %dma_start3A_224 = arith.constant 0 : i32
      %dma_start3A_225 = tpu.memref_slice %arg6[%add3A_223, %dma_start3A_224] : memref<40x128xi32, #tpu.memory_space<vmem>> -> memref<1x128xi32, #tpu.memory_space<vmem>>
      %dma_start3A_226 = tpu.memref_squeeze %dma_start3A_225 : memref<1x128xi32, #tpu.memory_space<vmem>> -> memref<128xi32, #tpu.memory_space<vmem>>
      %dma_start3A_227 = arith.constant 0 : i32
      %dma_start3A_228 = arith.constant 0 : i32
      %dma_start3A_229 = tpu.memref_slice %arg2[%dma_start3A_227, %dma_start3A_228] : memref<10000x128xf32, #tpu.memory_space<hbm>> -> memref<10000x128xf32, #tpu.memory_space<hbm>>
      tpu.enqueue_indirect_dma source(%dma_start3A_229 : memref<10000x128xf32, #tpu.memory_space<hbm>>) target(%arg9 : memref<128x128xf32, #tpu.memory_space<vmem>>) offsets(%dma_start3A_226 : memref<128xi32, #tpu.memory_space<vmem>>) semaphore(%arg12 : memref<!tpu.dma_semaphore, #tpu.memory_space<semaphore_mem>>)
    }
    %scan3A_44 = arith.constant 19 : i32
    %dma_wait3A = arith.constant 38 : i32
    %dma_wait3A_45 = arith.constant 0 : i32
    %dma_wait3A_46 = tpu.memref_slice %arg6[%dma_wait3A, %dma_wait3A_45] : memref<40x128xi32, #tpu.memory_space<vmem>> -> memref<1x128xi32, #tpu.memory_space<vmem>>
    %dma_wait3A_47 = tpu.memref_squeeze %dma_wait3A_46 : memref<1x128xi32, #tpu.memory_space<vmem>> -> memref<128xi32, #tpu.memory_space<vmem>>
    %dma_wait3A_48 = arith.constant 0 : i32
    %dma_wait3A_49 = arith.constant 0 : i32
    %dma_wait3A_50 = tpu.memref_slice %arg2[%dma_wait3A_48, %dma_wait3A_49] : memref<10000x128xf32, #tpu.memory_space<hbm>> -> memref<10000x128xf32, #tpu.memory_space<hbm>>
    tpu.wait_indirect_dma semaphore(%arg11 : memref<!tpu.dma_semaphore, #tpu.memory_space<semaphore_mem>>) src(%dma_wait3A_50 : memref<10000x128xf32, #tpu.memory_space<hbm>>) dst(%arg8 : memref<128x128xf32, #tpu.memory_space<vmem>>)
    %dma_start3A_51 = arith.constant 38 : i32
    %dma_start3A_52 = arith.constant 0 : i32
    %dma_start3A_53 = tpu.memref_slice %arg7[%dma_start3A_51, %dma_start3A_52] : memref<40x128xi32, #tpu.memory_space<vmem>> -> memref<1x128xi32, #tpu.memory_space<vmem>>
    %dma_start3A_54 = tpu.memref_squeeze %dma_start3A_53 : memref<1x128xi32, #tpu.memory_space<vmem>> -> memref<128xi32, #tpu.memory_space<vmem>>
    %dma_start3A_55 = arith.constant 0 : i32
    %dma_start3A_56 = arith.constant 0 : i32
    %dma_start3A_57 = tpu.memref_slice %arg10[%dma_start3A_55, %dma_start3A_56] : memref<10240x128xf32, #tpu.memory_space<vmem_shared>> -> memref<10240x128xf32, #tpu.memory_space<vmem_shared>>
    tpu.enqueue_indirect_dma source(%arg8 : memref<128x128xf32, #tpu.memory_space<vmem>>) target(%dma_start3A_57 : memref<10240x128xf32, #tpu.memory_space<vmem_shared>>) offsets(%dma_start3A_54 : memref<128xi32, #tpu.memory_space<vmem>>) semaphore(%arg13 : memref<!tpu.dma_semaphore, #tpu.memory_space<semaphore_mem>>) {add = true}
    %dma_wait3A_58 = arith.constant 39 : i32
    %dma_wait3A_59 = arith.constant 0 : i32
    %dma_wait3A_60 = tpu.memref_slice %arg6[%dma_wait3A_58, %dma_wait3A_59] : memref<40x128xi32, #tpu.memory_space<vmem>> -> memref<1x128xi32, #tpu.memory_space<vmem>>
    %dma_wait3A_61 = tpu.memref_squeeze %dma_wait3A_60 : memref<1x128xi32, #tpu.memory_space<vmem>> -> memref<128xi32, #tpu.memory_space<vmem>>
    %dma_wait3A_62 = arith.constant 0 : i32
    %dma_wait3A_63 = arith.constant 0 : i32
    %dma_wait3A_64 = tpu.memref_slice %arg2[%dma_wait3A_62, %dma_wait3A_63] : memref<10000x128xf32, #tpu.memory_space<hbm>> -> memref<10000x128xf32, #tpu.memory_space<hbm>>
    tpu.wait_indirect_dma semaphore(%arg12 : memref<!tpu.dma_semaphore, #tpu.memory_space<semaphore_mem>>) src(%dma_wait3A_64 : memref<10000x128xf32, #tpu.memory_space<hbm>>) dst(%arg9 : memref<128x128xf32, #tpu.memory_space<vmem>>)
    %dma_start3A_65 = arith.constant 39 : i32
    %dma_start3A_66 = arith.constant 0 : i32
    %dma_start3A_67 = tpu.memref_slice %arg7[%dma_start3A_65, %dma_start3A_66] : memref<40x128xi32, #tpu.memory_space<vmem>> -> memref<1x128xi32, #tpu.memory_space<vmem>>
    %dma_start3A_68 = tpu.memref_squeeze %dma_start3A_67 : memref<1x128xi32, #tpu.memory_space<vmem>> -> memref<128xi32, #tpu.memory_space<vmem>>
    %dma_start3A_69 = arith.constant 0 : i32
    %dma_start3A_70 = arith.constant 0 : i32
    %dma_start3A_71 = tpu.memref_slice %arg10[%dma_start3A_69, %dma_start3A_70] : memref<10240x128xf32, #tpu.memory_space<vmem_shared>> -> memref<10240x128xf32, #tpu.memory_space<vmem_shared>>
    tpu.enqueue_indirect_dma source(%arg9 : memref<128x128xf32, #tpu.memory_space<vmem>>) target(%dma_start3A_71 : memref<10240x128xf32, #tpu.memory_space<vmem_shared>>) offsets(%dma_start3A_68 : memref<128xi32, #tpu.memory_space<vmem>>) semaphore(%arg14 : memref<!tpu.dma_semaphore, #tpu.memory_space<semaphore_mem>>) {add = true}
    %dma_wait3A_72 = arith.constant 38 : i32
    %dma_wait3A_73 = arith.constant 0 : i32
    %dma_wait3A_74 = tpu.memref_slice %arg7[%dma_wait3A_72, %dma_wait3A_73] : memref<40x128xi32, #tpu.memory_space<vmem>> -> memref<1x128xi32, #tpu.memory_space<vmem>>
    %dma_wait3A_75 = tpu.memref_squeeze %dma_wait3A_74 : memref<1x128xi32, #tpu.memory_space<vmem>> -> memref<128xi32, #tpu.memory_space<vmem>>
    %dma_wait3A_76 = arith.constant 0 : i32
    %dma_wait3A_77 = arith.constant 0 : i32
    %dma_wait3A_78 = tpu.memref_slice %arg10[%dma_wait3A_76, %dma_wait3A_77] : memref<10240x128xf32, #tpu.memory_space<vmem_shared>> -> memref<10240x128xf32, #tpu.memory_space<vmem_shared>>
    tpu.wait_indirect_dma semaphore(%arg13 : memref<!tpu.dma_semaphore, #tpu.memory_space<semaphore_mem>>) src(%arg8 : memref<128x128xf32, #tpu.memory_space<vmem>>) dst(%dma_wait3A_78 : memref<10240x128xf32, #tpu.memory_space<vmem_shared>>)
    %dma_wait3A_79 = arith.constant 39 : i32
    %dma_wait3A_80 = arith.constant 0 : i32
    %dma_wait3A_81 = tpu.memref_slice %arg7[%dma_wait3A_79, %dma_wait3A_80] : memref<40x128xi32, #tpu.memory_space<vmem>> -> memref<1x128xi32, #tpu.memory_space<vmem>>
    %dma_wait3A_82 = tpu.memref_squeeze %dma_wait3A_81 : memref<1x128xi32, #tpu.memory_space<vmem>> -> memref<128xi32, #tpu.memory_space<vmem>>
    %dma_wait3A_83 = arith.constant 0 : i32
    %dma_wait3A_84 = arith.constant 0 : i32
    %dma_wait3A_85 = tpu.memref_slice %arg10[%dma_wait3A_83, %dma_wait3A_84] : memref<10240x128xf32, #tpu.memory_space<vmem_shared>> -> memref<10240x128xf32, #tpu.memory_space<vmem_shared>>
    tpu.wait_indirect_dma semaphore(%arg14 : memref<!tpu.dma_semaphore, #tpu.memory_space<semaphore_mem>>) src(%arg9 : memref<128x128xf32, #tpu.memory_space<vmem>>) dst(%dma_wait3A_85 : memref<10240x128xf32, #tpu.memory_space<vmem_shared>>)
    "tpu.region"() ({
      %run_scoped3A = tpu.sem_alloc : memref<!tpu.dma_semaphore, #tpu.memory_space<semaphore_mem>>
      %dma_start3A_169 = arith.constant 40 : i32
      %dma_start3A_170 = arith.constant 0 : i32
      %dma_start3A_171 = tpu.memref_slice %arg3[%add3A, %dma_start3A_169, %dma_start3A_170] : memref<32x80x128xi32, #tpu.memory_space<hbm>> -> memref<1x40x128xi32, #tpu.memory_space<hbm>>
      %dma_start3A_172 = tpu.memref_squeeze %dma_start3A_171 : memref<1x40x128xi32, #tpu.memory_space<hbm>> -> memref<40x128xi32, #tpu.memory_space<hbm>>
      %dma_start3A_173 = arith.constant 40 : i32
      %dma_start3A_174 = arith.constant 0 : i32
      %dma_start3A_175 = tpu.memref_slice %arg3[%add3A, %dma_start3A_173, %dma_start3A_174] : memref<32x80x128xi32, #tpu.memory_space<hbm>> -> memref<1x40x128xi32, #tpu.memory_space<hbm>>
      %dma_start3A_176 = tpu.memref_squeeze %dma_start3A_175 : memref<1x40x128xi32, #tpu.memory_space<hbm>> -> memref<40x128xi32, #tpu.memory_space<hbm>>
      tpu.enqueue_dma source(%dma_start3A_176 : memref<40x128xi32, #tpu.memory_space<hbm>>) target(%arg6 : memref<40x128xi32, #tpu.memory_space<vmem>>) target_semaphore(%run_scoped3A : memref<!tpu.dma_semaphore, #tpu.memory_space<semaphore_mem>>)
      %dma_wait3A_177 = arith.constant 40 : i32
      %dma_wait3A_178 = arith.constant 0 : i32
      %dma_wait3A_179 = tpu.memref_slice %arg3[%add3A, %dma_wait3A_177, %dma_wait3A_178] : memref<32x80x128xi32, #tpu.memory_space<hbm>> -> memref<1x40x128xi32, #tpu.memory_space<hbm>>
      %dma_wait3A_180 = tpu.memref_squeeze %dma_wait3A_179 : memref<1x40x128xi32, #tpu.memory_space<hbm>> -> memref<40x128xi32, #tpu.memory_space<hbm>>
      %dma_wait3A_181 = arith.constant 40 : i32
      %dma_wait3A_182 = arith.constant 0 : i32
      %dma_wait3A_183 = tpu.memref_slice %arg3[%add3A, %dma_wait3A_181, %dma_wait3A_182] : memref<32x80x128xi32, #tpu.memory_space<hbm>> -> memref<1x40x128xi32, #tpu.memory_space<hbm>>
      %dma_wait3A_184 = tpu.memref_squeeze %dma_wait3A_183 : memref<1x40x128xi32, #tpu.memory_space<hbm>> -> memref<40x128xi32, #tpu.memory_space<hbm>>
      tpu.wait_dma2 semaphore(%run_scoped3A : memref<!tpu.dma_semaphore, #tpu.memory_space<semaphore_mem>>) src(%dma_wait3A_184 : memref<40x128xi32, #tpu.memory_space<hbm>>) dst(%arg6 : memref<40x128xi32, #tpu.memory_space<vmem>>)
      tpu.yield
    }) : () -> ()
    "tpu.region"() ({
      %run_scoped3A = tpu.sem_alloc : memref<!tpu.dma_semaphore, #tpu.memory_space<semaphore_mem>>
      %dma_start3A_169 = arith.constant 40 : i32
      %dma_start3A_170 = arith.constant 0 : i32
      %dma_start3A_171 = tpu.memref_slice %arg4[%add3A, %dma_start3A_169, %dma_start3A_170] : memref<32x80x128xi32, #tpu.memory_space<hbm>> -> memref<1x40x128xi32, #tpu.memory_space<hbm>>
      %dma_start3A_172 = tpu.memref_squeeze %dma_start3A_171 : memref<1x40x128xi32, #tpu.memory_space<hbm>> -> memref<40x128xi32, #tpu.memory_space<hbm>>
      %dma_start3A_173 = arith.constant 40 : i32
      %dma_start3A_174 = arith.constant 0 : i32
      %dma_start3A_175 = tpu.memref_slice %arg4[%add3A, %dma_start3A_173, %dma_start3A_174] : memref<32x80x128xi32, #tpu.memory_space<hbm>> -> memref<1x40x128xi32, #tpu.memory_space<hbm>>
      %dma_start3A_176 = tpu.memref_squeeze %dma_start3A_175 : memref<1x40x128xi32, #tpu.memory_space<hbm>> -> memref<40x128xi32, #tpu.memory_space<hbm>>
      tpu.enqueue_dma source(%dma_start3A_176 : memref<40x128xi32, #tpu.memory_space<hbm>>) target(%arg7 : memref<40x128xi32, #tpu.memory_space<vmem>>) target_semaphore(%run_scoped3A : memref<!tpu.dma_semaphore, #tpu.memory_space<semaphore_mem>>)
      %dma_wait3A_177 = arith.constant 40 : i32
      %dma_wait3A_178 = arith.constant 0 : i32
      %dma_wait3A_179 = tpu.memref_slice %arg4[%add3A, %dma_wait3A_177, %dma_wait3A_178] : memref<32x80x128xi32, #tpu.memory_space<hbm>> -> memref<1x40x128xi32, #tpu.memory_space<hbm>>
      %dma_wait3A_180 = tpu.memref_squeeze %dma_wait3A_179 : memref<1x40x128xi32, #tpu.memory_space<hbm>> -> memref<40x128xi32, #tpu.memory_space<hbm>>
      %dma_wait3A_181 = arith.constant 40 : i32
      %dma_wait3A_182 = arith.constant 0 : i32
      %dma_wait3A_183 = tpu.memref_slice %arg4[%add3A, %dma_wait3A_181, %dma_wait3A_182] : memref<32x80x128xi32, #tpu.memory_space<hbm>> -> memref<1x40x128xi32, #tpu.memory_space<hbm>>
      %dma_wait3A_184 = tpu.memref_squeeze %dma_wait3A_183 : memref<1x40x128xi32, #tpu.memory_space<hbm>> -> memref<40x128xi32, #tpu.memory_space<hbm>>
      tpu.wait_dma2 semaphore(%run_scoped3A : memref<!tpu.dma_semaphore, #tpu.memory_space<semaphore_mem>>) src(%dma_wait3A_184 : memref<40x128xi32, #tpu.memory_space<hbm>>) dst(%arg7 : memref<40x128xi32, #tpu.memory_space<vmem>>)
      tpu.yield
    }) : () -> ()
    %dma_start3A_86 = arith.constant 0 : i32
    %dma_start3A_87 = arith.constant 0 : i32
    %dma_start3A_88 = tpu.memref_slice %arg6[%dma_start3A_86, %dma_start3A_87] : memref<40x128xi32, #tpu.memory_space<vmem>> -> memref<1x128xi32, #tpu.memory_space<vmem>>
    %dma_start3A_89 = tpu.memref_squeeze %dma_start3A_88 : memref<1x128xi32, #tpu.memory_space<vmem>> -> memref<128xi32, #tpu.memory_space<vmem>>
    %dma_start3A_90 = arith.constant 0 : i32
    %dma_start3A_91 = arith.constant 0 : i32
    %dma_start3A_92 = tpu.memref_slice %arg2[%dma_start3A_90, %dma_start3A_91] : memref<10000x128xf32, #tpu.memory_space<hbm>> -> memref<10000x128xf32, #tpu.memory_space<hbm>>
    tpu.enqueue_indirect_dma source(%dma_start3A_92 : memref<10000x128xf32, #tpu.memory_space<hbm>>) target(%arg8 : memref<128x128xf32, #tpu.memory_space<vmem>>) offsets(%dma_start3A_89 : memref<128xi32, #tpu.memory_space<vmem>>) semaphore(%arg11 : memref<!tpu.dma_semaphore, #tpu.memory_space<semaphore_mem>>)
    %dma_start3A_93 = arith.constant 1 : i32
    %dma_start3A_94 = arith.constant 0 : i32
    %dma_start3A_95 = tpu.memref_slice %arg6[%dma_start3A_93, %dma_start3A_94] : memref<40x128xi32, #tpu.memory_space<vmem>> -> memref<1x128xi32, #tpu.memory_space<vmem>>
    %dma_start3A_96 = tpu.memref_squeeze %dma_start3A_95 : memref<1x128xi32, #tpu.memory_space<vmem>> -> memref<128xi32, #tpu.memory_space<vmem>>
    %dma_start3A_97 = arith.constant 0 : i32
    %dma_start3A_98 = arith.constant 0 : i32
    %dma_start3A_99 = tpu.memref_slice %arg2[%dma_start3A_97, %dma_start3A_98] : memref<10000x128xf32, #tpu.memory_space<hbm>> -> memref<10000x128xf32, #tpu.memory_space<hbm>>
    tpu.enqueue_indirect_dma source(%dma_start3A_99 : memref<10000x128xf32, #tpu.memory_space<hbm>>) target(%arg9 : memref<128x128xf32, #tpu.memory_space<vmem>>) offsets(%dma_start3A_96 : memref<128xi32, #tpu.memory_space<vmem>>) semaphore(%arg12 : memref<!tpu.dma_semaphore, #tpu.memory_space<semaphore_mem>>)
    %scan3A_100 = arith.constant 0 : i32
    %scan3A_101 = arith.constant 0 : i32
    %scan3A_102 = arith.constant 19 : i32
    %scan3A_103 = arith.addi %scan3A_101, %scan3A_102 : i32
    %scan3A_104 = arith.constant 1 : i32
    scf.for %scan3A_169 = %scan3A_101 to %scan3A_103 step %scan3A_104  : i32 {
      %mul3A_170 = arith.constant 2 : i32
      %mul3A_171 = arith.muli %mul3A_170, %scan3A_169 : i32
      %dma_wait3A_172 = arith.constant 0 : i32
      %dma_wait3A_173 = tpu.memref_slice %arg6[%mul3A_171, %dma_wait3A_172] : memref<40x128xi32, #tpu.memory_space<vmem>> -> memref<1x128xi32, #tpu.memory_space<vmem>>
      %dma_wait3A_174 = tpu.memref_squeeze %dma_wait3A_173 : memref<1x128xi32, #tpu.memory_space<vmem>> -> memref<128xi32, #tpu.memory_space<vmem>>
      %dma_wait3A_175 = arith.constant 0 : i32
      %dma_wait3A_176 = arith.constant 0 : i32
      %dma_wait3A_177 = tpu.memref_slice %arg2[%dma_wait3A_175, %dma_wait3A_176] : memref<10000x128xf32, #tpu.memory_space<hbm>> -> memref<10000x128xf32, #tpu.memory_space<hbm>>
      tpu.wait_indirect_dma semaphore(%arg11 : memref<!tpu.dma_semaphore, #tpu.memory_space<semaphore_mem>>) src(%dma_wait3A_177 : memref<10000x128xf32, #tpu.memory_space<hbm>>) dst(%arg8 : memref<128x128xf32, #tpu.memory_space<vmem>>)
      %dma_start3A_178 = arith.constant 0 : i32
      %dma_start3A_179 = tpu.memref_slice %arg7[%mul3A_171, %dma_start3A_178] : memref<40x128xi32, #tpu.memory_space<vmem>> -> memref<1x128xi32, #tpu.memory_space<vmem>>
      %dma_start3A_180 = tpu.memref_squeeze %dma_start3A_179 : memref<1x128xi32, #tpu.memory_space<vmem>> -> memref<128xi32, #tpu.memory_space<vmem>>
      %dma_start3A_181 = arith.constant 0 : i32
      %dma_start3A_182 = arith.constant 0 : i32
      %dma_start3A_183 = tpu.memref_slice %arg10[%dma_start3A_181, %dma_start3A_182] : memref<10240x128xf32, #tpu.memory_space<vmem_shared>> -> memref<10240x128xf32, #tpu.memory_space<vmem_shared>>
      tpu.enqueue_indirect_dma source(%arg8 : memref<128x128xf32, #tpu.memory_space<vmem>>) target(%dma_start3A_183 : memref<10240x128xf32, #tpu.memory_space<vmem_shared>>) offsets(%dma_start3A_180 : memref<128xi32, #tpu.memory_space<vmem>>) semaphore(%arg13 : memref<!tpu.dma_semaphore, #tpu.memory_space<semaphore_mem>>) {add = true}
      %add3A_184 = arith.constant 1 : i32
      %add3A_185 = arith.addi %mul3A_171, %add3A_184 : i32
      %dma_wait3A_186 = arith.constant 0 : i32
      %dma_wait3A_187 = tpu.memref_slice %arg6[%add3A_185, %dma_wait3A_186] : memref<40x128xi32, #tpu.memory_space<vmem>> -> memref<1x128xi32, #tpu.memory_space<vmem>>
      %dma_wait3A_188 = tpu.memref_squeeze %dma_wait3A_187 : memref<1x128xi32, #tpu.memory_space<vmem>> -> memref<128xi32, #tpu.memory_space<vmem>>
      %dma_wait3A_189 = arith.constant 0 : i32
      %dma_wait3A_190 = arith.constant 0 : i32
      %dma_wait3A_191 = tpu.memref_slice %arg2[%dma_wait3A_189, %dma_wait3A_190] : memref<10000x128xf32, #tpu.memory_space<hbm>> -> memref<10000x128xf32, #tpu.memory_space<hbm>>
      tpu.wait_indirect_dma semaphore(%arg12 : memref<!tpu.dma_semaphore, #tpu.memory_space<semaphore_mem>>) src(%dma_wait3A_191 : memref<10000x128xf32, #tpu.memory_space<hbm>>) dst(%arg9 : memref<128x128xf32, #tpu.memory_space<vmem>>)
      %add3A_192 = arith.constant 1 : i32
      %add3A_193 = arith.addi %mul3A_171, %add3A_192 : i32
      %dma_start3A_194 = arith.constant 0 : i32
      %dma_start3A_195 = tpu.memref_slice %arg7[%add3A_193, %dma_start3A_194] : memref<40x128xi32, #tpu.memory_space<vmem>> -> memref<1x128xi32, #tpu.memory_space<vmem>>
      %dma_start3A_196 = tpu.memref_squeeze %dma_start3A_195 : memref<1x128xi32, #tpu.memory_space<vmem>> -> memref<128xi32, #tpu.memory_space<vmem>>
      %dma_start3A_197 = arith.constant 0 : i32
      %dma_start3A_198 = arith.constant 0 : i32
      %dma_start3A_199 = tpu.memref_slice %arg10[%dma_start3A_197, %dma_start3A_198] : memref<10240x128xf32, #tpu.memory_space<vmem_shared>> -> memref<10240x128xf32, #tpu.memory_space<vmem_shared>>
      tpu.enqueue_indirect_dma source(%arg9 : memref<128x128xf32, #tpu.memory_space<vmem>>) target(%dma_start3A_199 : memref<10240x128xf32, #tpu.memory_space<vmem_shared>>) offsets(%dma_start3A_196 : memref<128xi32, #tpu.memory_space<vmem>>) semaphore(%arg14 : memref<!tpu.dma_semaphore, #tpu.memory_space<semaphore_mem>>) {add = true}
      %dma_wait3A_200 = arith.constant 0 : i32
      %dma_wait3A_201 = tpu.memref_slice %arg7[%mul3A_171, %dma_wait3A_200] : memref<40x128xi32, #tpu.memory_space<vmem>> -> memref<1x128xi32, #tpu.memory_space<vmem>>
      %dma_wait3A_202 = tpu.memref_squeeze %dma_wait3A_201 : memref<1x128xi32, #tpu.memory_space<vmem>> -> memref<128xi32, #tpu.memory_space<vmem>>
      %dma_wait3A_203 = arith.constant 0 : i32
      %dma_wait3A_204 = arith.constant 0 : i32
      %dma_wait3A_205 = tpu.memref_slice %arg10[%dma_wait3A_203, %dma_wait3A_204] : memref<10240x128xf32, #tpu.memory_space<vmem_shared>> -> memref<10240x128xf32, #tpu.memory_space<vmem_shared>>
      tpu.wait_indirect_dma semaphore(%arg13 : memref<!tpu.dma_semaphore, #tpu.memory_space<semaphore_mem>>) src(%arg8 : memref<128x128xf32, #tpu.memory_space<vmem>>) dst(%dma_wait3A_205 : memref<10240x128xf32, #tpu.memory_space<vmem_shared>>)
      %add3A_206 = arith.constant 2 : i32
      %add3A_207 = arith.addi %mul3A_171, %add3A_206 : i32
      %dma_start3A_208 = arith.constant 0 : i32
      %dma_start3A_209 = tpu.memref_slice %arg6[%add3A_207, %dma_start3A_208] : memref<40x128xi32, #tpu.memory_space<vmem>> -> memref<1x128xi32, #tpu.memory_space<vmem>>
      %dma_start3A_210 = tpu.memref_squeeze %dma_start3A_209 : memref<1x128xi32, #tpu.memory_space<vmem>> -> memref<128xi32, #tpu.memory_space<vmem>>
      %dma_start3A_211 = arith.constant 0 : i32
      %dma_start3A_212 = arith.constant 0 : i32
      %dma_start3A_213 = tpu.memref_slice %arg2[%dma_start3A_211, %dma_start3A_212] : memref<10000x128xf32, #tpu.memory_space<hbm>> -> memref<10000x128xf32, #tpu.memory_space<hbm>>
      tpu.enqueue_indirect_dma source(%dma_start3A_213 : memref<10000x128xf32, #tpu.memory_space<hbm>>) target(%arg8 : memref<128x128xf32, #tpu.memory_space<vmem>>) offsets(%dma_start3A_210 : memref<128xi32, #tpu.memory_space<vmem>>) semaphore(%arg11 : memref<!tpu.dma_semaphore, #tpu.memory_space<semaphore_mem>>)
      %add3A_214 = arith.constant 1 : i32
      %add3A_215 = arith.addi %mul3A_171, %add3A_214 : i32
      %dma_wait3A_216 = arith.constant 0 : i32
      %dma_wait3A_217 = tpu.memref_slice %arg7[%add3A_215, %dma_wait3A_216] : memref<40x128xi32, #tpu.memory_space<vmem>> -> memref<1x128xi32, #tpu.memory_space<vmem>>
      %dma_wait3A_218 = tpu.memref_squeeze %dma_wait3A_217 : memref<1x128xi32, #tpu.memory_space<vmem>> -> memref<128xi32, #tpu.memory_space<vmem>>
      %dma_wait3A_219 = arith.constant 0 : i32
      %dma_wait3A_220 = arith.constant 0 : i32
      %dma_wait3A_221 = tpu.memref_slice %arg10[%dma_wait3A_219, %dma_wait3A_220] : memref<10240x128xf32, #tpu.memory_space<vmem_shared>> -> memref<10240x128xf32, #tpu.memory_space<vmem_shared>>
      tpu.wait_indirect_dma semaphore(%arg14 : memref<!tpu.dma_semaphore, #tpu.memory_space<semaphore_mem>>) src(%arg9 : memref<128x128xf32, #tpu.memory_space<vmem>>) dst(%dma_wait3A_221 : memref<10240x128xf32, #tpu.memory_space<vmem_shared>>)
      %add3A_222 = arith.constant 3 : i32
      %add3A_223 = arith.addi %mul3A_171, %add3A_222 : i32
      %dma_start3A_224 = arith.constant 0 : i32
      %dma_start3A_225 = tpu.memref_slice %arg6[%add3A_223, %dma_start3A_224] : memref<40x128xi32, #tpu.memory_space<vmem>> -> memref<1x128xi32, #tpu.memory_space<vmem>>
      %dma_start3A_226 = tpu.memref_squeeze %dma_start3A_225 : memref<1x128xi32, #tpu.memory_space<vmem>> -> memref<128xi32, #tpu.memory_space<vmem>>
      %dma_start3A_227 = arith.constant 0 : i32
      %dma_start3A_228 = arith.constant 0 : i32
      %dma_start3A_229 = tpu.memref_slice %arg2[%dma_start3A_227, %dma_start3A_228] : memref<10000x128xf32, #tpu.memory_space<hbm>> -> memref<10000x128xf32, #tpu.memory_space<hbm>>
      tpu.enqueue_indirect_dma source(%dma_start3A_229 : memref<10000x128xf32, #tpu.memory_space<hbm>>) target(%arg9 : memref<128x128xf32, #tpu.memory_space<vmem>>) offsets(%dma_start3A_226 : memref<128xi32, #tpu.memory_space<vmem>>) semaphore(%arg12 : memref<!tpu.dma_semaphore, #tpu.memory_space<semaphore_mem>>)
    }
    %scan3A_105 = arith.constant 19 : i32
    %dma_wait3A_106 = arith.constant 38 : i32
    %dma_wait3A_107 = arith.constant 0 : i32
    %dma_wait3A_108 = tpu.memref_slice %arg6[%dma_wait3A_106, %dma_wait3A_107] : memref<40x128xi32, #tpu.memory_space<vmem>> -> memref<1x128xi32, #tpu.memory_space<vmem>>
    %dma_wait3A_109 = tpu.memref_squeeze %dma_wait3A_108 : memref<1x128xi32, #tpu.memory_space<vmem>> -> memref<128xi32, #tpu.memory_space<vmem>>
    %dma_wait3A_110 = arith.constant 0 : i32
    %dma_wait3A_111 = arith.constant 0 : i32
    %dma_wait3A_112 = tpu.memref_slice %arg2[%dma_wait3A_110, %dma_wait3A_111] : memref<10000x128xf32, #tpu.memory_space<hbm>> -> memref<10000x128xf32, #tpu.memory_space<hbm>>
    tpu.wait_indirect_dma semaphore(%arg11 : memref<!tpu.dma_semaphore, #tpu.memory_space<semaphore_mem>>) src(%dma_wait3A_112 : memref<10000x128xf32, #tpu.memory_space<hbm>>) dst(%arg8 : memref<128x128xf32, #tpu.memory_space<vmem>>)
    %dma_start3A_113 = arith.constant 38 : i32
    %dma_start3A_114 = arith.constant 0 : i32
    %dma_start3A_115 = tpu.memref_slice %arg7[%dma_start3A_113, %dma_start3A_114] : memref<40x128xi32, #tpu.memory_space<vmem>> -> memref<1x128xi32, #tpu.memory_space<vmem>>
    %dma_start3A_116 = tpu.memref_squeeze %dma_start3A_115 : memref<1x128xi32, #tpu.memory_space<vmem>> -> memref<128xi32, #tpu.memory_space<vmem>>
    %dma_start3A_117 = arith.constant 0 : i32
    %dma_start3A_118 = arith.constant 0 : i32
    %dma_start3A_119 = tpu.memref_slice %arg10[%dma_start3A_117, %dma_start3A_118] : memref<10240x128xf32, #tpu.memory_space<vmem_shared>> -> memref<10240x128xf32, #tpu.memory_space<vmem_shared>>
    tpu.enqueue_indirect_dma source(%arg8 : memref<128x128xf32, #tpu.memory_space<vmem>>) target(%dma_start3A_119 : memref<10240x128xf32, #tpu.memory_space<vmem_shared>>) offsets(%dma_start3A_116 : memref<128xi32, #tpu.memory_space<vmem>>) semaphore(%arg13 : memref<!tpu.dma_semaphore, #tpu.memory_space<semaphore_mem>>) {add = true}
    %dma_wait3A_120 = arith.constant 39 : i32
    %dma_wait3A_121 = arith.constant 0 : i32
    %dma_wait3A_122 = tpu.memref_slice %arg6[%dma_wait3A_120, %dma_wait3A_121] : memref<40x128xi32, #tpu.memory_space<vmem>> -> memref<1x128xi32, #tpu.memory_space<vmem>>
    %dma_wait3A_123 = tpu.memref_squeeze %dma_wait3A_122 : memref<1x128xi32, #tpu.memory_space<vmem>> -> memref<128xi32, #tpu.memory_space<vmem>>
    %dma_wait3A_124 = arith.constant 0 : i32
    %dma_wait3A_125 = arith.constant 0 : i32
    %dma_wait3A_126 = tpu.memref_slice %arg2[%dma_wait3A_124, %dma_wait3A_125] : memref<10000x128xf32, #tpu.memory_space<hbm>> -> memref<10000x128xf32, #tpu.memory_space<hbm>>
    tpu.wait_indirect_dma semaphore(%arg12 : memref<!tpu.dma_semaphore, #tpu.memory_space<semaphore_mem>>) src(%dma_wait3A_126 : memref<10000x128xf32, #tpu.memory_space<hbm>>) dst(%arg9 : memref<128x128xf32, #tpu.memory_space<vmem>>)
    %dma_start3A_127 = arith.constant 39 : i32
    %dma_start3A_128 = arith.constant 0 : i32
    %dma_start3A_129 = tpu.memref_slice %arg7[%dma_start3A_127, %dma_start3A_128] : memref<40x128xi32, #tpu.memory_space<vmem>> -> memref<1x128xi32, #tpu.memory_space<vmem>>
    %dma_start3A_130 = tpu.memref_squeeze %dma_start3A_129 : memref<1x128xi32, #tpu.memory_space<vmem>> -> memref<128xi32, #tpu.memory_space<vmem>>
    %dma_start3A_131 = arith.constant 0 : i32
    %dma_start3A_132 = arith.constant 0 : i32
    %dma_start3A_133 = tpu.memref_slice %arg10[%dma_start3A_131, %dma_start3A_132] : memref<10240x128xf32, #tpu.memory_space<vmem_shared>> -> memref<10240x128xf32, #tpu.memory_space<vmem_shared>>
    tpu.enqueue_indirect_dma source(%arg9 : memref<128x128xf32, #tpu.memory_space<vmem>>) target(%dma_start3A_133 : memref<10240x128xf32, #tpu.memory_space<vmem_shared>>) offsets(%dma_start3A_130 : memref<128xi32, #tpu.memory_space<vmem>>) semaphore(%arg14 : memref<!tpu.dma_semaphore, #tpu.memory_space<semaphore_mem>>) {add = true}
    %dma_wait3A_134 = arith.constant 38 : i32
    %dma_wait3A_135 = arith.constant 0 : i32
    %dma_wait3A_136 = tpu.memref_slice %arg7[%dma_wait3A_134, %dma_wait3A_135] : memref<40x128xi32, #tpu.memory_space<vmem>> -> memref<1x128xi32, #tpu.memory_space<vmem>>
    %dma_wait3A_137 = tpu.memref_squeeze %dma_wait3A_136 : memref<1x128xi32, #tpu.memory_space<vmem>> -> memref<128xi32, #tpu.memory_space<vmem>>
    %dma_wait3A_138 = arith.constant 0 : i32
    %dma_wait3A_139 = arith.constant 0 : i32
    %dma_wait3A_140 = tpu.memref_slice %arg10[%dma_wait3A_138, %dma_wait3A_139] : memref<10240x128xf32, #tpu.memory_space<vmem_shared>> -> memref<10240x128xf32, #tpu.memory_space<vmem_shared>>
    tpu.wait_indirect_dma semaphore(%arg13 : memref<!tpu.dma_semaphore, #tpu.memory_space<semaphore_mem>>) src(%arg8 : memref<128x128xf32, #tpu.memory_space<vmem>>) dst(%dma_wait3A_140 : memref<10240x128xf32, #tpu.memory_space<vmem_shared>>)
    %dma_wait3A_141 = arith.constant 39 : i32
    %dma_wait3A_142 = arith.constant 0 : i32
    %dma_wait3A_143 = tpu.memref_slice %arg7[%dma_wait3A_141, %dma_wait3A_142] : memref<40x128xi32, #tpu.memory_space<vmem>> -> memref<1x128xi32, #tpu.memory_space<vmem>>
    %dma_wait3A_144 = tpu.memref_squeeze %dma_wait3A_143 : memref<1x128xi32, #tpu.memory_space<vmem>> -> memref<128xi32, #tpu.memory_space<vmem>>
    %dma_wait3A_145 = arith.constant 0 : i32
    %dma_wait3A_146 = arith.constant 0 : i32
    %dma_wait3A_147 = tpu.memref_slice %arg10[%dma_wait3A_145, %dma_wait3A_146] : memref<10240x128xf32, #tpu.memory_space<vmem_shared>> -> memref<10240x128xf32, #tpu.memory_space<vmem_shared>>
    tpu.wait_indirect_dma semaphore(%arg14 : memref<!tpu.dma_semaphore, #tpu.memory_space<semaphore_mem>>) src(%arg9 : memref<128x128xf32, #tpu.memory_space<vmem>>) dst(%dma_wait3A_147 : memref<10240x128xf32, #tpu.memory_space<vmem_shared>>)
    %barrier3A_148 = arith.constant 0 : index
    tpu.barrier barrier_id(%barrier3A_148)
    %mul3A_149 = arith.constant 640 : i32
    %mul3A_150 = arith.muli %arg1, %mul3A_149 : i32
    %add3A_151 = arith.constant 0 : i32
    %add3A_152 = arith.addi %mul3A_150, %add3A_151 : i32
    "tpu.region"() ({
      %run_scoped3A = tpu.sem_alloc : memref<!tpu.dma_semaphore, #tpu.memory_space<semaphore_mem>>
      %dma_start3A_169 = arith.constant 0 : i32
      %dma_start3A_170 = tpu.memref_slice %arg10[%add3A_152, %dma_start3A_169] : memref<10240x128xf32, #tpu.memory_space<vmem_shared>> -> memref<128x128xf32, #tpu.memory_space<vmem_shared>>
      %dma_start3A_171 = arith.constant 0 : i32
      %dma_start3A_172 = tpu.memref_slice %arg10[%add3A_152, %dma_start3A_171] : memref<10240x128xf32, #tpu.memory_space<vmem_shared>> -> memref<128x128xf32, #tpu.memory_space<vmem_shared>>
      tpu.enqueue_dma source(%dma_start3A_172 : memref<128x128xf32, #tpu.memory_space<vmem_shared>>) target(%arg8 : memref<128x128xf32, #tpu.memory_space<vmem>>) target_semaphore(%run_scoped3A : memref<!tpu.dma_semaphore, #tpu.memory_space<semaphore_mem>>)
      %dma_wait3A_173 = arith.constant 0 : i32
      %dma_wait3A_174 = tpu.memref_slice %arg10[%add3A_152, %dma_wait3A_173] : memref<10240x128xf32, #tpu.memory_space<vmem_shared>> -> memref<128x128xf32, #tpu.memory_space<vmem_shared>>
      %dma_wait3A_175 = arith.constant 0 : i32
      %dma_wait3A_176 = tpu.memref_slice %arg10[%add3A_152, %dma_wait3A_175] : memref<10240x128xf32, #tpu.memory_space<vmem_shared>> -> memref<128x128xf32, #tpu.memory_space<vmem_shared>>
      tpu.wait_dma2 semaphore(%run_scoped3A : memref<!tpu.dma_semaphore, #tpu.memory_space<semaphore_mem>>) src(%dma_wait3A_176 : memref<128x128xf32, #tpu.memory_space<vmem_shared>>) dst(%arg8 : memref<128x128xf32, #tpu.memory_space<vmem>>)
      tpu.yield
    }) : () -> ()
    "tpu.region"() ({
      %run_scoped3A = tpu.sem_alloc : memref<!tpu.dma_semaphore, #tpu.memory_space<semaphore_mem>>
      %dma_start3A_169 = arith.constant 0 : i32
      %dma_start3A_170 = tpu.memref_slice %arg5[%arg0, %add3A_152, %dma_start3A_169] : memref<2x10240x128xf32, #tpu.memory_space<hbm>> -> memref<1x128x128xf32, #tpu.memory_space<hbm>>
      %dma_start3A_171 = tpu.memref_squeeze %dma_start3A_170 : memref<1x128x128xf32, #tpu.memory_space<hbm>> -> memref<128x128xf32, #tpu.memory_space<hbm>>
      %dma_start3A_172 = arith.constant 0 : i32
      %dma_start3A_173 = tpu.memref_slice %arg5[%arg0, %add3A_152, %dma_start3A_172] : memref<2x10240x128xf32, #tpu.memory_space<hbm>> -> memref<1x128x128xf32, #tpu.memory_space<hbm>>
      %dma_start3A_174 = tpu.memref_squeeze %dma_start3A_173 : memref<1x128x128xf32, #tpu.memory_space<hbm>> -> memref<128x128xf32, #tpu.memory_space<hbm>>
      tpu.enqueue_dma source(%arg8 : memref<128x128xf32, #tpu.memory_space<vmem>>) target(%dma_start3A_174 : memref<128x128xf32, #tpu.memory_space<hbm>>) target_semaphore(%run_scoped3A : memref<!tpu.dma_semaphore, #tpu.memory_space<semaphore_mem>>)
      %dma_wait3A_175 = arith.constant 0 : i32
      %dma_wait3A_176 = tpu.memref_slice %arg5[%arg0, %add3A_152, %dma_wait3A_175] : memref<2x10240x128xf32, #tpu.memory_space<hbm>> -> memref<1x128x128xf32, #tpu.memory_space<hbm>>
      %dma_wait3A_177 = tpu.memref_squeeze %dma_wait3A_176 : memref<1x128x128xf32, #tpu.memory_space<hbm>> -> memref<128x128xf32, #tpu.memory_space<hbm>>
      %dma_wait3A_178 = arith.constant 0 : i32
      %dma_wait3A_179 = tpu.memref_slice %arg5[%arg0, %add3A_152, %dma_wait3A_178] : memref<2x10240x128xf32, #tpu.memory_space<hbm>> -> memref<1x128x128xf32, #tpu.memory_space<hbm>>
      %dma_wait3A_180 = tpu.memref_squeeze %dma_wait3A_179 : memref<1x128x128xf32, #tpu.memory_space<hbm>> -> memref<128x128xf32, #tpu.memory_space<hbm>>
      tpu.wait_dma2 semaphore(%run_scoped3A : memref<!tpu.dma_semaphore, #tpu.memory_space<semaphore_mem>>) src(%arg8 : memref<128x128xf32, #tpu.memory_space<vmem>>) dst(%dma_wait3A_180 : memref<128x128xf32, #tpu.memory_space<hbm>>)
      tpu.yield
    }) : () -> ()
    %mul3A_153 = arith.constant 640 : i32
    %mul3A_154 = arith.muli %arg1, %mul3A_153 : i32
    %add3A_155 = arith.constant 128 : i32
    %add3A_156 = arith.addi %mul3A_154, %add3A_155 : i32
    "tpu.region"() ({
      %run_scoped3A = tpu.sem_alloc : memref<!tpu.dma_semaphore, #tpu.memory_space<semaphore_mem>>
      %dma_start3A_169 = arith.constant 0 : i32
      %dma_start3A_170 = tpu.memref_slice %arg10[%add3A_156, %dma_start3A_169] : memref<10240x128xf32, #tpu.memory_space<vmem_shared>> -> memref<128x128xf32, #tpu.memory_space<vmem_shared>>
      %dma_start3A_171 = arith.constant 0 : i32
      %dma_start3A_172 = tpu.memref_slice %arg10[%add3A_156, %dma_start3A_171] : memref<10240x128xf32, #tpu.memory_space<vmem_shared>> -> memref<128x128xf32, #tpu.memory_space<vmem_shared>>
      tpu.enqueue_dma source(%dma_start3A_172 : memref<128x128xf32, #tpu.memory_space<vmem_shared>>) target(%arg8 : memref<128x128xf32, #tpu.memory_space<vmem>>) target_semaphore(%run_scoped3A : memref<!tpu.dma_semaphore, #tpu.memory_space<semaphore_mem>>)
      %dma_wait3A_173 = arith.constant 0 : i32
      %dma_wait3A_174 = tpu.memref_slice %arg10[%add3A_156, %dma_wait3A_173] : memref<10240x128xf32, #tpu.memory_space<vmem_shared>> -> memref<128x128xf32, #tpu.memory_space<vmem_shared>>
      %dma_wait3A_175 = arith.constant 0 : i32
      %dma_wait3A_176 = tpu.memref_slice %arg10[%add3A_156, %dma_wait3A_175] : memref<10240x128xf32, #tpu.memory_space<vmem_shared>> -> memref<128x128xf32, #tpu.memory_space<vmem_shared>>
      tpu.wait_dma2 semaphore(%run_scoped3A : memref<!tpu.dma_semaphore, #tpu.memory_space<semaphore_mem>>) src(%dma_wait3A_176 : memref<128x128xf32, #tpu.memory_space<vmem_shared>>) dst(%arg8 : memref<128x128xf32, #tpu.memory_space<vmem>>)
      tpu.yield
    }) : () -> ()
    "tpu.region"() ({
      %run_scoped3A = tpu.sem_alloc : memref<!tpu.dma_semaphore, #tpu.memory_space<semaphore_mem>>
      %dma_start3A_169 = arith.constant 0 : i32
      %dma_start3A_170 = tpu.memref_slice %arg5[%arg0, %add3A_156, %dma_start3A_169] : memref<2x10240x128xf32, #tpu.memory_space<hbm>> -> memref<1x128x128xf32, #tpu.memory_space<hbm>>
      %dma_start3A_171 = tpu.memref_squeeze %dma_start3A_170 : memref<1x128x128xf32, #tpu.memory_space<hbm>> -> memref<128x128xf32, #tpu.memory_space<hbm>>
      %dma_start3A_172 = arith.constant 0 : i32
      %dma_start3A_173 = tpu.memref_slice %arg5[%arg0, %add3A_156, %dma_start3A_172] : memref<2x10240x128xf32, #tpu.memory_space<hbm>> -> memref<1x128x128xf32, #tpu.memory_space<hbm>>
      %dma_start3A_174 = tpu.memref_squeeze %dma_start3A_173 : memref<1x128x128xf32, #tpu.memory_space<hbm>> -> memref<128x128xf32, #tpu.memory_space<hbm>>
      tpu.enqueue_dma source(%arg8 : memref<128x128xf32, #tpu.memory_space<vmem>>) target(%dma_start3A_174 : memref<128x128xf32, #tpu.memory_space<hbm>>) target_semaphore(%run_scoped3A : memref<!tpu.dma_semaphore, #tpu.memory_space<semaphore_mem>>)
      %dma_wait3A_175 = arith.constant 0 : i32
      %dma_wait3A_176 = tpu.memref_slice %arg5[%arg0, %add3A_156, %dma_wait3A_175] : memref<2x10240x128xf32, #tpu.memory_space<hbm>> -> memref<1x128x128xf32, #tpu.memory_space<hbm>>
      %dma_wait3A_177 = tpu.memref_squeeze %dma_wait3A_176 : memref<1x128x128xf32, #tpu.memory_space<hbm>> -> memref<128x128xf32, #tpu.memory_space<hbm>>
      %dma_wait3A_178 = arith.constant 0 : i32
      %dma_wait3A_179 = tpu.memref_slice %arg5[%arg0, %add3A_156, %dma_wait3A_178] : memref<2x10240x128xf32, #tpu.memory_space<hbm>> -> memref<1x128x128xf32, #tpu.memory_space<hbm>>
      %dma_wait3A_180 = tpu.memref_squeeze %dma_wait3A_179 : memref<1x128x128xf32, #tpu.memory_space<hbm>> -> memref<128x128xf32, #tpu.memory_space<hbm>>
      tpu.wait_dma2 semaphore(%run_scoped3A : memref<!tpu.dma_semaphore, #tpu.memory_space<semaphore_mem>>) src(%arg8 : memref<128x128xf32, #tpu.memory_space<vmem>>) dst(%dma_wait3A_180 : memref<128x128xf32, #tpu.memory_space<hbm>>)
      tpu.yield
    }) : () -> ()
    %mul3A_157 = arith.constant 640 : i32
    %mul3A_158 = arith.muli %arg1, %mul3A_157 : i32
    %add3A_159 = arith.constant 256 : i32
    %add3A_160 = arith.addi %mul3A_158, %add3A_159 : i32
    "tpu.region"() ({
      %run_scoped3A = tpu.sem_alloc : memref<!tpu.dma_semaphore, #tpu.memory_space<semaphore_mem>>
      %dma_start3A_169 = arith.constant 0 : i32
      %dma_start3A_170 = tpu.memref_slice %arg10[%add3A_160, %dma_start3A_169] : memref<10240x128xf32, #tpu.memory_space<vmem_shared>> -> memref<128x128xf32, #tpu.memory_space<vmem_shared>>
      %dma_start3A_171 = arith.constant 0 : i32
      %dma_start3A_172 = tpu.memref_slice %arg10[%add3A_160, %dma_start3A_171] : memref<10240x128xf32, #tpu.memory_space<vmem_shared>> -> memref<128x128xf32, #tpu.memory_space<vmem_shared>>
      tpu.enqueue_dma source(%dma_start3A_172 : memref<128x128xf32, #tpu.memory_space<vmem_shared>>) target(%arg8 : memref<128x128xf32, #tpu.memory_space<vmem>>) target_semaphore(%run_scoped3A : memref<!tpu.dma_semaphore, #tpu.memory_space<semaphore_mem>>)
      %dma_wait3A_173 = arith.constant 0 : i32
      %dma_wait3A_174 = tpu.memref_slice %arg10[%add3A_160, %dma_wait3A_173] : memref<10240x128xf32, #tpu.memory_space<vmem_shared>> -> memref<128x128xf32, #tpu.memory_space<vmem_shared>>
      %dma_wait3A_175 = arith.constant 0 : i32
      %dma_wait3A_176 = tpu.memref_slice %arg10[%add3A_160, %dma_wait3A_175] : memref<10240x128xf32, #tpu.memory_space<vmem_shared>> -> memref<128x128xf32, #tpu.memory_space<vmem_shared>>
      tpu.wait_dma2 semaphore(%run_scoped3A : memref<!tpu.dma_semaphore, #tpu.memory_space<semaphore_mem>>) src(%dma_wait3A_176 : memref<128x128xf32, #tpu.memory_space<vmem_shared>>) dst(%arg8 : memref<128x128xf32, #tpu.memory_space<vmem>>)
      tpu.yield
    }) : () -> ()
    "tpu.region"() ({
      %run_scoped3A = tpu.sem_alloc : memref<!tpu.dma_semaphore, #tpu.memory_space<semaphore_mem>>
      %dma_start3A_169 = arith.constant 0 : i32
      %dma_start3A_170 = tpu.memref_slice %arg5[%arg0, %add3A_160, %dma_start3A_169] : memref<2x10240x128xf32, #tpu.memory_space<hbm>> -> memref<1x128x128xf32, #tpu.memory_space<hbm>>
      %dma_start3A_171 = tpu.memref_squeeze %dma_start3A_170 : memref<1x128x128xf32, #tpu.memory_space<hbm>> -> memref<128x128xf32, #tpu.memory_space<hbm>>
      %dma_start3A_172 = arith.constant 0 : i32
      %dma_start3A_173 = tpu.memref_slice %arg5[%arg0, %add3A_160, %dma_start3A_172] : memref<2x10240x128xf32, #tpu.memory_space<hbm>> -> memref<1x128x128xf32, #tpu.memory_space<hbm>>
      %dma_start3A_174 = tpu.memref_squeeze %dma_start3A_173 : memref<1x128x128xf32, #tpu.memory_space<hbm>> -> memref<128x128xf32, #tpu.memory_space<hbm>>
      tpu.enqueue_dma source(%arg8 : memref<128x128xf32, #tpu.memory_space<vmem>>) target(%dma_start3A_174 : memref<128x128xf32, #tpu.memory_space<hbm>>) target_semaphore(%run_scoped3A : memref<!tpu.dma_semaphore, #tpu.memory_space<semaphore_mem>>)
      %dma_wait3A_175 = arith.constant 0 : i32
      %dma_wait3A_176 = tpu.memref_slice %arg5[%arg0, %add3A_160, %dma_wait3A_175] : memref<2x10240x128xf32, #tpu.memory_space<hbm>> -> memref<1x128x128xf32, #tpu.memory_space<hbm>>
      %dma_wait3A_177 = tpu.memref_squeeze %dma_wait3A_176 : memref<1x128x128xf32, #tpu.memory_space<hbm>> -> memref<128x128xf32, #tpu.memory_space<hbm>>
      %dma_wait3A_178 = arith.constant 0 : i32
      %dma_wait3A_179 = tpu.memref_slice %arg5[%arg0, %add3A_160, %dma_wait3A_178] : memref<2x10240x128xf32, #tpu.memory_space<hbm>> -> memref<1x128x128xf32, #tpu.memory_space<hbm>>
      %dma_wait3A_180 = tpu.memref_squeeze %dma_wait3A_179 : memref<1x128x128xf32, #tpu.memory_space<hbm>> -> memref<128x128xf32, #tpu.memory_space<hbm>>
      tpu.wait_dma2 semaphore(%run_scoped3A : memref<!tpu.dma_semaphore, #tpu.memory_space<semaphore_mem>>) src(%arg8 : memref<128x128xf32, #tpu.memory_space<vmem>>) dst(%dma_wait3A_180 : memref<128x128xf32, #tpu.memory_space<hbm>>)
      tpu.yield
    }) : () -> ()
    %mul3A_161 = arith.constant 640 : i32
    %mul3A_162 = arith.muli %arg1, %mul3A_161 : i32
    %add3A_163 = arith.constant 384 : i32
    %add3A_164 = arith.addi %mul3A_162, %add3A_163 : i32
    "tpu.region"() ({
      %run_scoped3A = tpu.sem_alloc : memref<!tpu.dma_semaphore, #tpu.memory_space<semaphore_mem>>
      %dma_start3A_169 = arith.constant 0 : i32
      %dma_start3A_170 = tpu.memref_slice %arg10[%add3A_164, %dma_start3A_169] : memref<10240x128xf32, #tpu.memory_space<vmem_shared>> -> memref<128x128xf32, #tpu.memory_space<vmem_shared>>
      %dma_start3A_171 = arith.constant 0 : i32
      %dma_start3A_172 = tpu.memref_slice %arg10[%add3A_164, %dma_start3A_171] : memref<10240x128xf32, #tpu.memory_space<vmem_shared>> -> memref<128x128xf32, #tpu.memory_space<vmem_shared>>
      tpu.enqueue_dma source(%dma_start3A_172 : memref<128x128xf32, #tpu.memory_space<vmem_shared>>) target(%arg8 : memref<128x128xf32, #tpu.memory_space<vmem>>) target_semaphore(%run_scoped3A : memref<!tpu.dma_semaphore, #tpu.memory_space<semaphore_mem>>)
      %dma_wait3A_173 = arith.constant 0 : i32
      %dma_wait3A_174 = tpu.memref_slice %arg10[%add3A_164, %dma_wait3A_173] : memref<10240x128xf32, #tpu.memory_space<vmem_shared>> -> memref<128x128xf32, #tpu.memory_space<vmem_shared>>
      %dma_wait3A_175 = arith.constant 0 : i32
      %dma_wait3A_176 = tpu.memref_slice %arg10[%add3A_164, %dma_wait3A_175] : memref<10240x128xf32, #tpu.memory_space<vmem_shared>> -> memref<128x128xf32, #tpu.memory_space<vmem_shared>>
      tpu.wait_dma2 semaphore(%run_scoped3A : memref<!tpu.dma_semaphore, #tpu.memory_space<semaphore_mem>>) src(%dma_wait3A_176 : memref<128x128xf32, #tpu.memory_space<vmem_shared>>) dst(%arg8 : memref<128x128xf32, #tpu.memory_space<vmem>>)
      tpu.yield
    }) : () -> ()
    "tpu.region"() ({
      %run_scoped3A = tpu.sem_alloc : memref<!tpu.dma_semaphore, #tpu.memory_space<semaphore_mem>>
      %dma_start3A_169 = arith.constant 0 : i32
      %dma_start3A_170 = tpu.memref_slice %arg5[%arg0, %add3A_164, %dma_start3A_169] : memref<2x10240x128xf32, #tpu.memory_space<hbm>> -> memref<1x128x128xf32, #tpu.memory_space<hbm>>
      %dma_start3A_171 = tpu.memref_squeeze %dma_start3A_170 : memref<1x128x128xf32, #tpu.memory_space<hbm>> -> memref<128x128xf32, #tpu.memory_space<hbm>>
      %dma_start3A_172 = arith.constant 0 : i32
      %dma_start3A_173 = tpu.memref_slice %arg5[%arg0, %add3A_164, %dma_start3A_172] : memref<2x10240x128xf32, #tpu.memory_space<hbm>> -> memref<1x128x128xf32, #tpu.memory_space<hbm>>
      %dma_start3A_174 = tpu.memref_squeeze %dma_start3A_173 : memref<1x128x128xf32, #tpu.memory_space<hbm>> -> memref<128x128xf32, #tpu.memory_space<hbm>>
      tpu.enqueue_dma source(%arg8 : memref<128x128xf32, #tpu.memory_space<vmem>>) target(%dma_start3A_174 : memref<128x128xf32, #tpu.memory_space<hbm>>) target_semaphore(%run_scoped3A : memref<!tpu.dma_semaphore, #tpu.memory_space<semaphore_mem>>)
      %dma_wait3A_175 = arith.constant 0 : i32
      %dma_wait3A_176 = tpu.memref_slice %arg5[%arg0, %add3A_164, %dma_wait3A_175] : memref<2x10240x128xf32, #tpu.memory_space<hbm>> -> memref<1x128x128xf32, #tpu.memory_space<hbm>>
      %dma_wait3A_177 = tpu.memref_squeeze %dma_wait3A_176 : memref<1x128x128xf32, #tpu.memory_space<hbm>> -> memref<128x128xf32, #tpu.memory_space<hbm>>
      %dma_wait3A_178 = arith.constant 0 : i32
      %dma_wait3A_179 = tpu.memref_slice %arg5[%arg0, %add3A_164, %dma_wait3A_178] : memref<2x10240x128xf32, #tpu.memory_space<hbm>> -> memref<1x128x128xf32, #tpu.memory_space<hbm>>
      %dma_wait3A_180 = tpu.memref_squeeze %dma_wait3A_179 : memref<1x128x128xf32, #tpu.memory_space<hbm>> -> memref<128x128xf32, #tpu.memory_space<hbm>>
      tpu.wait_dma2 semaphore(%run_scoped3A : memref<!tpu.dma_semaphore, #tpu.memory_space<semaphore_mem>>) src(%arg8 : memref<128x128xf32, #tpu.memory_space<vmem>>) dst(%dma_wait3A_180 : memref<128x128xf32, #tpu.memory_space<hbm>>)
      tpu.yield
    }) : () -> ()
    %mul3A_165 = arith.constant 640 : i32
    %mul3A_166 = arith.muli %arg1, %mul3A_165 : i32
    %add3A_167 = arith.constant 512 : i32
    %add3A_168 = arith.addi %mul3A_166, %add3A_167 : i32
    "tpu.region"() ({
      %run_scoped3A = tpu.sem_alloc : memref<!tpu.dma_semaphore, #tpu.memory_space<semaphore_mem>>
      %dma_start3A_169 = arith.constant 0 : i32
      %dma_start3A_170 = tpu.memref_slice %arg10[%add3A_168, %dma_start3A_169] : memref<10240x128xf32, #tpu.memory_space<vmem_shared>> -> memref<128x128xf32, #tpu.memory_space<vmem_shared>>
      %dma_start3A_171 = arith.constant 0 : i32
      %dma_start3A_172 = tpu.memref_slice %arg10[%add3A_168, %dma_start3A_171] : memref<10240x128xf32, #tpu.memory_space<vmem_shared>> -> memref<128x128xf32, #tpu.memory_space<vmem_shared>>
      tpu.enqueue_dma source(%dma_start3A_172 : memref<128x128xf32, #tpu.memory_space<vmem_shared>>) target(%arg8 : memref<128x128xf32, #tpu.memory_space<vmem>>) target_semaphore(%run_scoped3A : memref<!tpu.dma_semaphore, #tpu.memory_space<semaphore_mem>>)
      %dma_wait3A_173 = arith.constant 0 : i32
      %dma_wait3A_174 = tpu.memref_slice %arg10[%add3A_168, %dma_wait3A_173] : memref<10240x128xf32, #tpu.memory_space<vmem_shared>> -> memref<128x128xf32, #tpu.memory_space<vmem_shared>>
      %dma_wait3A_175 = arith.constant 0 : i32
      %dma_wait3A_176 = tpu.memref_slice %arg10[%add3A_168, %dma_wait3A_175] : memref<10240x128xf32, #tpu.memory_space<vmem_shared>> -> memref<128x128xf32, #tpu.memory_space<vmem_shared>>
      tpu.wait_dma2 semaphore(%run_scoped3A : memref<!tpu.dma_semaphore, #tpu.memory_space<semaphore_mem>>) src(%dma_wait3A_176 : memref<128x128xf32, #tpu.memory_space<vmem_shared>>) dst(%arg8 : memref<128x128xf32, #tpu.memory_space<vmem>>)
      tpu.yield
    }) : () -> ()
    "tpu.region"() ({
      %run_scoped3A = tpu.sem_alloc : memref<!tpu.dma_semaphore, #tpu.memory_space<semaphore_mem>>
      %dma_start3A_169 = arith.constant 0 : i32
      %dma_start3A_170 = tpu.memref_slice %arg5[%arg0, %add3A_168, %dma_start3A_169] : memref<2x10240x128xf32, #tpu.memory_space<hbm>> -> memref<1x128x128xf32, #tpu.memory_space<hbm>>
      %dma_start3A_171 = tpu.memref_squeeze %dma_start3A_170 : memref<1x128x128xf32, #tpu.memory_space<hbm>> -> memref<128x128xf32, #tpu.memory_space<hbm>>
      %dma_start3A_172 = arith.constant 0 : i32
      %dma_start3A_173 = tpu.memref_slice %arg5[%arg0, %add3A_168, %dma_start3A_172] : memref<2x10240x128xf32, #tpu.memory_space<hbm>> -> memref<1x128x128xf32, #tpu.memory_space<hbm>>
      %dma_start3A_174 = tpu.memref_squeeze %dma_start3A_173 : memref<1x128x128xf32, #tpu.memory_space<hbm>> -> memref<128x128xf32, #tpu.memory_space<hbm>>
      tpu.enqueue_dma source(%arg8 : memref<128x128xf32, #tpu.memory_space<vmem>>) target(%dma_start3A_174 : memref<128x128xf32, #tpu.memory_space<hbm>>) target_semaphore(%run_scoped3A : memref<!tpu.dma_semaphore, #tpu.memory_space<semaphore_mem>>)
      %dma_wait3A_175 = arith.constant 0 : i32
      %dma_wait3A_176 = tpu.memref_slice %arg5[%arg0, %add3A_168, %dma_wait3A_175] : memref<2x10240x128xf32, #tpu.memory_space<hbm>> -> memref<1x128x128xf32, #tpu.memory_space<hbm>>
      %dma_wait3A_177 = tpu.memref_squeeze %dma_wait3A_176 : memref<1x128x128xf32, #tpu.memory_space<hbm>> -> memref<128x128xf32, #tpu.memory_space<hbm>>
      %dma_wait3A_178 = arith.constant 0 : i32
      %dma_wait3A_179 = tpu.memref_slice %arg5[%arg0, %add3A_168, %dma_wait3A_178] : memref<2x10240x128xf32, #tpu.memory_space<hbm>> -> memref<1x128x128xf32, #tpu.memory_space<hbm>>
      %dma_wait3A_180 = tpu.memref_squeeze %dma_wait3A_179 : memref<1x128x128xf32, #tpu.memory_space<hbm>> -> memref<128x128xf32, #tpu.memory_space<hbm>>
      tpu.wait_dma2 semaphore(%run_scoped3A : memref<!tpu.dma_semaphore, #tpu.memory_space<semaphore_mem>>) src(%arg8 : memref<128x128xf32, #tpu.memory_space<vmem>>) dst(%dma_wait3A_180 : memref<128x128xf32, #tpu.memory_space<hbm>>)
      tpu.yield
    }) : () -> ()
    return
  }
}

#map = affine_map<(d0, d1) -> (0, 0)>
#map1 = affine_map<(d0, d1) -> (0, 0, 0)>
module attributes {stable_mosaic.version = 14 : i64} {
  func.func @_edge_body(%arg0: i32, %arg1: i32, %arg2: memref<10000x128xf32, #tpu.memory_space<hbm>>, %arg3: memref<32x80x128xi32, #tpu.memory_space<hbm>>, %arg4: memref<32x80x128xi32, #tpu.memory_space<hbm>>, %arg5: memref<2x10240x128xf32, #tpu.memory_space<hbm>>, %arg6: memref<40x128xi32, #tpu.memory_space<vmem>>, %arg7: memref<40x128xi32, #tpu.memory_space<vmem>>, %arg8: memref<128x128xf32, #tpu.memory_space<vmem>>, %arg9: memref<128x128xf32, #tpu.memory_space<vmem>>, %arg10: memref<10240x128xf32, #tpu.memory_space<vmem_shared>>, %arg11: memref<!tpu.dma_semaphore, #tpu.memory_space<semaphore_mem>>, %arg12: memref<!tpu.dma_semaphore, #tpu.memory_space<semaphore_mem>>, %arg13: memref<!tpu.dma_semaphore, #tpu.memory_space<semaphore_mem>>, %arg14: memref<!tpu.dma_semaphore, #tpu.memory_space<semaphore_mem>>) attributes {dimension_semantics = [#tpu.dimension_semantics<core_parallel>, #tpu.dimension_semantics<subcore_parallel>], iteration_bounds = array<i64: 2, 16>, scalar_prefetch = 0 : i64, scratch_operands = 9 : i64, tpu.core_type = #tpu.core_type<sc_vector_subcore>, window_params = [{transform_indices = #map}, {transform_indices = #map1}, {transform_indices = #map1}, {transform_indices = #map1}]} {
    %mul3A = arith.constant 16 : i32
    %mul3A_0 = arith.muli %arg0, %mul3A : i32
    %add3A = arith.addi %mul3A_0, %arg1 : i32
    %scan3A = arith.constant 0 : i32
    %scan3A_1 = arith.constant 0 : i32
    %scan3A_2 = arith.constant 128 : i32
    %scan3A_3 = arith.addi %scan3A_1, %scan3A_2 : i32
    %scan3A_4 = arith.constant 1 : i32
    scf.for %scan3A_169 = %scan3A_1 to %scan3A_3 step %scan3A_4  : i32 {
      %broadcast_in_dim3A = arith.constant 0.000000e+00 : f32
      %broadcast_in_dim3A_170 = vector.broadcast %broadcast_in_dim3A : f32 to vector<16xf32>
      %swap3A = arith.index_cast %scan3A_169 : i32 to index
      %swap3A_171 = arith.constant 0 : index
      %swap3A_172 = tpu.vector_load %arg8[%swap3A, %swap3A_171] {strides = array<i32>} : memref<128x128xf32, #tpu.memory_space<vmem>>, vector<1x16xf32>,
      %swap3A_173 = vector.shape_cast %swap3A_172 : vector<1x16xf32> to vector<16xf32>
      %swap3A_174 = vector.shape_cast %broadcast_in_dim3A_170 : vector<16xf32> to vector<1x16xf32>
      tpu.vector_store %arg8[%swap3A, %swap3A_171], %swap3A_174 {strides = array<i32>} : memref<128x128xf32, #tpu.memory_space<vmem>>, vector<1x16xf32>,
      %broadcast_in_dim3A_175 = arith.constant 0.000000e+00 : f32
      %broadcast_in_dim3A_176 = vector.broadcast %broadcast_in_dim3A_175 : f32 to vector<16xf32>
      %swap3A_177 = arith.index_cast %scan3A_169 : i32 to index
      %swap3A_178 = arith.constant 16 : index
      %swap3A_179 = tpu.vector_load %arg8[%swap3A_177, %swap3A_178] {strides = array<i32>} : memref<128x128xf32, #tpu.memory_space<vmem>>, vector<1x16xf32>,
      %swap3A_180 = vector.shape_cast %swap3A_179 : vector<1x16xf32> to vector<16xf32>
      %swap3A_181 = vector.shape_cast %broadcast_in_dim3A_176 : vector<16xf32> to vector<1x16xf32>
      tpu.vector_store %arg8[%swap3A_177, %swap3A_178], %swap3A_181 {strides = array<i32>} : memref<128x128xf32, #tpu.memory_space<vmem>>, vector<1x16xf32>,
      %broadcast_in_dim3A_182 = arith.constant 0.000000e+00 : f32
      %broadcast_in_dim3A_183 = vector.broadcast %broadcast_in_dim3A_182 : f32 to vector<16xf32>
      %swap3A_184 = arith.index_cast %scan3A_169 : i32 to index
      %swap3A_185 = arith.constant 32 : index
      %swap3A_186 = tpu.vector_load %arg8[%swap3A_184, %swap3A_185] {strides = array<i32>} : memref<128x128xf32, #tpu.memory_space<vmem>>, vector<1x16xf32>,
      %swap3A_187 = vector.shape_cast %swap3A_186 : vector<1x16xf32> to vector<16xf32>
      %swap3A_188 = vector.shape_cast %broadcast_in_dim3A_183 : vector<16xf32> to vector<1x16xf32>
      tpu.vector_store %arg8[%swap3A_184, %swap3A_185], %swap3A_188 {strides = array<i32>} : memref<128x128xf32, #tpu.memory_space<vmem>>, vector<1x16xf32>,
      %broadcast_in_dim3A_189 = arith.constant 0.000000e+00 : f32
      %broadcast_in_dim3A_190 = vector.broadcast %broadcast_in_dim3A_189 : f32 to vector<16xf32>
      %swap3A_191 = arith.index_cast %scan3A_169 : i32 to index
      %swap3A_192 = arith.constant 48 : index
      %swap3A_193 = tpu.vector_load %arg8[%swap3A_191, %swap3A_192] {strides = array<i32>} : memref<128x128xf32, #tpu.memory_space<vmem>>, vector<1x16xf32>,
      %swap3A_194 = vector.shape_cast %swap3A_193 : vector<1x16xf32> to vector<16xf32>
      %swap3A_195 = vector.shape_cast %broadcast_in_dim3A_190 : vector<16xf32> to vector<1x16xf32>
      tpu.vector_store %arg8[%swap3A_191, %swap3A_192], %swap3A_195 {strides = array<i32>} : memref<128x128xf32, #tpu.memory_space<vmem>>, vector<1x16xf32>,
      %broadcast_in_dim3A_196 = arith.constant 0.000000e+00 : f32
      %broadcast_in_dim3A_197 = vector.broadcast %broadcast_in_dim3A_196 : f32 to vector<16xf32>
      %swap3A_198 = arith.index_cast %scan3A_169 : i32 to index
      %swap3A_199 = arith.constant 64 : index
      %swap3A_200 = tpu.vector_load %arg8[%swap3A_198, %swap3A_199] {strides = array<i32>} : memref<128x128xf32, #tpu.memory_space<vmem>>, vector<1x16xf32>,
      %swap3A_201 = vector.shape_cast %swap3A_200 : vector<1x16xf32> to vector<16xf32>
      %swap3A_202 = vector.shape_cast %broadcast_in_dim3A_197 : vector<16xf32> to vector<1x16xf32>
      tpu.vector_store %arg8[%swap3A_198, %swap3A_199], %swap3A_202 {strides = array<i32>} : memref<128x128xf32, #tpu.memory_space<vmem>>, vector<1x16xf32>,
      %broadcast_in_dim3A_203 = arith.constant 0.000000e+00 : f32
      %broadcast_in_dim3A_204 = vector.broadcast %broadcast_in_dim3A_203 : f32 to vector<16xf32>
      %swap3A_205 = arith.index_cast %scan3A_169 : i32 to index
      %swap3A_206 = arith.constant 80 : index
      %swap3A_207 = tpu.vector_load %arg8[%swap3A_205, %swap3A_206] {strides = array<i32>} : memref<128x128xf32, #tpu.memory_space<vmem>>, vector<1x16xf32>,
      %swap3A_208 = vector.shape_cast %swap3A_207 : vector<1x16xf32> to vector<16xf32>
      %swap3A_209 = vector.shape_cast %broadcast_in_dim3A_204 : vector<16xf32> to vector<1x16xf32>
      tpu.vector_store %arg8[%swap3A_205, %swap3A_206], %swap3A_209 {strides = array<i32>} : memref<128x128xf32, #tpu.memory_space<vmem>>, vector<1x16xf32>,
      %broadcast_in_dim3A_210 = arith.constant 0.000000e+00 : f32
      %broadcast_in_dim3A_211 = vector.broadcast %broadcast_in_dim3A_210 : f32 to vector<16xf32>
      %swap3A_212 = arith.index_cast %scan3A_169 : i32 to index
      %swap3A_213 = arith.constant 96 : index
      %swap3A_214 = tpu.vector_load %arg8[%swap3A_212, %swap3A_213] {strides = array<i32>} : memref<128x128xf32, #tpu.memory_space<vmem>>, vector<1x16xf32>,
      %swap3A_215 = vector.shape_cast %swap3A_214 : vector<1x16xf32> to vector<16xf32>
      %swap3A_216 = vector.shape_cast %broadcast_in_dim3A_211 : vector<16xf32> to vector<1x16xf32>
      tpu.vector_store %arg8[%swap3A_212, %swap3A_213], %swap3A_216 {strides = array<i32>} : memref<128x128xf32, #tpu.memory_space<vmem>>, vector<1x16xf32>,
      %broadcast_in_dim3A_217 = arith.constant 0.000000e+00 : f32
      %broadcast_in_dim3A_218 = vector.broadcast %broadcast_in_dim3A_217 : f32 to vector<16xf32>
      %swap3A_219 = arith.index_cast %scan3A_169 : i32 to index
      %swap3A_220 = arith.constant 112 : index
      %swap3A_221 = tpu.vector_load %arg8[%swap3A_219, %swap3A_220] {strides = array<i32>} : memref<128x128xf32, #tpu.memory_space<vmem>>, vector<1x16xf32>,
      %swap3A_222 = vector.shape_cast %swap3A_221 : vector<1x16xf32> to vector<16xf32>
      %swap3A_223 = vector.shape_cast %broadcast_in_dim3A_218 : vector<16xf32> to vector<1x16xf32>
      tpu.vector_store %arg8[%swap3A_219, %swap3A_220], %swap3A_223 {strides = array<i32>} : memref<128x128xf32, #tpu.memory_space<vmem>>, vector<1x16xf32>,
    }
    %scan3A_5 = arith.constant 128 : i32
    %mul3A_6 = arith.constant 640 : i32
    %mul3A_7 = arith.muli %arg1, %mul3A_6 : i32
    %add3A_8 = arith.constant 0 : i32
    %add3A_9 = arith.addi %mul3A_7, %add3A_8 : i32
    "tpu.region"() ({
      %run_scoped3A = tpu.sem_alloc : memref<!tpu.dma_semaphore, #tpu.memory_space<semaphore_mem>>
      %dma_start3A_169 = arith.constant 0 : i32
      %dma_start3A_170 = tpu.memref_slice %arg10[%add3A_9, %dma_start3A_169] : memref<10240x128xf32, #tpu.memory_space<vmem_shared>> -> memref<128x128xf32, #tpu.memory_space<vmem_shared>>
      %dma_start3A_171 = arith.constant 0 : i32
      %dma_start3A_172 = tpu.memref_slice %arg10[%add3A_9, %dma_start3A_171] : memref<10240x128xf32, #tpu.memory_space<vmem_shared>> -> memref<128x128xf32, #tpu.memory_space<vmem_shared>>
      tpu.enqueue_dma source(%arg8 : memref<128x128xf32, #tpu.memory_space<vmem>>) target(%dma_start3A_172 : memref<128x128xf32, #tpu.memory_space<vmem_shared>>) target_semaphore(%run_scoped3A : memref<!tpu.dma_semaphore, #tpu.memory_space<semaphore_mem>>)
      %dma_wait3A_173 = arith.constant 0 : i32
      %dma_wait3A_174 = tpu.memref_slice %arg10[%add3A_9, %dma_wait3A_173] : memref<10240x128xf32, #tpu.memory_space<vmem_shared>> -> memref<128x128xf32, #tpu.memory_space<vmem_shared>>
      %dma_wait3A_175 = arith.constant 0 : i32
      %dma_wait3A_176 = tpu.memref_slice %arg10[%add3A_9, %dma_wait3A_175] : memref<10240x128xf32, #tpu.memory_space<vmem_shared>> -> memref<128x128xf32, #tpu.memory_space<vmem_shared>>
      tpu.wait_dma2 semaphore(%run_scoped3A : memref<!tpu.dma_semaphore, #tpu.memory_space<semaphore_mem>>) src(%arg8 : memref<128x128xf32, #tpu.memory_space<vmem>>) dst(%dma_wait3A_176 : memref<128x128xf32, #tpu.memory_space<vmem_shared>>)
      tpu.yield
    }) : () -> ()
    %mul3A_10 = arith.constant 640 : i32
    %mul3A_11 = arith.muli %arg1, %mul3A_10 : i32
    %add3A_12 = arith.constant 128 : i32
    %add3A_13 = arith.addi %mul3A_11, %add3A_12 : i32
    "tpu.region"() ({
      %run_scoped3A = tpu.sem_alloc : memref<!tpu.dma_semaphore, #tpu.memory_space<semaphore_mem>>
      %dma_start3A_169 = arith.constant 0 : i32
      %dma_start3A_170 = tpu.memref_slice %arg10[%add3A_13, %dma_start3A_169] : memref<10240x128xf32, #tpu.memory_space<vmem_shared>> -> memref<128x128xf32, #tpu.memory_space<vmem_shared>>
      %dma_start3A_171 = arith.constant 0 : i32
      %dma_start3A_172 = tpu.memref_slice %arg10[%add3A_13, %dma_start3A_171] : memref<10240x128xf32, #tpu.memory_space<vmem_shared>> -> memref<128x128xf32, #tpu.memory_space<vmem_shared>>
      tpu.enqueue_dma source(%arg8 : memref<128x128xf32, #tpu.memory_space<vmem>>) target(%dma_start3A_172 : memref<128x128xf32, #tpu.memory_space<vmem_shared>>) target_semaphore(%run_scoped3A : memref<!tpu.dma_semaphore, #tpu.memory_space<semaphore_mem>>)
      %dma_wait3A_173 = arith.constant 0 : i32
      %dma_wait3A_174 = tpu.memref_slice %arg10[%add3A_13, %dma_wait3A_173] : memref<10240x128xf32, #tpu.memory_space<vmem_shared>> -> memref<128x128xf32, #tpu.memory_space<vmem_shared>>
      %dma_wait3A_175 = arith.constant 0 : i32
      %dma_wait3A_176 = tpu.memref_slice %arg10[%add3A_13, %dma_wait3A_175] : memref<10240x128xf32, #tpu.memory_space<vmem_shared>> -> memref<128x128xf32, #tpu.memory_space<vmem_shared>>
      tpu.wait_dma2 semaphore(%run_scoped3A : memref<!tpu.dma_semaphore, #tpu.memory_space<semaphore_mem>>) src(%arg8 : memref<128x128xf32, #tpu.memory_space<vmem>>) dst(%dma_wait3A_176 : memref<128x128xf32, #tpu.memory_space<vmem_shared>>)
      tpu.yield
    }) : () -> ()
    %mul3A_14 = arith.constant 640 : i32
    %mul3A_15 = arith.muli %arg1, %mul3A_14 : i32
    %add3A_16 = arith.constant 256 : i32
    %add3A_17 = arith.addi %mul3A_15, %add3A_16 : i32
    "tpu.region"() ({
      %run_scoped3A = tpu.sem_alloc : memref<!tpu.dma_semaphore, #tpu.memory_space<semaphore_mem>>
      %dma_start3A_169 = arith.constant 0 : i32
      %dma_start3A_170 = tpu.memref_slice %arg10[%add3A_17, %dma_start3A_169] : memref<10240x128xf32, #tpu.memory_space<vmem_shared>> -> memref<128x128xf32, #tpu.memory_space<vmem_shared>>
      %dma_start3A_171 = arith.constant 0 : i32
      %dma_start3A_172 = tpu.memref_slice %arg10[%add3A_17, %dma_start3A_171] : memref<10240x128xf32, #tpu.memory_space<vmem_shared>> -> memref<128x128xf32, #tpu.memory_space<vmem_shared>>
      tpu.enqueue_dma source(%arg8 : memref<128x128xf32, #tpu.memory_space<vmem>>) target(%dma_start3A_172 : memref<128x128xf32, #tpu.memory_space<vmem_shared>>) target_semaphore(%run_scoped3A : memref<!tpu.dma_semaphore, #tpu.memory_space<semaphore_mem>>)
      %dma_wait3A_173 = arith.constant 0 : i32
      %dma_wait3A_174 = tpu.memref_slice %arg10[%add3A_17, %dma_wait3A_173] : memref<10240x128xf32, #tpu.memory_space<vmem_shared>> -> memref<128x128xf32, #tpu.memory_space<vmem_shared>>
      %dma_wait3A_175 = arith.constant 0 : i32
      %dma_wait3A_176 = tpu.memref_slice %arg10[%add3A_17, %dma_wait3A_175] : memref<10240x128xf32, #tpu.memory_space<vmem_shared>> -> memref<128x128xf32, #tpu.memory_space<vmem_shared>>
      tpu.wait_dma2 semaphore(%run_scoped3A : memref<!tpu.dma_semaphore, #tpu.memory_space<semaphore_mem>>) src(%arg8 : memref<128x128xf32, #tpu.memory_space<vmem>>) dst(%dma_wait3A_176 : memref<128x128xf32, #tpu.memory_space<vmem_shared>>)
      tpu.yield
    }) : () -> ()
    %mul3A_18 = arith.constant 640 : i32
    %mul3A_19 = arith.muli %arg1, %mul3A_18 : i32
    %add3A_20 = arith.constant 384 : i32
    %add3A_21 = arith.addi %mul3A_19, %add3A_20 : i32
    "tpu.region"() ({
      %run_scoped3A = tpu.sem_alloc : memref<!tpu.dma_semaphore, #tpu.memory_space<semaphore_mem>>
      %dma_start3A_169 = arith.constant 0 : i32
      %dma_start3A_170 = tpu.memref_slice %arg10[%add3A_21, %dma_start3A_169] : memref<10240x128xf32, #tpu.memory_space<vmem_shared>> -> memref<128x128xf32, #tpu.memory_space<vmem_shared>>
      %dma_start3A_171 = arith.constant 0 : i32
      %dma_start3A_172 = tpu.memref_slice %arg10[%add3A_21, %dma_start3A_171] : memref<10240x128xf32, #tpu.memory_space<vmem_shared>> -> memref<128x128xf32, #tpu.memory_space<vmem_shared>>
      tpu.enqueue_dma source(%arg8 : memref<128x128xf32, #tpu.memory_space<vmem>>) target(%dma_start3A_172 : memref<128x128xf32, #tpu.memory_space<vmem_shared>>) target_semaphore(%run_scoped3A : memref<!tpu.dma_semaphore, #tpu.memory_space<semaphore_mem>>)
      %dma_wait3A_173 = arith.constant 0 : i32
      %dma_wait3A_174 = tpu.memref_slice %arg10[%add3A_21, %dma_wait3A_173] : memref<10240x128xf32, #tpu.memory_space<vmem_shared>> -> memref<128x128xf32, #tpu.memory_space<vmem_shared>>
      %dma_wait3A_175 = arith.constant 0 : i32
      %dma_wait3A_176 = tpu.memref_slice %arg10[%add3A_21, %dma_wait3A_175] : memref<10240x128xf32, #tpu.memory_space<vmem_shared>> -> memref<128x128xf32, #tpu.memory_space<vmem_shared>>
      tpu.wait_dma2 semaphore(%run_scoped3A : memref<!tpu.dma_semaphore, #tpu.memory_space<semaphore_mem>>) src(%arg8 : memref<128x128xf32, #tpu.memory_space<vmem>>) dst(%dma_wait3A_176 : memref<128x128xf32, #tpu.memory_space<vmem_shared>>)
      tpu.yield
    }) : () -> ()
    %mul3A_22 = arith.constant 640 : i32
    %mul3A_23 = arith.muli %arg1, %mul3A_22 : i32
    %add3A_24 = arith.constant 512 : i32
    %add3A_25 = arith.addi %mul3A_23, %add3A_24 : i32
    "tpu.region"() ({
      %run_scoped3A = tpu.sem_alloc : memref<!tpu.dma_semaphore, #tpu.memory_space<semaphore_mem>>
      %dma_start3A_169 = arith.constant 0 : i32
      %dma_start3A_170 = tpu.memref_slice %arg10[%add3A_25, %dma_start3A_169] : memref<10240x128xf32, #tpu.memory_space<vmem_shared>> -> memref<128x128xf32, #tpu.memory_space<vmem_shared>>
      %dma_start3A_171 = arith.constant 0 : i32
      %dma_start3A_172 = tpu.memref_slice %arg10[%add3A_25, %dma_start3A_171] : memref<10240x128xf32, #tpu.memory_space<vmem_shared>> -> memref<128x128xf32, #tpu.memory_space<vmem_shared>>
      tpu.enqueue_dma source(%arg8 : memref<128x128xf32, #tpu.memory_space<vmem>>) target(%dma_start3A_172 : memref<128x128xf32, #tpu.memory_space<vmem_shared>>) target_semaphore(%run_scoped3A : memref<!tpu.dma_semaphore, #tpu.memory_space<semaphore_mem>>)
      %dma_wait3A_173 = arith.constant 0 : i32
      %dma_wait3A_174 = tpu.memref_slice %arg10[%add3A_25, %dma_wait3A_173] : memref<10240x128xf32, #tpu.memory_space<vmem_shared>> -> memref<128x128xf32, #tpu.memory_space<vmem_shared>>
      %dma_wait3A_175 = arith.constant 0 : i32
      %dma_wait3A_176 = tpu.memref_slice %arg10[%add3A_25, %dma_wait3A_175] : memref<10240x128xf32, #tpu.memory_space<vmem_shared>> -> memref<128x128xf32, #tpu.memory_space<vmem_shared>>
      tpu.wait_dma2 semaphore(%run_scoped3A : memref<!tpu.dma_semaphore, #tpu.memory_space<semaphore_mem>>) src(%arg8 : memref<128x128xf32, #tpu.memory_space<vmem>>) dst(%dma_wait3A_176 : memref<128x128xf32, #tpu.memory_space<vmem_shared>>)
      tpu.yield
    }) : () -> ()
    %barrier3A = arith.constant 0 : index
    tpu.barrier barrier_id(%barrier3A)
    "tpu.region"() ({
      %run_scoped3A = tpu.sem_alloc : memref<!tpu.dma_semaphore, #tpu.memory_space<semaphore_mem>>
      %dma_start3A_169 = arith.constant 0 : i32
      %dma_start3A_170 = arith.constant 0 : i32
      %dma_start3A_171 = tpu.memref_slice %arg3[%add3A, %dma_start3A_169, %dma_start3A_170] : memref<32x80x128xi32, #tpu.memory_space<hbm>> -> memref<1x40x128xi32, #tpu.memory_space<hbm>>
      %dma_start3A_172 = tpu.memref_squeeze %dma_start3A_171 : memref<1x40x128xi32, #tpu.memory_space<hbm>> -> memref<40x128xi32, #tpu.memory_space<hbm>>
      %dma_start3A_173 = arith.constant 0 : i32
      %dma_start3A_174 = arith.constant 0 : i32
      %dma_start3A_175 = tpu.memref_slice %arg3[%add3A, %dma_start3A_173, %dma_start3A_174] : memref<32x80x128xi32, #tpu.memory_space<hbm>> -> memref<1x40x128xi32, #tpu.memory_space<hbm>>
      %dma_start3A_176 = tpu.memref_squeeze %dma_start3A_175 : memref<1x40x128xi32, #tpu.memory_space<hbm>> -> memref<40x128xi32, #tpu.memory_space<hbm>>
      tpu.enqueue_dma source(%dma_start3A_176 : memref<40x128xi32, #tpu.memory_space<hbm>>) target(%arg6 : memref<40x128xi32, #tpu.memory_space<vmem>>) target_semaphore(%run_scoped3A : memref<!tpu.dma_semaphore, #tpu.memory_space<semaphore_mem>>)
      %dma_wait3A_177 = arith.constant 0 : i32
      %dma_wait3A_178 = arith.constant 0 : i32
      %dma_wait3A_179 = tpu.memref_slice %arg3[%add3A, %dma_wait3A_177, %dma_wait3A_178] : memref<32x80x128xi32, #tpu.memory_space<hbm>> -> memref<1x40x128xi32, #tpu.memory_space<hbm>>
      %dma_wait3A_180 = tpu.memref_squeeze %dma_wait3A_179 : memref<1x40x128xi32, #tpu.memory_space<hbm>> -> memref<40x128xi32, #tpu.memory_space<hbm>>
      %dma_wait3A_181 = arith.constant 0 : i32
      %dma_wait3A_182 = arith.constant 0 : i32
      %dma_wait3A_183 = tpu.memref_slice %arg3[%add3A, %dma_wait3A_181, %dma_wait3A_182] : memref<32x80x128xi32, #tpu.memory_space<hbm>> -> memref<1x40x128xi32, #tpu.memory_space<hbm>>
      %dma_wait3A_184 = tpu.memref_squeeze %dma_wait3A_183 : memref<1x40x128xi32, #tpu.memory_space<hbm>> -> memref<40x128xi32, #tpu.memory_space<hbm>>
      tpu.wait_dma2 semaphore(%run_scoped3A : memref<!tpu.dma_semaphore, #tpu.memory_space<semaphore_mem>>) src(%dma_wait3A_184 : memref<40x128xi32, #tpu.memory_space<hbm>>) dst(%arg6 : memref<40x128xi32, #tpu.memory_space<vmem>>)
      tpu.yield
    }) : () -> ()
    "tpu.region"() ({
      %run_scoped3A = tpu.sem_alloc : memref<!tpu.dma_semaphore, #tpu.memory_space<semaphore_mem>>
      %dma_start3A_169 = arith.constant 0 : i32
      %dma_start3A_170 = arith.constant 0 : i32
      %dma_start3A_171 = tpu.memref_slice %arg4[%add3A, %dma_start3A_169, %dma_start3A_170] : memref<32x80x128xi32, #tpu.memory_space<hbm>> -> memref<1x40x128xi32, #tpu.memory_space<hbm>>
      %dma_start3A_172 = tpu.memref_squeeze %dma_start3A_171 : memref<1x40x128xi32, #tpu.memory_space<hbm>> -> memref<40x128xi32, #tpu.memory_space<hbm>>
      %dma_start3A_173 = arith.constant 0 : i32
      %dma_start3A_174 = arith.constant 0 : i32
      %dma_start3A_175 = tpu.memref_slice %arg4[%add3A, %dma_start3A_173, %dma_start3A_174] : memref<32x80x128xi32, #tpu.memory_space<hbm>> -> memref<1x40x128xi32, #tpu.memory_space<hbm>>
      %dma_start3A_176 = tpu.memref_squeeze %dma_start3A_175 : memref<1x40x128xi32, #tpu.memory_space<hbm>> -> memref<40x128xi32, #tpu.memory_space<hbm>>
      tpu.enqueue_dma source(%dma_start3A_176 : memref<40x128xi32, #tpu.memory_space<hbm>>) target(%arg7 : memref<40x128xi32, #tpu.memory_space<vmem>>) target_semaphore(%run_scoped3A : memref<!tpu.dma_semaphore, #tpu.memory_space<semaphore_mem>>)
      %dma_wait3A_177 = arith.constant 0 : i32
      %dma_wait3A_178 = arith.constant 0 : i32
      %dma_wait3A_179 = tpu.memref_slice %arg4[%add3A, %dma_wait3A_177, %dma_wait3A_178] : memref<32x80x128xi32, #tpu.memory_space<hbm>> -> memref<1x40x128xi32, #tpu.memory_space<hbm>>
      %dma_wait3A_180 = tpu.memref_squeeze %dma_wait3A_179 : memref<1x40x128xi32, #tpu.memory_space<hbm>> -> memref<40x128xi32, #tpu.memory_space<hbm>>
      %dma_wait3A_181 = arith.constant 0 : i32
      %dma_wait3A_182 = arith.constant 0 : i32
      %dma_wait3A_183 = tpu.memref_slice %arg4[%add3A, %dma_wait3A_181, %dma_wait3A_182] : memref<32x80x128xi32, #tpu.memory_space<hbm>> -> memref<1x40x128xi32, #tpu.memory_space<hbm>>
      %dma_wait3A_184 = tpu.memref_squeeze %dma_wait3A_183 : memref<1x40x128xi32, #tpu.memory_space<hbm>> -> memref<40x128xi32, #tpu.memory_space<hbm>>
      tpu.wait_dma2 semaphore(%run_scoped3A : memref<!tpu.dma_semaphore, #tpu.memory_space<semaphore_mem>>) src(%dma_wait3A_184 : memref<40x128xi32, #tpu.memory_space<hbm>>) dst(%arg7 : memref<40x128xi32, #tpu.memory_space<vmem>>)
      tpu.yield
    }) : () -> ()
    %dma_start3A = arith.constant 0 : i32
    %dma_start3A_26 = arith.constant 0 : i32
    %dma_start3A_27 = tpu.memref_slice %arg6[%dma_start3A, %dma_start3A_26] : memref<40x128xi32, #tpu.memory_space<vmem>> -> memref<1x128xi32, #tpu.memory_space<vmem>>
    %dma_start3A_28 = tpu.memref_squeeze %dma_start3A_27 : memref<1x128xi32, #tpu.memory_space<vmem>> -> memref<128xi32, #tpu.memory_space<vmem>>
    %dma_start3A_29 = arith.constant 0 : i32
    %dma_start3A_30 = arith.constant 0 : i32
    %dma_start3A_31 = tpu.memref_slice %arg2[%dma_start3A_29, %dma_start3A_30] : memref<10000x128xf32, #tpu.memory_space<hbm>> -> memref<10000x128xf32, #tpu.memory_space<hbm>>
    tpu.enqueue_indirect_dma source(%dma_start3A_31 : memref<10000x128xf32, #tpu.memory_space<hbm>>) target(%arg8 : memref<128x128xf32, #tpu.memory_space<vmem>>) offsets(%dma_start3A_28 : memref<128xi32, #tpu.memory_space<vmem>>) semaphore(%arg11 : memref<!tpu.dma_semaphore, #tpu.memory_space<semaphore_mem>>)
    %dma_start3A_32 = arith.constant 1 : i32
    %dma_start3A_33 = arith.constant 0 : i32
    %dma_start3A_34 = tpu.memref_slice %arg6[%dma_start3A_32, %dma_start3A_33] : memref<40x128xi32, #tpu.memory_space<vmem>> -> memref<1x128xi32, #tpu.memory_space<vmem>>
    %dma_start3A_35 = tpu.memref_squeeze %dma_start3A_34 : memref<1x128xi32, #tpu.memory_space<vmem>> -> memref<128xi32, #tpu.memory_space<vmem>>
    %dma_start3A_36 = arith.constant 0 : i32
    %dma_start3A_37 = arith.constant 0 : i32
    %dma_start3A_38 = tpu.memref_slice %arg2[%dma_start3A_36, %dma_start3A_37] : memref<10000x128xf32, #tpu.memory_space<hbm>> -> memref<10000x128xf32, #tpu.memory_space<hbm>>
    tpu.enqueue_indirect_dma source(%dma_start3A_38 : memref<10000x128xf32, #tpu.memory_space<hbm>>) target(%arg9 : memref<128x128xf32, #tpu.memory_space<vmem>>) offsets(%dma_start3A_35 : memref<128xi32, #tpu.memory_space<vmem>>) semaphore(%arg12 : memref<!tpu.dma_semaphore, #tpu.memory_space<semaphore_mem>>)
    %scan3A_39 = arith.constant 0 : i32
    %scan3A_40 = arith.constant 0 : i32
    %scan3A_41 = arith.constant 19 : i32
    %scan3A_42 = arith.addi %scan3A_40, %scan3A_41 : i32
    %scan3A_43 = arith.constant 1 : i32
    scf.for %scan3A_169 = %scan3A_40 to %scan3A_42 step %scan3A_43  : i32 {
      %mul3A_170 = arith.constant 2 : i32
      %mul3A_171 = arith.muli %mul3A_170, %scan3A_169 : i32
      %dma_wait3A_172 = arith.constant 0 : i32
      %dma_wait3A_173 = tpu.memref_slice %arg6[%mul3A_171, %dma_wait3A_172] : memref<40x128xi32, #tpu.memory_space<vmem>> -> memref<1x128xi32, #tpu.memory_space<vmem>>
      %dma_wait3A_174 = tpu.memref_squeeze %dma_wait3A_173 : memref<1x128xi32, #tpu.memory_space<vmem>> -> memref<128xi32, #tpu.memory_space<vmem>>
      %dma_wait3A_175 = arith.constant 0 : i32
      %dma_wait3A_176 = arith.constant 0 : i32
      %dma_wait3A_177 = tpu.memref_slice %arg2[%dma_wait3A_175, %dma_wait3A_176] : memref<10000x128xf32, #tpu.memory_space<hbm>> -> memref<10000x128xf32, #tpu.memory_space<hbm>>
      tpu.wait_indirect_dma semaphore(%arg11 : memref<!tpu.dma_semaphore, #tpu.memory_space<semaphore_mem>>) src(%dma_wait3A_177 : memref<10000x128xf32, #tpu.memory_space<hbm>>) dst(%arg8 : memref<128x128xf32, #tpu.memory_space<vmem>>)
      %dma_start3A_178 = arith.constant 0 : i32
      %dma_start3A_179 = tpu.memref_slice %arg7[%mul3A_171, %dma_start3A_178] : memref<40x128xi32, #tpu.memory_space<vmem>> -> memref<1x128xi32, #tpu.memory_space<vmem>>
      %dma_start3A_180 = tpu.memref_squeeze %dma_start3A_179 : memref<1x128xi32, #tpu.memory_space<vmem>> -> memref<128xi32, #tpu.memory_space<vmem>>
      %dma_start3A_181 = arith.constant 0 : i32
      %dma_start3A_182 = arith.constant 0 : i32
      %dma_start3A_183 = tpu.memref_slice %arg10[%dma_start3A_181, %dma_start3A_182] : memref<10240x128xf32, #tpu.memory_space<vmem_shared>> -> memref<10240x128xf32, #tpu.memory_space<vmem_shared>>
      tpu.enqueue_indirect_dma source(%arg8 : memref<128x128xf32, #tpu.memory_space<vmem>>) target(%dma_start3A_183 : memref<10240x128xf32, #tpu.memory_space<vmem_shared>>) offsets(%dma_start3A_180 : memref<128xi32, #tpu.memory_space<vmem>>) semaphore(%arg13 : memref<!tpu.dma_semaphore, #tpu.memory_space<semaphore_mem>>) {add = true}
      %add3A_184 = arith.constant 1 : i32
      %add3A_185 = arith.addi %mul3A_171, %add3A_184 : i32
      %dma_wait3A_186 = arith.constant 0 : i32
      %dma_wait3A_187 = tpu.memref_slice %arg6[%add3A_185, %dma_wait3A_186] : memref<40x128xi32, #tpu.memory_space<vmem>> -> memref<1x128xi32, #tpu.memory_space<vmem>>
      %dma_wait3A_188 = tpu.memref_squeeze %dma_wait3A_187 : memref<1x128xi32, #tpu.memory_space<vmem>> -> memref<128xi32, #tpu.memory_space<vmem>>
      %dma_wait3A_189 = arith.constant 0 : i32
      %dma_wait3A_190 = arith.constant 0 : i32
      %dma_wait3A_191 = tpu.memref_slice %arg2[%dma_wait3A_189, %dma_wait3A_190] : memref<10000x128xf32, #tpu.memory_space<hbm>> -> memref<10000x128xf32, #tpu.memory_space<hbm>>
      tpu.wait_indirect_dma semaphore(%arg12 : memref<!tpu.dma_semaphore, #tpu.memory_space<semaphore_mem>>) src(%dma_wait3A_191 : memref<10000x128xf32, #tpu.memory_space<hbm>>) dst(%arg9 : memref<128x128xf32, #tpu.memory_space<vmem>>)
      %add3A_192 = arith.constant 1 : i32
      %add3A_193 = arith.addi %mul3A_171, %add3A_192 : i32
      %dma_start3A_194 = arith.constant 0 : i32
      %dma_start3A_195 = tpu.memref_slice %arg7[%add3A_193, %dma_start3A_194] : memref<40x128xi32, #tpu.memory_space<vmem>> -> memref<1x128xi32, #tpu.memory_space<vmem>>
      %dma_start3A_196 = tpu.memref_squeeze %dma_start3A_195 : memref<1x128xi32, #tpu.memory_space<vmem>> -> memref<128xi32, #tpu.memory_space<vmem>>
      %dma_start3A_197 = arith.constant 0 : i32
      %dma_start3A_198 = arith.constant 0 : i32
      %dma_start3A_199 = tpu.memref_slice %arg10[%dma_start3A_197, %dma_start3A_198] : memref<10240x128xf32, #tpu.memory_space<vmem_shared>> -> memref<10240x128xf32, #tpu.memory_space<vmem_shared>>
      tpu.enqueue_indirect_dma source(%arg9 : memref<128x128xf32, #tpu.memory_space<vmem>>) target(%dma_start3A_199 : memref<10240x128xf32, #tpu.memory_space<vmem_shared>>) offsets(%dma_start3A_196 : memref<128xi32, #tpu.memory_space<vmem>>) semaphore(%arg14 : memref<!tpu.dma_semaphore, #tpu.memory_space<semaphore_mem>>) {add = true}
      %dma_wait3A_200 = arith.constant 0 : i32
      %dma_wait3A_201 = tpu.memref_slice %arg7[%mul3A_171, %dma_wait3A_200] : memref<40x128xi32, #tpu.memory_space<vmem>> -> memref<1x128xi32, #tpu.memory_space<vmem>>
      %dma_wait3A_202 = tpu.memref_squeeze %dma_wait3A_201 : memref<1x128xi32, #tpu.memory_space<vmem>> -> memref<128xi32, #tpu.memory_space<vmem>>
      %dma_wait3A_203 = arith.constant 0 : i32
      %dma_wait3A_204 = arith.constant 0 : i32
      %dma_wait3A_205 = tpu.memref_slice %arg10[%dma_wait3A_203, %dma_wait3A_204] : memref<10240x128xf32, #tpu.memory_space<vmem_shared>> -> memref<10240x128xf32, #tpu.memory_space<vmem_shared>>
      tpu.wait_indirect_dma semaphore(%arg13 : memref<!tpu.dma_semaphore, #tpu.memory_space<semaphore_mem>>) src(%arg8 : memref<128x128xf32, #tpu.memory_space<vmem>>) dst(%dma_wait3A_205 : memref<10240x128xf32, #tpu.memory_space<vmem_shared>>)
      %add3A_206 = arith.constant 2 : i32
      %add3A_207 = arith.addi %mul3A_171, %add3A_206 : i32
      %dma_start3A_208 = arith.constant 0 : i32
      %dma_start3A_209 = tpu.memref_slice %arg6[%add3A_207, %dma_start3A_208] : memref<40x128xi32, #tpu.memory_space<vmem>> -> memref<1x128xi32, #tpu.memory_space<vmem>>
      %dma_start3A_210 = tpu.memref_squeeze %dma_start3A_209 : memref<1x128xi32, #tpu.memory_space<vmem>> -> memref<128xi32, #tpu.memory_space<vmem>>
      %dma_start3A_211 = arith.constant 0 : i32
      %dma_start3A_212 = arith.constant 0 : i32
      %dma_start3A_213 = tpu.memref_slice %arg2[%dma_start3A_211, %dma_start3A_212] : memref<10000x128xf32, #tpu.memory_space<hbm>> -> memref<10000x128xf32, #tpu.memory_space<hbm>>
      tpu.enqueue_indirect_dma source(%dma_start3A_213 : memref<10000x128xf32, #tpu.memory_space<hbm>>) target(%arg8 : memref<128x128xf32, #tpu.memory_space<vmem>>) offsets(%dma_start3A_210 : memref<128xi32, #tpu.memory_space<vmem>>) semaphore(%arg11 : memref<!tpu.dma_semaphore, #tpu.memory_space<semaphore_mem>>)
      %add3A_214 = arith.constant 1 : i32
      %add3A_215 = arith.addi %mul3A_171, %add3A_214 : i32
      %dma_wait3A_216 = arith.constant 0 : i32
      %dma_wait3A_217 = tpu.memref_slice %arg7[%add3A_215, %dma_wait3A_216] : memref<40x128xi32, #tpu.memory_space<vmem>> -> memref<1x128xi32, #tpu.memory_space<vmem>>
      %dma_wait3A_218 = tpu.memref_squeeze %dma_wait3A_217 : memref<1x128xi32, #tpu.memory_space<vmem>> -> memref<128xi32, #tpu.memory_space<vmem>>
      %dma_wait3A_219 = arith.constant 0 : i32
      %dma_wait3A_220 = arith.constant 0 : i32
      %dma_wait3A_221 = tpu.memref_slice %arg10[%dma_wait3A_219, %dma_wait3A_220] : memref<10240x128xf32, #tpu.memory_space<vmem_shared>> -> memref<10240x128xf32, #tpu.memory_space<vmem_shared>>
      tpu.wait_indirect_dma semaphore(%arg14 : memref<!tpu.dma_semaphore, #tpu.memory_space<semaphore_mem>>) src(%arg9 : memref<128x128xf32, #tpu.memory_space<vmem>>) dst(%dma_wait3A_221 : memref<10240x128xf32, #tpu.memory_space<vmem_shared>>)
      %add3A_222 = arith.constant 3 : i32
      %add3A_223 = arith.addi %mul3A_171, %add3A_222 : i32
      %dma_start3A_224 = arith.constant 0 : i32
      %dma_start3A_225 = tpu.memref_slice %arg6[%add3A_223, %dma_start3A_224] : memref<40x128xi32, #tpu.memory_space<vmem>> -> memref<1x128xi32, #tpu.memory_space<vmem>>
      %dma_start3A_226 = tpu.memref_squeeze %dma_start3A_225 : memref<1x128xi32, #tpu.memory_space<vmem>> -> memref<128xi32, #tpu.memory_space<vmem>>
      %dma_start3A_227 = arith.constant 0 : i32
      %dma_start3A_228 = arith.constant 0 : i32
      %dma_start3A_229 = tpu.memref_slice %arg2[%dma_start3A_227, %dma_start3A_228] : memref<10000x128xf32, #tpu.memory_space<hbm>> -> memref<10000x128xf32, #tpu.memory_space<hbm>>
      tpu.enqueue_indirect_dma source(%dma_start3A_229 : memref<10000x128xf32, #tpu.memory_space<hbm>>) target(%arg9 : memref<128x128xf32, #tpu.memory_space<vmem>>) offsets(%dma_start3A_226 : memref<128xi32, #tpu.memory_space<vmem>>) semaphore(%arg12 : memref<!tpu.dma_semaphore, #tpu.memory_space<semaphore_mem>>)
    }
    %scan3A_44 = arith.constant 19 : i32
    %dma_wait3A = arith.constant 38 : i32
    %dma_wait3A_45 = arith.constant 0 : i32
    %dma_wait3A_46 = tpu.memref_slice %arg6[%dma_wait3A, %dma_wait3A_45] : memref<40x128xi32, #tpu.memory_space<vmem>> -> memref<1x128xi32, #tpu.memory_space<vmem>>
    %dma_wait3A_47 = tpu.memref_squeeze %dma_wait3A_46 : memref<1x128xi32, #tpu.memory_space<vmem>> -> memref<128xi32, #tpu.memory_space<vmem>>
    %dma_wait3A_48 = arith.constant 0 : i32
    %dma_wait3A_49 = arith.constant 0 : i32
    %dma_wait3A_50 = tpu.memref_slice %arg2[%dma_wait3A_48, %dma_wait3A_49] : memref<10000x128xf32, #tpu.memory_space<hbm>> -> memref<10000x128xf32, #tpu.memory_space<hbm>>
    tpu.wait_indirect_dma semaphore(%arg11 : memref<!tpu.dma_semaphore, #tpu.memory_space<semaphore_mem>>) src(%dma_wait3A_50 : memref<10000x128xf32, #tpu.memory_space<hbm>>) dst(%arg8 : memref<128x128xf32, #tpu.memory_space<vmem>>)
    %dma_start3A_51 = arith.constant 38 : i32
    %dma_start3A_52 = arith.constant 0 : i32
    %dma_start3A_53 = tpu.memref_slice %arg7[%dma_start3A_51, %dma_start3A_52] : memref<40x128xi32, #tpu.memory_space<vmem>> -> memref<1x128xi32, #tpu.memory_space<vmem>>
    %dma_start3A_54 = tpu.memref_squeeze %dma_start3A_53 : memref<1x128xi32, #tpu.memory_space<vmem>> -> memref<128xi32, #tpu.memory_space<vmem>>
    %dma_start3A_55 = arith.constant 0 : i32
    %dma_start3A_56 = arith.constant 0 : i32
    %dma_start3A_57 = tpu.memref_slice %arg10[%dma_start3A_55, %dma_start3A_56] : memref<10240x128xf32, #tpu.memory_space<vmem_shared>> -> memref<10240x128xf32, #tpu.memory_space<vmem_shared>>
    tpu.enqueue_indirect_dma source(%arg8 : memref<128x128xf32, #tpu.memory_space<vmem>>) target(%dma_start3A_57 : memref<10240x128xf32, #tpu.memory_space<vmem_shared>>) offsets(%dma_start3A_54 : memref<128xi32, #tpu.memory_space<vmem>>) semaphore(%arg13 : memref<!tpu.dma_semaphore, #tpu.memory_space<semaphore_mem>>) {add = true}
    %dma_wait3A_58 = arith.constant 39 : i32
    %dma_wait3A_59 = arith.constant 0 : i32
    %dma_wait3A_60 = tpu.memref_slice %arg6[%dma_wait3A_58, %dma_wait3A_59] : memref<40x128xi32, #tpu.memory_space<vmem>> -> memref<1x128xi32, #tpu.memory_space<vmem>>
    %dma_wait3A_61 = tpu.memref_squeeze %dma_wait3A_60 : memref<1x128xi32, #tpu.memory_space<vmem>> -> memref<128xi32, #tpu.memory_space<vmem>>
    %dma_wait3A_62 = arith.constant 0 : i32
    %dma_wait3A_63 = arith.constant 0 : i32
    %dma_wait3A_64 = tpu.memref_slice %arg2[%dma_wait3A_62, %dma_wait3A_63] : memref<10000x128xf32, #tpu.memory_space<hbm>> -> memref<10000x128xf32, #tpu.memory_space<hbm>>
    tpu.wait_indirect_dma semaphore(%arg12 : memref<!tpu.dma_semaphore, #tpu.memory_space<semaphore_mem>>) src(%dma_wait3A_64 : memref<10000x128xf32, #tpu.memory_space<hbm>>) dst(%arg9 : memref<128x128xf32, #tpu.memory_space<vmem>>)
    %dma_start3A_65 = arith.constant 39 : i32
    %dma_start3A_66 = arith.constant 0 : i32
    %dma_start3A_67 = tpu.memref_slice %arg7[%dma_start3A_65, %dma_start3A_66] : memref<40x128xi32, #tpu.memory_space<vmem>> -> memref<1x128xi32, #tpu.memory_space<vmem>>
    %dma_start3A_68 = tpu.memref_squeeze %dma_start3A_67 : memref<1x128xi32, #tpu.memory_space<vmem>> -> memref<128xi32, #tpu.memory_space<vmem>>
    %dma_start3A_69 = arith.constant 0 : i32
    %dma_start3A_70 = arith.constant 0 : i32
    %dma_start3A_71 = tpu.memref_slice %arg10[%dma_start3A_69, %dma_start3A_70] : memref<10240x128xf32, #tpu.memory_space<vmem_shared>> -> memref<10240x128xf32, #tpu.memory_space<vmem_shared>>
    tpu.enqueue_indirect_dma source(%arg9 : memref<128x128xf32, #tpu.memory_space<vmem>>) target(%dma_start3A_71 : memref<10240x128xf32, #tpu.memory_space<vmem_shared>>) offsets(%dma_start3A_68 : memref<128xi32, #tpu.memory_space<vmem>>) semaphore(%arg14 : memref<!tpu.dma_semaphore, #tpu.memory_space<semaphore_mem>>) {add = true}
    %dma_wait3A_72 = arith.constant 38 : i32
    %dma_wait3A_73 = arith.constant 0 : i32
    %dma_wait3A_74 = tpu.memref_slice %arg7[%dma_wait3A_72, %dma_wait3A_73] : memref<40x128xi32, #tpu.memory_space<vmem>> -> memref<1x128xi32, #tpu.memory_space<vmem>>
    %dma_wait3A_75 = tpu.memref_squeeze %dma_wait3A_74 : memref<1x128xi32, #tpu.memory_space<vmem>> -> memref<128xi32, #tpu.memory_space<vmem>>
    %dma_wait3A_76 = arith.constant 0 : i32
    %dma_wait3A_77 = arith.constant 0 : i32
    %dma_wait3A_78 = tpu.memref_slice %arg10[%dma_wait3A_76, %dma_wait3A_77] : memref<10240x128xf32, #tpu.memory_space<vmem_shared>> -> memref<10240x128xf32, #tpu.memory_space<vmem_shared>>
    tpu.wait_indirect_dma semaphore(%arg13 : memref<!tpu.dma_semaphore, #tpu.memory_space<semaphore_mem>>) src(%arg8 : memref<128x128xf32, #tpu.memory_space<vmem>>) dst(%dma_wait3A_78 : memref<10240x128xf32, #tpu.memory_space<vmem_shared>>)
    %dma_wait3A_79 = arith.constant 39 : i32
    %dma_wait3A_80 = arith.constant 0 : i32
    %dma_wait3A_81 = tpu.memref_slice %arg7[%dma_wait3A_79, %dma_wait3A_80] : memref<40x128xi32, #tpu.memory_space<vmem>> -> memref<1x128xi32, #tpu.memory_space<vmem>>
    %dma_wait3A_82 = tpu.memref_squeeze %dma_wait3A_81 : memref<1x128xi32, #tpu.memory_space<vmem>> -> memref<128xi32, #tpu.memory_space<vmem>>
    %dma_wait3A_83 = arith.constant 0 : i32
    %dma_wait3A_84 = arith.constant 0 : i32
    %dma_wait3A_85 = tpu.memref_slice %arg10[%dma_wait3A_83, %dma_wait3A_84] : memref<10240x128xf32, #tpu.memory_space<vmem_shared>> -> memref<10240x128xf32, #tpu.memory_space<vmem_shared>>
    tpu.wait_indirect_dma semaphore(%arg14 : memref<!tpu.dma_semaphore, #tpu.memory_space<semaphore_mem>>) src(%arg9 : memref<128x128xf32, #tpu.memory_space<vmem>>) dst(%dma_wait3A_85 : memref<10240x128xf32, #tpu.memory_space<vmem_shared>>)
    "tpu.region"() ({
      %run_scoped3A = tpu.sem_alloc : memref<!tpu.dma_semaphore, #tpu.memory_space<semaphore_mem>>
      %dma_start3A_169 = arith.constant 40 : i32
      %dma_start3A_170 = arith.constant 0 : i32
      %dma_start3A_171 = tpu.memref_slice %arg3[%add3A, %dma_start3A_169, %dma_start3A_170] : memref<32x80x128xi32, #tpu.memory_space<hbm>> -> memref<1x40x128xi32, #tpu.memory_space<hbm>>
      %dma_start3A_172 = tpu.memref_squeeze %dma_start3A_171 : memref<1x40x128xi32, #tpu.memory_space<hbm>> -> memref<40x128xi32, #tpu.memory_space<hbm>>
      %dma_start3A_173 = arith.constant 40 : i32
      %dma_start3A_174 = arith.constant 0 : i32
      %dma_start3A_175 = tpu.memref_slice %arg3[%add3A, %dma_start3A_173, %dma_start3A_174] : memref<32x80x128xi32, #tpu.memory_space<hbm>> -> memref<1x40x128xi32, #tpu.memory_space<hbm>>
      %dma_start3A_176 = tpu.memref_squeeze %dma_start3A_175 : memref<1x40x128xi32, #tpu.memory_space<hbm>> -> memref<40x128xi32, #tpu.memory_space<hbm>>
      tpu.enqueue_dma source(%dma_start3A_176 : memref<40x128xi32, #tpu.memory_space<hbm>>) target(%arg6 : memref<40x128xi32, #tpu.memory_space<vmem>>) target_semaphore(%run_scoped3A : memref<!tpu.dma_semaphore, #tpu.memory_space<semaphore_mem>>)
      %dma_wait3A_177 = arith.constant 40 : i32
      %dma_wait3A_178 = arith.constant 0 : i32
      %dma_wait3A_179 = tpu.memref_slice %arg3[%add3A, %dma_wait3A_177, %dma_wait3A_178] : memref<32x80x128xi32, #tpu.memory_space<hbm>> -> memref<1x40x128xi32, #tpu.memory_space<hbm>>
      %dma_wait3A_180 = tpu.memref_squeeze %dma_wait3A_179 : memref<1x40x128xi32, #tpu.memory_space<hbm>> -> memref<40x128xi32, #tpu.memory_space<hbm>>
      %dma_wait3A_181 = arith.constant 40 : i32
      %dma_wait3A_182 = arith.constant 0 : i32
      %dma_wait3A_183 = tpu.memref_slice %arg3[%add3A, %dma_wait3A_181, %dma_wait3A_182] : memref<32x80x128xi32, #tpu.memory_space<hbm>> -> memref<1x40x128xi32, #tpu.memory_space<hbm>>
      %dma_wait3A_184 = tpu.memref_squeeze %dma_wait3A_183 : memref<1x40x128xi32, #tpu.memory_space<hbm>> -> memref<40x128xi32, #tpu.memory_space<hbm>>
      tpu.wait_dma2 semaphore(%run_scoped3A : memref<!tpu.dma_semaphore, #tpu.memory_space<semaphore_mem>>) src(%dma_wait3A_184 : memref<40x128xi32, #tpu.memory_space<hbm>>) dst(%arg6 : memref<40x128xi32, #tpu.memory_space<vmem>>)
      tpu.yield
    }) : () -> ()
    "tpu.region"() ({
      %run_scoped3A = tpu.sem_alloc : memref<!tpu.dma_semaphore, #tpu.memory_space<semaphore_mem>>
      %dma_start3A_169 = arith.constant 40 : i32
      %dma_start3A_170 = arith.constant 0 : i32
      %dma_start3A_171 = tpu.memref_slice %arg4[%add3A, %dma_start3A_169, %dma_start3A_170] : memref<32x80x128xi32, #tpu.memory_space<hbm>> -> memref<1x40x128xi32, #tpu.memory_space<hbm>>
      %dma_start3A_172 = tpu.memref_squeeze %dma_start3A_171 : memref<1x40x128xi32, #tpu.memory_space<hbm>> -> memref<40x128xi32, #tpu.memory_space<hbm>>
      %dma_start3A_173 = arith.constant 40 : i32
      %dma_start3A_174 = arith.constant 0 : i32
      %dma_start3A_175 = tpu.memref_slice %arg4[%add3A, %dma_start3A_173, %dma_start3A_174] : memref<32x80x128xi32, #tpu.memory_space<hbm>> -> memref<1x40x128xi32, #tpu.memory_space<hbm>>
      %dma_start3A_176 = tpu.memref_squeeze %dma_start3A_175 : memref<1x40x128xi32, #tpu.memory_space<hbm>> -> memref<40x128xi32, #tpu.memory_space<hbm>>
      tpu.enqueue_dma source(%dma_start3A_176 : memref<40x128xi32, #tpu.memory_space<hbm>>) target(%arg7 : memref<40x128xi32, #tpu.memory_space<vmem>>) target_semaphore(%run_scoped3A : memref<!tpu.dma_semaphore, #tpu.memory_space<semaphore_mem>>)
      %dma_wait3A_177 = arith.constant 40 : i32
      %dma_wait3A_178 = arith.constant 0 : i32
      %dma_wait3A_179 = tpu.memref_slice %arg4[%add3A, %dma_wait3A_177, %dma_wait3A_178] : memref<32x80x128xi32, #tpu.memory_space<hbm>> -> memref<1x40x128xi32, #tpu.memory_space<hbm>>
      %dma_wait3A_180 = tpu.memref_squeeze %dma_wait3A_179 : memref<1x40x128xi32, #tpu.memory_space<hbm>> -> memref<40x128xi32, #tpu.memory_space<hbm>>
      %dma_wait3A_181 = arith.constant 40 : i32
      %dma_wait3A_182 = arith.constant 0 : i32
      %dma_wait3A_183 = tpu.memref_slice %arg4[%add3A, %dma_wait3A_181, %dma_wait3A_182] : memref<32x80x128xi32, #tpu.memory_space<hbm>> -> memref<1x40x128xi32, #tpu.memory_space<hbm>>
      %dma_wait3A_184 = tpu.memref_squeeze %dma_wait3A_183 : memref<1x40x128xi32, #tpu.memory_space<hbm>> -> memref<40x128xi32, #tpu.memory_space<hbm>>
      tpu.wait_dma2 semaphore(%run_scoped3A : memref<!tpu.dma_semaphore, #tpu.memory_space<semaphore_mem>>) src(%dma_wait3A_184 : memref<40x128xi32, #tpu.memory_space<hbm>>) dst(%arg7 : memref<40x128xi32, #tpu.memory_space<vmem>>)
      tpu.yield
    }) : () -> ()
    %dma_start3A_86 = arith.constant 0 : i32
    %dma_start3A_87 = arith.constant 0 : i32
    %dma_start3A_88 = tpu.memref_slice %arg6[%dma_start3A_86, %dma_start3A_87] : memref<40x128xi32, #tpu.memory_space<vmem>> -> memref<1x128xi32, #tpu.memory_space<vmem>>
    %dma_start3A_89 = tpu.memref_squeeze %dma_start3A_88 : memref<1x128xi32, #tpu.memory_space<vmem>> -> memref<128xi32, #tpu.memory_space<vmem>>
    %dma_start3A_90 = arith.constant 0 : i32
    %dma_start3A_91 = arith.constant 0 : i32
    %dma_start3A_92 = tpu.memref_slice %arg2[%dma_start3A_90, %dma_start3A_91] : memref<10000x128xf32, #tpu.memory_space<hbm>> -> memref<10000x128xf32, #tpu.memory_space<hbm>>
    tpu.enqueue_indirect_dma source(%dma_start3A_92 : memref<10000x128xf32, #tpu.memory_space<hbm>>) target(%arg8 : memref<128x128xf32, #tpu.memory_space<vmem>>) offsets(%dma_start3A_89 : memref<128xi32, #tpu.memory_space<vmem>>) semaphore(%arg11 : memref<!tpu.dma_semaphore, #tpu.memory_space<semaphore_mem>>)
    %dma_start3A_93 = arith.constant 1 : i32
    %dma_start3A_94 = arith.constant 0 : i32
    %dma_start3A_95 = tpu.memref_slice %arg6[%dma_start3A_93, %dma_start3A_94] : memref<40x128xi32, #tpu.memory_space<vmem>> -> memref<1x128xi32, #tpu.memory_space<vmem>>
    %dma_start3A_96 = tpu.memref_squeeze %dma_start3A_95 : memref<1x128xi32, #tpu.memory_space<vmem>> -> memref<128xi32, #tpu.memory_space<vmem>>
    %dma_start3A_97 = arith.constant 0 : i32
    %dma_start3A_98 = arith.constant 0 : i32
    %dma_start3A_99 = tpu.memref_slice %arg2[%dma_start3A_97, %dma_start3A_98] : memref<10000x128xf32, #tpu.memory_space<hbm>> -> memref<10000x128xf32, #tpu.memory_space<hbm>>
    tpu.enqueue_indirect_dma source(%dma_start3A_99 : memref<10000x128xf32, #tpu.memory_space<hbm>>) target(%arg9 : memref<128x128xf32, #tpu.memory_space<vmem>>) offsets(%dma_start3A_96 : memref<128xi32, #tpu.memory_space<vmem>>) semaphore(%arg12 : memref<!tpu.dma_semaphore, #tpu.memory_space<semaphore_mem>>)
    %scan3A_100 = arith.constant 0 : i32
    %scan3A_101 = arith.constant 0 : i32
    %scan3A_102 = arith.constant 19 : i32
    %scan3A_103 = arith.addi %scan3A_101, %scan3A_102 : i32
    %scan3A_104 = arith.constant 1 : i32
    scf.for %scan3A_169 = %scan3A_101 to %scan3A_103 step %scan3A_104  : i32 {
      %mul3A_170 = arith.constant 2 : i32
      %mul3A_171 = arith.muli %mul3A_170, %scan3A_169 : i32
      %dma_wait3A_172 = arith.constant 0 : i32
      %dma_wait3A_173 = tpu.memref_slice %arg6[%mul3A_171, %dma_wait3A_172] : memref<40x128xi32, #tpu.memory_space<vmem>> -> memref<1x128xi32, #tpu.memory_space<vmem>>
      %dma_wait3A_174 = tpu.memref_squeeze %dma_wait3A_173 : memref<1x128xi32, #tpu.memory_space<vmem>> -> memref<128xi32, #tpu.memory_space<vmem>>
      %dma_wait3A_175 = arith.constant 0 : i32
      %dma_wait3A_176 = arith.constant 0 : i32
      %dma_wait3A_177 = tpu.memref_slice %arg2[%dma_wait3A_175, %dma_wait3A_176] : memref<10000x128xf32, #tpu.memory_space<hbm>> -> memref<10000x128xf32, #tpu.memory_space<hbm>>
      tpu.wait_indirect_dma semaphore(%arg11 : memref<!tpu.dma_semaphore, #tpu.memory_space<semaphore_mem>>) src(%dma_wait3A_177 : memref<10000x128xf32, #tpu.memory_space<hbm>>) dst(%arg8 : memref<128x128xf32, #tpu.memory_space<vmem>>)
      %dma_start3A_178 = arith.constant 0 : i32
      %dma_start3A_179 = tpu.memref_slice %arg7[%mul3A_171, %dma_start3A_178] : memref<40x128xi32, #tpu.memory_space<vmem>> -> memref<1x128xi32, #tpu.memory_space<vmem>>
      %dma_start3A_180 = tpu.memref_squeeze %dma_start3A_179 : memref<1x128xi32, #tpu.memory_space<vmem>> -> memref<128xi32, #tpu.memory_space<vmem>>
      %dma_start3A_181 = arith.constant 0 : i32
      %dma_start3A_182 = arith.constant 0 : i32
      %dma_start3A_183 = tpu.memref_slice %arg10[%dma_start3A_181, %dma_start3A_182] : memref<10240x128xf32, #tpu.memory_space<vmem_shared>> -> memref<10240x128xf32, #tpu.memory_space<vmem_shared>>
      tpu.enqueue_indirect_dma source(%arg8 : memref<128x128xf32, #tpu.memory_space<vmem>>) target(%dma_start3A_183 : memref<10240x128xf32, #tpu.memory_space<vmem_shared>>) offsets(%dma_start3A_180 : memref<128xi32, #tpu.memory_space<vmem>>) semaphore(%arg13 : memref<!tpu.dma_semaphore, #tpu.memory_space<semaphore_mem>>) {add = true}
      %add3A_184 = arith.constant 1 : i32
      %add3A_185 = arith.addi %mul3A_171, %add3A_184 : i32
      %dma_wait3A_186 = arith.constant 0 : i32
      %dma_wait3A_187 = tpu.memref_slice %arg6[%add3A_185, %dma_wait3A_186] : memref<40x128xi32, #tpu.memory_space<vmem>> -> memref<1x128xi32, #tpu.memory_space<vmem>>
      %dma_wait3A_188 = tpu.memref_squeeze %dma_wait3A_187 : memref<1x128xi32, #tpu.memory_space<vmem>> -> memref<128xi32, #tpu.memory_space<vmem>>
      %dma_wait3A_189 = arith.constant 0 : i32
      %dma_wait3A_190 = arith.constant 0 : i32
      %dma_wait3A_191 = tpu.memref_slice %arg2[%dma_wait3A_189, %dma_wait3A_190] : memref<10000x128xf32, #tpu.memory_space<hbm>> -> memref<10000x128xf32, #tpu.memory_space<hbm>>
      tpu.wait_indirect_dma semaphore(%arg12 : memref<!tpu.dma_semaphore, #tpu.memory_space<semaphore_mem>>) src(%dma_wait3A_191 : memref<10000x128xf32, #tpu.memory_space<hbm>>) dst(%arg9 : memref<128x128xf32, #tpu.memory_space<vmem>>)
      %add3A_192 = arith.constant 1 : i32
      %add3A_193 = arith.addi %mul3A_171, %add3A_192 : i32
      %dma_start3A_194 = arith.constant 0 : i32
      %dma_start3A_195 = tpu.memref_slice %arg7[%add3A_193, %dma_start3A_194] : memref<40x128xi32, #tpu.memory_space<vmem>> -> memref<1x128xi32, #tpu.memory_space<vmem>>
      %dma_start3A_196 = tpu.memref_squeeze %dma_start3A_195 : memref<1x128xi32, #tpu.memory_space<vmem>> -> memref<128xi32, #tpu.memory_space<vmem>>
      %dma_start3A_197 = arith.constant 0 : i32
      %dma_start3A_198 = arith.constant 0 : i32
      %dma_start3A_199 = tpu.memref_slice %arg10[%dma_start3A_197, %dma_start3A_198] : memref<10240x128xf32, #tpu.memory_space<vmem_shared>> -> memref<10240x128xf32, #tpu.memory_space<vmem_shared>>
      tpu.enqueue_indirect_dma source(%arg9 : memref<128x128xf32, #tpu.memory_space<vmem>>) target(%dma_start3A_199 : memref<10240x128xf32, #tpu.memory_space<vmem_shared>>) offsets(%dma_start3A_196 : memref<128xi32, #tpu.memory_space<vmem>>) semaphore(%arg14 : memref<!tpu.dma_semaphore, #tpu.memory_space<semaphore_mem>>) {add = true}
      %dma_wait3A_200 = arith.constant 0 : i32
      %dma_wait3A_201 = tpu.memref_slice %arg7[%mul3A_171, %dma_wait3A_200] : memref<40x128xi32, #tpu.memory_space<vmem>> -> memref<1x128xi32, #tpu.memory_space<vmem>>
      %dma_wait3A_202 = tpu.memref_squeeze %dma_wait3A_201 : memref<1x128xi32, #tpu.memory_space<vmem>> -> memref<128xi32, #tpu.memory_space<vmem>>
      %dma_wait3A_203 = arith.constant 0 : i32
      %dma_wait3A_204 = arith.constant 0 : i32
      %dma_wait3A_205 = tpu.memref_slice %arg10[%dma_wait3A_203, %dma_wait3A_204] : memref<10240x128xf32, #tpu.memory_space<vmem_shared>> -> memref<10240x128xf32, #tpu.memory_space<vmem_shared>>
      tpu.wait_indirect_dma semaphore(%arg13 : memref<!tpu.dma_semaphore, #tpu.memory_space<semaphore_mem>>) src(%arg8 : memref<128x128xf32, #tpu.memory_space<vmem>>) dst(%dma_wait3A_205 : memref<10240x128xf32, #tpu.memory_space<vmem_shared>>)
      %add3A_206 = arith.constant 2 : i32
      %add3A_207 = arith.addi %mul3A_171, %add3A_206 : i32
      %dma_start3A_208 = arith.constant 0 : i32
      %dma_start3A_209 = tpu.memref_slice %arg6[%add3A_207, %dma_start3A_208] : memref<40x128xi32, #tpu.memory_space<vmem>> -> memref<1x128xi32, #tpu.memory_space<vmem>>
      %dma_start3A_210 = tpu.memref_squeeze %dma_start3A_209 : memref<1x128xi32, #tpu.memory_space<vmem>> -> memref<128xi32, #tpu.memory_space<vmem>>
      %dma_start3A_211 = arith.constant 0 : i32
      %dma_start3A_212 = arith.constant 0 : i32
      %dma_start3A_213 = tpu.memref_slice %arg2[%dma_start3A_211, %dma_start3A_212] : memref<10000x128xf32, #tpu.memory_space<hbm>> -> memref<10000x128xf32, #tpu.memory_space<hbm>>
      tpu.enqueue_indirect_dma source(%dma_start3A_213 : memref<10000x128xf32, #tpu.memory_space<hbm>>) target(%arg8 : memref<128x128xf32, #tpu.memory_space<vmem>>) offsets(%dma_start3A_210 : memref<128xi32, #tpu.memory_space<vmem>>) semaphore(%arg11 : memref<!tpu.dma_semaphore, #tpu.memory_space<semaphore_mem>>)
      %add3A_214 = arith.constant 1 : i32
      %add3A_215 = arith.addi %mul3A_171, %add3A_214 : i32
      %dma_wait3A_216 = arith.constant 0 : i32
      %dma_wait3A_217 = tpu.memref_slice %arg7[%add3A_215, %dma_wait3A_216] : memref<40x128xi32, #tpu.memory_space<vmem>> -> memref<1x128xi32, #tpu.memory_space<vmem>>
      %dma_wait3A_218 = tpu.memref_squeeze %dma_wait3A_217 : memref<1x128xi32, #tpu.memory_space<vmem>> -> memref<128xi32, #tpu.memory_space<vmem>>
      %dma_wait3A_219 = arith.constant 0 : i32
      %dma_wait3A_220 = arith.constant 0 : i32
      %dma_wait3A_221 = tpu.memref_slice %arg10[%dma_wait3A_219, %dma_wait3A_220] : memref<10240x128xf32, #tpu.memory_space<vmem_shared>> -> memref<10240x128xf32, #tpu.memory_space<vmem_shared>>
      tpu.wait_indirect_dma semaphore(%arg14 : memref<!tpu.dma_semaphore, #tpu.memory_space<semaphore_mem>>) src(%arg9 : memref<128x128xf32, #tpu.memory_space<vmem>>) dst(%dma_wait3A_221 : memref<10240x128xf32, #tpu.memory_space<vmem_shared>>)
      %add3A_222 = arith.constant 3 : i32
      %add3A_223 = arith.addi %mul3A_171, %add3A_222 : i32
      %dma_start3A_224 = arith.constant 0 : i32
      %dma_start3A_225 = tpu.memref_slice %arg6[%add3A_223, %dma_start3A_224] : memref<40x128xi32, #tpu.memory_space<vmem>> -> memref<1x128xi32, #tpu.memory_space<vmem>>
      %dma_start3A_226 = tpu.memref_squeeze %dma_start3A_225 : memref<1x128xi32, #tpu.memory_space<vmem>> -> memref<128xi32, #tpu.memory_space<vmem>>
      %dma_start3A_227 = arith.constant 0 : i32
      %dma_start3A_228 = arith.constant 0 : i32
      %dma_start3A_229 = tpu.memref_slice %arg2[%dma_start3A_227, %dma_start3A_228] : memref<10000x128xf32, #tpu.memory_space<hbm>> -> memref<10000x128xf32, #tpu.memory_space<hbm>>
      tpu.enqueue_indirect_dma source(%dma_start3A_229 : memref<10000x128xf32, #tpu.memory_space<hbm>>) target(%arg9 : memref<128x128xf32, #tpu.memory_space<vmem>>) offsets(%dma_start3A_226 : memref<128xi32, #tpu.memory_space<vmem>>) semaphore(%arg12 : memref<!tpu.dma_semaphore, #tpu.memory_space<semaphore_mem>>)
    }
    %scan3A_105 = arith.constant 19 : i32
    %dma_wait3A_106 = arith.constant 38 : i32
    %dma_wait3A_107 = arith.constant 0 : i32
    %dma_wait3A_108 = tpu.memref_slice %arg6[%dma_wait3A_106, %dma_wait3A_107] : memref<40x128xi32, #tpu.memory_space<vmem>> -> memref<1x128xi32, #tpu.memory_space<vmem>>
    %dma_wait3A_109 = tpu.memref_squeeze %dma_wait3A_108 : memref<1x128xi32, #tpu.memory_space<vmem>> -> memref<128xi32, #tpu.memory_space<vmem>>
    %dma_wait3A_110 = arith.constant 0 : i32
    %dma_wait3A_111 = arith.constant 0 : i32
    %dma_wait3A_112 = tpu.memref_slice %arg2[%dma_wait3A_110, %dma_wait3A_111] : memref<10000x128xf32, #tpu.memory_space<hbm>> -> memref<10000x128xf32, #tpu.memory_space<hbm>>
    tpu.wait_indirect_dma semaphore(%arg11 : memref<!tpu.dma_semaphore, #tpu.memory_space<semaphore_mem>>) src(%dma_wait3A_112 : memref<10000x128xf32, #tpu.memory_space<hbm>>) dst(%arg8 : memref<128x128xf32, #tpu.memory_space<vmem>>)
    %dma_start3A_113 = arith.constant 38 : i32
    %dma_start3A_114 = arith.constant 0 : i32
    %dma_start3A_115 = tpu.memref_slice %arg7[%dma_start3A_113, %dma_start3A_114] : memref<40x128xi32, #tpu.memory_space<vmem>> -> memref<1x128xi32, #tpu.memory_space<vmem>>
    %dma_start3A_116 = tpu.memref_squeeze %dma_start3A_115 : memref<1x128xi32, #tpu.memory_space<vmem>> -> memref<128xi32, #tpu.memory_space<vmem>>
    %dma_start3A_117 = arith.constant 0 : i32
    %dma_start3A_118 = arith.constant 0 : i32
    %dma_start3A_119 = tpu.memref_slice %arg10[%dma_start3A_117, %dma_start3A_118] : memref<10240x128xf32, #tpu.memory_space<vmem_shared>> -> memref<10240x128xf32, #tpu.memory_space<vmem_shared>>
    tpu.enqueue_indirect_dma source(%arg8 : memref<128x128xf32, #tpu.memory_space<vmem>>) target(%dma_start3A_119 : memref<10240x128xf32, #tpu.memory_space<vmem_shared>>) offsets(%dma_start3A_116 : memref<128xi32, #tpu.memory_space<vmem>>) semaphore(%arg13 : memref<!tpu.dma_semaphore, #tpu.memory_space<semaphore_mem>>) {add = true}
    %dma_wait3A_120 = arith.constant 39 : i32
    %dma_wait3A_121 = arith.constant 0 : i32
    %dma_wait3A_122 = tpu.memref_slice %arg6[%dma_wait3A_120, %dma_wait3A_121] : memref<40x128xi32, #tpu.memory_space<vmem>> -> memref<1x128xi32, #tpu.memory_space<vmem>>
    %dma_wait3A_123 = tpu.memref_squeeze %dma_wait3A_122 : memref<1x128xi32, #tpu.memory_space<vmem>> -> memref<128xi32, #tpu.memory_space<vmem>>
    %dma_wait3A_124 = arith.constant 0 : i32
    %dma_wait3A_125 = arith.constant 0 : i32
    %dma_wait3A_126 = tpu.memref_slice %arg2[%dma_wait3A_124, %dma_wait3A_125] : memref<10000x128xf32, #tpu.memory_space<hbm>> -> memref<10000x128xf32, #tpu.memory_space<hbm>>
    tpu.wait_indirect_dma semaphore(%arg12 : memref<!tpu.dma_semaphore, #tpu.memory_space<semaphore_mem>>) src(%dma_wait3A_126 : memref<10000x128xf32, #tpu.memory_space<hbm>>) dst(%arg9 : memref<128x128xf32, #tpu.memory_space<vmem>>)
    %dma_start3A_127 = arith.constant 39 : i32
    %dma_start3A_128 = arith.constant 0 : i32
    %dma_start3A_129 = tpu.memref_slice %arg7[%dma_start3A_127, %dma_start3A_128] : memref<40x128xi32, #tpu.memory_space<vmem>> -> memref<1x128xi32, #tpu.memory_space<vmem>>
    %dma_start3A_130 = tpu.memref_squeeze %dma_start3A_129 : memref<1x128xi32, #tpu.memory_space<vmem>> -> memref<128xi32, #tpu.memory_space<vmem>>
    %dma_start3A_131 = arith.constant 0 : i32
    %dma_start3A_132 = arith.constant 0 : i32
    %dma_start3A_133 = tpu.memref_slice %arg10[%dma_start3A_131, %dma_start3A_132] : memref<10240x128xf32, #tpu.memory_space<vmem_shared>> -> memref<10240x128xf32, #tpu.memory_space<vmem_shared>>
    tpu.enqueue_indirect_dma source(%arg9 : memref<128x128xf32, #tpu.memory_space<vmem>>) target(%dma_start3A_133 : memref<10240x128xf32, #tpu.memory_space<vmem_shared>>) offsets(%dma_start3A_130 : memref<128xi32, #tpu.memory_space<vmem>>) semaphore(%arg14 : memref<!tpu.dma_semaphore, #tpu.memory_space<semaphore_mem>>) {add = true}
    %dma_wait3A_134 = arith.constant 38 : i32
    %dma_wait3A_135 = arith.constant 0 : i32
    %dma_wait3A_136 = tpu.memref_slice %arg7[%dma_wait3A_134, %dma_wait3A_135] : memref<40x128xi32, #tpu.memory_space<vmem>> -> memref<1x128xi32, #tpu.memory_space<vmem>>
    %dma_wait3A_137 = tpu.memref_squeeze %dma_wait3A_136 : memref<1x128xi32, #tpu.memory_space<vmem>> -> memref<128xi32, #tpu.memory_space<vmem>>
    %dma_wait3A_138 = arith.constant 0 : i32
    %dma_wait3A_139 = arith.constant 0 : i32
    %dma_wait3A_140 = tpu.memref_slice %arg10[%dma_wait3A_138, %dma_wait3A_139] : memref<10240x128xf32, #tpu.memory_space<vmem_shared>> -> memref<10240x128xf32, #tpu.memory_space<vmem_shared>>
    tpu.wait_indirect_dma semaphore(%arg13 : memref<!tpu.dma_semaphore, #tpu.memory_space<semaphore_mem>>) src(%arg8 : memref<128x128xf32, #tpu.memory_space<vmem>>) dst(%dma_wait3A_140 : memref<10240x128xf32, #tpu.memory_space<vmem_shared>>)
    %dma_wait3A_141 = arith.constant 39 : i32
    %dma_wait3A_142 = arith.constant 0 : i32
    %dma_wait3A_143 = tpu.memref_slice %arg7[%dma_wait3A_141, %dma_wait3A_142] : memref<40x128xi32, #tpu.memory_space<vmem>> -> memref<1x128xi32, #tpu.memory_space<vmem>>
    %dma_wait3A_144 = tpu.memref_squeeze %dma_wait3A_143 : memref<1x128xi32, #tpu.memory_space<vmem>> -> memref<128xi32, #tpu.memory_space<vmem>>
    %dma_wait3A_145 = arith.constant 0 : i32
    %dma_wait3A_146 = arith.constant 0 : i32
    %dma_wait3A_147 = tpu.memref_slice %arg10[%dma_wait3A_145, %dma_wait3A_146] : memref<10240x128xf32, #tpu.memory_space<vmem_shared>> -> memref<10240x128xf32, #tpu.memory_space<vmem_shared>>
    tpu.wait_indirect_dma semaphore(%arg14 : memref<!tpu.dma_semaphore, #tpu.memory_space<semaphore_mem>>) src(%arg9 : memref<128x128xf32, #tpu.memory_space<vmem>>) dst(%dma_wait3A_147 : memref<10240x128xf32, #tpu.memory_space<vmem_shared>>)
    %barrier3A_148 = arith.constant 0 : index
    tpu.barrier barrier_id(%barrier3A_148)
    %mul3A_149 = arith.constant 640 : i32
    %mul3A_150 = arith.muli %arg1, %mul3A_149 : i32
    %add3A_151 = arith.constant 0 : i32
    %add3A_152 = arith.addi %mul3A_150, %add3A_151 : i32
    "tpu.region"() ({
      %run_scoped3A = tpu.sem_alloc : memref<!tpu.dma_semaphore, #tpu.memory_space<semaphore_mem>>
      %dma_start3A_169 = arith.constant 0 : i32
      %dma_start3A_170 = tpu.memref_slice %arg10[%add3A_152, %dma_start3A_169] : memref<10240x128xf32, #tpu.memory_space<vmem_shared>> -> memref<128x128xf32, #tpu.memory_space<vmem_shared>>
      %dma_start3A_171 = arith.constant 0 : i32
      %dma_start3A_172 = tpu.memref_slice %arg10[%add3A_152, %dma_start3A_171] : memref<10240x128xf32, #tpu.memory_space<vmem_shared>> -> memref<128x128xf32, #tpu.memory_space<vmem_shared>>
      tpu.enqueue_dma source(%dma_start3A_172 : memref<128x128xf32, #tpu.memory_space<vmem_shared>>) target(%arg8 : memref<128x128xf32, #tpu.memory_space<vmem>>) target_semaphore(%run_scoped3A : memref<!tpu.dma_semaphore, #tpu.memory_space<semaphore_mem>>)
      %dma_wait3A_173 = arith.constant 0 : i32
      %dma_wait3A_174 = tpu.memref_slice %arg10[%add3A_152, %dma_wait3A_173] : memref<10240x128xf32, #tpu.memory_space<vmem_shared>> -> memref<128x128xf32, #tpu.memory_space<vmem_shared>>
      %dma_wait3A_175 = arith.constant 0 : i32
      %dma_wait3A_176 = tpu.memref_slice %arg10[%add3A_152, %dma_wait3A_175] : memref<10240x128xf32, #tpu.memory_space<vmem_shared>> -> memref<128x128xf32, #tpu.memory_space<vmem_shared>>
      tpu.wait_dma2 semaphore(%run_scoped3A : memref<!tpu.dma_semaphore, #tpu.memory_space<semaphore_mem>>) src(%dma_wait3A_176 : memref<128x128xf32, #tpu.memory_space<vmem_shared>>) dst(%arg8 : memref<128x128xf32, #tpu.memory_space<vmem>>)
      tpu.yield
    }) : () -> ()
    "tpu.region"() ({
      %run_scoped3A = tpu.sem_alloc : memref<!tpu.dma_semaphore, #tpu.memory_space<semaphore_mem>>
      %dma_start3A_169 = arith.constant 0 : i32
      %dma_start3A_170 = tpu.memref_slice %arg5[%arg0, %add3A_152, %dma_start3A_169] : memref<2x10240x128xf32, #tpu.memory_space<hbm>> -> memref<1x128x128xf32, #tpu.memory_space<hbm>>
      %dma_start3A_171 = tpu.memref_squeeze %dma_start3A_170 : memref<1x128x128xf32, #tpu.memory_space<hbm>> -> memref<128x128xf32, #tpu.memory_space<hbm>>
      %dma_start3A_172 = arith.constant 0 : i32
      %dma_start3A_173 = tpu.memref_slice %arg5[%arg0, %add3A_152, %dma_start3A_172] : memref<2x10240x128xf32, #tpu.memory_space<hbm>> -> memref<1x128x128xf32, #tpu.memory_space<hbm>>
      %dma_start3A_174 = tpu.memref_squeeze %dma_start3A_173 : memref<1x128x128xf32, #tpu.memory_space<hbm>> -> memref<128x128xf32, #tpu.memory_space<hbm>>
      tpu.enqueue_dma source(%arg8 : memref<128x128xf32, #tpu.memory_space<vmem>>) target(%dma_start3A_174 : memref<128x128xf32, #tpu.memory_space<hbm>>) target_semaphore(%run_scoped3A : memref<!tpu.dma_semaphore, #tpu.memory_space<semaphore_mem>>)
      %dma_wait3A_175 = arith.constant 0 : i32
      %dma_wait3A_176 = tpu.memref_slice %arg5[%arg0, %add3A_152, %dma_wait3A_175] : memref<2x10240x128xf32, #tpu.memory_space<hbm>> -> memref<1x128x128xf32, #tpu.memory_space<hbm>>
      %dma_wait3A_177 = tpu.memref_squeeze %dma_wait3A_176 : memref<1x128x128xf32, #tpu.memory_space<hbm>> -> memref<128x128xf32, #tpu.memory_space<hbm>>
      %dma_wait3A_178 = arith.constant 0 : i32
      %dma_wait3A_179 = tpu.memref_slice %arg5[%arg0, %add3A_152, %dma_wait3A_178] : memref<2x10240x128xf32, #tpu.memory_space<hbm>> -> memref<1x128x128xf32, #tpu.memory_space<hbm>>
      %dma_wait3A_180 = tpu.memref_squeeze %dma_wait3A_179 : memref<1x128x128xf32, #tpu.memory_space<hbm>> -> memref<128x128xf32, #tpu.memory_space<hbm>>
      tpu.wait_dma2 semaphore(%run_scoped3A : memref<!tpu.dma_semaphore, #tpu.memory_space<semaphore_mem>>) src(%arg8 : memref<128x128xf32, #tpu.memory_space<vmem>>) dst(%dma_wait3A_180 : memref<128x128xf32, #tpu.memory_space<hbm>>)
      tpu.yield
    }) : () -> ()
    %mul3A_153 = arith.constant 640 : i32
    %mul3A_154 = arith.muli %arg1, %mul3A_153 : i32
    %add3A_155 = arith.constant 128 : i32
    %add3A_156 = arith.addi %mul3A_154, %add3A_155 : i32
    "tpu.region"() ({
      %run_scoped3A = tpu.sem_alloc : memref<!tpu.dma_semaphore, #tpu.memory_space<semaphore_mem>>
      %dma_start3A_169 = arith.constant 0 : i32
      %dma_start3A_170 = tpu.memref_slice %arg10[%add3A_156, %dma_start3A_169] : memref<10240x128xf32, #tpu.memory_space<vmem_shared>> -> memref<128x128xf32, #tpu.memory_space<vmem_shared>>
      %dma_start3A_171 = arith.constant 0 : i32
      %dma_start3A_172 = tpu.memref_slice %arg10[%add3A_156, %dma_start3A_171] : memref<10240x128xf32, #tpu.memory_space<vmem_shared>> -> memref<128x128xf32, #tpu.memory_space<vmem_shared>>
      tpu.enqueue_dma source(%dma_start3A_172 : memref<128x128xf32, #tpu.memory_space<vmem_shared>>) target(%arg8 : memref<128x128xf32, #tpu.memory_space<vmem>>) target_semaphore(%run_scoped3A : memref<!tpu.dma_semaphore, #tpu.memory_space<semaphore_mem>>)
      %dma_wait3A_173 = arith.constant 0 : i32
      %dma_wait3A_174 = tpu.memref_slice %arg10[%add3A_156, %dma_wait3A_173] : memref<10240x128xf32, #tpu.memory_space<vmem_shared>> -> memref<128x128xf32, #tpu.memory_space<vmem_shared>>
      %dma_wait3A_175 = arith.constant 0 : i32
      %dma_wait3A_176 = tpu.memref_slice %arg10[%add3A_156, %dma_wait3A_175] : memref<10240x128xf32, #tpu.memory_space<vmem_shared>> -> memref<128x128xf32, #tpu.memory_space<vmem_shared>>
      tpu.wait_dma2 semaphore(%run_scoped3A : memref<!tpu.dma_semaphore, #tpu.memory_space<semaphore_mem>>) src(%dma_wait3A_176 : memref<128x128xf32, #tpu.memory_space<vmem_shared>>) dst(%arg8 : memref<128x128xf32, #tpu.memory_space<vmem>>)
      tpu.yield
    }) : () -> ()
    "tpu.region"() ({
      %run_scoped3A = tpu.sem_alloc : memref<!tpu.dma_semaphore, #tpu.memory_space<semaphore_mem>>
      %dma_start3A_169 = arith.constant 0 : i32
      %dma_start3A_170 = tpu.memref_slice %arg5[%arg0, %add3A_156, %dma_start3A_169] : memref<2x10240x128xf32, #tpu.memory_space<hbm>> -> memref<1x128x128xf32, #tpu.memory_space<hbm>>
      %dma_start3A_171 = tpu.memref_squeeze %dma_start3A_170 : memref<1x128x128xf32, #tpu.memory_space<hbm>> -> memref<128x128xf32, #tpu.memory_space<hbm>>
      %dma_start3A_172 = arith.constant 0 : i32
      %dma_start3A_173 = tpu.memref_slice %arg5[%arg0, %add3A_156, %dma_start3A_172] : memref<2x10240x128xf32, #tpu.memory_space<hbm>> -> memref<1x128x128xf32, #tpu.memory_space<hbm>>
      %dma_start3A_174 = tpu.memref_squeeze %dma_start3A_173 : memref<1x128x128xf32, #tpu.memory_space<hbm>> -> memref<128x128xf32, #tpu.memory_space<hbm>>
      tpu.enqueue_dma source(%arg8 : memref<128x128xf32, #tpu.memory_space<vmem>>) target(%dma_start3A_174 : memref<128x128xf32, #tpu.memory_space<hbm>>) target_semaphore(%run_scoped3A : memref<!tpu.dma_semaphore, #tpu.memory_space<semaphore_mem>>)
      %dma_wait3A_175 = arith.constant 0 : i32
      %dma_wait3A_176 = tpu.memref_slice %arg5[%arg0, %add3A_156, %dma_wait3A_175] : memref<2x10240x128xf32, #tpu.memory_space<hbm>> -> memref<1x128x128xf32, #tpu.memory_space<hbm>>
      %dma_wait3A_177 = tpu.memref_squeeze %dma_wait3A_176 : memref<1x128x128xf32, #tpu.memory_space<hbm>> -> memref<128x128xf32, #tpu.memory_space<hbm>>
      %dma_wait3A_178 = arith.constant 0 : i32
      %dma_wait3A_179 = tpu.memref_slice %arg5[%arg0, %add3A_156, %dma_wait3A_178] : memref<2x10240x128xf32, #tpu.memory_space<hbm>> -> memref<1x128x128xf32, #tpu.memory_space<hbm>>
      %dma_wait3A_180 = tpu.memref_squeeze %dma_wait3A_179 : memref<1x128x128xf32, #tpu.memory_space<hbm>> -> memref<128x128xf32, #tpu.memory_space<hbm>>
      tpu.wait_dma2 semaphore(%run_scoped3A : memref<!tpu.dma_semaphore, #tpu.memory_space<semaphore_mem>>) src(%arg8 : memref<128x128xf32, #tpu.memory_space<vmem>>) dst(%dma_wait3A_180 : memref<128x128xf32, #tpu.memory_space<hbm>>)
      tpu.yield
    }) : () -> ()
    %mul3A_157 = arith.constant 640 : i32
    %mul3A_158 = arith.muli %arg1, %mul3A_157 : i32
    %add3A_159 = arith.constant 256 : i32
    %add3A_160 = arith.addi %mul3A_158, %add3A_159 : i32
    "tpu.region"() ({
      %run_scoped3A = tpu.sem_alloc : memref<!tpu.dma_semaphore, #tpu.memory_space<semaphore_mem>>
      %dma_start3A_169 = arith.constant 0 : i32
      %dma_start3A_170 = tpu.memref_slice %arg10[%add3A_160, %dma_start3A_169] : memref<10240x128xf32, #tpu.memory_space<vmem_shared>> -> memref<128x128xf32, #tpu.memory_space<vmem_shared>>
      %dma_start3A_171 = arith.constant 0 : i32
      %dma_start3A_172 = tpu.memref_slice %arg10[%add3A_160, %dma_start3A_171] : memref<10240x128xf32, #tpu.memory_space<vmem_shared>> -> memref<128x128xf32, #tpu.memory_space<vmem_shared>>
      tpu.enqueue_dma source(%dma_start3A_172 : memref<128x128xf32, #tpu.memory_space<vmem_shared>>) target(%arg8 : memref<128x128xf32, #tpu.memory_space<vmem>>) target_semaphore(%run_scoped3A : memref<!tpu.dma_semaphore, #tpu.memory_space<semaphore_mem>>)
      %dma_wait3A_173 = arith.constant 0 : i32
      %dma_wait3A_174 = tpu.memref_slice %arg10[%add3A_160, %dma_wait3A_173] : memref<10240x128xf32, #tpu.memory_space<vmem_shared>> -> memref<128x128xf32, #tpu.memory_space<vmem_shared>>
      %dma_wait3A_175 = arith.constant 0 : i32
      %dma_wait3A_176 = tpu.memref_slice %arg10[%add3A_160, %dma_wait3A_175] : memref<10240x128xf32, #tpu.memory_space<vmem_shared>> -> memref<128x128xf32, #tpu.memory_space<vmem_shared>>
      tpu.wait_dma2 semaphore(%run_scoped3A : memref<!tpu.dma_semaphore, #tpu.memory_space<semaphore_mem>>) src(%dma_wait3A_176 : memref<128x128xf32, #tpu.memory_space<vmem_shared>>) dst(%arg8 : memref<128x128xf32, #tpu.memory_space<vmem>>)
      tpu.yield
    }) : () -> ()
    "tpu.region"() ({
      %run_scoped3A = tpu.sem_alloc : memref<!tpu.dma_semaphore, #tpu.memory_space<semaphore_mem>>
      %dma_start3A_169 = arith.constant 0 : i32
      %dma_start3A_170 = tpu.memref_slice %arg5[%arg0, %add3A_160, %dma_start3A_169] : memref<2x10240x128xf32, #tpu.memory_space<hbm>> -> memref<1x128x128xf32, #tpu.memory_space<hbm>>
      %dma_start3A_171 = tpu.memref_squeeze %dma_start3A_170 : memref<1x128x128xf32, #tpu.memory_space<hbm>> -> memref<128x128xf32, #tpu.memory_space<hbm>>
      %dma_start3A_172 = arith.constant 0 : i32
      %dma_start3A_173 = tpu.memref_slice %arg5[%arg0, %add3A_160, %dma_start3A_172] : memref<2x10240x128xf32, #tpu.memory_space<hbm>> -> memref<1x128x128xf32, #tpu.memory_space<hbm>>
      %dma_start3A_174 = tpu.memref_squeeze %dma_start3A_173 : memref<1x128x128xf32, #tpu.memory_space<hbm>> -> memref<128x128xf32, #tpu.memory_space<hbm>>
      tpu.enqueue_dma source(%arg8 : memref<128x128xf32, #tpu.memory_space<vmem>>) target(%dma_start3A_174 : memref<128x128xf32, #tpu.memory_space<hbm>>) target_semaphore(%run_scoped3A : memref<!tpu.dma_semaphore, #tpu.memory_space<semaphore_mem>>)
      %dma_wait3A_175 = arith.constant 0 : i32
      %dma_wait3A_176 = tpu.memref_slice %arg5[%arg0, %add3A_160, %dma_wait3A_175] : memref<2x10240x128xf32, #tpu.memory_space<hbm>> -> memref<1x128x128xf32, #tpu.memory_space<hbm>>
      %dma_wait3A_177 = tpu.memref_squeeze %dma_wait3A_176 : memref<1x128x128xf32, #tpu.memory_space<hbm>> -> memref<128x128xf32, #tpu.memory_space<hbm>>
      %dma_wait3A_178 = arith.constant 0 : i32
      %dma_wait3A_179 = tpu.memref_slice %arg5[%arg0, %add3A_160, %dma_wait3A_178] : memref<2x10240x128xf32, #tpu.memory_space<hbm>> -> memref<1x128x128xf32, #tpu.memory_space<hbm>>
      %dma_wait3A_180 = tpu.memref_squeeze %dma_wait3A_179 : memref<1x128x128xf32, #tpu.memory_space<hbm>> -> memref<128x128xf32, #tpu.memory_space<hbm>>
      tpu.wait_dma2 semaphore(%run_scoped3A : memref<!tpu.dma_semaphore, #tpu.memory_space<semaphore_mem>>) src(%arg8 : memref<128x128xf32, #tpu.memory_space<vmem>>) dst(%dma_wait3A_180 : memref<128x128xf32, #tpu.memory_space<hbm>>)
      tpu.yield
    }) : () -> ()
    %mul3A_161 = arith.constant 640 : i32
    %mul3A_162 = arith.muli %arg1, %mul3A_161 : i32
    %add3A_163 = arith.constant 384 : i32
    %add3A_164 = arith.addi %mul3A_162, %add3A_163 : i32
    "tpu.region"() ({
      %run_scoped3A = tpu.sem_alloc : memref<!tpu.dma_semaphore, #tpu.memory_space<semaphore_mem>>
      %dma_start3A_169 = arith.constant 0 : i32
      %dma_start3A_170 = tpu.memref_slice %arg10[%add3A_164, %dma_start3A_169] : memref<10240x128xf32, #tpu.memory_space<vmem_shared>> -> memref<128x128xf32, #tpu.memory_space<vmem_shared>>
      %dma_start3A_171 = arith.constant 0 : i32
      %dma_start3A_172 = tpu.memref_slice %arg10[%add3A_164, %dma_start3A_171] : memref<10240x128xf32, #tpu.memory_space<vmem_shared>> -> memref<128x128xf32, #tpu.memory_space<vmem_shared>>
      tpu.enqueue_dma source(%dma_start3A_172 : memref<128x128xf32, #tpu.memory_space<vmem_shared>>) target(%arg8 : memref<128x128xf32, #tpu.memory_space<vmem>>) target_semaphore(%run_scoped3A : memref<!tpu.dma_semaphore, #tpu.memory_space<semaphore_mem>>)
      %dma_wait3A_173 = arith.constant 0 : i32
      %dma_wait3A_174 = tpu.memref_slice %arg10[%add3A_164, %dma_wait3A_173] : memref<10240x128xf32, #tpu.memory_space<vmem_shared>> -> memref<128x128xf32, #tpu.memory_space<vmem_shared>>
      %dma_wait3A_175 = arith.constant 0 : i32
      %dma_wait3A_176 = tpu.memref_slice %arg10[%add3A_164, %dma_wait3A_175] : memref<10240x128xf32, #tpu.memory_space<vmem_shared>> -> memref<128x128xf32, #tpu.memory_space<vmem_shared>>
      tpu.wait_dma2 semaphore(%run_scoped3A : memref<!tpu.dma_semaphore, #tpu.memory_space<semaphore_mem>>) src(%dma_wait3A_176 : memref<128x128xf32, #tpu.memory_space<vmem_shared>>) dst(%arg8 : memref<128x128xf32, #tpu.memory_space<vmem>>)
      tpu.yield
    }) : () -> ()
    "tpu.region"() ({
      %run_scoped3A = tpu.sem_alloc : memref<!tpu.dma_semaphore, #tpu.memory_space<semaphore_mem>>
      %dma_start3A_169 = arith.constant 0 : i32
      %dma_start3A_170 = tpu.memref_slice %arg5[%arg0, %add3A_164, %dma_start3A_169] : memref<2x10240x128xf32, #tpu.memory_space<hbm>> -> memref<1x128x128xf32, #tpu.memory_space<hbm>>
      %dma_start3A_171 = tpu.memref_squeeze %dma_start3A_170 : memref<1x128x128xf32, #tpu.memory_space<hbm>> -> memref<128x128xf32, #tpu.memory_space<hbm>>
      %dma_start3A_172 = arith.constant 0 : i32
      %dma_start3A_173 = tpu.memref_slice %arg5[%arg0, %add3A_164, %dma_start3A_172] : memref<2x10240x128xf32, #tpu.memory_space<hbm>> -> memref<1x128x128xf32, #tpu.memory_space<hbm>>
      %dma_start3A_174 = tpu.memref_squeeze %dma_start3A_173 : memref<1x128x128xf32, #tpu.memory_space<hbm>> -> memref<128x128xf32, #tpu.memory_space<hbm>>
      tpu.enqueue_dma source(%arg8 : memref<128x128xf32, #tpu.memory_space<vmem>>) target(%dma_start3A_174 : memref<128x128xf32, #tpu.memory_space<hbm>>) target_semaphore(%run_scoped3A : memref<!tpu.dma_semaphore, #tpu.memory_space<semaphore_mem>>)
      %dma_wait3A_175 = arith.constant 0 : i32
      %dma_wait3A_176 = tpu.memref_slice %arg5[%arg0, %add3A_164, %dma_wait3A_175] : memref<2x10240x128xf32, #tpu.memory_space<hbm>> -> memref<1x128x128xf32, #tpu.memory_space<hbm>>
      %dma_wait3A_177 = tpu.memref_squeeze %dma_wait3A_176 : memref<1x128x128xf32, #tpu.memory_space<hbm>> -> memref<128x128xf32, #tpu.memory_space<hbm>>
      %dma_wait3A_178 = arith.constant 0 : i32
      %dma_wait3A_179 = tpu.memref_slice %arg5[%arg0, %add3A_164, %dma_wait3A_178] : memref<2x10240x128xf32, #tpu.memory_space<hbm>> -> memref<1x128x128xf32, #tpu.memory_space<hbm>>
      %dma_wait3A_180 = tpu.memref_squeeze %dma_wait3A_179 : memref<1x128x128xf32, #tpu.memory_space<hbm>> -> memref<128x128xf32, #tpu.memory_space<hbm>>
      tpu.wait_dma2 semaphore(%run_scoped3A : memref<!tpu.dma_semaphore, #tpu.memory_space<semaphore_mem>>) src(%arg8 : memref<128x128xf32, #tpu.memory_space<vmem>>) dst(%dma_wait3A_180 : memref<128x128xf32, #tpu.memory_space<hbm>>)
      tpu.yield
    }) : () -> ()
    %mul3A_165 = arith.constant 640 : i32
    %mul3A_166 = arith.muli %arg1, %mul3A_165 : i32
    %add3A_167 = arith.constant 512 : i32
    %add3A_168 = arith.addi %mul3A_166, %add3A_167 : i32
    "tpu.region"() ({
      %run_scoped3A = tpu.sem_alloc : memref<!tpu.dma_semaphore, #tpu.memory_space<semaphore_mem>>
      %dma_start3A_169 = arith.constant 0 : i32
      %dma_start3A_170 = tpu.memref_slice %arg10[%add3A_168, %dma_start3A_169] : memref<10240x128xf32, #tpu.memory_space<vmem_shared>> -> memref<128x128xf32, #tpu.memory_space<vmem_shared>>
      %dma_start3A_171 = arith.constant 0 : i32
      %dma_start3A_172 = tpu.memref_slice %arg10[%add3A_168, %dma_start3A_171] : memref<10240x128xf32, #tpu.memory_space<vmem_shared>> -> memref<128x128xf32, #tpu.memory_space<vmem_shared>>
      tpu.enqueue_dma source(%dma_start3A_172 : memref<128x128xf32, #tpu.memory_space<vmem_shared>>) target(%arg8 : memref<128x128xf32, #tpu.memory_space<vmem>>) target_semaphore(%run_scoped3A : memref<!tpu.dma_semaphore, #tpu.memory_space<semaphore_mem>>)
      %dma_wait3A_173 = arith.constant 0 : i32
      %dma_wait3A_174 = tpu.memref_slice %arg10[%add3A_168, %dma_wait3A_173] : memref<10240x128xf32, #tpu.memory_space<vmem_shared>> -> memref<128x128xf32, #tpu.memory_space<vmem_shared>>
      %dma_wait3A_175 = arith.constant 0 : i32
      %dma_wait3A_176 = tpu.memref_slice %arg10[%add3A_168, %dma_wait3A_175] : memref<10240x128xf32, #tpu.memory_space<vmem_shared>> -> memref<128x128xf32, #tpu.memory_space<vmem_shared>>
      tpu.wait_dma2 semaphore(%run_scoped3A : memref<!tpu.dma_semaphore, #tpu.memory_space<semaphore_mem>>) src(%dma_wait3A_176 : memref<128x128xf32, #tpu.memory_space<vmem_shared>>) dst(%arg8 : memref<128x128xf32, #tpu.memory_space<vmem>>)
      tpu.yield
    }) : () -> ()
    "tpu.region"() ({
      %run_scoped3A = tpu.sem_alloc : memref<!tpu.dma_semaphore, #tpu.memory_space<semaphore_mem>>
      %dma_start3A_169 = arith.constant 0 : i32
      %dma_start3A_170 = tpu.memref_slice %arg5[%arg0, %add3A_168, %dma_start3A_169] : memref<2x10240x128xf32, #tpu.memory_space<hbm>> -> memref<1x128x128xf32, #tpu.memory_space<hbm>>
      %dma_start3A_171 = tpu.memref_squeeze %dma_start3A_170 : memref<1x128x128xf32, #tpu.memory_space<hbm>> -> memref<128x128xf32, #tpu.memory_space<hbm>>
      %dma_start3A_172 = arith.constant 0 : i32
      %dma_start3A_173 = tpu.memref_slice %arg5[%arg0, %add3A_168, %dma_start3A_172] : memref<2x10240x128xf32, #tpu.memory_space<hbm>> -> memref<1x128x128xf32, #tpu.memory_space<hbm>>
      %dma_start3A_174 = tpu.memref_squeeze %dma_start3A_173 : memref<1x128x128xf32, #tpu.memory_space<hbm>> -> memref<128x128xf32, #tpu.memory_space<hbm>>
      tpu.enqueue_dma source(%arg8 : memref<128x128xf32, #tpu.memory_space<vmem>>) target(%dma_start3A_174 : memref<128x128xf32, #tpu.memory_space<hbm>>) target_semaphore(%run_scoped3A : memref<!tpu.dma_semaphore, #tpu.memory_space<semaphore_mem>>)
      %dma_wait3A_175 = arith.constant 0 : i32
      %dma_wait3A_176 = tpu.memref_slice %arg5[%arg0, %add3A_168, %dma_wait3A_175] : memref<2x10240x128xf32, #tpu.memory_space<hbm>> -> memref<1x128x128xf32, #tpu.memory_space<hbm>>
      %dma_wait3A_177 = tpu.memref_squeeze %dma_wait3A_176 : memref<1x128x128xf32, #tpu.memory_space<hbm>> -> memref<128x128xf32, #tpu.memory_space<hbm>>
      %dma_wait3A_178 = arith.constant 0 : i32
      %dma_wait3A_179 = tpu.memref_slice %arg5[%arg0, %add3A_168, %dma_wait3A_178] : memref<2x10240x128xf32, #tpu.memory_space<hbm>> -> memref<1x128x128xf32, #tpu.memory_space<hbm>>
      %dma_wait3A_180 = tpu.memref_squeeze %dma_wait3A_179 : memref<1x128x128xf32, #tpu.memory_space<hbm>> -> memref<128x128xf32, #tpu.memory_space<hbm>>
      tpu.wait_dma2 semaphore(%run_scoped3A : memref<!tpu.dma_semaphore, #tpu.memory_space<semaphore_mem>>) src(%arg8 : memref<128x128xf32, #tpu.memory_space<vmem>>) dst(%dma_wait3A_180 : memref<128x128xf32, #tpu.memory_space<hbm>>)
      tpu.yield
    }) : () -> ()
    return
  }
}

#map = affine_map<(d0, d1) -> (0, 0)>
#map1 = affine_map<(d0, d1) -> (0, 0, 0)>
module attributes {stable_mosaic.version = 14 : i64} {
  func.func @_edge_body(%arg0: i32, %arg1: i32, %arg2: memref<10000x128xf32, #tpu.memory_space<hbm>>, %arg3: memref<32x80x128xi32, #tpu.memory_space<hbm>>, %arg4: memref<32x80x128xi32, #tpu.memory_space<hbm>>, %arg5: memref<2x10240x128xf32, #tpu.memory_space<hbm>>, %arg6: memref<40x128xi32, #tpu.memory_space<vmem>>, %arg7: memref<40x128xi32, #tpu.memory_space<vmem>>, %arg8: memref<128x128xf32, #tpu.memory_space<vmem>>, %arg9: memref<128x128xf32, #tpu.memory_space<vmem>>, %arg10: memref<10240x128xf32, #tpu.memory_space<vmem_shared>>, %arg11: memref<!tpu.dma_semaphore, #tpu.memory_space<semaphore_mem>>, %arg12: memref<!tpu.dma_semaphore, #tpu.memory_space<semaphore_mem>>, %arg13: memref<!tpu.dma_semaphore, #tpu.memory_space<semaphore_mem>>, %arg14: memref<!tpu.dma_semaphore, #tpu.memory_space<semaphore_mem>>) attributes {dimension_semantics = [#tpu.dimension_semantics<core_parallel>, #tpu.dimension_semantics<subcore_parallel>], iteration_bounds = array<i64: 2, 16>, scalar_prefetch = 0 : i64, scratch_operands = 9 : i64, tpu.core_type = #tpu.core_type<sc_vector_subcore>, window_params = [{transform_indices = #map}, {transform_indices = #map1}, {transform_indices = #map1}, {transform_indices = #map1}]} {
    %mul3A = arith.constant 16 : i32
    %mul3A_0 = arith.muli %arg0, %mul3A : i32
    %add3A = arith.addi %mul3A_0, %arg1 : i32
    %scan3A = arith.constant 0 : i32
    %scan3A_1 = arith.constant 0 : i32
    %scan3A_2 = arith.constant 128 : i32
    %scan3A_3 = arith.addi %scan3A_1, %scan3A_2 : i32
    %scan3A_4 = arith.constant 1 : i32
    scf.for %scan3A_169 = %scan3A_1 to %scan3A_3 step %scan3A_4  : i32 {
      %broadcast_in_dim3A = arith.constant 0.000000e+00 : f32
      %broadcast_in_dim3A_170 = vector.broadcast %broadcast_in_dim3A : f32 to vector<16xf32>
      %swap3A = arith.index_cast %scan3A_169 : i32 to index
      %swap3A_171 = arith.constant 0 : index
      %swap3A_172 = tpu.vector_load %arg8[%swap3A, %swap3A_171] {strides = array<i32>} : memref<128x128xf32, #tpu.memory_space<vmem>>, vector<1x16xf32>,
      %swap3A_173 = vector.shape_cast %swap3A_172 : vector<1x16xf32> to vector<16xf32>
      %swap3A_174 = vector.shape_cast %broadcast_in_dim3A_170 : vector<16xf32> to vector<1x16xf32>
      tpu.vector_store %arg8[%swap3A, %swap3A_171], %swap3A_174 {strides = array<i32>} : memref<128x128xf32, #tpu.memory_space<vmem>>, vector<1x16xf32>,
      %broadcast_in_dim3A_175 = arith.constant 0.000000e+00 : f32
      %broadcast_in_dim3A_176 = vector.broadcast %broadcast_in_dim3A_175 : f32 to vector<16xf32>
      %swap3A_177 = arith.index_cast %scan3A_169 : i32 to index
      %swap3A_178 = arith.constant 16 : index
      %swap3A_179 = tpu.vector_load %arg8[%swap3A_177, %swap3A_178] {strides = array<i32>} : memref<128x128xf32, #tpu.memory_space<vmem>>, vector<1x16xf32>,
      %swap3A_180 = vector.shape_cast %swap3A_179 : vector<1x16xf32> to vector<16xf32>
      %swap3A_181 = vector.shape_cast %broadcast_in_dim3A_176 : vector<16xf32> to vector<1x16xf32>
      tpu.vector_store %arg8[%swap3A_177, %swap3A_178], %swap3A_181 {strides = array<i32>} : memref<128x128xf32, #tpu.memory_space<vmem>>, vector<1x16xf32>,
      %broadcast_in_dim3A_182 = arith.constant 0.000000e+00 : f32
      %broadcast_in_dim3A_183 = vector.broadcast %broadcast_in_dim3A_182 : f32 to vector<16xf32>
      %swap3A_184 = arith.index_cast %scan3A_169 : i32 to index
      %swap3A_185 = arith.constant 32 : index
      %swap3A_186 = tpu.vector_load %arg8[%swap3A_184, %swap3A_185] {strides = array<i32>} : memref<128x128xf32, #tpu.memory_space<vmem>>, vector<1x16xf32>,
      %swap3A_187 = vector.shape_cast %swap3A_186 : vector<1x16xf32> to vector<16xf32>
      %swap3A_188 = vector.shape_cast %broadcast_in_dim3A_183 : vector<16xf32> to vector<1x16xf32>
      tpu.vector_store %arg8[%swap3A_184, %swap3A_185], %swap3A_188 {strides = array<i32>} : memref<128x128xf32, #tpu.memory_space<vmem>>, vector<1x16xf32>,
      %broadcast_in_dim3A_189 = arith.constant 0.000000e+00 : f32
      %broadcast_in_dim3A_190 = vector.broadcast %broadcast_in_dim3A_189 : f32 to vector<16xf32>
      %swap3A_191 = arith.index_cast %scan3A_169 : i32 to index
      %swap3A_192 = arith.constant 48 : index
      %swap3A_193 = tpu.vector_load %arg8[%swap3A_191, %swap3A_192] {strides = array<i32>} : memref<128x128xf32, #tpu.memory_space<vmem>>, vector<1x16xf32>,
      %swap3A_194 = vector.shape_cast %swap3A_193 : vector<1x16xf32> to vector<16xf32>
      %swap3A_195 = vector.shape_cast %broadcast_in_dim3A_190 : vector<16xf32> to vector<1x16xf32>
      tpu.vector_store %arg8[%swap3A_191, %swap3A_192], %swap3A_195 {strides = array<i32>} : memref<128x128xf32, #tpu.memory_space<vmem>>, vector<1x16xf32>,
      %broadcast_in_dim3A_196 = arith.constant 0.000000e+00 : f32
      %broadcast_in_dim3A_197 = vector.broadcast %broadcast_in_dim3A_196 : f32 to vector<16xf32>
      %swap3A_198 = arith.index_cast %scan3A_169 : i32 to index
      %swap3A_199 = arith.constant 64 : index
      %swap3A_200 = tpu.vector_load %arg8[%swap3A_198, %swap3A_199] {strides = array<i32>} : memref<128x128xf32, #tpu.memory_space<vmem>>, vector<1x16xf32>,
      %swap3A_201 = vector.shape_cast %swap3A_200 : vector<1x16xf32> to vector<16xf32>
      %swap3A_202 = vector.shape_cast %broadcast_in_dim3A_197 : vector<16xf32> to vector<1x16xf32>
      tpu.vector_store %arg8[%swap3A_198, %swap3A_199], %swap3A_202 {strides = array<i32>} : memref<128x128xf32, #tpu.memory_space<vmem>>, vector<1x16xf32>,
      %broadcast_in_dim3A_203 = arith.constant 0.000000e+00 : f32
      %broadcast_in_dim3A_204 = vector.broadcast %broadcast_in_dim3A_203 : f32 to vector<16xf32>
      %swap3A_205 = arith.index_cast %scan3A_169 : i32 to index
      %swap3A_206 = arith.constant 80 : index
      %swap3A_207 = tpu.vector_load %arg8[%swap3A_205, %swap3A_206] {strides = array<i32>} : memref<128x128xf32, #tpu.memory_space<vmem>>, vector<1x16xf32>,
      %swap3A_208 = vector.shape_cast %swap3A_207 : vector<1x16xf32> to vector<16xf32>
      %swap3A_209 = vector.shape_cast %broadcast_in_dim3A_204 : vector<16xf32> to vector<1x16xf32>
      tpu.vector_store %arg8[%swap3A_205, %swap3A_206], %swap3A_209 {strides = array<i32>} : memref<128x128xf32, #tpu.memory_space<vmem>>, vector<1x16xf32>,
      %broadcast_in_dim3A_210 = arith.constant 0.000000e+00 : f32
      %broadcast_in_dim3A_211 = vector.broadcast %broadcast_in_dim3A_210 : f32 to vector<16xf32>
      %swap3A_212 = arith.index_cast %scan3A_169 : i32 to index
      %swap3A_213 = arith.constant 96 : index
      %swap3A_214 = tpu.vector_load %arg8[%swap3A_212, %swap3A_213] {strides = array<i32>} : memref<128x128xf32, #tpu.memory_space<vmem>>, vector<1x16xf32>,
      %swap3A_215 = vector.shape_cast %swap3A_214 : vector<1x16xf32> to vector<16xf32>
      %swap3A_216 = vector.shape_cast %broadcast_in_dim3A_211 : vector<16xf32> to vector<1x16xf32>
      tpu.vector_store %arg8[%swap3A_212, %swap3A_213], %swap3A_216 {strides = array<i32>} : memref<128x128xf32, #tpu.memory_space<vmem>>, vector<1x16xf32>,
      %broadcast_in_dim3A_217 = arith.constant 0.000000e+00 : f32
      %broadcast_in_dim3A_218 = vector.broadcast %broadcast_in_dim3A_217 : f32 to vector<16xf32>
      %swap3A_219 = arith.index_cast %scan3A_169 : i32 to index
      %swap3A_220 = arith.constant 112 : index
      %swap3A_221 = tpu.vector_load %arg8[%swap3A_219, %swap3A_220] {strides = array<i32>} : memref<128x128xf32, #tpu.memory_space<vmem>>, vector<1x16xf32>,
      %swap3A_222 = vector.shape_cast %swap3A_221 : vector<1x16xf32> to vector<16xf32>
      %swap3A_223 = vector.shape_cast %broadcast_in_dim3A_218 : vector<16xf32> to vector<1x16xf32>
      tpu.vector_store %arg8[%swap3A_219, %swap3A_220], %swap3A_223 {strides = array<i32>} : memref<128x128xf32, #tpu.memory_space<vmem>>, vector<1x16xf32>,
    }
    %scan3A_5 = arith.constant 128 : i32
    %mul3A_6 = arith.constant 640 : i32
    %mul3A_7 = arith.muli %arg1, %mul3A_6 : i32
    %add3A_8 = arith.constant 0 : i32
    %add3A_9 = arith.addi %mul3A_7, %add3A_8 : i32
    "tpu.region"() ({
      %run_scoped3A = tpu.sem_alloc : memref<!tpu.dma_semaphore, #tpu.memory_space<semaphore_mem>>
      %dma_start3A_169 = arith.constant 0 : i32
      %dma_start3A_170 = tpu.memref_slice %arg10[%add3A_9, %dma_start3A_169] : memref<10240x128xf32, #tpu.memory_space<vmem_shared>> -> memref<128x128xf32, #tpu.memory_space<vmem_shared>>
      %dma_start3A_171 = arith.constant 0 : i32
      %dma_start3A_172 = tpu.memref_slice %arg10[%add3A_9, %dma_start3A_171] : memref<10240x128xf32, #tpu.memory_space<vmem_shared>> -> memref<128x128xf32, #tpu.memory_space<vmem_shared>>
      tpu.enqueue_dma source(%arg8 : memref<128x128xf32, #tpu.memory_space<vmem>>) target(%dma_start3A_172 : memref<128x128xf32, #tpu.memory_space<vmem_shared>>) target_semaphore(%run_scoped3A : memref<!tpu.dma_semaphore, #tpu.memory_space<semaphore_mem>>)
      %dma_wait3A_173 = arith.constant 0 : i32
      %dma_wait3A_174 = tpu.memref_slice %arg10[%add3A_9, %dma_wait3A_173] : memref<10240x128xf32, #tpu.memory_space<vmem_shared>> -> memref<128x128xf32, #tpu.memory_space<vmem_shared>>
      %dma_wait3A_175 = arith.constant 0 : i32
      %dma_wait3A_176 = tpu.memref_slice %arg10[%add3A_9, %dma_wait3A_175] : memref<10240x128xf32, #tpu.memory_space<vmem_shared>> -> memref<128x128xf32, #tpu.memory_space<vmem_shared>>
      tpu.wait_dma2 semaphore(%run_scoped3A : memref<!tpu.dma_semaphore, #tpu.memory_space<semaphore_mem>>) src(%arg8 : memref<128x128xf32, #tpu.memory_space<vmem>>) dst(%dma_wait3A_176 : memref<128x128xf32, #tpu.memory_space<vmem_shared>>)
      tpu.yield
    }) : () -> ()
    %mul3A_10 = arith.constant 640 : i32
    %mul3A_11 = arith.muli %arg1, %mul3A_10 : i32
    %add3A_12 = arith.constant 128 : i32
    %add3A_13 = arith.addi %mul3A_11, %add3A_12 : i32
    "tpu.region"() ({
      %run_scoped3A = tpu.sem_alloc : memref<!tpu.dma_semaphore, #tpu.memory_space<semaphore_mem>>
      %dma_start3A_169 = arith.constant 0 : i32
      %dma_start3A_170 = tpu.memref_slice %arg10[%add3A_13, %dma_start3A_169] : memref<10240x128xf32, #tpu.memory_space<vmem_shared>> -> memref<128x128xf32, #tpu.memory_space<vmem_shared>>
      %dma_start3A_171 = arith.constant 0 : i32
      %dma_start3A_172 = tpu.memref_slice %arg10[%add3A_13, %dma_start3A_171] : memref<10240x128xf32, #tpu.memory_space<vmem_shared>> -> memref<128x128xf32, #tpu.memory_space<vmem_shared>>
      tpu.enqueue_dma source(%arg8 : memref<128x128xf32, #tpu.memory_space<vmem>>) target(%dma_start3A_172 : memref<128x128xf32, #tpu.memory_space<vmem_shared>>) target_semaphore(%run_scoped3A : memref<!tpu.dma_semaphore, #tpu.memory_space<semaphore_mem>>)
      %dma_wait3A_173 = arith.constant 0 : i32
      %dma_wait3A_174 = tpu.memref_slice %arg10[%add3A_13, %dma_wait3A_173] : memref<10240x128xf32, #tpu.memory_space<vmem_shared>> -> memref<128x128xf32, #tpu.memory_space<vmem_shared>>
      %dma_wait3A_175 = arith.constant 0 : i32
      %dma_wait3A_176 = tpu.memref_slice %arg10[%add3A_13, %dma_wait3A_175] : memref<10240x128xf32, #tpu.memory_space<vmem_shared>> -> memref<128x128xf32, #tpu.memory_space<vmem_shared>>
      tpu.wait_dma2 semaphore(%run_scoped3A : memref<!tpu.dma_semaphore, #tpu.memory_space<semaphore_mem>>) src(%arg8 : memref<128x128xf32, #tpu.memory_space<vmem>>) dst(%dma_wait3A_176 : memref<128x128xf32, #tpu.memory_space<vmem_shared>>)
      tpu.yield
    }) : () -> ()
    %mul3A_14 = arith.constant 640 : i32
    %mul3A_15 = arith.muli %arg1, %mul3A_14 : i32
    %add3A_16 = arith.constant 256 : i32
    %add3A_17 = arith.addi %mul3A_15, %add3A_16 : i32
    "tpu.region"() ({
      %run_scoped3A = tpu.sem_alloc : memref<!tpu.dma_semaphore, #tpu.memory_space<semaphore_mem>>
      %dma_start3A_169 = arith.constant 0 : i32
      %dma_start3A_170 = tpu.memref_slice %arg10[%add3A_17, %dma_start3A_169] : memref<10240x128xf32, #tpu.memory_space<vmem_shared>> -> memref<128x128xf32, #tpu.memory_space<vmem_shared>>
      %dma_start3A_171 = arith.constant 0 : i32
      %dma_start3A_172 = tpu.memref_slice %arg10[%add3A_17, %dma_start3A_171] : memref<10240x128xf32, #tpu.memory_space<vmem_shared>> -> memref<128x128xf32, #tpu.memory_space<vmem_shared>>
      tpu.enqueue_dma source(%arg8 : memref<128x128xf32, #tpu.memory_space<vmem>>) target(%dma_start3A_172 : memref<128x128xf32, #tpu.memory_space<vmem_shared>>) target_semaphore(%run_scoped3A : memref<!tpu.dma_semaphore, #tpu.memory_space<semaphore_mem>>)
      %dma_wait3A_173 = arith.constant 0 : i32
      %dma_wait3A_174 = tpu.memref_slice %arg10[%add3A_17, %dma_wait3A_173] : memref<10240x128xf32, #tpu.memory_space<vmem_shared>> -> memref<128x128xf32, #tpu.memory_space<vmem_shared>>
      %dma_wait3A_175 = arith.constant 0 : i32
      %dma_wait3A_176 = tpu.memref_slice %arg10[%add3A_17, %dma_wait3A_175] : memref<10240x128xf32, #tpu.memory_space<vmem_shared>> -> memref<128x128xf32, #tpu.memory_space<vmem_shared>>
      tpu.wait_dma2 semaphore(%run_scoped3A : memref<!tpu.dma_semaphore, #tpu.memory_space<semaphore_mem>>) src(%arg8 : memref<128x128xf32, #tpu.memory_space<vmem>>) dst(%dma_wait3A_176 : memref<128x128xf32, #tpu.memory_space<vmem_shared>>)
      tpu.yield
    }) : () -> ()
    %mul3A_18 = arith.constant 640 : i32
    %mul3A_19 = arith.muli %arg1, %mul3A_18 : i32
    %add3A_20 = arith.constant 384 : i32
    %add3A_21 = arith.addi %mul3A_19, %add3A_20 : i32
    "tpu.region"() ({
      %run_scoped3A = tpu.sem_alloc : memref<!tpu.dma_semaphore, #tpu.memory_space<semaphore_mem>>
      %dma_start3A_169 = arith.constant 0 : i32
      %dma_start3A_170 = tpu.memref_slice %arg10[%add3A_21, %dma_start3A_169] : memref<10240x128xf32, #tpu.memory_space<vmem_shared>> -> memref<128x128xf32, #tpu.memory_space<vmem_shared>>
      %dma_start3A_171 = arith.constant 0 : i32
      %dma_start3A_172 = tpu.memref_slice %arg10[%add3A_21, %dma_start3A_171] : memref<10240x128xf32, #tpu.memory_space<vmem_shared>> -> memref<128x128xf32, #tpu.memory_space<vmem_shared>>
      tpu.enqueue_dma source(%arg8 : memref<128x128xf32, #tpu.memory_space<vmem>>) target(%dma_start3A_172 : memref<128x128xf32, #tpu.memory_space<vmem_shared>>) target_semaphore(%run_scoped3A : memref<!tpu.dma_semaphore, #tpu.memory_space<semaphore_mem>>)
      %dma_wait3A_173 = arith.constant 0 : i32
      %dma_wait3A_174 = tpu.memref_slice %arg10[%add3A_21, %dma_wait3A_173] : memref<10240x128xf32, #tpu.memory_space<vmem_shared>> -> memref<128x128xf32, #tpu.memory_space<vmem_shared>>
      %dma_wait3A_175 = arith.constant 0 : i32
      %dma_wait3A_176 = tpu.memref_slice %arg10[%add3A_21, %dma_wait3A_175] : memref<10240x128xf32, #tpu.memory_space<vmem_shared>> -> memref<128x128xf32, #tpu.memory_space<vmem_shared>>
      tpu.wait_dma2 semaphore(%run_scoped3A : memref<!tpu.dma_semaphore, #tpu.memory_space<semaphore_mem>>) src(%arg8 : memref<128x128xf32, #tpu.memory_space<vmem>>) dst(%dma_wait3A_176 : memref<128x128xf32, #tpu.memory_space<vmem_shared>>)
      tpu.yield
    }) : () -> ()
    %mul3A_22 = arith.constant 640 : i32
    %mul3A_23 = arith.muli %arg1, %mul3A_22 : i32
    %add3A_24 = arith.constant 512 : i32
    %add3A_25 = arith.addi %mul3A_23, %add3A_24 : i32
    "tpu.region"() ({
      %run_scoped3A = tpu.sem_alloc : memref<!tpu.dma_semaphore, #tpu.memory_space<semaphore_mem>>
      %dma_start3A_169 = arith.constant 0 : i32
      %dma_start3A_170 = tpu.memref_slice %arg10[%add3A_25, %dma_start3A_169] : memref<10240x128xf32, #tpu.memory_space<vmem_shared>> -> memref<128x128xf32, #tpu.memory_space<vmem_shared>>
      %dma_start3A_171 = arith.constant 0 : i32
      %dma_start3A_172 = tpu.memref_slice %arg10[%add3A_25, %dma_start3A_171] : memref<10240x128xf32, #tpu.memory_space<vmem_shared>> -> memref<128x128xf32, #tpu.memory_space<vmem_shared>>
      tpu.enqueue_dma source(%arg8 : memref<128x128xf32, #tpu.memory_space<vmem>>) target(%dma_start3A_172 : memref<128x128xf32, #tpu.memory_space<vmem_shared>>) target_semaphore(%run_scoped3A : memref<!tpu.dma_semaphore, #tpu.memory_space<semaphore_mem>>)
      %dma_wait3A_173 = arith.constant 0 : i32
      %dma_wait3A_174 = tpu.memref_slice %arg10[%add3A_25, %dma_wait3A_173] : memref<10240x128xf32, #tpu.memory_space<vmem_shared>> -> memref<128x128xf32, #tpu.memory_space<vmem_shared>>
      %dma_wait3A_175 = arith.constant 0 : i32
      %dma_wait3A_176 = tpu.memref_slice %arg10[%add3A_25, %dma_wait3A_175] : memref<10240x128xf32, #tpu.memory_space<vmem_shared>> -> memref<128x128xf32, #tpu.memory_space<vmem_shared>>
      tpu.wait_dma2 semaphore(%run_scoped3A : memref<!tpu.dma_semaphore, #tpu.memory_space<semaphore_mem>>) src(%arg8 : memref<128x128xf32, #tpu.memory_space<vmem>>) dst(%dma_wait3A_176 : memref<128x128xf32, #tpu.memory_space<vmem_shared>>)
      tpu.yield
    }) : () -> ()
    %barrier3A = arith.constant 0 : index
    tpu.barrier barrier_id(%barrier3A)
    "tpu.region"() ({
      %run_scoped3A = tpu.sem_alloc : memref<!tpu.dma_semaphore, #tpu.memory_space<semaphore_mem>>
      %dma_start3A_169 = arith.constant 0 : i32
      %dma_start3A_170 = arith.constant 0 : i32
      %dma_start3A_171 = tpu.memref_slice %arg3[%add3A, %dma_start3A_169, %dma_start3A_170] : memref<32x80x128xi32, #tpu.memory_space<hbm>> -> memref<1x40x128xi32, #tpu.memory_space<hbm>>
      %dma_start3A_172 = tpu.memref_squeeze %dma_start3A_171 : memref<1x40x128xi32, #tpu.memory_space<hbm>> -> memref<40x128xi32, #tpu.memory_space<hbm>>
      %dma_start3A_173 = arith.constant 0 : i32
      %dma_start3A_174 = arith.constant 0 : i32
      %dma_start3A_175 = tpu.memref_slice %arg3[%add3A, %dma_start3A_173, %dma_start3A_174] : memref<32x80x128xi32, #tpu.memory_space<hbm>> -> memref<1x40x128xi32, #tpu.memory_space<hbm>>
      %dma_start3A_176 = tpu.memref_squeeze %dma_start3A_175 : memref<1x40x128xi32, #tpu.memory_space<hbm>> -> memref<40x128xi32, #tpu.memory_space<hbm>>
      tpu.enqueue_dma source(%dma_start3A_176 : memref<40x128xi32, #tpu.memory_space<hbm>>) target(%arg6 : memref<40x128xi32, #tpu.memory_space<vmem>>) target_semaphore(%run_scoped3A : memref<!tpu.dma_semaphore, #tpu.memory_space<semaphore_mem>>)
      %dma_wait3A_177 = arith.constant 0 : i32
      %dma_wait3A_178 = arith.constant 0 : i32
      %dma_wait3A_179 = tpu.memref_slice %arg3[%add3A, %dma_wait3A_177, %dma_wait3A_178] : memref<32x80x128xi32, #tpu.memory_space<hbm>> -> memref<1x40x128xi32, #tpu.memory_space<hbm>>
      %dma_wait3A_180 = tpu.memref_squeeze %dma_wait3A_179 : memref<1x40x128xi32, #tpu.memory_space<hbm>> -> memref<40x128xi32, #tpu.memory_space<hbm>>
      %dma_wait3A_181 = arith.constant 0 : i32
      %dma_wait3A_182 = arith.constant 0 : i32
      %dma_wait3A_183 = tpu.memref_slice %arg3[%add3A, %dma_wait3A_181, %dma_wait3A_182] : memref<32x80x128xi32, #tpu.memory_space<hbm>> -> memref<1x40x128xi32, #tpu.memory_space<hbm>>
      %dma_wait3A_184 = tpu.memref_squeeze %dma_wait3A_183 : memref<1x40x128xi32, #tpu.memory_space<hbm>> -> memref<40x128xi32, #tpu.memory_space<hbm>>
      tpu.wait_dma2 semaphore(%run_scoped3A : memref<!tpu.dma_semaphore, #tpu.memory_space<semaphore_mem>>) src(%dma_wait3A_184 : memref<40x128xi32, #tpu.memory_space<hbm>>) dst(%arg6 : memref<40x128xi32, #tpu.memory_space<vmem>>)
      tpu.yield
    }) : () -> ()
    "tpu.region"() ({
      %run_scoped3A = tpu.sem_alloc : memref<!tpu.dma_semaphore, #tpu.memory_space<semaphore_mem>>
      %dma_start3A_169 = arith.constant 0 : i32
      %dma_start3A_170 = arith.constant 0 : i32
      %dma_start3A_171 = tpu.memref_slice %arg4[%add3A, %dma_start3A_169, %dma_start3A_170] : memref<32x80x128xi32, #tpu.memory_space<hbm>> -> memref<1x40x128xi32, #tpu.memory_space<hbm>>
      %dma_start3A_172 = tpu.memref_squeeze %dma_start3A_171 : memref<1x40x128xi32, #tpu.memory_space<hbm>> -> memref<40x128xi32, #tpu.memory_space<hbm>>
      %dma_start3A_173 = arith.constant 0 : i32
      %dma_start3A_174 = arith.constant 0 : i32
      %dma_start3A_175 = tpu.memref_slice %arg4[%add3A, %dma_start3A_173, %dma_start3A_174] : memref<32x80x128xi32, #tpu.memory_space<hbm>> -> memref<1x40x128xi32, #tpu.memory_space<hbm>>
      %dma_start3A_176 = tpu.memref_squeeze %dma_start3A_175 : memref<1x40x128xi32, #tpu.memory_space<hbm>> -> memref<40x128xi32, #tpu.memory_space<hbm>>
      tpu.enqueue_dma source(%dma_start3A_176 : memref<40x128xi32, #tpu.memory_space<hbm>>) target(%arg7 : memref<40x128xi32, #tpu.memory_space<vmem>>) target_semaphore(%run_scoped3A : memref<!tpu.dma_semaphore, #tpu.memory_space<semaphore_mem>>)
      %dma_wait3A_177 = arith.constant 0 : i32
      %dma_wait3A_178 = arith.constant 0 : i32
      %dma_wait3A_179 = tpu.memref_slice %arg4[%add3A, %dma_wait3A_177, %dma_wait3A_178] : memref<32x80x128xi32, #tpu.memory_space<hbm>> -> memref<1x40x128xi32, #tpu.memory_space<hbm>>
      %dma_wait3A_180 = tpu.memref_squeeze %dma_wait3A_179 : memref<1x40x128xi32, #tpu.memory_space<hbm>> -> memref<40x128xi32, #tpu.memory_space<hbm>>
      %dma_wait3A_181 = arith.constant 0 : i32
      %dma_wait3A_182 = arith.constant 0 : i32
      %dma_wait3A_183 = tpu.memref_slice %arg4[%add3A, %dma_wait3A_181, %dma_wait3A_182] : memref<32x80x128xi32, #tpu.memory_space<hbm>> -> memref<1x40x128xi32, #tpu.memory_space<hbm>>
      %dma_wait3A_184 = tpu.memref_squeeze %dma_wait3A_183 : memref<1x40x128xi32, #tpu.memory_space<hbm>> -> memref<40x128xi32, #tpu.memory_space<hbm>>
      tpu.wait_dma2 semaphore(%run_scoped3A : memref<!tpu.dma_semaphore, #tpu.memory_space<semaphore_mem>>) src(%dma_wait3A_184 : memref<40x128xi32, #tpu.memory_space<hbm>>) dst(%arg7 : memref<40x128xi32, #tpu.memory_space<vmem>>)
      tpu.yield
    }) : () -> ()
    %dma_start3A = arith.constant 0 : i32
    %dma_start3A_26 = arith.constant 0 : i32
    %dma_start3A_27 = tpu.memref_slice %arg6[%dma_start3A, %dma_start3A_26] : memref<40x128xi32, #tpu.memory_space<vmem>> -> memref<1x128xi32, #tpu.memory_space<vmem>>
    %dma_start3A_28 = tpu.memref_squeeze %dma_start3A_27 : memref<1x128xi32, #tpu.memory_space<vmem>> -> memref<128xi32, #tpu.memory_space<vmem>>
    %dma_start3A_29 = arith.constant 0 : i32
    %dma_start3A_30 = arith.constant 0 : i32
    %dma_start3A_31 = tpu.memref_slice %arg2[%dma_start3A_29, %dma_start3A_30] : memref<10000x128xf32, #tpu.memory_space<hbm>> -> memref<10000x128xf32, #tpu.memory_space<hbm>>
    tpu.enqueue_indirect_dma source(%dma_start3A_31 : memref<10000x128xf32, #tpu.memory_space<hbm>>) target(%arg8 : memref<128x128xf32, #tpu.memory_space<vmem>>) offsets(%dma_start3A_28 : memref<128xi32, #tpu.memory_space<vmem>>) semaphore(%arg11 : memref<!tpu.dma_semaphore, #tpu.memory_space<semaphore_mem>>)
    %dma_start3A_32 = arith.constant 1 : i32
    %dma_start3A_33 = arith.constant 0 : i32
    %dma_start3A_34 = tpu.memref_slice %arg6[%dma_start3A_32, %dma_start3A_33] : memref<40x128xi32, #tpu.memory_space<vmem>> -> memref<1x128xi32, #tpu.memory_space<vmem>>
    %dma_start3A_35 = tpu.memref_squeeze %dma_start3A_34 : memref<1x128xi32, #tpu.memory_space<vmem>> -> memref<128xi32, #tpu.memory_space<vmem>>
    %dma_start3A_36 = arith.constant 0 : i32
    %dma_start3A_37 = arith.constant 0 : i32
    %dma_start3A_38 = tpu.memref_slice %arg2[%dma_start3A_36, %dma_start3A_37] : memref<10000x128xf32, #tpu.memory_space<hbm>> -> memref<10000x128xf32, #tpu.memory_space<hbm>>
    tpu.enqueue_indirect_dma source(%dma_start3A_38 : memref<10000x128xf32, #tpu.memory_space<hbm>>) target(%arg9 : memref<128x128xf32, #tpu.memory_space<vmem>>) offsets(%dma_start3A_35 : memref<128xi32, #tpu.memory_space<vmem>>) semaphore(%arg12 : memref<!tpu.dma_semaphore, #tpu.memory_space<semaphore_mem>>)
    %scan3A_39 = arith.constant 0 : i32
    %scan3A_40 = arith.constant 0 : i32
    %scan3A_41 = arith.constant 19 : i32
    %scan3A_42 = arith.addi %scan3A_40, %scan3A_41 : i32
    %scan3A_43 = arith.constant 1 : i32
    scf.for %scan3A_169 = %scan3A_40 to %scan3A_42 step %scan3A_43  : i32 {
      %mul3A_170 = arith.constant 2 : i32
      %mul3A_171 = arith.muli %mul3A_170, %scan3A_169 : i32
      %dma_wait3A_172 = arith.constant 0 : i32
      %dma_wait3A_173 = tpu.memref_slice %arg6[%mul3A_171, %dma_wait3A_172] : memref<40x128xi32, #tpu.memory_space<vmem>> -> memref<1x128xi32, #tpu.memory_space<vmem>>
      %dma_wait3A_174 = tpu.memref_squeeze %dma_wait3A_173 : memref<1x128xi32, #tpu.memory_space<vmem>> -> memref<128xi32, #tpu.memory_space<vmem>>
      %dma_wait3A_175 = arith.constant 0 : i32
      %dma_wait3A_176 = arith.constant 0 : i32
      %dma_wait3A_177 = tpu.memref_slice %arg2[%dma_wait3A_175, %dma_wait3A_176] : memref<10000x128xf32, #tpu.memory_space<hbm>> -> memref<10000x128xf32, #tpu.memory_space<hbm>>
      tpu.wait_indirect_dma semaphore(%arg11 : memref<!tpu.dma_semaphore, #tpu.memory_space<semaphore_mem>>) src(%dma_wait3A_177 : memref<10000x128xf32, #tpu.memory_space<hbm>>) dst(%arg8 : memref<128x128xf32, #tpu.memory_space<vmem>>)
      %dma_start3A_178 = arith.constant 0 : i32
      %dma_start3A_179 = tpu.memref_slice %arg7[%mul3A_171, %dma_start3A_178] : memref<40x128xi32, #tpu.memory_space<vmem>> -> memref<1x128xi32, #tpu.memory_space<vmem>>
      %dma_start3A_180 = tpu.memref_squeeze %dma_start3A_179 : memref<1x128xi32, #tpu.memory_space<vmem>> -> memref<128xi32, #tpu.memory_space<vmem>>
      %dma_start3A_181 = arith.constant 0 : i32
      %dma_start3A_182 = arith.constant 0 : i32
      %dma_start3A_183 = tpu.memref_slice %arg10[%dma_start3A_181, %dma_start3A_182] : memref<10240x128xf32, #tpu.memory_space<vmem_shared>> -> memref<10240x128xf32, #tpu.memory_space<vmem_shared>>
      tpu.enqueue_indirect_dma source(%arg8 : memref<128x128xf32, #tpu.memory_space<vmem>>) target(%dma_start3A_183 : memref<10240x128xf32, #tpu.memory_space<vmem_shared>>) offsets(%dma_start3A_180 : memref<128xi32, #tpu.memory_space<vmem>>) semaphore(%arg13 : memref<!tpu.dma_semaphore, #tpu.memory_space<semaphore_mem>>) {add = true}
      %add3A_184 = arith.constant 1 : i32
      %add3A_185 = arith.addi %mul3A_171, %add3A_184 : i32
      %dma_wait3A_186 = arith.constant 0 : i32
      %dma_wait3A_187 = tpu.memref_slice %arg6[%add3A_185, %dma_wait3A_186] : memref<40x128xi32, #tpu.memory_space<vmem>> -> memref<1x128xi32, #tpu.memory_space<vmem>>
      %dma_wait3A_188 = tpu.memref_squeeze %dma_wait3A_187 : memref<1x128xi32, #tpu.memory_space<vmem>> -> memref<128xi32, #tpu.memory_space<vmem>>
      %dma_wait3A_189 = arith.constant 0 : i32
      %dma_wait3A_190 = arith.constant 0 : i32
      %dma_wait3A_191 = tpu.memref_slice %arg2[%dma_wait3A_189, %dma_wait3A_190] : memref<10000x128xf32, #tpu.memory_space<hbm>> -> memref<10000x128xf32, #tpu.memory_space<hbm>>
      tpu.wait_indirect_dma semaphore(%arg12 : memref<!tpu.dma_semaphore, #tpu.memory_space<semaphore_mem>>) src(%dma_wait3A_191 : memref<10000x128xf32, #tpu.memory_space<hbm>>) dst(%arg9 : memref<128x128xf32, #tpu.memory_space<vmem>>)
      %add3A_192 = arith.constant 1 : i32
      %add3A_193 = arith.addi %mul3A_171, %add3A_192 : i32
      %dma_start3A_194 = arith.constant 0 : i32
      %dma_start3A_195 = tpu.memref_slice %arg7[%add3A_193, %dma_start3A_194] : memref<40x128xi32, #tpu.memory_space<vmem>> -> memref<1x128xi32, #tpu.memory_space<vmem>>
      %dma_start3A_196 = tpu.memref_squeeze %dma_start3A_195 : memref<1x128xi32, #tpu.memory_space<vmem>> -> memref<128xi32, #tpu.memory_space<vmem>>
      %dma_start3A_197 = arith.constant 0 : i32
      %dma_start3A_198 = arith.constant 0 : i32
      %dma_start3A_199 = tpu.memref_slice %arg10[%dma_start3A_197, %dma_start3A_198] : memref<10240x128xf32, #tpu.memory_space<vmem_shared>> -> memref<10240x128xf32, #tpu.memory_space<vmem_shared>>
      tpu.enqueue_indirect_dma source(%arg9 : memref<128x128xf32, #tpu.memory_space<vmem>>) target(%dma_start3A_199 : memref<10240x128xf32, #tpu.memory_space<vmem_shared>>) offsets(%dma_start3A_196 : memref<128xi32, #tpu.memory_space<vmem>>) semaphore(%arg14 : memref<!tpu.dma_semaphore, #tpu.memory_space<semaphore_mem>>) {add = true}
      %dma_wait3A_200 = arith.constant 0 : i32
      %dma_wait3A_201 = tpu.memref_slice %arg7[%mul3A_171, %dma_wait3A_200] : memref<40x128xi32, #tpu.memory_space<vmem>> -> memref<1x128xi32, #tpu.memory_space<vmem>>
      %dma_wait3A_202 = tpu.memref_squeeze %dma_wait3A_201 : memref<1x128xi32, #tpu.memory_space<vmem>> -> memref<128xi32, #tpu.memory_space<vmem>>
      %dma_wait3A_203 = arith.constant 0 : i32
      %dma_wait3A_204 = arith.constant 0 : i32
      %dma_wait3A_205 = tpu.memref_slice %arg10[%dma_wait3A_203, %dma_wait3A_204] : memref<10240x128xf32, #tpu.memory_space<vmem_shared>> -> memref<10240x128xf32, #tpu.memory_space<vmem_shared>>
      tpu.wait_indirect_dma semaphore(%arg13 : memref<!tpu.dma_semaphore, #tpu.memory_space<semaphore_mem>>) src(%arg8 : memref<128x128xf32, #tpu.memory_space<vmem>>) dst(%dma_wait3A_205 : memref<10240x128xf32, #tpu.memory_space<vmem_shared>>)
      %add3A_206 = arith.constant 2 : i32
      %add3A_207 = arith.addi %mul3A_171, %add3A_206 : i32
      %dma_start3A_208 = arith.constant 0 : i32
      %dma_start3A_209 = tpu.memref_slice %arg6[%add3A_207, %dma_start3A_208] : memref<40x128xi32, #tpu.memory_space<vmem>> -> memref<1x128xi32, #tpu.memory_space<vmem>>
      %dma_start3A_210 = tpu.memref_squeeze %dma_start3A_209 : memref<1x128xi32, #tpu.memory_space<vmem>> -> memref<128xi32, #tpu.memory_space<vmem>>
      %dma_start3A_211 = arith.constant 0 : i32
      %dma_start3A_212 = arith.constant 0 : i32
      %dma_start3A_213 = tpu.memref_slice %arg2[%dma_start3A_211, %dma_start3A_212] : memref<10000x128xf32, #tpu.memory_space<hbm>> -> memref<10000x128xf32, #tpu.memory_space<hbm>>
      tpu.enqueue_indirect_dma source(%dma_start3A_213 : memref<10000x128xf32, #tpu.memory_space<hbm>>) target(%arg8 : memref<128x128xf32, #tpu.memory_space<vmem>>) offsets(%dma_start3A_210 : memref<128xi32, #tpu.memory_space<vmem>>) semaphore(%arg11 : memref<!tpu.dma_semaphore, #tpu.memory_space<semaphore_mem>>)
      %add3A_214 = arith.constant 1 : i32
      %add3A_215 = arith.addi %mul3A_171, %add3A_214 : i32
      %dma_wait3A_216 = arith.constant 0 : i32
      %dma_wait3A_217 = tpu.memref_slice %arg7[%add3A_215, %dma_wait3A_216] : memref<40x128xi32, #tpu.memory_space<vmem>> -> memref<1x128xi32, #tpu.memory_space<vmem>>
      %dma_wait3A_218 = tpu.memref_squeeze %dma_wait3A_217 : memref<1x128xi32, #tpu.memory_space<vmem>> -> memref<128xi32, #tpu.memory_space<vmem>>
      %dma_wait3A_219 = arith.constant 0 : i32
      %dma_wait3A_220 = arith.constant 0 : i32
      %dma_wait3A_221 = tpu.memref_slice %arg10[%dma_wait3A_219, %dma_wait3A_220] : memref<10240x128xf32, #tpu.memory_space<vmem_shared>> -> memref<10240x128xf32, #tpu.memory_space<vmem_shared>>
      tpu.wait_indirect_dma semaphore(%arg14 : memref<!tpu.dma_semaphore, #tpu.memory_space<semaphore_mem>>) src(%arg9 : memref<128x128xf32, #tpu.memory_space<vmem>>) dst(%dma_wait3A_221 : memref<10240x128xf32, #tpu.memory_space<vmem_shared>>)
      %add3A_222 = arith.constant 3 : i32
      %add3A_223 = arith.addi %mul3A_171, %add3A_222 : i32
      %dma_start3A_224 = arith.constant 0 : i32
      %dma_start3A_225 = tpu.memref_slice %arg6[%add3A_223, %dma_start3A_224] : memref<40x128xi32, #tpu.memory_space<vmem>> -> memref<1x128xi32, #tpu.memory_space<vmem>>
      %dma_start3A_226 = tpu.memref_squeeze %dma_start3A_225 : memref<1x128xi32, #tpu.memory_space<vmem>> -> memref<128xi32, #tpu.memory_space<vmem>>
      %dma_start3A_227 = arith.constant 0 : i32
      %dma_start3A_228 = arith.constant 0 : i32
      %dma_start3A_229 = tpu.memref_slice %arg2[%dma_start3A_227, %dma_start3A_228] : memref<10000x128xf32, #tpu.memory_space<hbm>> -> memref<10000x128xf32, #tpu.memory_space<hbm>>
      tpu.enqueue_indirect_dma source(%dma_start3A_229 : memref<10000x128xf32, #tpu.memory_space<hbm>>) target(%arg9 : memref<128x128xf32, #tpu.memory_space<vmem>>) offsets(%dma_start3A_226 : memref<128xi32, #tpu.memory_space<vmem>>) semaphore(%arg12 : memref<!tpu.dma_semaphore, #tpu.memory_space<semaphore_mem>>)
    }
    %scan3A_44 = arith.constant 19 : i32
    %dma_wait3A = arith.constant 38 : i32
    %dma_wait3A_45 = arith.constant 0 : i32
    %dma_wait3A_46 = tpu.memref_slice %arg6[%dma_wait3A, %dma_wait3A_45] : memref<40x128xi32, #tpu.memory_space<vmem>> -> memref<1x128xi32, #tpu.memory_space<vmem>>
    %dma_wait3A_47 = tpu.memref_squeeze %dma_wait3A_46 : memref<1x128xi32, #tpu.memory_space<vmem>> -> memref<128xi32, #tpu.memory_space<vmem>>
    %dma_wait3A_48 = arith.constant 0 : i32
    %dma_wait3A_49 = arith.constant 0 : i32
    %dma_wait3A_50 = tpu.memref_slice %arg2[%dma_wait3A_48, %dma_wait3A_49] : memref<10000x128xf32, #tpu.memory_space<hbm>> -> memref<10000x128xf32, #tpu.memory_space<hbm>>
    tpu.wait_indirect_dma semaphore(%arg11 : memref<!tpu.dma_semaphore, #tpu.memory_space<semaphore_mem>>) src(%dma_wait3A_50 : memref<10000x128xf32, #tpu.memory_space<hbm>>) dst(%arg8 : memref<128x128xf32, #tpu.memory_space<vmem>>)
    %dma_start3A_51 = arith.constant 38 : i32
    %dma_start3A_52 = arith.constant 0 : i32
    %dma_start3A_53 = tpu.memref_slice %arg7[%dma_start3A_51, %dma_start3A_52] : memref<40x128xi32, #tpu.memory_space<vmem>> -> memref<1x128xi32, #tpu.memory_space<vmem>>
    %dma_start3A_54 = tpu.memref_squeeze %dma_start3A_53 : memref<1x128xi32, #tpu.memory_space<vmem>> -> memref<128xi32, #tpu.memory_space<vmem>>
    %dma_start3A_55 = arith.constant 0 : i32
    %dma_start3A_56 = arith.constant 0 : i32
    %dma_start3A_57 = tpu.memref_slice %arg10[%dma_start3A_55, %dma_start3A_56] : memref<10240x128xf32, #tpu.memory_space<vmem_shared>> -> memref<10240x128xf32, #tpu.memory_space<vmem_shared>>
    tpu.enqueue_indirect_dma source(%arg8 : memref<128x128xf32, #tpu.memory_space<vmem>>) target(%dma_start3A_57 : memref<10240x128xf32, #tpu.memory_space<vmem_shared>>) offsets(%dma_start3A_54 : memref<128xi32, #tpu.memory_space<vmem>>) semaphore(%arg13 : memref<!tpu.dma_semaphore, #tpu.memory_space<semaphore_mem>>) {add = true}
    %dma_wait3A_58 = arith.constant 39 : i32
    %dma_wait3A_59 = arith.constant 0 : i32
    %dma_wait3A_60 = tpu.memref_slice %arg6[%dma_wait3A_58, %dma_wait3A_59] : memref<40x128xi32, #tpu.memory_space<vmem>> -> memref<1x128xi32, #tpu.memory_space<vmem>>
    %dma_wait3A_61 = tpu.memref_squeeze %dma_wait3A_60 : memref<1x128xi32, #tpu.memory_space<vmem>> -> memref<128xi32, #tpu.memory_space<vmem>>
    %dma_wait3A_62 = arith.constant 0 : i32
    %dma_wait3A_63 = arith.constant 0 : i32
    %dma_wait3A_64 = tpu.memref_slice %arg2[%dma_wait3A_62, %dma_wait3A_63] : memref<10000x128xf32, #tpu.memory_space<hbm>> -> memref<10000x128xf32, #tpu.memory_space<hbm>>
    tpu.wait_indirect_dma semaphore(%arg12 : memref<!tpu.dma_semaphore, #tpu.memory_space<semaphore_mem>>) src(%dma_wait3A_64 : memref<10000x128xf32, #tpu.memory_space<hbm>>) dst(%arg9 : memref<128x128xf32, #tpu.memory_space<vmem>>)
    %dma_start3A_65 = arith.constant 39 : i32
    %dma_start3A_66 = arith.constant 0 : i32
    %dma_start3A_67 = tpu.memref_slice %arg7[%dma_start3A_65, %dma_start3A_66] : memref<40x128xi32, #tpu.memory_space<vmem>> -> memref<1x128xi32, #tpu.memory_space<vmem>>
    %dma_start3A_68 = tpu.memref_squeeze %dma_start3A_67 : memref<1x128xi32, #tpu.memory_space<vmem>> -> memref<128xi32, #tpu.memory_space<vmem>>
    %dma_start3A_69 = arith.constant 0 : i32
    %dma_start3A_70 = arith.constant 0 : i32
    %dma_start3A_71 = tpu.memref_slice %arg10[%dma_start3A_69, %dma_start3A_70] : memref<10240x128xf32, #tpu.memory_space<vmem_shared>> -> memref<10240x128xf32, #tpu.memory_space<vmem_shared>>
    tpu.enqueue_indirect_dma source(%arg9 : memref<128x128xf32, #tpu.memory_space<vmem>>) target(%dma_start3A_71 : memref<10240x128xf32, #tpu.memory_space<vmem_shared>>) offsets(%dma_start3A_68 : memref<128xi32, #tpu.memory_space<vmem>>) semaphore(%arg14 : memref<!tpu.dma_semaphore, #tpu.memory_space<semaphore_mem>>) {add = true}
    %dma_wait3A_72 = arith.constant 38 : i32
    %dma_wait3A_73 = arith.constant 0 : i32
    %dma_wait3A_74 = tpu.memref_slice %arg7[%dma_wait3A_72, %dma_wait3A_73] : memref<40x128xi32, #tpu.memory_space<vmem>> -> memref<1x128xi32, #tpu.memory_space<vmem>>
    %dma_wait3A_75 = tpu.memref_squeeze %dma_wait3A_74 : memref<1x128xi32, #tpu.memory_space<vmem>> -> memref<128xi32, #tpu.memory_space<vmem>>
    %dma_wait3A_76 = arith.constant 0 : i32
    %dma_wait3A_77 = arith.constant 0 : i32
    %dma_wait3A_78 = tpu.memref_slice %arg10[%dma_wait3A_76, %dma_wait3A_77] : memref<10240x128xf32, #tpu.memory_space<vmem_shared>> -> memref<10240x128xf32, #tpu.memory_space<vmem_shared>>
    tpu.wait_indirect_dma semaphore(%arg13 : memref<!tpu.dma_semaphore, #tpu.memory_space<semaphore_mem>>) src(%arg8 : memref<128x128xf32, #tpu.memory_space<vmem>>) dst(%dma_wait3A_78 : memref<10240x128xf32, #tpu.memory_space<vmem_shared>>)
    %dma_wait3A_79 = arith.constant 39 : i32
    %dma_wait3A_80 = arith.constant 0 : i32
    %dma_wait3A_81 = tpu.memref_slice %arg7[%dma_wait3A_79, %dma_wait3A_80] : memref<40x128xi32, #tpu.memory_space<vmem>> -> memref<1x128xi32, #tpu.memory_space<vmem>>
    %dma_wait3A_82 = tpu.memref_squeeze %dma_wait3A_81 : memref<1x128xi32, #tpu.memory_space<vmem>> -> memref<128xi32, #tpu.memory_space<vmem>>
    %dma_wait3A_83 = arith.constant 0 : i32
    %dma_wait3A_84 = arith.constant 0 : i32
    %dma_wait3A_85 = tpu.memref_slice %arg10[%dma_wait3A_83, %dma_wait3A_84] : memref<10240x128xf32, #tpu.memory_space<vmem_shared>> -> memref<10240x128xf32, #tpu.memory_space<vmem_shared>>
    tpu.wait_indirect_dma semaphore(%arg14 : memref<!tpu.dma_semaphore, #tpu.memory_space<semaphore_mem>>) src(%arg9 : memref<128x128xf32, #tpu.memory_space<vmem>>) dst(%dma_wait3A_85 : memref<10240x128xf32, #tpu.memory_space<vmem_shared>>)
    "tpu.region"() ({
      %run_scoped3A = tpu.sem_alloc : memref<!tpu.dma_semaphore, #tpu.memory_space<semaphore_mem>>
      %dma_start3A_169 = arith.constant 40 : i32
      %dma_start3A_170 = arith.constant 0 : i32
      %dma_start3A_171 = tpu.memref_slice %arg3[%add3A, %dma_start3A_169, %dma_start3A_170] : memref<32x80x128xi32, #tpu.memory_space<hbm>> -> memref<1x40x128xi32, #tpu.memory_space<hbm>>
      %dma_start3A_172 = tpu.memref_squeeze %dma_start3A_171 : memref<1x40x128xi32, #tpu.memory_space<hbm>> -> memref<40x128xi32, #tpu.memory_space<hbm>>
      %dma_start3A_173 = arith.constant 40 : i32
      %dma_start3A_174 = arith.constant 0 : i32
      %dma_start3A_175 = tpu.memref_slice %arg3[%add3A, %dma_start3A_173, %dma_start3A_174] : memref<32x80x128xi32, #tpu.memory_space<hbm>> -> memref<1x40x128xi32, #tpu.memory_space<hbm>>
      %dma_start3A_176 = tpu.memref_squeeze %dma_start3A_175 : memref<1x40x128xi32, #tpu.memory_space<hbm>> -> memref<40x128xi32, #tpu.memory_space<hbm>>
      tpu.enqueue_dma source(%dma_start3A_176 : memref<40x128xi32, #tpu.memory_space<hbm>>) target(%arg6 : memref<40x128xi32, #tpu.memory_space<vmem>>) target_semaphore(%run_scoped3A : memref<!tpu.dma_semaphore, #tpu.memory_space<semaphore_mem>>)
      %dma_wait3A_177 = arith.constant 40 : i32
      %dma_wait3A_178 = arith.constant 0 : i32
      %dma_wait3A_179 = tpu.memref_slice %arg3[%add3A, %dma_wait3A_177, %dma_wait3A_178] : memref<32x80x128xi32, #tpu.memory_space<hbm>> -> memref<1x40x128xi32, #tpu.memory_space<hbm>>
      %dma_wait3A_180 = tpu.memref_squeeze %dma_wait3A_179 : memref<1x40x128xi32, #tpu.memory_space<hbm>> -> memref<40x128xi32, #tpu.memory_space<hbm>>
      %dma_wait3A_181 = arith.constant 40 : i32
      %dma_wait3A_182 = arith.constant 0 : i32
      %dma_wait3A_183 = tpu.memref_slice %arg3[%add3A, %dma_wait3A_181, %dma_wait3A_182] : memref<32x80x128xi32, #tpu.memory_space<hbm>> -> memref<1x40x128xi32, #tpu.memory_space<hbm>>
      %dma_wait3A_184 = tpu.memref_squeeze %dma_wait3A_183 : memref<1x40x128xi32, #tpu.memory_space<hbm>> -> memref<40x128xi32, #tpu.memory_space<hbm>>
      tpu.wait_dma2 semaphore(%run_scoped3A : memref<!tpu.dma_semaphore, #tpu.memory_space<semaphore_mem>>) src(%dma_wait3A_184 : memref<40x128xi32, #tpu.memory_space<hbm>>) dst(%arg6 : memref<40x128xi32, #tpu.memory_space<vmem>>)
      tpu.yield
    }) : () -> ()
    "tpu.region"() ({
      %run_scoped3A = tpu.sem_alloc : memref<!tpu.dma_semaphore, #tpu.memory_space<semaphore_mem>>
      %dma_start3A_169 = arith.constant 40 : i32
      %dma_start3A_170 = arith.constant 0 : i32
      %dma_start3A_171 = tpu.memref_slice %arg4[%add3A, %dma_start3A_169, %dma_start3A_170] : memref<32x80x128xi32, #tpu.memory_space<hbm>> -> memref<1x40x128xi32, #tpu.memory_space<hbm>>
      %dma_start3A_172 = tpu.memref_squeeze %dma_start3A_171 : memref<1x40x128xi32, #tpu.memory_space<hbm>> -> memref<40x128xi32, #tpu.memory_space<hbm>>
      %dma_start3A_173 = arith.constant 40 : i32
      %dma_start3A_174 = arith.constant 0 : i32
      %dma_start3A_175 = tpu.memref_slice %arg4[%add3A, %dma_start3A_173, %dma_start3A_174] : memref<32x80x128xi32, #tpu.memory_space<hbm>> -> memref<1x40x128xi32, #tpu.memory_space<hbm>>
      %dma_start3A_176 = tpu.memref_squeeze %dma_start3A_175 : memref<1x40x128xi32, #tpu.memory_space<hbm>> -> memref<40x128xi32, #tpu.memory_space<hbm>>
      tpu.enqueue_dma source(%dma_start3A_176 : memref<40x128xi32, #tpu.memory_space<hbm>>) target(%arg7 : memref<40x128xi32, #tpu.memory_space<vmem>>) target_semaphore(%run_scoped3A : memref<!tpu.dma_semaphore, #tpu.memory_space<semaphore_mem>>)
      %dma_wait3A_177 = arith.constant 40 : i32
      %dma_wait3A_178 = arith.constant 0 : i32
      %dma_wait3A_179 = tpu.memref_slice %arg4[%add3A, %dma_wait3A_177, %dma_wait3A_178] : memref<32x80x128xi32, #tpu.memory_space<hbm>> -> memref<1x40x128xi32, #tpu.memory_space<hbm>>
      %dma_wait3A_180 = tpu.memref_squeeze %dma_wait3A_179 : memref<1x40x128xi32, #tpu.memory_space<hbm>> -> memref<40x128xi32, #tpu.memory_space<hbm>>
      %dma_wait3A_181 = arith.constant 40 : i32
      %dma_wait3A_182 = arith.constant 0 : i32
      %dma_wait3A_183 = tpu.memref_slice %arg4[%add3A, %dma_wait3A_181, %dma_wait3A_182] : memref<32x80x128xi32, #tpu.memory_space<hbm>> -> memref<1x40x128xi32, #tpu.memory_space<hbm>>
      %dma_wait3A_184 = tpu.memref_squeeze %dma_wait3A_183 : memref<1x40x128xi32, #tpu.memory_space<hbm>> -> memref<40x128xi32, #tpu.memory_space<hbm>>
      tpu.wait_dma2 semaphore(%run_scoped3A : memref<!tpu.dma_semaphore, #tpu.memory_space<semaphore_mem>>) src(%dma_wait3A_184 : memref<40x128xi32, #tpu.memory_space<hbm>>) dst(%arg7 : memref<40x128xi32, #tpu.memory_space<vmem>>)
      tpu.yield
    }) : () -> ()
    %dma_start3A_86 = arith.constant 0 : i32
    %dma_start3A_87 = arith.constant 0 : i32
    %dma_start3A_88 = tpu.memref_slice %arg6[%dma_start3A_86, %dma_start3A_87] : memref<40x128xi32, #tpu.memory_space<vmem>> -> memref<1x128xi32, #tpu.memory_space<vmem>>
    %dma_start3A_89 = tpu.memref_squeeze %dma_start3A_88 : memref<1x128xi32, #tpu.memory_space<vmem>> -> memref<128xi32, #tpu.memory_space<vmem>>
    %dma_start3A_90 = arith.constant 0 : i32
    %dma_start3A_91 = arith.constant 0 : i32
    %dma_start3A_92 = tpu.memref_slice %arg2[%dma_start3A_90, %dma_start3A_91] : memref<10000x128xf32, #tpu.memory_space<hbm>> -> memref<10000x128xf32, #tpu.memory_space<hbm>>
    tpu.enqueue_indirect_dma source(%dma_start3A_92 : memref<10000x128xf32, #tpu.memory_space<hbm>>) target(%arg8 : memref<128x128xf32, #tpu.memory_space<vmem>>) offsets(%dma_start3A_89 : memref<128xi32, #tpu.memory_space<vmem>>) semaphore(%arg11 : memref<!tpu.dma_semaphore, #tpu.memory_space<semaphore_mem>>)
    %dma_start3A_93 = arith.constant 1 : i32
    %dma_start3A_94 = arith.constant 0 : i32
    %dma_start3A_95 = tpu.memref_slice %arg6[%dma_start3A_93, %dma_start3A_94] : memref<40x128xi32, #tpu.memory_space<vmem>> -> memref<1x128xi32, #tpu.memory_space<vmem>>
    %dma_start3A_96 = tpu.memref_squeeze %dma_start3A_95 : memref<1x128xi32, #tpu.memory_space<vmem>> -> memref<128xi32, #tpu.memory_space<vmem>>
    %dma_start3A_97 = arith.constant 0 : i32
    %dma_start3A_98 = arith.constant 0 : i32
    %dma_start3A_99 = tpu.memref_slice %arg2[%dma_start3A_97, %dma_start3A_98] : memref<10000x128xf32, #tpu.memory_space<hbm>> -> memref<10000x128xf32, #tpu.memory_space<hbm>>
    tpu.enqueue_indirect_dma source(%dma_start3A_99 : memref<10000x128xf32, #tpu.memory_space<hbm>>) target(%arg9 : memref<128x128xf32, #tpu.memory_space<vmem>>) offsets(%dma_start3A_96 : memref<128xi32, #tpu.memory_space<vmem>>) semaphore(%arg12 : memref<!tpu.dma_semaphore, #tpu.memory_space<semaphore_mem>>)
    %scan3A_100 = arith.constant 0 : i32
    %scan3A_101 = arith.constant 0 : i32
    %scan3A_102 = arith.constant 19 : i32
    %scan3A_103 = arith.addi %scan3A_101, %scan3A_102 : i32
    %scan3A_104 = arith.constant 1 : i32
    scf.for %scan3A_169 = %scan3A_101 to %scan3A_103 step %scan3A_104  : i32 {
      %mul3A_170 = arith.constant 2 : i32
      %mul3A_171 = arith.muli %mul3A_170, %scan3A_169 : i32
      %dma_wait3A_172 = arith.constant 0 : i32
      %dma_wait3A_173 = tpu.memref_slice %arg6[%mul3A_171, %dma_wait3A_172] : memref<40x128xi32, #tpu.memory_space<vmem>> -> memref<1x128xi32, #tpu.memory_space<vmem>>
      %dma_wait3A_174 = tpu.memref_squeeze %dma_wait3A_173 : memref<1x128xi32, #tpu.memory_space<vmem>> -> memref<128xi32, #tpu.memory_space<vmem>>
      %dma_wait3A_175 = arith.constant 0 : i32
      %dma_wait3A_176 = arith.constant 0 : i32
      %dma_wait3A_177 = tpu.memref_slice %arg2[%dma_wait3A_175, %dma_wait3A_176] : memref<10000x128xf32, #tpu.memory_space<hbm>> -> memref<10000x128xf32, #tpu.memory_space<hbm>>
      tpu.wait_indirect_dma semaphore(%arg11 : memref<!tpu.dma_semaphore, #tpu.memory_space<semaphore_mem>>) src(%dma_wait3A_177 : memref<10000x128xf32, #tpu.memory_space<hbm>>) dst(%arg8 : memref<128x128xf32, #tpu.memory_space<vmem>>)
      %dma_start3A_178 = arith.constant 0 : i32
      %dma_start3A_179 = tpu.memref_slice %arg7[%mul3A_171, %dma_start3A_178] : memref<40x128xi32, #tpu.memory_space<vmem>> -> memref<1x128xi32, #tpu.memory_space<vmem>>
      %dma_start3A_180 = tpu.memref_squeeze %dma_start3A_179 : memref<1x128xi32, #tpu.memory_space<vmem>> -> memref<128xi32, #tpu.memory_space<vmem>>
      %dma_start3A_181 = arith.constant 0 : i32
      %dma_start3A_182 = arith.constant 0 : i32
      %dma_start3A_183 = tpu.memref_slice %arg10[%dma_start3A_181, %dma_start3A_182] : memref<10240x128xf32, #tpu.memory_space<vmem_shared>> -> memref<10240x128xf32, #tpu.memory_space<vmem_shared>>
      tpu.enqueue_indirect_dma source(%arg8 : memref<128x128xf32, #tpu.memory_space<vmem>>) target(%dma_start3A_183 : memref<10240x128xf32, #tpu.memory_space<vmem_shared>>) offsets(%dma_start3A_180 : memref<128xi32, #tpu.memory_space<vmem>>) semaphore(%arg13 : memref<!tpu.dma_semaphore, #tpu.memory_space<semaphore_mem>>) {add = true}
      %add3A_184 = arith.constant 1 : i32
      %add3A_185 = arith.addi %mul3A_171, %add3A_184 : i32
      %dma_wait3A_186 = arith.constant 0 : i32
      %dma_wait3A_187 = tpu.memref_slice %arg6[%add3A_185, %dma_wait3A_186] : memref<40x128xi32, #tpu.memory_space<vmem>> -> memref<1x128xi32, #tpu.memory_space<vmem>>
      %dma_wait3A_188 = tpu.memref_squeeze %dma_wait3A_187 : memref<1x128xi32, #tpu.memory_space<vmem>> -> memref<128xi32, #tpu.memory_space<vmem>>
      %dma_wait3A_189 = arith.constant 0 : i32
      %dma_wait3A_190 = arith.constant 0 : i32
      %dma_wait3A_191 = tpu.memref_slice %arg2[%dma_wait3A_189, %dma_wait3A_190] : memref<10000x128xf32, #tpu.memory_space<hbm>> -> memref<10000x128xf32, #tpu.memory_space<hbm>>
      tpu.wait_indirect_dma semaphore(%arg12 : memref<!tpu.dma_semaphore, #tpu.memory_space<semaphore_mem>>) src(%dma_wait3A_191 : memref<10000x128xf32, #tpu.memory_space<hbm>>) dst(%arg9 : memref<128x128xf32, #tpu.memory_space<vmem>>)
      %add3A_192 = arith.constant 1 : i32
      %add3A_193 = arith.addi %mul3A_171, %add3A_192 : i32
      %dma_start3A_194 = arith.constant 0 : i32
      %dma_start3A_195 = tpu.memref_slice %arg7[%add3A_193, %dma_start3A_194] : memref<40x128xi32, #tpu.memory_space<vmem>> -> memref<1x128xi32, #tpu.memory_space<vmem>>
      %dma_start3A_196 = tpu.memref_squeeze %dma_start3A_195 : memref<1x128xi32, #tpu.memory_space<vmem>> -> memref<128xi32, #tpu.memory_space<vmem>>
      %dma_start3A_197 = arith.constant 0 : i32
      %dma_start3A_198 = arith.constant 0 : i32
      %dma_start3A_199 = tpu.memref_slice %arg10[%dma_start3A_197, %dma_start3A_198] : memref<10240x128xf32, #tpu.memory_space<vmem_shared>> -> memref<10240x128xf32, #tpu.memory_space<vmem_shared>>
      tpu.enqueue_indirect_dma source(%arg9 : memref<128x128xf32, #tpu.memory_space<vmem>>) target(%dma_start3A_199 : memref<10240x128xf32, #tpu.memory_space<vmem_shared>>) offsets(%dma_start3A_196 : memref<128xi32, #tpu.memory_space<vmem>>) semaphore(%arg14 : memref<!tpu.dma_semaphore, #tpu.memory_space<semaphore_mem>>) {add = true}
      %dma_wait3A_200 = arith.constant 0 : i32
      %dma_wait3A_201 = tpu.memref_slice %arg7[%mul3A_171, %dma_wait3A_200] : memref<40x128xi32, #tpu.memory_space<vmem>> -> memref<1x128xi32, #tpu.memory_space<vmem>>
      %dma_wait3A_202 = tpu.memref_squeeze %dma_wait3A_201 : memref<1x128xi32, #tpu.memory_space<vmem>> -> memref<128xi32, #tpu.memory_space<vmem>>
      %dma_wait3A_203 = arith.constant 0 : i32
      %dma_wait3A_204 = arith.constant 0 : i32
      %dma_wait3A_205 = tpu.memref_slice %arg10[%dma_wait3A_203, %dma_wait3A_204] : memref<10240x128xf32, #tpu.memory_space<vmem_shared>> -> memref<10240x128xf32, #tpu.memory_space<vmem_shared>>
      tpu.wait_indirect_dma semaphore(%arg13 : memref<!tpu.dma_semaphore, #tpu.memory_space<semaphore_mem>>) src(%arg8 : memref<128x128xf32, #tpu.memory_space<vmem>>) dst(%dma_wait3A_205 : memref<10240x128xf32, #tpu.memory_space<vmem_shared>>)
      %add3A_206 = arith.constant 2 : i32
      %add3A_207 = arith.addi %mul3A_171, %add3A_206 : i32
      %dma_start3A_208 = arith.constant 0 : i32
      %dma_start3A_209 = tpu.memref_slice %arg6[%add3A_207, %dma_start3A_208] : memref<40x128xi32, #tpu.memory_space<vmem>> -> memref<1x128xi32, #tpu.memory_space<vmem>>
      %dma_start3A_210 = tpu.memref_squeeze %dma_start3A_209 : memref<1x128xi32, #tpu.memory_space<vmem>> -> memref<128xi32, #tpu.memory_space<vmem>>
      %dma_start3A_211 = arith.constant 0 : i32
      %dma_start3A_212 = arith.constant 0 : i32
      %dma_start3A_213 = tpu.memref_slice %arg2[%dma_start3A_211, %dma_start3A_212] : memref<10000x128xf32, #tpu.memory_space<hbm>> -> memref<10000x128xf32, #tpu.memory_space<hbm>>
      tpu.enqueue_indirect_dma source(%dma_start3A_213 : memref<10000x128xf32, #tpu.memory_space<hbm>>) target(%arg8 : memref<128x128xf32, #tpu.memory_space<vmem>>) offsets(%dma_start3A_210 : memref<128xi32, #tpu.memory_space<vmem>>) semaphore(%arg11 : memref<!tpu.dma_semaphore, #tpu.memory_space<semaphore_mem>>)
      %add3A_214 = arith.constant 1 : i32
      %add3A_215 = arith.addi %mul3A_171, %add3A_214 : i32
      %dma_wait3A_216 = arith.constant 0 : i32
      %dma_wait3A_217 = tpu.memref_slice %arg7[%add3A_215, %dma_wait3A_216] : memref<40x128xi32, #tpu.memory_space<vmem>> -> memref<1x128xi32, #tpu.memory_space<vmem>>
      %dma_wait3A_218 = tpu.memref_squeeze %dma_wait3A_217 : memref<1x128xi32, #tpu.memory_space<vmem>> -> memref<128xi32, #tpu.memory_space<vmem>>
      %dma_wait3A_219 = arith.constant 0 : i32
      %dma_wait3A_220 = arith.constant 0 : i32
      %dma_wait3A_221 = tpu.memref_slice %arg10[%dma_wait3A_219, %dma_wait3A_220] : memref<10240x128xf32, #tpu.memory_space<vmem_shared>> -> memref<10240x128xf32, #tpu.memory_space<vmem_shared>>
      tpu.wait_indirect_dma semaphore(%arg14 : memref<!tpu.dma_semaphore, #tpu.memory_space<semaphore_mem>>) src(%arg9 : memref<128x128xf32, #tpu.memory_space<vmem>>) dst(%dma_wait3A_221 : memref<10240x128xf32, #tpu.memory_space<vmem_shared>>)
      %add3A_222 = arith.constant 3 : i32
      %add3A_223 = arith.addi %mul3A_171, %add3A_222 : i32
      %dma_start3A_224 = arith.constant 0 : i32
      %dma_start3A_225 = tpu.memref_slice %arg6[%add3A_223, %dma_start3A_224] : memref<40x128xi32, #tpu.memory_space<vmem>> -> memref<1x128xi32, #tpu.memory_space<vmem>>
      %dma_start3A_226 = tpu.memref_squeeze %dma_start3A_225 : memref<1x128xi32, #tpu.memory_space<vmem>> -> memref<128xi32, #tpu.memory_space<vmem>>
      %dma_start3A_227 = arith.constant 0 : i32
      %dma_start3A_228 = arith.constant 0 : i32
      %dma_start3A_229 = tpu.memref_slice %arg2[%dma_start3A_227, %dma_start3A_228] : memref<10000x128xf32, #tpu.memory_space<hbm>> -> memref<10000x128xf32, #tpu.memory_space<hbm>>
      tpu.enqueue_indirect_dma source(%dma_start3A_229 : memref<10000x128xf32, #tpu.memory_space<hbm>>) target(%arg9 : memref<128x128xf32, #tpu.memory_space<vmem>>) offsets(%dma_start3A_226 : memref<128xi32, #tpu.memory_space<vmem>>) semaphore(%arg12 : memref<!tpu.dma_semaphore, #tpu.memory_space<semaphore_mem>>)
    }
    %scan3A_105 = arith.constant 19 : i32
    %dma_wait3A_106 = arith.constant 38 : i32
    %dma_wait3A_107 = arith.constant 0 : i32
    %dma_wait3A_108 = tpu.memref_slice %arg6[%dma_wait3A_106, %dma_wait3A_107] : memref<40x128xi32, #tpu.memory_space<vmem>> -> memref<1x128xi32, #tpu.memory_space<vmem>>
    %dma_wait3A_109 = tpu.memref_squeeze %dma_wait3A_108 : memref<1x128xi32, #tpu.memory_space<vmem>> -> memref<128xi32, #tpu.memory_space<vmem>>
    %dma_wait3A_110 = arith.constant 0 : i32
    %dma_wait3A_111 = arith.constant 0 : i32
    %dma_wait3A_112 = tpu.memref_slice %arg2[%dma_wait3A_110, %dma_wait3A_111] : memref<10000x128xf32, #tpu.memory_space<hbm>> -> memref<10000x128xf32, #tpu.memory_space<hbm>>
    tpu.wait_indirect_dma semaphore(%arg11 : memref<!tpu.dma_semaphore, #tpu.memory_space<semaphore_mem>>) src(%dma_wait3A_112 : memref<10000x128xf32, #tpu.memory_space<hbm>>) dst(%arg8 : memref<128x128xf32, #tpu.memory_space<vmem>>)
    %dma_start3A_113 = arith.constant 38 : i32
    %dma_start3A_114 = arith.constant 0 : i32
    %dma_start3A_115 = tpu.memref_slice %arg7[%dma_start3A_113, %dma_start3A_114] : memref<40x128xi32, #tpu.memory_space<vmem>> -> memref<1x128xi32, #tpu.memory_space<vmem>>
    %dma_start3A_116 = tpu.memref_squeeze %dma_start3A_115 : memref<1x128xi32, #tpu.memory_space<vmem>> -> memref<128xi32, #tpu.memory_space<vmem>>
    %dma_start3A_117 = arith.constant 0 : i32
    %dma_start3A_118 = arith.constant 0 : i32
    %dma_start3A_119 = tpu.memref_slice %arg10[%dma_start3A_117, %dma_start3A_118] : memref<10240x128xf32, #tpu.memory_space<vmem_shared>> -> memref<10240x128xf32, #tpu.memory_space<vmem_shared>>
    tpu.enqueue_indirect_dma source(%arg8 : memref<128x128xf32, #tpu.memory_space<vmem>>) target(%dma_start3A_119 : memref<10240x128xf32, #tpu.memory_space<vmem_shared>>) offsets(%dma_start3A_116 : memref<128xi32, #tpu.memory_space<vmem>>) semaphore(%arg13 : memref<!tpu.dma_semaphore, #tpu.memory_space<semaphore_mem>>) {add = true}
    %dma_wait3A_120 = arith.constant 39 : i32
    %dma_wait3A_121 = arith.constant 0 : i32
    %dma_wait3A_122 = tpu.memref_slice %arg6[%dma_wait3A_120, %dma_wait3A_121] : memref<40x128xi32, #tpu.memory_space<vmem>> -> memref<1x128xi32, #tpu.memory_space<vmem>>
    %dma_wait3A_123 = tpu.memref_squeeze %dma_wait3A_122 : memref<1x128xi32, #tpu.memory_space<vmem>> -> memref<128xi32, #tpu.memory_space<vmem>>
    %dma_wait3A_124 = arith.constant 0 : i32
    %dma_wait3A_125 = arith.constant 0 : i32
    %dma_wait3A_126 = tpu.memref_slice %arg2[%dma_wait3A_124, %dma_wait3A_125] : memref<10000x128xf32, #tpu.memory_space<hbm>> -> memref<10000x128xf32, #tpu.memory_space<hbm>>
    tpu.wait_indirect_dma semaphore(%arg12 : memref<!tpu.dma_semaphore, #tpu.memory_space<semaphore_mem>>) src(%dma_wait3A_126 : memref<10000x128xf32, #tpu.memory_space<hbm>>) dst(%arg9 : memref<128x128xf32, #tpu.memory_space<vmem>>)
    %dma_start3A_127 = arith.constant 39 : i32
    %dma_start3A_128 = arith.constant 0 : i32
    %dma_start3A_129 = tpu.memref_slice %arg7[%dma_start3A_127, %dma_start3A_128] : memref<40x128xi32, #tpu.memory_space<vmem>> -> memref<1x128xi32, #tpu.memory_space<vmem>>
    %dma_start3A_130 = tpu.memref_squeeze %dma_start3A_129 : memref<1x128xi32, #tpu.memory_space<vmem>> -> memref<128xi32, #tpu.memory_space<vmem>>
    %dma_start3A_131 = arith.constant 0 : i32
    %dma_start3A_132 = arith.constant 0 : i32
    %dma_start3A_133 = tpu.memref_slice %arg10[%dma_start3A_131, %dma_start3A_132] : memref<10240x128xf32, #tpu.memory_space<vmem_shared>> -> memref<10240x128xf32, #tpu.memory_space<vmem_shared>>
    tpu.enqueue_indirect_dma source(%arg9 : memref<128x128xf32, #tpu.memory_space<vmem>>) target(%dma_start3A_133 : memref<10240x128xf32, #tpu.memory_space<vmem_shared>>) offsets(%dma_start3A_130 : memref<128xi32, #tpu.memory_space<vmem>>) semaphore(%arg14 : memref<!tpu.dma_semaphore, #tpu.memory_space<semaphore_mem>>) {add = true}
    %dma_wait3A_134 = arith.constant 38 : i32
    %dma_wait3A_135 = arith.constant 0 : i32
    %dma_wait3A_136 = tpu.memref_slice %arg7[%dma_wait3A_134, %dma_wait3A_135] : memref<40x128xi32, #tpu.memory_space<vmem>> -> memref<1x128xi32, #tpu.memory_space<vmem>>
    %dma_wait3A_137 = tpu.memref_squeeze %dma_wait3A_136 : memref<1x128xi32, #tpu.memory_space<vmem>> -> memref<128xi32, #tpu.memory_space<vmem>>
    %dma_wait3A_138 = arith.constant 0 : i32
    %dma_wait3A_139 = arith.constant 0 : i32
    %dma_wait3A_140 = tpu.memref_slice %arg10[%dma_wait3A_138, %dma_wait3A_139] : memref<10240x128xf32, #tpu.memory_space<vmem_shared>> -> memref<10240x128xf32, #tpu.memory_space<vmem_shared>>
    tpu.wait_indirect_dma semaphore(%arg13 : memref<!tpu.dma_semaphore, #tpu.memory_space<semaphore_mem>>) src(%arg8 : memref<128x128xf32, #tpu.memory_space<vmem>>) dst(%dma_wait3A_140 : memref<10240x128xf32, #tpu.memory_space<vmem_shared>>)
    %dma_wait3A_141 = arith.constant 39 : i32
    %dma_wait3A_142 = arith.constant 0 : i32
    %dma_wait3A_143 = tpu.memref_slice %arg7[%dma_wait3A_141, %dma_wait3A_142] : memref<40x128xi32, #tpu.memory_space<vmem>> -> memref<1x128xi32, #tpu.memory_space<vmem>>
    %dma_wait3A_144 = tpu.memref_squeeze %dma_wait3A_143 : memref<1x128xi32, #tpu.memory_space<vmem>> -> memref<128xi32, #tpu.memory_space<vmem>>
    %dma_wait3A_145 = arith.constant 0 : i32
    %dma_wait3A_146 = arith.constant 0 : i32
    %dma_wait3A_147 = tpu.memref_slice %arg10[%dma_wait3A_145, %dma_wait3A_146] : memref<10240x128xf32, #tpu.memory_space<vmem_shared>> -> memref<10240x128xf32, #tpu.memory_space<vmem_shared>>
    tpu.wait_indirect_dma semaphore(%arg14 : memref<!tpu.dma_semaphore, #tpu.memory_space<semaphore_mem>>) src(%arg9 : memref<128x128xf32, #tpu.memory_space<vmem>>) dst(%dma_wait3A_147 : memref<10240x128xf32, #tpu.memory_space<vmem_shared>>)
    %barrier3A_148 = arith.constant 0 : index
    tpu.barrier barrier_id(%barrier3A_148)
    %mul3A_149 = arith.constant 640 : i32
    %mul3A_150 = arith.muli %arg1, %mul3A_149 : i32
    %add3A_151 = arith.constant 0 : i32
    %add3A_152 = arith.addi %mul3A_150, %add3A_151 : i32
    "tpu.region"() ({
      %run_scoped3A = tpu.sem_alloc : memref<!tpu.dma_semaphore, #tpu.memory_space<semaphore_mem>>
      %dma_start3A_169 = arith.constant 0 : i32
      %dma_start3A_170 = tpu.memref_slice %arg10[%add3A_152, %dma_start3A_169] : memref<10240x128xf32, #tpu.memory_space<vmem_shared>> -> memref<128x128xf32, #tpu.memory_space<vmem_shared>>
      %dma_start3A_171 = arith.constant 0 : i32
      %dma_start3A_172 = tpu.memref_slice %arg10[%add3A_152, %dma_start3A_171] : memref<10240x128xf32, #tpu.memory_space<vmem_shared>> -> memref<128x128xf32, #tpu.memory_space<vmem_shared>>
      tpu.enqueue_dma source(%dma_start3A_172 : memref<128x128xf32, #tpu.memory_space<vmem_shared>>) target(%arg8 : memref<128x128xf32, #tpu.memory_space<vmem>>) target_semaphore(%run_scoped3A : memref<!tpu.dma_semaphore, #tpu.memory_space<semaphore_mem>>)
      %dma_wait3A_173 = arith.constant 0 : i32
      %dma_wait3A_174 = tpu.memref_slice %arg10[%add3A_152, %dma_wait3A_173] : memref<10240x128xf32, #tpu.memory_space<vmem_shared>> -> memref<128x128xf32, #tpu.memory_space<vmem_shared>>
      %dma_wait3A_175 = arith.constant 0 : i32
      %dma_wait3A_176 = tpu.memref_slice %arg10[%add3A_152, %dma_wait3A_175] : memref<10240x128xf32, #tpu.memory_space<vmem_shared>> -> memref<128x128xf32, #tpu.memory_space<vmem_shared>>
      tpu.wait_dma2 semaphore(%run_scoped3A : memref<!tpu.dma_semaphore, #tpu.memory_space<semaphore_mem>>) src(%dma_wait3A_176 : memref<128x128xf32, #tpu.memory_space<vmem_shared>>) dst(%arg8 : memref<128x128xf32, #tpu.memory_space<vmem>>)
      tpu.yield
    }) : () -> ()
    "tpu.region"() ({
      %run_scoped3A = tpu.sem_alloc : memref<!tpu.dma_semaphore, #tpu.memory_space<semaphore_mem>>
      %dma_start3A_169 = arith.constant 0 : i32
      %dma_start3A_170 = tpu.memref_slice %arg5[%arg0, %add3A_152, %dma_start3A_169] : memref<2x10240x128xf32, #tpu.memory_space<hbm>> -> memref<1x128x128xf32, #tpu.memory_space<hbm>>
      %dma_start3A_171 = tpu.memref_squeeze %dma_start3A_170 : memref<1x128x128xf32, #tpu.memory_space<hbm>> -> memref<128x128xf32, #tpu.memory_space<hbm>>
      %dma_start3A_172 = arith.constant 0 : i32
      %dma_start3A_173 = tpu.memref_slice %arg5[%arg0, %add3A_152, %dma_start3A_172] : memref<2x10240x128xf32, #tpu.memory_space<hbm>> -> memref<1x128x128xf32, #tpu.memory_space<hbm>>
      %dma_start3A_174 = tpu.memref_squeeze %dma_start3A_173 : memref<1x128x128xf32, #tpu.memory_space<hbm>> -> memref<128x128xf32, #tpu.memory_space<hbm>>
      tpu.enqueue_dma source(%arg8 : memref<128x128xf32, #tpu.memory_space<vmem>>) target(%dma_start3A_174 : memref<128x128xf32, #tpu.memory_space<hbm>>) target_semaphore(%run_scoped3A : memref<!tpu.dma_semaphore, #tpu.memory_space<semaphore_mem>>)
      %dma_wait3A_175 = arith.constant 0 : i32
      %dma_wait3A_176 = tpu.memref_slice %arg5[%arg0, %add3A_152, %dma_wait3A_175] : memref<2x10240x128xf32, #tpu.memory_space<hbm>> -> memref<1x128x128xf32, #tpu.memory_space<hbm>>
      %dma_wait3A_177 = tpu.memref_squeeze %dma_wait3A_176 : memref<1x128x128xf32, #tpu.memory_space<hbm>> -> memref<128x128xf32, #tpu.memory_space<hbm>>
      %dma_wait3A_178 = arith.constant 0 : i32
      %dma_wait3A_179 = tpu.memref_slice %arg5[%arg0, %add3A_152, %dma_wait3A_178] : memref<2x10240x128xf32, #tpu.memory_space<hbm>> -> memref<1x128x128xf32, #tpu.memory_space<hbm>>
      %dma_wait3A_180 = tpu.memref_squeeze %dma_wait3A_179 : memref<1x128x128xf32, #tpu.memory_space<hbm>> -> memref<128x128xf32, #tpu.memory_space<hbm>>
      tpu.wait_dma2 semaphore(%run_scoped3A : memref<!tpu.dma_semaphore, #tpu.memory_space<semaphore_mem>>) src(%arg8 : memref<128x128xf32, #tpu.memory_space<vmem>>) dst(%dma_wait3A_180 : memref<128x128xf32, #tpu.memory_space<hbm>>)
      tpu.yield
    }) : () -> ()
    %mul3A_153 = arith.constant 640 : i32
    %mul3A_154 = arith.muli %arg1, %mul3A_153 : i32
    %add3A_155 = arith.constant 128 : i32
    %add3A_156 = arith.addi %mul3A_154, %add3A_155 : i32
    "tpu.region"() ({
      %run_scoped3A = tpu.sem_alloc : memref<!tpu.dma_semaphore, #tpu.memory_space<semaphore_mem>>
      %dma_start3A_169 = arith.constant 0 : i32
      %dma_start3A_170 = tpu.memref_slice %arg10[%add3A_156, %dma_start3A_169] : memref<10240x128xf32, #tpu.memory_space<vmem_shared>> -> memref<128x128xf32, #tpu.memory_space<vmem_shared>>
      %dma_start3A_171 = arith.constant 0 : i32
      %dma_start3A_172 = tpu.memref_slice %arg10[%add3A_156, %dma_start3A_171] : memref<10240x128xf32, #tpu.memory_space<vmem_shared>> -> memref<128x128xf32, #tpu.memory_space<vmem_shared>>
      tpu.enqueue_dma source(%dma_start3A_172 : memref<128x128xf32, #tpu.memory_space<vmem_shared>>) target(%arg8 : memref<128x128xf32, #tpu.memory_space<vmem>>) target_semaphore(%run_scoped3A : memref<!tpu.dma_semaphore, #tpu.memory_space<semaphore_mem>>)
      %dma_wait3A_173 = arith.constant 0 : i32
      %dma_wait3A_174 = tpu.memref_slice %arg10[%add3A_156, %dma_wait3A_173] : memref<10240x128xf32, #tpu.memory_space<vmem_shared>> -> memref<128x128xf32, #tpu.memory_space<vmem_shared>>
      %dma_wait3A_175 = arith.constant 0 : i32
      %dma_wait3A_176 = tpu.memref_slice %arg10[%add3A_156, %dma_wait3A_175] : memref<10240x128xf32, #tpu.memory_space<vmem_shared>> -> memref<128x128xf32, #tpu.memory_space<vmem_shared>>
      tpu.wait_dma2 semaphore(%run_scoped3A : memref<!tpu.dma_semaphore, #tpu.memory_space<semaphore_mem>>) src(%dma_wait3A_176 : memref<128x128xf32, #tpu.memory_space<vmem_shared>>) dst(%arg8 : memref<128x128xf32, #tpu.memory_space<vmem>>)
      tpu.yield
    }) : () -> ()
    "tpu.region"() ({
      %run_scoped3A = tpu.sem_alloc : memref<!tpu.dma_semaphore, #tpu.memory_space<semaphore_mem>>
      %dma_start3A_169 = arith.constant 0 : i32
      %dma_start3A_170 = tpu.memref_slice %arg5[%arg0, %add3A_156, %dma_start3A_169] : memref<2x10240x128xf32, #tpu.memory_space<hbm>> -> memref<1x128x128xf32, #tpu.memory_space<hbm>>
      %dma_start3A_171 = tpu.memref_squeeze %dma_start3A_170 : memref<1x128x128xf32, #tpu.memory_space<hbm>> -> memref<128x128xf32, #tpu.memory_space<hbm>>
      %dma_start3A_172 = arith.constant 0 : i32
      %dma_start3A_173 = tpu.memref_slice %arg5[%arg0, %add3A_156, %dma_start3A_172] : memref<2x10240x128xf32, #tpu.memory_space<hbm>> -> memref<1x128x128xf32, #tpu.memory_space<hbm>>
      %dma_start3A_174 = tpu.memref_squeeze %dma_start3A_173 : memref<1x128x128xf32, #tpu.memory_space<hbm>> -> memref<128x128xf32, #tpu.memory_space<hbm>>
      tpu.enqueue_dma source(%arg8 : memref<128x128xf32, #tpu.memory_space<vmem>>) target(%dma_start3A_174 : memref<128x128xf32, #tpu.memory_space<hbm>>) target_semaphore(%run_scoped3A : memref<!tpu.dma_semaphore, #tpu.memory_space<semaphore_mem>>)
      %dma_wait3A_175 = arith.constant 0 : i32
      %dma_wait3A_176 = tpu.memref_slice %arg5[%arg0, %add3A_156, %dma_wait3A_175] : memref<2x10240x128xf32, #tpu.memory_space<hbm>> -> memref<1x128x128xf32, #tpu.memory_space<hbm>>
      %dma_wait3A_177 = tpu.memref_squeeze %dma_wait3A_176 : memref<1x128x128xf32, #tpu.memory_space<hbm>> -> memref<128x128xf32, #tpu.memory_space<hbm>>
      %dma_wait3A_178 = arith.constant 0 : i32
      %dma_wait3A_179 = tpu.memref_slice %arg5[%arg0, %add3A_156, %dma_wait3A_178] : memref<2x10240x128xf32, #tpu.memory_space<hbm>> -> memref<1x128x128xf32, #tpu.memory_space<hbm>>
      %dma_wait3A_180 = tpu.memref_squeeze %dma_wait3A_179 : memref<1x128x128xf32, #tpu.memory_space<hbm>> -> memref<128x128xf32, #tpu.memory_space<hbm>>
      tpu.wait_dma2 semaphore(%run_scoped3A : memref<!tpu.dma_semaphore, #tpu.memory_space<semaphore_mem>>) src(%arg8 : memref<128x128xf32, #tpu.memory_space<vmem>>) dst(%dma_wait3A_180 : memref<128x128xf32, #tpu.memory_space<hbm>>)
      tpu.yield
    }) : () -> ()
    %mul3A_157 = arith.constant 640 : i32
    %mul3A_158 = arith.muli %arg1, %mul3A_157 : i32
    %add3A_159 = arith.constant 256 : i32
    %add3A_160 = arith.addi %mul3A_158, %add3A_159 : i32
    "tpu.region"() ({
      %run_scoped3A = tpu.sem_alloc : memref<!tpu.dma_semaphore, #tpu.memory_space<semaphore_mem>>
      %dma_start3A_169 = arith.constant 0 : i32
      %dma_start3A_170 = tpu.memref_slice %arg10[%add3A_160, %dma_start3A_169] : memref<10240x128xf32, #tpu.memory_space<vmem_shared>> -> memref<128x128xf32, #tpu.memory_space<vmem_shared>>
      %dma_start3A_171 = arith.constant 0 : i32
      %dma_start3A_172 = tpu.memref_slice %arg10[%add3A_160, %dma_start3A_171] : memref<10240x128xf32, #tpu.memory_space<vmem_shared>> -> memref<128x128xf32, #tpu.memory_space<vmem_shared>>
      tpu.enqueue_dma source(%dma_start3A_172 : memref<128x128xf32, #tpu.memory_space<vmem_shared>>) target(%arg8 : memref<128x128xf32, #tpu.memory_space<vmem>>) target_semaphore(%run_scoped3A : memref<!tpu.dma_semaphore, #tpu.memory_space<semaphore_mem>>)
      %dma_wait3A_173 = arith.constant 0 : i32
      %dma_wait3A_174 = tpu.memref_slice %arg10[%add3A_160, %dma_wait3A_173] : memref<10240x128xf32, #tpu.memory_space<vmem_shared>> -> memref<128x128xf32, #tpu.memory_space<vmem_shared>>
      %dma_wait3A_175 = arith.constant 0 : i32
      %dma_wait3A_176 = tpu.memref_slice %arg10[%add3A_160, %dma_wait3A_175] : memref<10240x128xf32, #tpu.memory_space<vmem_shared>> -> memref<128x128xf32, #tpu.memory_space<vmem_shared>>
      tpu.wait_dma2 semaphore(%run_scoped3A : memref<!tpu.dma_semaphore, #tpu.memory_space<semaphore_mem>>) src(%dma_wait3A_176 : memref<128x128xf32, #tpu.memory_space<vmem_shared>>) dst(%arg8 : memref<128x128xf32, #tpu.memory_space<vmem>>)
      tpu.yield
    }) : () -> ()
    "tpu.region"() ({
      %run_scoped3A = tpu.sem_alloc : memref<!tpu.dma_semaphore, #tpu.memory_space<semaphore_mem>>
      %dma_start3A_169 = arith.constant 0 : i32
      %dma_start3A_170 = tpu.memref_slice %arg5[%arg0, %add3A_160, %dma_start3A_169] : memref<2x10240x128xf32, #tpu.memory_space<hbm>> -> memref<1x128x128xf32, #tpu.memory_space<hbm>>
      %dma_start3A_171 = tpu.memref_squeeze %dma_start3A_170 : memref<1x128x128xf32, #tpu.memory_space<hbm>> -> memref<128x128xf32, #tpu.memory_space<hbm>>
      %dma_start3A_172 = arith.constant 0 : i32
      %dma_start3A_173 = tpu.memref_slice %arg5[%arg0, %add3A_160, %dma_start3A_172] : memref<2x10240x128xf32, #tpu.memory_space<hbm>> -> memref<1x128x128xf32, #tpu.memory_space<hbm>>
      %dma_start3A_174 = tpu.memref_squeeze %dma_start3A_173 : memref<1x128x128xf32, #tpu.memory_space<hbm>> -> memref<128x128xf32, #tpu.memory_space<hbm>>
      tpu.enqueue_dma source(%arg8 : memref<128x128xf32, #tpu.memory_space<vmem>>) target(%dma_start3A_174 : memref<128x128xf32, #tpu.memory_space<hbm>>) target_semaphore(%run_scoped3A : memref<!tpu.dma_semaphore, #tpu.memory_space<semaphore_mem>>)
      %dma_wait3A_175 = arith.constant 0 : i32
      %dma_wait3A_176 = tpu.memref_slice %arg5[%arg0, %add3A_160, %dma_wait3A_175] : memref<2x10240x128xf32, #tpu.memory_space<hbm>> -> memref<1x128x128xf32, #tpu.memory_space<hbm>>
      %dma_wait3A_177 = tpu.memref_squeeze %dma_wait3A_176 : memref<1x128x128xf32, #tpu.memory_space<hbm>> -> memref<128x128xf32, #tpu.memory_space<hbm>>
      %dma_wait3A_178 = arith.constant 0 : i32
      %dma_wait3A_179 = tpu.memref_slice %arg5[%arg0, %add3A_160, %dma_wait3A_178] : memref<2x10240x128xf32, #tpu.memory_space<hbm>> -> memref<1x128x128xf32, #tpu.memory_space<hbm>>
      %dma_wait3A_180 = tpu.memref_squeeze %dma_wait3A_179 : memref<1x128x128xf32, #tpu.memory_space<hbm>> -> memref<128x128xf32, #tpu.memory_space<hbm>>
      tpu.wait_dma2 semaphore(%run_scoped3A : memref<!tpu.dma_semaphore, #tpu.memory_space<semaphore_mem>>) src(%arg8 : memref<128x128xf32, #tpu.memory_space<vmem>>) dst(%dma_wait3A_180 : memref<128x128xf32, #tpu.memory_space<hbm>>)
      tpu.yield
    }) : () -> ()
    %mul3A_161 = arith.constant 640 : i32
    %mul3A_162 = arith.muli %arg1, %mul3A_161 : i32
    %add3A_163 = arith.constant 384 : i32
    %add3A_164 = arith.addi %mul3A_162, %add3A_163 : i32
    "tpu.region"() ({
      %run_scoped3A = tpu.sem_alloc : memref<!tpu.dma_semaphore, #tpu.memory_space<semaphore_mem>>
      %dma_start3A_169 = arith.constant 0 : i32
      %dma_start3A_170 = tpu.memref_slice %arg10[%add3A_164, %dma_start3A_169] : memref<10240x128xf32, #tpu.memory_space<vmem_shared>> -> memref<128x128xf32, #tpu.memory_space<vmem_shared>>
      %dma_start3A_171 = arith.constant 0 : i32
      %dma_start3A_172 = tpu.memref_slice %arg10[%add3A_164, %dma_start3A_171] : memref<10240x128xf32, #tpu.memory_space<vmem_shared>> -> memref<128x128xf32, #tpu.memory_space<vmem_shared>>
      tpu.enqueue_dma source(%dma_start3A_172 : memref<128x128xf32, #tpu.memory_space<vmem_shared>>) target(%arg8 : memref<128x128xf32, #tpu.memory_space<vmem>>) target_semaphore(%run_scoped3A : memref<!tpu.dma_semaphore, #tpu.memory_space<semaphore_mem>>)
      %dma_wait3A_173 = arith.constant 0 : i32
      %dma_wait3A_174 = tpu.memref_slice %arg10[%add3A_164, %dma_wait3A_173] : memref<10240x128xf32, #tpu.memory_space<vmem_shared>> -> memref<128x128xf32, #tpu.memory_space<vmem_shared>>
      %dma_wait3A_175 = arith.constant 0 : i32
      %dma_wait3A_176 = tpu.memref_slice %arg10[%add3A_164, %dma_wait3A_175] : memref<10240x128xf32, #tpu.memory_space<vmem_shared>> -> memref<128x128xf32, #tpu.memory_space<vmem_shared>>
      tpu.wait_dma2 semaphore(%run_scoped3A : memref<!tpu.dma_semaphore, #tpu.memory_space<semaphore_mem>>) src(%dma_wait3A_176 : memref<128x128xf32, #tpu.memory_space<vmem_shared>>) dst(%arg8 : memref<128x128xf32, #tpu.memory_space<vmem>>)
      tpu.yield
    }) : () -> ()
    "tpu.region"() ({
      %run_scoped3A = tpu.sem_alloc : memref<!tpu.dma_semaphore, #tpu.memory_space<semaphore_mem>>
      %dma_start3A_169 = arith.constant 0 : i32
      %dma_start3A_170 = tpu.memref_slice %arg5[%arg0, %add3A_164, %dma_start3A_169] : memref<2x10240x128xf32, #tpu.memory_space<hbm>> -> memref<1x128x128xf32, #tpu.memory_space<hbm>>
      %dma_start3A_171 = tpu.memref_squeeze %dma_start3A_170 : memref<1x128x128xf32, #tpu.memory_space<hbm>> -> memref<128x128xf32, #tpu.memory_space<hbm>>
      %dma_start3A_172 = arith.constant 0 : i32
      %dma_start3A_173 = tpu.memref_slice %arg5[%arg0, %add3A_164, %dma_start3A_172] : memref<2x10240x128xf32, #tpu.memory_space<hbm>> -> memref<1x128x128xf32, #tpu.memory_space<hbm>>
      %dma_start3A_174 = tpu.memref_squeeze %dma_start3A_173 : memref<1x128x128xf32, #tpu.memory_space<hbm>> -> memref<128x128xf32, #tpu.memory_space<hbm>>
      tpu.enqueue_dma source(%arg8 : memref<128x128xf32, #tpu.memory_space<vmem>>) target(%dma_start3A_174 : memref<128x128xf32, #tpu.memory_space<hbm>>) target_semaphore(%run_scoped3A : memref<!tpu.dma_semaphore, #tpu.memory_space<semaphore_mem>>)
      %dma_wait3A_175 = arith.constant 0 : i32
      %dma_wait3A_176 = tpu.memref_slice %arg5[%arg0, %add3A_164, %dma_wait3A_175] : memref<2x10240x128xf32, #tpu.memory_space<hbm>> -> memref<1x128x128xf32, #tpu.memory_space<hbm>>
      %dma_wait3A_177 = tpu.memref_squeeze %dma_wait3A_176 : memref<1x128x128xf32, #tpu.memory_space<hbm>> -> memref<128x128xf32, #tpu.memory_space<hbm>>
      %dma_wait3A_178 = arith.constant 0 : i32
      %dma_wait3A_179 = tpu.memref_slice %arg5[%arg0, %add3A_164, %dma_wait3A_178] : memref<2x10240x128xf32, #tpu.memory_space<hbm>> -> memref<1x128x128xf32, #tpu.memory_space<hbm>>
      %dma_wait3A_180 = tpu.memref_squeeze %dma_wait3A_179 : memref<1x128x128xf32, #tpu.memory_space<hbm>> -> memref<128x128xf32, #tpu.memory_space<hbm>>
      tpu.wait_dma2 semaphore(%run_scoped3A : memref<!tpu.dma_semaphore, #tpu.memory_space<semaphore_mem>>) src(%arg8 : memref<128x128xf32, #tpu.memory_space<vmem>>) dst(%dma_wait3A_180 : memref<128x128xf32, #tpu.memory_space<hbm>>)
      tpu.yield
    }) : () -> ()
    %mul3A_165 = arith.constant 640 : i32
    %mul3A_166 = arith.muli %arg1, %mul3A_165 : i32
    %add3A_167 = arith.constant 512 : i32
    %add3A_168 = arith.addi %mul3A_166, %add3A_167 : i32
    "tpu.region"() ({
      %run_scoped3A = tpu.sem_alloc : memref<!tpu.dma_semaphore, #tpu.memory_space<semaphore_mem>>
      %dma_start3A_169 = arith.constant 0 : i32
      %dma_start3A_170 = tpu.memref_slice %arg10[%add3A_168, %dma_start3A_169] : memref<10240x128xf32, #tpu.memory_space<vmem_shared>> -> memref<128x128xf32, #tpu.memory_space<vmem_shared>>
      %dma_start3A_171 = arith.constant 0 : i32
      %dma_start3A_172 = tpu.memref_slice %arg10[%add3A_168, %dma_start3A_171] : memref<10240x128xf32, #tpu.memory_space<vmem_shared>> -> memref<128x128xf32, #tpu.memory_space<vmem_shared>>
      tpu.enqueue_dma source(%dma_start3A_172 : memref<128x128xf32, #tpu.memory_space<vmem_shared>>) target(%arg8 : memref<128x128xf32, #tpu.memory_space<vmem>>) target_semaphore(%run_scoped3A : memref<!tpu.dma_semaphore, #tpu.memory_space<semaphore_mem>>)
      %dma_wait3A_173 = arith.constant 0 : i32
      %dma_wait3A_174 = tpu.memref_slice %arg10[%add3A_168, %dma_wait3A_173] : memref<10240x128xf32, #tpu.memory_space<vmem_shared>> -> memref<128x128xf32, #tpu.memory_space<vmem_shared>>
      %dma_wait3A_175 = arith.constant 0 : i32
      %dma_wait3A_176 = tpu.memref_slice %arg10[%add3A_168, %dma_wait3A_175] : memref<10240x128xf32, #tpu.memory_space<vmem_shared>> -> memref<128x128xf32, #tpu.memory_space<vmem_shared>>
      tpu.wait_dma2 semaphore(%run_scoped3A : memref<!tpu.dma_semaphore, #tpu.memory_space<semaphore_mem>>) src(%dma_wait3A_176 : memref<128x128xf32, #tpu.memory_space<vmem_shared>>) dst(%arg8 : memref<128x128xf32, #tpu.memory_space<vmem>>)
      tpu.yield
    }) : () -> ()
    "tpu.region"() ({
      %run_scoped3A = tpu.sem_alloc : memref<!tpu.dma_semaphore, #tpu.memory_space<semaphore_mem>>
      %dma_start3A_169 = arith.constant 0 : i32
      %dma_start3A_170 = tpu.memref_slice %arg5[%arg0, %add3A_168, %dma_start3A_169] : memref<2x10240x128xf32, #tpu.memory_space<hbm>> -> memref<1x128x128xf32, #tpu.memory_space<hbm>>
      %dma_start3A_171 = tpu.memref_squeeze %dma_start3A_170 : memref<1x128x128xf32, #tpu.memory_space<hbm>> -> memref<128x128xf32, #tpu.memory_space<hbm>>
      %dma_start3A_172 = arith.constant 0 : i32
      %dma_start3A_173 = tpu.memref_slice %arg5[%arg0, %add3A_168, %dma_start3A_172] : memref<2x10240x128xf32, #tpu.memory_space<hbm>> -> memref<1x128x128xf32, #tpu.memory_space<hbm>>
      %dma_start3A_174 = tpu.memref_squeeze %dma_start3A_173 : memref<1x128x128xf32, #tpu.memory_space<hbm>> -> memref<128x128xf32, #tpu.memory_space<hbm>>
      tpu.enqueue_dma source(%arg8 : memref<128x128xf32, #tpu.memory_space<vmem>>) target(%dma_start3A_174 : memref<128x128xf32, #tpu.memory_space<hbm>>) target_semaphore(%run_scoped3A : memref<!tpu.dma_semaphore, #tpu.memory_space<semaphore_mem>>)
      %dma_wait3A_175 = arith.constant 0 : i32
      %dma_wait3A_176 = tpu.memref_slice %arg5[%arg0, %add3A_168, %dma_wait3A_175] : memref<2x10240x128xf32, #tpu.memory_space<hbm>> -> memref<1x128x128xf32, #tpu.memory_space<hbm>>
      %dma_wait3A_177 = tpu.memref_squeeze %dma_wait3A_176 : memref<1x128x128xf32, #tpu.memory_space<hbm>> -> memref<128x128xf32, #tpu.memory_space<hbm>>
      %dma_wait3A_178 = arith.constant 0 : i32
      %dma_wait3A_179 = tpu.memref_slice %arg5[%arg0, %add3A_168, %dma_wait3A_178] : memref<2x10240x128xf32, #tpu.memory_space<hbm>> -> memref<1x128x128xf32, #tpu.memory_space<hbm>>
      %dma_wait3A_180 = tpu.memref_squeeze %dma_wait3A_179 : memref<1x128x128xf32, #tpu.memory_space<hbm>> -> memref<128x128xf32, #tpu.memory_space<hbm>>
      tpu.wait_dma2 semaphore(%run_scoped3A : memref<!tpu.dma_semaphore, #tpu.memory_space<semaphore_mem>>) src(%arg8 : memref<128x128xf32, #tpu.memory_space<vmem>>) dst(%dma_wait3A_180 : memref<128x128xf32, #tpu.memory_space<hbm>>)
      tpu.yield
    }) : () -> ()
    return
  }
}

#map = affine_map<(d0, d1) -> (0, 0, 0)>
module attributes {stable_mosaic.version = 14 : i64} {
  func.func @_deg_body(%arg0: i32, %arg1: i32, %arg2: memref<32x80x128xi32, #tpu.memory_space<hbm>>, %arg3: memref<2x10240x128xf32, #tpu.memory_space<hbm>>, %arg4: memref<40x128xi32, #tpu.memory_space<vmem>>, %arg5: memref<128x128xf32, #tpu.memory_space<vmem>>, %arg6: memref<10240x128xf32, #tpu.memory_space<vmem_shared>>, %arg7: memref<!tpu.dma_semaphore, #tpu.memory_space<semaphore_mem>>, %arg8: memref<!tpu.dma_semaphore, #tpu.memory_space<semaphore_mem>>) attributes {dimension_semantics = [#tpu.dimension_semantics<core_parallel>, #tpu.dimension_semantics<subcore_parallel>], iteration_bounds = array<i64: 2, 16>, scalar_prefetch = 0 : i64, scratch_operands = 5 : i64, tpu.core_type = #tpu.core_type<sc_vector_subcore>, window_params = [{transform_indices = #map}, {transform_indices = #map}]} {
    %mul3A = arith.constant 16 : i32
    %mul3A_0 = arith.muli %arg0, %mul3A : i32
    %add3A = arith.addi %mul3A_0, %arg1 : i32
    %scan3A = arith.constant 0 : i32
    %scan3A_1 = arith.constant 0 : i32
    %scan3A_2 = arith.constant 128 : i32
    %scan3A_3 = arith.addi %scan3A_1, %scan3A_2 : i32
    %scan3A_4 = arith.constant 1 : i32
    scf.for %scan3A_65 = %scan3A_1 to %scan3A_3 step %scan3A_4  : i32 {
      %broadcast_in_dim3A = arith.constant 0.000000e+00 : f32
      %broadcast_in_dim3A_66 = vector.broadcast %broadcast_in_dim3A : f32 to vector<16xf32>
      %swap3A = arith.index_cast %scan3A_65 : i32 to index
      %swap3A_67 = arith.constant 0 : index
      %swap3A_68 = tpu.vector_load %arg5[%swap3A, %swap3A_67] {strides = array<i32>} : memref<128x128xf32, #tpu.memory_space<vmem>>, vector<1x16xf32>,
      %swap3A_69 = vector.shape_cast %swap3A_68 : vector<1x16xf32> to vector<16xf32>
      %swap3A_70 = vector.shape_cast %broadcast_in_dim3A_66 : vector<16xf32> to vector<1x16xf32>
      tpu.vector_store %arg5[%swap3A, %swap3A_67], %swap3A_70 {strides = array<i32>} : memref<128x128xf32, #tpu.memory_space<vmem>>, vector<1x16xf32>,
      %broadcast_in_dim3A_71 = arith.constant 0.000000e+00 : f32
      %broadcast_in_dim3A_72 = vector.broadcast %broadcast_in_dim3A_71 : f32 to vector<16xf32>
      %swap3A_73 = arith.index_cast %scan3A_65 : i32 to index
      %swap3A_74 = arith.constant 16 : index
      %swap3A_75 = tpu.vector_load %arg5[%swap3A_73, %swap3A_74] {strides = array<i32>} : memref<128x128xf32, #tpu.memory_space<vmem>>, vector<1x16xf32>,
      %swap3A_76 = vector.shape_cast %swap3A_75 : vector<1x16xf32> to vector<16xf32>
      %swap3A_77 = vector.shape_cast %broadcast_in_dim3A_72 : vector<16xf32> to vector<1x16xf32>
      tpu.vector_store %arg5[%swap3A_73, %swap3A_74], %swap3A_77 {strides = array<i32>} : memref<128x128xf32, #tpu.memory_space<vmem>>, vector<1x16xf32>,
      %broadcast_in_dim3A_78 = arith.constant 0.000000e+00 : f32
      %broadcast_in_dim3A_79 = vector.broadcast %broadcast_in_dim3A_78 : f32 to vector<16xf32>
      %swap3A_80 = arith.index_cast %scan3A_65 : i32 to index
      %swap3A_81 = arith.constant 32 : index
      %swap3A_82 = tpu.vector_load %arg5[%swap3A_80, %swap3A_81] {strides = array<i32>} : memref<128x128xf32, #tpu.memory_space<vmem>>, vector<1x16xf32>,
      %swap3A_83 = vector.shape_cast %swap3A_82 : vector<1x16xf32> to vector<16xf32>
      %swap3A_84 = vector.shape_cast %broadcast_in_dim3A_79 : vector<16xf32> to vector<1x16xf32>
      tpu.vector_store %arg5[%swap3A_80, %swap3A_81], %swap3A_84 {strides = array<i32>} : memref<128x128xf32, #tpu.memory_space<vmem>>, vector<1x16xf32>,
      %broadcast_in_dim3A_85 = arith.constant 0.000000e+00 : f32
      %broadcast_in_dim3A_86 = vector.broadcast %broadcast_in_dim3A_85 : f32 to vector<16xf32>
      %swap3A_87 = arith.index_cast %scan3A_65 : i32 to index
      %swap3A_88 = arith.constant 48 : index
      %swap3A_89 = tpu.vector_load %arg5[%swap3A_87, %swap3A_88] {strides = array<i32>} : memref<128x128xf32, #tpu.memory_space<vmem>>, vector<1x16xf32>,
      %swap3A_90 = vector.shape_cast %swap3A_89 : vector<1x16xf32> to vector<16xf32>
      %swap3A_91 = vector.shape_cast %broadcast_in_dim3A_86 : vector<16xf32> to vector<1x16xf32>
      tpu.vector_store %arg5[%swap3A_87, %swap3A_88], %swap3A_91 {strides = array<i32>} : memref<128x128xf32, #tpu.memory_space<vmem>>, vector<1x16xf32>,
      %broadcast_in_dim3A_92 = arith.constant 0.000000e+00 : f32
      %broadcast_in_dim3A_93 = vector.broadcast %broadcast_in_dim3A_92 : f32 to vector<16xf32>
      %swap3A_94 = arith.index_cast %scan3A_65 : i32 to index
      %swap3A_95 = arith.constant 64 : index
      %swap3A_96 = tpu.vector_load %arg5[%swap3A_94, %swap3A_95] {strides = array<i32>} : memref<128x128xf32, #tpu.memory_space<vmem>>, vector<1x16xf32>,
      %swap3A_97 = vector.shape_cast %swap3A_96 : vector<1x16xf32> to vector<16xf32>
      %swap3A_98 = vector.shape_cast %broadcast_in_dim3A_93 : vector<16xf32> to vector<1x16xf32>
      tpu.vector_store %arg5[%swap3A_94, %swap3A_95], %swap3A_98 {strides = array<i32>} : memref<128x128xf32, #tpu.memory_space<vmem>>, vector<1x16xf32>,
      %broadcast_in_dim3A_99 = arith.constant 0.000000e+00 : f32
      %broadcast_in_dim3A_100 = vector.broadcast %broadcast_in_dim3A_99 : f32 to vector<16xf32>
      %swap3A_101 = arith.index_cast %scan3A_65 : i32 to index
      %swap3A_102 = arith.constant 80 : index
      %swap3A_103 = tpu.vector_load %arg5[%swap3A_101, %swap3A_102] {strides = array<i32>} : memref<128x128xf32, #tpu.memory_space<vmem>>, vector<1x16xf32>,
      %swap3A_104 = vector.shape_cast %swap3A_103 : vector<1x16xf32> to vector<16xf32>
      %swap3A_105 = vector.shape_cast %broadcast_in_dim3A_100 : vector<16xf32> to vector<1x16xf32>
      tpu.vector_store %arg5[%swap3A_101, %swap3A_102], %swap3A_105 {strides = array<i32>} : memref<128x128xf32, #tpu.memory_space<vmem>>, vector<1x16xf32>,
      %broadcast_in_dim3A_106 = arith.constant 0.000000e+00 : f32
      %broadcast_in_dim3A_107 = vector.broadcast %broadcast_in_dim3A_106 : f32 to vector<16xf32>
      %swap3A_108 = arith.index_cast %scan3A_65 : i32 to index
      %swap3A_109 = arith.constant 96 : index
      %swap3A_110 = tpu.vector_load %arg5[%swap3A_108, %swap3A_109] {strides = array<i32>} : memref<128x128xf32, #tpu.memory_space<vmem>>, vector<1x16xf32>,
      %swap3A_111 = vector.shape_cast %swap3A_110 : vector<1x16xf32> to vector<16xf32>
      %swap3A_112 = vector.shape_cast %broadcast_in_dim3A_107 : vector<16xf32> to vector<1x16xf32>
      tpu.vector_store %arg5[%swap3A_108, %swap3A_109], %swap3A_112 {strides = array<i32>} : memref<128x128xf32, #tpu.memory_space<vmem>>, vector<1x16xf32>,
      %broadcast_in_dim3A_113 = arith.constant 0.000000e+00 : f32
      %broadcast_in_dim3A_114 = vector.broadcast %broadcast_in_dim3A_113 : f32 to vector<16xf32>
      %swap3A_115 = arith.index_cast %scan3A_65 : i32 to index
      %swap3A_116 = arith.constant 112 : index
      %swap3A_117 = tpu.vector_load %arg5[%swap3A_115, %swap3A_116] {strides = array<i32>} : memref<128x128xf32, #tpu.memory_space<vmem>>, vector<1x16xf32>,
      %swap3A_118 = vector.shape_cast %swap3A_117 : vector<1x16xf32> to vector<16xf32>
      %swap3A_119 = vector.shape_cast %broadcast_in_dim3A_114 : vector<16xf32> to vector<1x16xf32>
      tpu.vector_store %arg5[%swap3A_115, %swap3A_116], %swap3A_119 {strides = array<i32>} : memref<128x128xf32, #tpu.memory_space<vmem>>, vector<1x16xf32>,
    }
    %scan3A_5 = arith.constant 128 : i32
    %mul3A_6 = arith.constant 640 : i32
    %mul3A_7 = arith.muli %arg1, %mul3A_6 : i32
    %add3A_8 = arith.constant 0 : i32
    %add3A_9 = arith.addi %mul3A_7, %add3A_8 : i32
    "tpu.region"() ({
      %run_scoped3A = tpu.sem_alloc : memref<!tpu.dma_semaphore, #tpu.memory_space<semaphore_mem>>
      %dma_start3A = arith.constant 0 : i32
      %dma_start3A_65 = tpu.memref_slice %arg6[%add3A_9, %dma_start3A] : memref<10240x128xf32, #tpu.memory_space<vmem_shared>> -> memref<128x128xf32, #tpu.memory_space<vmem_shared>>
      %dma_start3A_66 = arith.constant 0 : i32
      %dma_start3A_67 = tpu.memref_slice %arg6[%add3A_9, %dma_start3A_66] : memref<10240x128xf32, #tpu.memory_space<vmem_shared>> -> memref<128x128xf32, #tpu.memory_space<vmem_shared>>
      tpu.enqueue_dma source(%arg5 : memref<128x128xf32, #tpu.memory_space<vmem>>) target(%dma_start3A_67 : memref<128x128xf32, #tpu.memory_space<vmem_shared>>) target_semaphore(%run_scoped3A : memref<!tpu.dma_semaphore, #tpu.memory_space<semaphore_mem>>)
      %dma_wait3A = arith.constant 0 : i32
      %dma_wait3A_68 = tpu.memref_slice %arg6[%add3A_9, %dma_wait3A] : memref<10240x128xf32, #tpu.memory_space<vmem_shared>> -> memref<128x128xf32, #tpu.memory_space<vmem_shared>>
      %dma_wait3A_69 = arith.constant 0 : i32
      %dma_wait3A_70 = tpu.memref_slice %arg6[%add3A_9, %dma_wait3A_69] : memref<10240x128xf32, #tpu.memory_space<vmem_shared>> -> memref<128x128xf32, #tpu.memory_space<vmem_shared>>
      tpu.wait_dma2 semaphore(%run_scoped3A : memref<!tpu.dma_semaphore, #tpu.memory_space<semaphore_mem>>) src(%arg5 : memref<128x128xf32, #tpu.memory_space<vmem>>) dst(%dma_wait3A_70 : memref<128x128xf32, #tpu.memory_space<vmem_shared>>)
      tpu.yield
    }) : () -> ()
    %mul3A_10 = arith.constant 640 : i32
    %mul3A_11 = arith.muli %arg1, %mul3A_10 : i32
    %add3A_12 = arith.constant 128 : i32
    %add3A_13 = arith.addi %mul3A_11, %add3A_12 : i32
    "tpu.region"() ({
      %run_scoped3A = tpu.sem_alloc : memref<!tpu.dma_semaphore, #tpu.memory_space<semaphore_mem>>
      %dma_start3A = arith.constant 0 : i32
      %dma_start3A_65 = tpu.memref_slice %arg6[%add3A_13, %dma_start3A] : memref<10240x128xf32, #tpu.memory_space<vmem_shared>> -> memref<128x128xf32, #tpu.memory_space<vmem_shared>>
      %dma_start3A_66 = arith.constant 0 : i32
      %dma_start3A_67 = tpu.memref_slice %arg6[%add3A_13, %dma_start3A_66] : memref<10240x128xf32, #tpu.memory_space<vmem_shared>> -> memref<128x128xf32, #tpu.memory_space<vmem_shared>>
      tpu.enqueue_dma source(%arg5 : memref<128x128xf32, #tpu.memory_space<vmem>>) target(%dma_start3A_67 : memref<128x128xf32, #tpu.memory_space<vmem_shared>>) target_semaphore(%run_scoped3A : memref<!tpu.dma_semaphore, #tpu.memory_space<semaphore_mem>>)
      %dma_wait3A = arith.constant 0 : i32
      %dma_wait3A_68 = tpu.memref_slice %arg6[%add3A_13, %dma_wait3A] : memref<10240x128xf32, #tpu.memory_space<vmem_shared>> -> memref<128x128xf32, #tpu.memory_space<vmem_shared>>
      %dma_wait3A_69 = arith.constant 0 : i32
      %dma_wait3A_70 = tpu.memref_slice %arg6[%add3A_13, %dma_wait3A_69] : memref<10240x128xf32, #tpu.memory_space<vmem_shared>> -> memref<128x128xf32, #tpu.memory_space<vmem_shared>>
      tpu.wait_dma2 semaphore(%run_scoped3A : memref<!tpu.dma_semaphore, #tpu.memory_space<semaphore_mem>>) src(%arg5 : memref<128x128xf32, #tpu.memory_space<vmem>>) dst(%dma_wait3A_70 : memref<128x128xf32, #tpu.memory_space<vmem_shared>>)
      tpu.yield
    }) : () -> ()
    %mul3A_14 = arith.constant 640 : i32
    %mul3A_15 = arith.muli %arg1, %mul3A_14 : i32
    %add3A_16 = arith.constant 256 : i32
    %add3A_17 = arith.addi %mul3A_15, %add3A_16 : i32
    "tpu.region"() ({
      %run_scoped3A = tpu.sem_alloc : memref<!tpu.dma_semaphore, #tpu.memory_space<semaphore_mem>>
      %dma_start3A = arith.constant 0 : i32
      %dma_start3A_65 = tpu.memref_slice %arg6[%add3A_17, %dma_start3A] : memref<10240x128xf32, #tpu.memory_space<vmem_shared>> -> memref<128x128xf32, #tpu.memory_space<vmem_shared>>
      %dma_start3A_66 = arith.constant 0 : i32
      %dma_start3A_67 = tpu.memref_slice %arg6[%add3A_17, %dma_start3A_66] : memref<10240x128xf32, #tpu.memory_space<vmem_shared>> -> memref<128x128xf32, #tpu.memory_space<vmem_shared>>
      tpu.enqueue_dma source(%arg5 : memref<128x128xf32, #tpu.memory_space<vmem>>) target(%dma_start3A_67 : memref<128x128xf32, #tpu.memory_space<vmem_shared>>) target_semaphore(%run_scoped3A : memref<!tpu.dma_semaphore, #tpu.memory_space<semaphore_mem>>)
      %dma_wait3A = arith.constant 0 : i32
      %dma_wait3A_68 = tpu.memref_slice %arg6[%add3A_17, %dma_wait3A] : memref<10240x128xf32, #tpu.memory_space<vmem_shared>> -> memref<128x128xf32, #tpu.memory_space<vmem_shared>>
      %dma_wait3A_69 = arith.constant 0 : i32
      %dma_wait3A_70 = tpu.memref_slice %arg6[%add3A_17, %dma_wait3A_69] : memref<10240x128xf32, #tpu.memory_space<vmem_shared>> -> memref<128x128xf32, #tpu.memory_space<vmem_shared>>
      tpu.wait_dma2 semaphore(%run_scoped3A : memref<!tpu.dma_semaphore, #tpu.memory_space<semaphore_mem>>) src(%arg5 : memref<128x128xf32, #tpu.memory_space<vmem>>) dst(%dma_wait3A_70 : memref<128x128xf32, #tpu.memory_space<vmem_shared>>)
      tpu.yield
    }) : () -> ()
    %mul3A_18 = arith.constant 640 : i32
    %mul3A_19 = arith.muli %arg1, %mul3A_18 : i32
    %add3A_20 = arith.constant 384 : i32
    %add3A_21 = arith.addi %mul3A_19, %add3A_20 : i32
    "tpu.region"() ({
      %run_scoped3A = tpu.sem_alloc : memref<!tpu.dma_semaphore, #tpu.memory_space<semaphore_mem>>
      %dma_start3A = arith.constant 0 : i32
      %dma_start3A_65 = tpu.memref_slice %arg6[%add3A_21, %dma_start3A] : memref<10240x128xf32, #tpu.memory_space<vmem_shared>> -> memref<128x128xf32, #tpu.memory_space<vmem_shared>>
      %dma_start3A_66 = arith.constant 0 : i32
      %dma_start3A_67 = tpu.memref_slice %arg6[%add3A_21, %dma_start3A_66] : memref<10240x128xf32, #tpu.memory_space<vmem_shared>> -> memref<128x128xf32, #tpu.memory_space<vmem_shared>>
      tpu.enqueue_dma source(%arg5 : memref<128x128xf32, #tpu.memory_space<vmem>>) target(%dma_start3A_67 : memref<128x128xf32, #tpu.memory_space<vmem_shared>>) target_semaphore(%run_scoped3A : memref<!tpu.dma_semaphore, #tpu.memory_space<semaphore_mem>>)
      %dma_wait3A = arith.constant 0 : i32
      %dma_wait3A_68 = tpu.memref_slice %arg6[%add3A_21, %dma_wait3A] : memref<10240x128xf32, #tpu.memory_space<vmem_shared>> -> memref<128x128xf32, #tpu.memory_space<vmem_shared>>
      %dma_wait3A_69 = arith.constant 0 : i32
      %dma_wait3A_70 = tpu.memref_slice %arg6[%add3A_21, %dma_wait3A_69] : memref<10240x128xf32, #tpu.memory_space<vmem_shared>> -> memref<128x128xf32, #tpu.memory_space<vmem_shared>>
      tpu.wait_dma2 semaphore(%run_scoped3A : memref<!tpu.dma_semaphore, #tpu.memory_space<semaphore_mem>>) src(%arg5 : memref<128x128xf32, #tpu.memory_space<vmem>>) dst(%dma_wait3A_70 : memref<128x128xf32, #tpu.memory_space<vmem_shared>>)
      tpu.yield
    }) : () -> ()
    %mul3A_22 = arith.constant 640 : i32
    %mul3A_23 = arith.muli %arg1, %mul3A_22 : i32
    %add3A_24 = arith.constant 512 : i32
    %add3A_25 = arith.addi %mul3A_23, %add3A_24 : i32
    "tpu.region"() ({
      %run_scoped3A = tpu.sem_alloc : memref<!tpu.dma_semaphore, #tpu.memory_space<semaphore_mem>>
      %dma_start3A = arith.constant 0 : i32
      %dma_start3A_65 = tpu.memref_slice %arg6[%add3A_25, %dma_start3A] : memref<10240x128xf32, #tpu.memory_space<vmem_shared>> -> memref<128x128xf32, #tpu.memory_space<vmem_shared>>
      %dma_start3A_66 = arith.constant 0 : i32
      %dma_start3A_67 = tpu.memref_slice %arg6[%add3A_25, %dma_start3A_66] : memref<10240x128xf32, #tpu.memory_space<vmem_shared>> -> memref<128x128xf32, #tpu.memory_space<vmem_shared>>
      tpu.enqueue_dma source(%arg5 : memref<128x128xf32, #tpu.memory_space<vmem>>) target(%dma_start3A_67 : memref<128x128xf32, #tpu.memory_space<vmem_shared>>) target_semaphore(%run_scoped3A : memref<!tpu.dma_semaphore, #tpu.memory_space<semaphore_mem>>)
      %dma_wait3A = arith.constant 0 : i32
      %dma_wait3A_68 = tpu.memref_slice %arg6[%add3A_25, %dma_wait3A] : memref<10240x128xf32, #tpu.memory_space<vmem_shared>> -> memref<128x128xf32, #tpu.memory_space<vmem_shared>>
      %dma_wait3A_69 = arith.constant 0 : i32
      %dma_wait3A_70 = tpu.memref_slice %arg6[%add3A_25, %dma_wait3A_69] : memref<10240x128xf32, #tpu.memory_space<vmem_shared>> -> memref<128x128xf32, #tpu.memory_space<vmem_shared>>
      tpu.wait_dma2 semaphore(%run_scoped3A : memref<!tpu.dma_semaphore, #tpu.memory_space<semaphore_mem>>) src(%arg5 : memref<128x128xf32, #tpu.memory_space<vmem>>) dst(%dma_wait3A_70 : memref<128x128xf32, #tpu.memory_space<vmem_shared>>)
      tpu.yield
    }) : () -> ()
    %scan3A_26 = arith.constant 0 : i32
    %scan3A_27 = arith.constant 0 : i32
    %scan3A_28 = arith.constant 128 : i32
    %scan3A_29 = arith.addi %scan3A_27, %scan3A_28 : i32
    %scan3A_30 = arith.constant 1 : i32
    scf.for %scan3A_65 = %scan3A_27 to %scan3A_29 step %scan3A_30  : i32 {
      %broadcast_in_dim3A = arith.constant 1.000000e+00 : f32
      %broadcast_in_dim3A_66 = vector.broadcast %broadcast_in_dim3A : f32 to vector<16xf32>
      %swap3A = arith.index_cast %scan3A_65 : i32 to index
      %swap3A_67 = arith.constant 0 : index
      %swap3A_68 = tpu.vector_load %arg5[%swap3A, %swap3A_67] {strides = array<i32>} : memref<128x128xf32, #tpu.memory_space<vmem>>, vector<1x16xf32>,
      %swap3A_69 = vector.shape_cast %swap3A_68 : vector<1x16xf32> to vector<16xf32>
      %swap3A_70 = vector.shape_cast %broadcast_in_dim3A_66 : vector<16xf32> to vector<1x16xf32>
      tpu.vector_store %arg5[%swap3A, %swap3A_67], %swap3A_70 {strides = array<i32>} : memref<128x128xf32, #tpu.memory_space<vmem>>, vector<1x16xf32>,
      %broadcast_in_dim3A_71 = arith.constant 1.000000e+00 : f32
      %broadcast_in_dim3A_72 = vector.broadcast %broadcast_in_dim3A_71 : f32 to vector<16xf32>
      %swap3A_73 = arith.index_cast %scan3A_65 : i32 to index
      %swap3A_74 = arith.constant 16 : index
      %swap3A_75 = tpu.vector_load %arg5[%swap3A_73, %swap3A_74] {strides = array<i32>} : memref<128x128xf32, #tpu.memory_space<vmem>>, vector<1x16xf32>,
      %swap3A_76 = vector.shape_cast %swap3A_75 : vector<1x16xf32> to vector<16xf32>
      %swap3A_77 = vector.shape_cast %broadcast_in_dim3A_72 : vector<16xf32> to vector<1x16xf32>
      tpu.vector_store %arg5[%swap3A_73, %swap3A_74], %swap3A_77 {strides = array<i32>} : memref<128x128xf32, #tpu.memory_space<vmem>>, vector<1x16xf32>,
      %broadcast_in_dim3A_78 = arith.constant 1.000000e+00 : f32
      %broadcast_in_dim3A_79 = vector.broadcast %broadcast_in_dim3A_78 : f32 to vector<16xf32>
      %swap3A_80 = arith.index_cast %scan3A_65 : i32 to index
      %swap3A_81 = arith.constant 32 : index
      %swap3A_82 = tpu.vector_load %arg5[%swap3A_80, %swap3A_81] {strides = array<i32>} : memref<128x128xf32, #tpu.memory_space<vmem>>, vector<1x16xf32>,
      %swap3A_83 = vector.shape_cast %swap3A_82 : vector<1x16xf32> to vector<16xf32>
      %swap3A_84 = vector.shape_cast %broadcast_in_dim3A_79 : vector<16xf32> to vector<1x16xf32>
      tpu.vector_store %arg5[%swap3A_80, %swap3A_81], %swap3A_84 {strides = array<i32>} : memref<128x128xf32, #tpu.memory_space<vmem>>, vector<1x16xf32>,
      %broadcast_in_dim3A_85 = arith.constant 1.000000e+00 : f32
      %broadcast_in_dim3A_86 = vector.broadcast %broadcast_in_dim3A_85 : f32 to vector<16xf32>
      %swap3A_87 = arith.index_cast %scan3A_65 : i32 to index
      %swap3A_88 = arith.constant 48 : index
      %swap3A_89 = tpu.vector_load %arg5[%swap3A_87, %swap3A_88] {strides = array<i32>} : memref<128x128xf32, #tpu.memory_space<vmem>>, vector<1x16xf32>,
      %swap3A_90 = vector.shape_cast %swap3A_89 : vector<1x16xf32> to vector<16xf32>
      %swap3A_91 = vector.shape_cast %broadcast_in_dim3A_86 : vector<16xf32> to vector<1x16xf32>
      tpu.vector_store %arg5[%swap3A_87, %swap3A_88], %swap3A_91 {strides = array<i32>} : memref<128x128xf32, #tpu.memory_space<vmem>>, vector<1x16xf32>,
      %broadcast_in_dim3A_92 = arith.constant 1.000000e+00 : f32
      %broadcast_in_dim3A_93 = vector.broadcast %broadcast_in_dim3A_92 : f32 to vector<16xf32>
      %swap3A_94 = arith.index_cast %scan3A_65 : i32 to index
      %swap3A_95 = arith.constant 64 : index
      %swap3A_96 = tpu.vector_load %arg5[%swap3A_94, %swap3A_95] {strides = array<i32>} : memref<128x128xf32, #tpu.memory_space<vmem>>, vector<1x16xf32>,
      %swap3A_97 = vector.shape_cast %swap3A_96 : vector<1x16xf32> to vector<16xf32>
      %swap3A_98 = vector.shape_cast %broadcast_in_dim3A_93 : vector<16xf32> to vector<1x16xf32>
      tpu.vector_store %arg5[%swap3A_94, %swap3A_95], %swap3A_98 {strides = array<i32>} : memref<128x128xf32, #tpu.memory_space<vmem>>, vector<1x16xf32>,
      %broadcast_in_dim3A_99 = arith.constant 1.000000e+00 : f32
      %broadcast_in_dim3A_100 = vector.broadcast %broadcast_in_dim3A_99 : f32 to vector<16xf32>
      %swap3A_101 = arith.index_cast %scan3A_65 : i32 to index
      %swap3A_102 = arith.constant 80 : index
      %swap3A_103 = tpu.vector_load %arg5[%swap3A_101, %swap3A_102] {strides = array<i32>} : memref<128x128xf32, #tpu.memory_space<vmem>>, vector<1x16xf32>,
      %swap3A_104 = vector.shape_cast %swap3A_103 : vector<1x16xf32> to vector<16xf32>
      %swap3A_105 = vector.shape_cast %broadcast_in_dim3A_100 : vector<16xf32> to vector<1x16xf32>
      tpu.vector_store %arg5[%swap3A_101, %swap3A_102], %swap3A_105 {strides = array<i32>} : memref<128x128xf32, #tpu.memory_space<vmem>>, vector<1x16xf32>,
      %broadcast_in_dim3A_106 = arith.constant 1.000000e+00 : f32
      %broadcast_in_dim3A_107 = vector.broadcast %broadcast_in_dim3A_106 : f32 to vector<16xf32>
      %swap3A_108 = arith.index_cast %scan3A_65 : i32 to index
      %swap3A_109 = arith.constant 96 : index
      %swap3A_110 = tpu.vector_load %arg5[%swap3A_108, %swap3A_109] {strides = array<i32>} : memref<128x128xf32, #tpu.memory_space<vmem>>, vector<1x16xf32>,
      %swap3A_111 = vector.shape_cast %swap3A_110 : vector<1x16xf32> to vector<16xf32>
      %swap3A_112 = vector.shape_cast %broadcast_in_dim3A_107 : vector<16xf32> to vector<1x16xf32>
      tpu.vector_store %arg5[%swap3A_108, %swap3A_109], %swap3A_112 {strides = array<i32>} : memref<128x128xf32, #tpu.memory_space<vmem>>, vector<1x16xf32>,
      %broadcast_in_dim3A_113 = arith.constant 1.000000e+00 : f32
      %broadcast_in_dim3A_114 = vector.broadcast %broadcast_in_dim3A_113 : f32 to vector<16xf32>
      %swap3A_115 = arith.index_cast %scan3A_65 : i32 to index
      %swap3A_116 = arith.constant 112 : index
      %swap3A_117 = tpu.vector_load %arg5[%swap3A_115, %swap3A_116] {strides = array<i32>} : memref<128x128xf32, #tpu.memory_space<vmem>>, vector<1x16xf32>,
      %swap3A_118 = vector.shape_cast %swap3A_117 : vector<1x16xf32> to vector<16xf32>
      %swap3A_119 = vector.shape_cast %broadcast_in_dim3A_114 : vector<16xf32> to vector<1x16xf32>
      tpu.vector_store %arg5[%swap3A_115, %swap3A_116], %swap3A_119 {strides = array<i32>} : memref<128x128xf32, #tpu.memory_space<vmem>>, vector<1x16xf32>,
    }
    %scan3A_31 = arith.constant 128 : i32
    %barrier3A = arith.constant 0 : index
    tpu.barrier barrier_id(%barrier3A)
    "tpu.region"() ({
      %run_scoped3A = tpu.sem_alloc : memref<!tpu.dma_semaphore, #tpu.memory_space<semaphore_mem>>
      %dma_start3A = arith.constant 0 : i32
      %dma_start3A_65 = arith.constant 0 : i32
      %dma_start3A_66 = tpu.memref_slice %arg2[%add3A, %dma_start3A, %dma_start3A_65] : memref<32x80x128xi32, #tpu.memory_space<hbm>> -> memref<1x40x128xi32, #tpu.memory_space<hbm>>
      %dma_start3A_67 = tpu.memref_squeeze %dma_start3A_66 : memref<1x40x128xi32, #tpu.memory_space<hbm>> -> memref<40x128xi32, #tpu.memory_space<hbm>>
      %dma_start3A_68 = arith.constant 0 : i32
      %dma_start3A_69 = arith.constant 0 : i32
      %dma_start3A_70 = tpu.memref_slice %arg2[%add3A, %dma_start3A_68, %dma_start3A_69] : memref<32x80x128xi32, #tpu.memory_space<hbm>> -> memref<1x40x128xi32, #tpu.memory_space<hbm>>
      %dma_start3A_71 = tpu.memref_squeeze %dma_start3A_70 : memref<1x40x128xi32, #tpu.memory_space<hbm>> -> memref<40x128xi32, #tpu.memory_space<hbm>>
      tpu.enqueue_dma source(%dma_start3A_71 : memref<40x128xi32, #tpu.memory_space<hbm>>) target(%arg4 : memref<40x128xi32, #tpu.memory_space<vmem>>) target_semaphore(%run_scoped3A : memref<!tpu.dma_semaphore, #tpu.memory_space<semaphore_mem>>)
      %dma_wait3A = arith.constant 0 : i32
      %dma_wait3A_72 = arith.constant 0 : i32
      %dma_wait3A_73 = tpu.memref_slice %arg2[%add3A, %dma_wait3A, %dma_wait3A_72] : memref<32x80x128xi32, #tpu.memory_space<hbm>> -> memref<1x40x128xi32, #tpu.memory_space<hbm>>
      %dma_wait3A_74 = tpu.memref_squeeze %dma_wait3A_73 : memref<1x40x128xi32, #tpu.memory_space<hbm>> -> memref<40x128xi32, #tpu.memory_space<hbm>>
      %dma_wait3A_75 = arith.constant 0 : i32
      %dma_wait3A_76 = arith.constant 0 : i32
      %dma_wait3A_77 = tpu.memref_slice %arg2[%add3A, %dma_wait3A_75, %dma_wait3A_76] : memref<32x80x128xi32, #tpu.memory_space<hbm>> -> memref<1x40x128xi32, #tpu.memory_space<hbm>>
      %dma_wait3A_78 = tpu.memref_squeeze %dma_wait3A_77 : memref<1x40x128xi32, #tpu.memory_space<hbm>> -> memref<40x128xi32, #tpu.memory_space<hbm>>
      tpu.wait_dma2 semaphore(%run_scoped3A : memref<!tpu.dma_semaphore, #tpu.memory_space<semaphore_mem>>) src(%dma_wait3A_78 : memref<40x128xi32, #tpu.memory_space<hbm>>) dst(%arg4 : memref<40x128xi32, #tpu.memory_space<vmem>>)
      tpu.yield
    }) : () -> ()
    %scan3A_32 = arith.constant 0 : i32
    %scan3A_33 = arith.constant 0 : i32
    %scan3A_34 = arith.constant 20 : i32
    %scan3A_35 = arith.addi %scan3A_33, %scan3A_34 : i32
    %scan3A_36 = arith.constant 1 : i32
    scf.for %scan3A_65 = %scan3A_33 to %scan3A_35 step %scan3A_36  : i32 {
      %mul3A_66 = arith.constant 2 : i32
      %mul3A_67 = arith.muli %mul3A_66, %scan3A_65 : i32
      %dma_start3A = arith.constant 0 : i32
      %dma_start3A_68 = tpu.memref_slice %arg4[%mul3A_67, %dma_start3A] : memref<40x128xi32, #tpu.memory_space<vmem>> -> memref<1x128xi32, #tpu.memory_space<vmem>>
      %dma_start3A_69 = tpu.memref_squeeze %dma_start3A_68 : memref<1x128xi32, #tpu.memory_space<vmem>> -> memref<128xi32, #tpu.memory_space<vmem>>
      %dma_start3A_70 = arith.constant 0 : i32
      %dma_start3A_71 = arith.constant 0 : i32
      %dma_start3A_72 = tpu.memref_slice %arg6[%dma_start3A_70, %dma_start3A_71] : memref<10240x128xf32, #tpu.memory_space<vmem_shared>> -> memref<10240x128xf32, #tpu.memory_space<vmem_shared>>
      tpu.enqueue_indirect_dma source(%arg5 : memref<128x128xf32, #tpu.memory_space<vmem>>) target(%dma_start3A_72 : memref<10240x128xf32, #tpu.memory_space<vmem_shared>>) offsets(%dma_start3A_69 : memref<128xi32, #tpu.memory_space<vmem>>) semaphore(%arg7 : memref<!tpu.dma_semaphore, #tpu.memory_space<semaphore_mem>>) {add = true}
      %add3A_73 = arith.constant 1 : i32
      %add3A_74 = arith.addi %mul3A_67, %add3A_73 : i32
      %dma_start3A_75 = arith.constant 0 : i32
      %dma_start3A_76 = tpu.memref_slice %arg4[%add3A_74, %dma_start3A_75] : memref<40x128xi32, #tpu.memory_space<vmem>> -> memref<1x128xi32, #tpu.memory_space<vmem>>
      %dma_start3A_77 = tpu.memref_squeeze %dma_start3A_76 : memref<1x128xi32, #tpu.memory_space<vmem>> -> memref<128xi32, #tpu.memory_space<vmem>>
      %dma_start3A_78 = arith.constant 0 : i32
      %dma_start3A_79 = arith.constant 0 : i32
      %dma_start3A_80 = tpu.memref_slice %arg6[%dma_start3A_78, %dma_start3A_79] : memref<10240x128xf32, #tpu.memory_space<vmem_shared>> -> memref<10240x128xf32, #tpu.memory_space<vmem_shared>>
      tpu.enqueue_indirect_dma source(%arg5 : memref<128x128xf32, #tpu.memory_space<vmem>>) target(%dma_start3A_80 : memref<10240x128xf32, #tpu.memory_space<vmem_shared>>) offsets(%dma_start3A_77 : memref<128xi32, #tpu.memory_space<vmem>>) semaphore(%arg8 : memref<!tpu.dma_semaphore, #tpu.memory_space<semaphore_mem>>) {add = true}
      %dma_wait3A = arith.constant 0 : i32
      %dma_wait3A_81 = tpu.memref_slice %arg4[%mul3A_67, %dma_wait3A] : memref<40x128xi32, #tpu.memory_space<vmem>> -> memref<1x128xi32, #tpu.memory_space<vmem>>
      %dma_wait3A_82 = tpu.memref_squeeze %dma_wait3A_81 : memref<1x128xi32, #tpu.memory_space<vmem>> -> memref<128xi32, #tpu.memory_space<vmem>>
      %dma_wait3A_83 = arith.constant 0 : i32
      %dma_wait3A_84 = arith.constant 0 : i32
      %dma_wait3A_85 = tpu.memref_slice %arg6[%dma_wait3A_83, %dma_wait3A_84] : memref<10240x128xf32, #tpu.memory_space<vmem_shared>> -> memref<10240x128xf32, #tpu.memory_space<vmem_shared>>
      tpu.wait_indirect_dma semaphore(%arg7 : memref<!tpu.dma_semaphore, #tpu.memory_space<semaphore_mem>>) src(%arg5 : memref<128x128xf32, #tpu.memory_space<vmem>>) dst(%dma_wait3A_85 : memref<10240x128xf32, #tpu.memory_space<vmem_shared>>)
      %add3A_86 = arith.constant 1 : i32
      %add3A_87 = arith.addi %mul3A_67, %add3A_86 : i32
      %dma_wait3A_88 = arith.constant 0 : i32
      %dma_wait3A_89 = tpu.memref_slice %arg4[%add3A_87, %dma_wait3A_88] : memref<40x128xi32, #tpu.memory_space<vmem>> -> memref<1x128xi32, #tpu.memory_space<vmem>>
      %dma_wait3A_90 = tpu.memref_squeeze %dma_wait3A_89 : memref<1x128xi32, #tpu.memory_space<vmem>> -> memref<128xi32, #tpu.memory_space<vmem>>
      %dma_wait3A_91 = arith.constant 0 : i32
      %dma_wait3A_92 = arith.constant 0 : i32
      %dma_wait3A_93 = tpu.memref_slice %arg6[%dma_wait3A_91, %dma_wait3A_92] : memref<10240x128xf32, #tpu.memory_space<vmem_shared>> -> memref<10240x128xf32, #tpu.memory_space<vmem_shared>>
      tpu.wait_indirect_dma semaphore(%arg8 : memref<!tpu.dma_semaphore, #tpu.memory_space<semaphore_mem>>) src(%arg5 : memref<128x128xf32, #tpu.memory_space<vmem>>) dst(%dma_wait3A_93 : memref<10240x128xf32, #tpu.memory_space<vmem_shared>>)
    }
    %scan3A_37 = arith.constant 20 : i32
    "tpu.region"() ({
      %run_scoped3A = tpu.sem_alloc : memref<!tpu.dma_semaphore, #tpu.memory_space<semaphore_mem>>
      %dma_start3A = arith.constant 40 : i32
      %dma_start3A_65 = arith.constant 0 : i32
      %dma_start3A_66 = tpu.memref_slice %arg2[%add3A, %dma_start3A, %dma_start3A_65] : memref<32x80x128xi32, #tpu.memory_space<hbm>> -> memref<1x40x128xi32, #tpu.memory_space<hbm>>
      %dma_start3A_67 = tpu.memref_squeeze %dma_start3A_66 : memref<1x40x128xi32, #tpu.memory_space<hbm>> -> memref<40x128xi32, #tpu.memory_space<hbm>>
      %dma_start3A_68 = arith.constant 40 : i32
      %dma_start3A_69 = arith.constant 0 : i32
      %dma_start3A_70 = tpu.memref_slice %arg2[%add3A, %dma_start3A_68, %dma_start3A_69] : memref<32x80x128xi32, #tpu.memory_space<hbm>> -> memref<1x40x128xi32, #tpu.memory_space<hbm>>
      %dma_start3A_71 = tpu.memref_squeeze %dma_start3A_70 : memref<1x40x128xi32, #tpu.memory_space<hbm>> -> memref<40x128xi32, #tpu.memory_space<hbm>>
      tpu.enqueue_dma source(%dma_start3A_71 : memref<40x128xi32, #tpu.memory_space<hbm>>) target(%arg4 : memref<40x128xi32, #tpu.memory_space<vmem>>) target_semaphore(%run_scoped3A : memref<!tpu.dma_semaphore, #tpu.memory_space<semaphore_mem>>)
      %dma_wait3A = arith.constant 40 : i32
      %dma_wait3A_72 = arith.constant 0 : i32
      %dma_wait3A_73 = tpu.memref_slice %arg2[%add3A, %dma_wait3A, %dma_wait3A_72] : memref<32x80x128xi32, #tpu.memory_space<hbm>> -> memref<1x40x128xi32, #tpu.memory_space<hbm>>
      %dma_wait3A_74 = tpu.memref_squeeze %dma_wait3A_73 : memref<1x40x128xi32, #tpu.memory_space<hbm>> -> memref<40x128xi32, #tpu.memory_space<hbm>>
      %dma_wait3A_75 = arith.constant 40 : i32
      %dma_wait3A_76 = arith.constant 0 : i32
      %dma_wait3A_77 = tpu.memref_slice %arg2[%add3A, %dma_wait3A_75, %dma_wait3A_76] : memref<32x80x128xi32, #tpu.memory_space<hbm>> -> memref<1x40x128xi32, #tpu.memory_space<hbm>>
      %dma_wait3A_78 = tpu.memref_squeeze %dma_wait3A_77 : memref<1x40x128xi32, #tpu.memory_space<hbm>> -> memref<40x128xi32, #tpu.memory_space<hbm>>
      tpu.wait_dma2 semaphore(%run_scoped3A : memref<!tpu.dma_semaphore, #tpu.memory_space<semaphore_mem>>) src(%dma_wait3A_78 : memref<40x128xi32, #tpu.memory_space<hbm>>) dst(%arg4 : memref<40x128xi32, #tpu.memory_space<vmem>>)
      tpu.yield
    }) : () -> ()
    %scan3A_38 = arith.constant 0 : i32
    %scan3A_39 = arith.constant 0 : i32
    %scan3A_40 = arith.constant 20 : i32
    %scan3A_41 = arith.addi %scan3A_39, %scan3A_40 : i32
    %scan3A_42 = arith.constant 1 : i32
    scf.for %scan3A_65 = %scan3A_39 to %scan3A_41 step %scan3A_42  : i32 {
      %mul3A_66 = arith.constant 2 : i32
      %mul3A_67 = arith.muli %mul3A_66, %scan3A_65 : i32
      %dma_start3A = arith.constant 0 : i32
      %dma_start3A_68 = tpu.memref_slice %arg4[%mul3A_67, %dma_start3A] : memref<40x128xi32, #tpu.memory_space<vmem>> -> memref<1x128xi32, #tpu.memory_space<vmem>>
      %dma_start3A_69 = tpu.memref_squeeze %dma_start3A_68 : memref<1x128xi32, #tpu.memory_space<vmem>> -> memref<128xi32, #tpu.memory_space<vmem>>
      %dma_start3A_70 = arith.constant 0 : i32
      %dma_start3A_71 = arith.constant 0 : i32
      %dma_start3A_72 = tpu.memref_slice %arg6[%dma_start3A_70, %dma_start3A_71] : memref<10240x128xf32, #tpu.memory_space<vmem_shared>> -> memref<10240x128xf32, #tpu.memory_space<vmem_shared>>
      tpu.enqueue_indirect_dma source(%arg5 : memref<128x128xf32, #tpu.memory_space<vmem>>) target(%dma_start3A_72 : memref<10240x128xf32, #tpu.memory_space<vmem_shared>>) offsets(%dma_start3A_69 : memref<128xi32, #tpu.memory_space<vmem>>) semaphore(%arg7 : memref<!tpu.dma_semaphore, #tpu.memory_space<semaphore_mem>>) {add = true}
      %add3A_73 = arith.constant 1 : i32
      %add3A_74 = arith.addi %mul3A_67, %add3A_73 : i32
      %dma_start3A_75 = arith.constant 0 : i32
      %dma_start3A_76 = tpu.memref_slice %arg4[%add3A_74, %dma_start3A_75] : memref<40x128xi32, #tpu.memory_space<vmem>> -> memref<1x128xi32, #tpu.memory_space<vmem>>
      %dma_start3A_77 = tpu.memref_squeeze %dma_start3A_76 : memref<1x128xi32, #tpu.memory_space<vmem>> -> memref<128xi32, #tpu.memory_space<vmem>>
      %dma_start3A_78 = arith.constant 0 : i32
      %dma_start3A_79 = arith.constant 0 : i32
      %dma_start3A_80 = tpu.memref_slice %arg6[%dma_start3A_78, %dma_start3A_79] : memref<10240x128xf32, #tpu.memory_space<vmem_shared>> -> memref<10240x128xf32, #tpu.memory_space<vmem_shared>>
      tpu.enqueue_indirect_dma source(%arg5 : memref<128x128xf32, #tpu.memory_space<vmem>>) target(%dma_start3A_80 : memref<10240x128xf32, #tpu.memory_space<vmem_shared>>) offsets(%dma_start3A_77 : memref<128xi32, #tpu.memory_space<vmem>>) semaphore(%arg8 : memref<!tpu.dma_semaphore, #tpu.memory_space<semaphore_mem>>) {add = true}
      %dma_wait3A = arith.constant 0 : i32
      %dma_wait3A_81 = tpu.memref_slice %arg4[%mul3A_67, %dma_wait3A] : memref<40x128xi32, #tpu.memory_space<vmem>> -> memref<1x128xi32, #tpu.memory_space<vmem>>
      %dma_wait3A_82 = tpu.memref_squeeze %dma_wait3A_81 : memref<1x128xi32, #tpu.memory_space<vmem>> -> memref<128xi32, #tpu.memory_space<vmem>>
      %dma_wait3A_83 = arith.constant 0 : i32
      %dma_wait3A_84 = arith.constant 0 : i32
      %dma_wait3A_85 = tpu.memref_slice %arg6[%dma_wait3A_83, %dma_wait3A_84] : memref<10240x128xf32, #tpu.memory_space<vmem_shared>> -> memref<10240x128xf32, #tpu.memory_space<vmem_shared>>
      tpu.wait_indirect_dma semaphore(%arg7 : memref<!tpu.dma_semaphore, #tpu.memory_space<semaphore_mem>>) src(%arg5 : memref<128x128xf32, #tpu.memory_space<vmem>>) dst(%dma_wait3A_85 : memref<10240x128xf32, #tpu.memory_space<vmem_shared>>)
      %add3A_86 = arith.constant 1 : i32
      %add3A_87 = arith.addi %mul3A_67, %add3A_86 : i32
      %dma_wait3A_88 = arith.constant 0 : i32
      %dma_wait3A_89 = tpu.memref_slice %arg4[%add3A_87, %dma_wait3A_88] : memref<40x128xi32, #tpu.memory_space<vmem>> -> memref<1x128xi32, #tpu.memory_space<vmem>>
      %dma_wait3A_90 = tpu.memref_squeeze %dma_wait3A_89 : memref<1x128xi32, #tpu.memory_space<vmem>> -> memref<128xi32, #tpu.memory_space<vmem>>
      %dma_wait3A_91 = arith.constant 0 : i32
      %dma_wait3A_92 = arith.constant 0 : i32
      %dma_wait3A_93 = tpu.memref_slice %arg6[%dma_wait3A_91, %dma_wait3A_92] : memref<10240x128xf32, #tpu.memory_space<vmem_shared>> -> memref<10240x128xf32, #tpu.memory_space<vmem_shared>>
      tpu.wait_indirect_dma semaphore(%arg8 : memref<!tpu.dma_semaphore, #tpu.memory_space<semaphore_mem>>) src(%arg5 : memref<128x128xf32, #tpu.memory_space<vmem>>) dst(%dma_wait3A_93 : memref<10240x128xf32, #tpu.memory_space<vmem_shared>>)
    }
    %scan3A_43 = arith.constant 20 : i32
    %barrier3A_44 = arith.constant 0 : index
    tpu.barrier barrier_id(%barrier3A_44)
    %mul3A_45 = arith.constant 640 : i32
    %mul3A_46 = arith.muli %arg1, %mul3A_45 : i32
    %add3A_47 = arith.constant 0 : i32
    %add3A_48 = arith.addi %mul3A_46, %add3A_47 : i32
    "tpu.region"() ({
      %run_scoped3A = tpu.sem_alloc : memref<!tpu.dma_semaphore, #tpu.memory_space<semaphore_mem>>
      %dma_start3A = arith.constant 0 : i32
      %dma_start3A_65 = tpu.memref_slice %arg6[%add3A_48, %dma_start3A] : memref<10240x128xf32, #tpu.memory_space<vmem_shared>> -> memref<128x128xf32, #tpu.memory_space<vmem_shared>>
      %dma_start3A_66 = arith.constant 0 : i32
      %dma_start3A_67 = tpu.memref_slice %arg6[%add3A_48, %dma_start3A_66] : memref<10240x128xf32, #tpu.memory_space<vmem_shared>> -> memref<128x128xf32, #tpu.memory_space<vmem_shared>>
      tpu.enqueue_dma source(%dma_start3A_67 : memref<128x128xf32, #tpu.memory_space<vmem_shared>>) target(%arg5 : memref<128x128xf32, #tpu.memory_space<vmem>>) target_semaphore(%run_scoped3A : memref<!tpu.dma_semaphore, #tpu.memory_space<semaphore_mem>>)
      %dma_wait3A = arith.constant 0 : i32
      %dma_wait3A_68 = tpu.memref_slice %arg6[%add3A_48, %dma_wait3A] : memref<10240x128xf32, #tpu.memory_space<vmem_shared>> -> memref<128x128xf32, #tpu.memory_space<vmem_shared>>
      %dma_wait3A_69 = arith.constant 0 : i32
      %dma_wait3A_70 = tpu.memref_slice %arg6[%add3A_48, %dma_wait3A_69] : memref<10240x128xf32, #tpu.memory_space<vmem_shared>> -> memref<128x128xf32, #tpu.memory_space<vmem_shared>>
      tpu.wait_dma2 semaphore(%run_scoped3A : memref<!tpu.dma_semaphore, #tpu.memory_space<semaphore_mem>>) src(%dma_wait3A_70 : memref<128x128xf32, #tpu.memory_space<vmem_shared>>) dst(%arg5 : memref<128x128xf32, #tpu.memory_space<vmem>>)
      tpu.yield
    }) : () -> ()
    "tpu.region"() ({
      %run_scoped3A = tpu.sem_alloc : memref<!tpu.dma_semaphore, #tpu.memory_space<semaphore_mem>>
      %dma_start3A = arith.constant 0 : i32
      %dma_start3A_65 = tpu.memref_slice %arg3[%arg0, %add3A_48, %dma_start3A] : memref<2x10240x128xf32, #tpu.memory_space<hbm>> -> memref<1x128x128xf32, #tpu.memory_space<hbm>>
      %dma_start3A_66 = tpu.memref_squeeze %dma_start3A_65 : memref<1x128x128xf32, #tpu.memory_space<hbm>> -> memref<128x128xf32, #tpu.memory_space<hbm>>
      %dma_start3A_67 = arith.constant 0 : i32
      %dma_start3A_68 = tpu.memref_slice %arg3[%arg0, %add3A_48, %dma_start3A_67] : memref<2x10240x128xf32, #tpu.memory_space<hbm>> -> memref<1x128x128xf32, #tpu.memory_space<hbm>>
      %dma_start3A_69 = tpu.memref_squeeze %dma_start3A_68 : memref<1x128x128xf32, #tpu.memory_space<hbm>> -> memref<128x128xf32, #tpu.memory_space<hbm>>
      tpu.enqueue_dma source(%arg5 : memref<128x128xf32, #tpu.memory_space<vmem>>) target(%dma_start3A_69 : memref<128x128xf32, #tpu.memory_space<hbm>>) target_semaphore(%run_scoped3A : memref<!tpu.dma_semaphore, #tpu.memory_space<semaphore_mem>>)
      %dma_wait3A = arith.constant 0 : i32
      %dma_wait3A_70 = tpu.memref_slice %arg3[%arg0, %add3A_48, %dma_wait3A] : memref<2x10240x128xf32, #tpu.memory_space<hbm>> -> memref<1x128x128xf32, #tpu.memory_space<hbm>>
      %dma_wait3A_71 = tpu.memref_squeeze %dma_wait3A_70 : memref<1x128x128xf32, #tpu.memory_space<hbm>> -> memref<128x128xf32, #tpu.memory_space<hbm>>
      %dma_wait3A_72 = arith.constant 0 : i32
      %dma_wait3A_73 = tpu.memref_slice %arg3[%arg0, %add3A_48, %dma_wait3A_72] : memref<2x10240x128xf32, #tpu.memory_space<hbm>> -> memref<1x128x128xf32, #tpu.memory_space<hbm>>
      %dma_wait3A_74 = tpu.memref_squeeze %dma_wait3A_73 : memref<1x128x128xf32, #tpu.memory_space<hbm>> -> memref<128x128xf32, #tpu.memory_space<hbm>>
      tpu.wait_dma2 semaphore(%run_scoped3A : memref<!tpu.dma_semaphore, #tpu.memory_space<semaphore_mem>>) src(%arg5 : memref<128x128xf32, #tpu.memory_space<vmem>>) dst(%dma_wait3A_74 : memref<128x128xf32, #tpu.memory_space<hbm>>)
      tpu.yield
    }) : () -> ()
    %mul3A_49 = arith.constant 640 : i32
    %mul3A_50 = arith.muli %arg1, %mul3A_49 : i32
    %add3A_51 = arith.constant 128 : i32
    %add3A_52 = arith.addi %mul3A_50, %add3A_51 : i32
    "tpu.region"() ({
      %run_scoped3A = tpu.sem_alloc : memref<!tpu.dma_semaphore, #tpu.memory_space<semaphore_mem>>
      %dma_start3A = arith.constant 0 : i32
      %dma_start3A_65 = tpu.memref_slice %arg6[%add3A_52, %dma_start3A] : memref<10240x128xf32, #tpu.memory_space<vmem_shared>> -> memref<128x128xf32, #tpu.memory_space<vmem_shared>>
      %dma_start3A_66 = arith.constant 0 : i32
      %dma_start3A_67 = tpu.memref_slice %arg6[%add3A_52, %dma_start3A_66] : memref<10240x128xf32, #tpu.memory_space<vmem_shared>> -> memref<128x128xf32, #tpu.memory_space<vmem_shared>>
      tpu.enqueue_dma source(%dma_start3A_67 : memref<128x128xf32, #tpu.memory_space<vmem_shared>>) target(%arg5 : memref<128x128xf32, #tpu.memory_space<vmem>>) target_semaphore(%run_scoped3A : memref<!tpu.dma_semaphore, #tpu.memory_space<semaphore_mem>>)
      %dma_wait3A = arith.constant 0 : i32
      %dma_wait3A_68 = tpu.memref_slice %arg6[%add3A_52, %dma_wait3A] : memref<10240x128xf32, #tpu.memory_space<vmem_shared>> -> memref<128x128xf32, #tpu.memory_space<vmem_shared>>
      %dma_wait3A_69 = arith.constant 0 : i32
      %dma_wait3A_70 = tpu.memref_slice %arg6[%add3A_52, %dma_wait3A_69] : memref<10240x128xf32, #tpu.memory_space<vmem_shared>> -> memref<128x128xf32, #tpu.memory_space<vmem_shared>>
      tpu.wait_dma2 semaphore(%run_scoped3A : memref<!tpu.dma_semaphore, #tpu.memory_space<semaphore_mem>>) src(%dma_wait3A_70 : memref<128x128xf32, #tpu.memory_space<vmem_shared>>) dst(%arg5 : memref<128x128xf32, #tpu.memory_space<vmem>>)
      tpu.yield
    }) : () -> ()
    "tpu.region"() ({
      %run_scoped3A = tpu.sem_alloc : memref<!tpu.dma_semaphore, #tpu.memory_space<semaphore_mem>>
      %dma_start3A = arith.constant 0 : i32
      %dma_start3A_65 = tpu.memref_slice %arg3[%arg0, %add3A_52, %dma_start3A] : memref<2x10240x128xf32, #tpu.memory_space<hbm>> -> memref<1x128x128xf32, #tpu.memory_space<hbm>>
      %dma_start3A_66 = tpu.memref_squeeze %dma_start3A_65 : memref<1x128x128xf32, #tpu.memory_space<hbm>> -> memref<128x128xf32, #tpu.memory_space<hbm>>
      %dma_start3A_67 = arith.constant 0 : i32
      %dma_start3A_68 = tpu.memref_slice %arg3[%arg0, %add3A_52, %dma_start3A_67] : memref<2x10240x128xf32, #tpu.memory_space<hbm>> -> memref<1x128x128xf32, #tpu.memory_space<hbm>>
      %dma_start3A_69 = tpu.memref_squeeze %dma_start3A_68 : memref<1x128x128xf32, #tpu.memory_space<hbm>> -> memref<128x128xf32, #tpu.memory_space<hbm>>
      tpu.enqueue_dma source(%arg5 : memref<128x128xf32, #tpu.memory_space<vmem>>) target(%dma_start3A_69 : memref<128x128xf32, #tpu.memory_space<hbm>>) target_semaphore(%run_scoped3A : memref<!tpu.dma_semaphore, #tpu.memory_space<semaphore_mem>>)
      %dma_wait3A = arith.constant 0 : i32
      %dma_wait3A_70 = tpu.memref_slice %arg3[%arg0, %add3A_52, %dma_wait3A] : memref<2x10240x128xf32, #tpu.memory_space<hbm>> -> memref<1x128x128xf32, #tpu.memory_space<hbm>>
      %dma_wait3A_71 = tpu.memref_squeeze %dma_wait3A_70 : memref<1x128x128xf32, #tpu.memory_space<hbm>> -> memref<128x128xf32, #tpu.memory_space<hbm>>
      %dma_wait3A_72 = arith.constant 0 : i32
      %dma_wait3A_73 = tpu.memref_slice %arg3[%arg0, %add3A_52, %dma_wait3A_72] : memref<2x10240x128xf32, #tpu.memory_space<hbm>> -> memref<1x128x128xf32, #tpu.memory_space<hbm>>
      %dma_wait3A_74 = tpu.memref_squeeze %dma_wait3A_73 : memref<1x128x128xf32, #tpu.memory_space<hbm>> -> memref<128x128xf32, #tpu.memory_space<hbm>>
      tpu.wait_dma2 semaphore(%run_scoped3A : memref<!tpu.dma_semaphore, #tpu.memory_space<semaphore_mem>>) src(%arg5 : memref<128x128xf32, #tpu.memory_space<vmem>>) dst(%dma_wait3A_74 : memref<128x128xf32, #tpu.memory_space<hbm>>)
      tpu.yield
    }) : () -> ()
    %mul3A_53 = arith.constant 640 : i32
    %mul3A_54 = arith.muli %arg1, %mul3A_53 : i32
    %add3A_55 = arith.constant 256 : i32
    %add3A_56 = arith.addi %mul3A_54, %add3A_55 : i32
    "tpu.region"() ({
      %run_scoped3A = tpu.sem_alloc : memref<!tpu.dma_semaphore, #tpu.memory_space<semaphore_mem>>
      %dma_start3A = arith.constant 0 : i32
      %dma_start3A_65 = tpu.memref_slice %arg6[%add3A_56, %dma_start3A] : memref<10240x128xf32, #tpu.memory_space<vmem_shared>> -> memref<128x128xf32, #tpu.memory_space<vmem_shared>>
      %dma_start3A_66 = arith.constant 0 : i32
      %dma_start3A_67 = tpu.memref_slice %arg6[%add3A_56, %dma_start3A_66] : memref<10240x128xf32, #tpu.memory_space<vmem_shared>> -> memref<128x128xf32, #tpu.memory_space<vmem_shared>>
      tpu.enqueue_dma source(%dma_start3A_67 : memref<128x128xf32, #tpu.memory_space<vmem_shared>>) target(%arg5 : memref<128x128xf32, #tpu.memory_space<vmem>>) target_semaphore(%run_scoped3A : memref<!tpu.dma_semaphore, #tpu.memory_space<semaphore_mem>>)
      %dma_wait3A = arith.constant 0 : i32
      %dma_wait3A_68 = tpu.memref_slice %arg6[%add3A_56, %dma_wait3A] : memref<10240x128xf32, #tpu.memory_space<vmem_shared>> -> memref<128x128xf32, #tpu.memory_space<vmem_shared>>
      %dma_wait3A_69 = arith.constant 0 : i32
      %dma_wait3A_70 = tpu.memref_slice %arg6[%add3A_56, %dma_wait3A_69] : memref<10240x128xf32, #tpu.memory_space<vmem_shared>> -> memref<128x128xf32, #tpu.memory_space<vmem_shared>>
      tpu.wait_dma2 semaphore(%run_scoped3A : memref<!tpu.dma_semaphore, #tpu.memory_space<semaphore_mem>>) src(%dma_wait3A_70 : memref<128x128xf32, #tpu.memory_space<vmem_shared>>) dst(%arg5 : memref<128x128xf32, #tpu.memory_space<vmem>>)
      tpu.yield
    }) : () -> ()
    "tpu.region"() ({
      %run_scoped3A = tpu.sem_alloc : memref<!tpu.dma_semaphore, #tpu.memory_space<semaphore_mem>>
      %dma_start3A = arith.constant 0 : i32
      %dma_start3A_65 = tpu.memref_slice %arg3[%arg0, %add3A_56, %dma_start3A] : memref<2x10240x128xf32, #tpu.memory_space<hbm>> -> memref<1x128x128xf32, #tpu.memory_space<hbm>>
      %dma_start3A_66 = tpu.memref_squeeze %dma_start3A_65 : memref<1x128x128xf32, #tpu.memory_space<hbm>> -> memref<128x128xf32, #tpu.memory_space<hbm>>
      %dma_start3A_67 = arith.constant 0 : i32
      %dma_start3A_68 = tpu.memref_slice %arg3[%arg0, %add3A_56, %dma_start3A_67] : memref<2x10240x128xf32, #tpu.memory_space<hbm>> -> memref<1x128x128xf32, #tpu.memory_space<hbm>>
      %dma_start3A_69 = tpu.memref_squeeze %dma_start3A_68 : memref<1x128x128xf32, #tpu.memory_space<hbm>> -> memref<128x128xf32, #tpu.memory_space<hbm>>
      tpu.enqueue_dma source(%arg5 : memref<128x128xf32, #tpu.memory_space<vmem>>) target(%dma_start3A_69 : memref<128x128xf32, #tpu.memory_space<hbm>>) target_semaphore(%run_scoped3A : memref<!tpu.dma_semaphore, #tpu.memory_space<semaphore_mem>>)
      %dma_wait3A = arith.constant 0 : i32
      %dma_wait3A_70 = tpu.memref_slice %arg3[%arg0, %add3A_56, %dma_wait3A] : memref<2x10240x128xf32, #tpu.memory_space<hbm>> -> memref<1x128x128xf32, #tpu.memory_space<hbm>>
      %dma_wait3A_71 = tpu.memref_squeeze %dma_wait3A_70 : memref<1x128x128xf32, #tpu.memory_space<hbm>> -> memref<128x128xf32, #tpu.memory_space<hbm>>
      %dma_wait3A_72 = arith.constant 0 : i32
      %dma_wait3A_73 = tpu.memref_slice %arg3[%arg0, %add3A_56, %dma_wait3A_72] : memref<2x10240x128xf32, #tpu.memory_space<hbm>> -> memref<1x128x128xf32, #tpu.memory_space<hbm>>
      %dma_wait3A_74 = tpu.memref_squeeze %dma_wait3A_73 : memref<1x128x128xf32, #tpu.memory_space<hbm>> -> memref<128x128xf32, #tpu.memory_space<hbm>>
      tpu.wait_dma2 semaphore(%run_scoped3A : memref<!tpu.dma_semaphore, #tpu.memory_space<semaphore_mem>>) src(%arg5 : memref<128x128xf32, #tpu.memory_space<vmem>>) dst(%dma_wait3A_74 : memref<128x128xf32, #tpu.memory_space<hbm>>)
      tpu.yield
    }) : () -> ()
    %mul3A_57 = arith.constant 640 : i32
    %mul3A_58 = arith.muli %arg1, %mul3A_57 : i32
    %add3A_59 = arith.constant 384 : i32
    %add3A_60 = arith.addi %mul3A_58, %add3A_59 : i32
    "tpu.region"() ({
      %run_scoped3A = tpu.sem_alloc : memref<!tpu.dma_semaphore, #tpu.memory_space<semaphore_mem>>
      %dma_start3A = arith.constant 0 : i32
      %dma_start3A_65 = tpu.memref_slice %arg6[%add3A_60, %dma_start3A] : memref<10240x128xf32, #tpu.memory_space<vmem_shared>> -> memref<128x128xf32, #tpu.memory_space<vmem_shared>>
      %dma_start3A_66 = arith.constant 0 : i32
      %dma_start3A_67 = tpu.memref_slice %arg6[%add3A_60, %dma_start3A_66] : memref<10240x128xf32, #tpu.memory_space<vmem_shared>> -> memref<128x128xf32, #tpu.memory_space<vmem_shared>>
      tpu.enqueue_dma source(%dma_start3A_67 : memref<128x128xf32, #tpu.memory_space<vmem_shared>>) target(%arg5 : memref<128x128xf32, #tpu.memory_space<vmem>>) target_semaphore(%run_scoped3A : memref<!tpu.dma_semaphore, #tpu.memory_space<semaphore_mem>>)
      %dma_wait3A = arith.constant 0 : i32
      %dma_wait3A_68 = tpu.memref_slice %arg6[%add3A_60, %dma_wait3A] : memref<10240x128xf32, #tpu.memory_space<vmem_shared>> -> memref<128x128xf32, #tpu.memory_space<vmem_shared>>
      %dma_wait3A_69 = arith.constant 0 : i32
      %dma_wait3A_70 = tpu.memref_slice %arg6[%add3A_60, %dma_wait3A_69] : memref<10240x128xf32, #tpu.memory_space<vmem_shared>> -> memref<128x128xf32, #tpu.memory_space<vmem_shared>>
      tpu.wait_dma2 semaphore(%run_scoped3A : memref<!tpu.dma_semaphore, #tpu.memory_space<semaphore_mem>>) src(%dma_wait3A_70 : memref<128x128xf32, #tpu.memory_space<vmem_shared>>) dst(%arg5 : memref<128x128xf32, #tpu.memory_space<vmem>>)
      tpu.yield
    }) : () -> ()
    "tpu.region"() ({
      %run_scoped3A = tpu.sem_alloc : memref<!tpu.dma_semaphore, #tpu.memory_space<semaphore_mem>>
      %dma_start3A = arith.constant 0 : i32
      %dma_start3A_65 = tpu.memref_slice %arg3[%arg0, %add3A_60, %dma_start3A] : memref<2x10240x128xf32, #tpu.memory_space<hbm>> -> memref<1x128x128xf32, #tpu.memory_space<hbm>>
      %dma_start3A_66 = tpu.memref_squeeze %dma_start3A_65 : memref<1x128x128xf32, #tpu.memory_space<hbm>> -> memref<128x128xf32, #tpu.memory_space<hbm>>
      %dma_start3A_67 = arith.constant 0 : i32
      %dma_start3A_68 = tpu.memref_slice %arg3[%arg0, %add3A_60, %dma_start3A_67] : memref<2x10240x128xf32, #tpu.memory_space<hbm>> -> memref<1x128x128xf32, #tpu.memory_space<hbm>>
      %dma_start3A_69 = tpu.memref_squeeze %dma_start3A_68 : memref<1x128x128xf32, #tpu.memory_space<hbm>> -> memref<128x128xf32, #tpu.memory_space<hbm>>
      tpu.enqueue_dma source(%arg5 : memref<128x128xf32, #tpu.memory_space<vmem>>) target(%dma_start3A_69 : memref<128x128xf32, #tpu.memory_space<hbm>>) target_semaphore(%run_scoped3A : memref<!tpu.dma_semaphore, #tpu.memory_space<semaphore_mem>>)
      %dma_wait3A = arith.constant 0 : i32
      %dma_wait3A_70 = tpu.memref_slice %arg3[%arg0, %add3A_60, %dma_wait3A] : memref<2x10240x128xf32, #tpu.memory_space<hbm>> -> memref<1x128x128xf32, #tpu.memory_space<hbm>>
      %dma_wait3A_71 = tpu.memref_squeeze %dma_wait3A_70 : memref<1x128x128xf32, #tpu.memory_space<hbm>> -> memref<128x128xf32, #tpu.memory_space<hbm>>
      %dma_wait3A_72 = arith.constant 0 : i32
      %dma_wait3A_73 = tpu.memref_slice %arg3[%arg0, %add3A_60, %dma_wait3A_72] : memref<2x10240x128xf32, #tpu.memory_space<hbm>> -> memref<1x128x128xf32, #tpu.memory_space<hbm>>
      %dma_wait3A_74 = tpu.memref_squeeze %dma_wait3A_73 : memref<1x128x128xf32, #tpu.memory_space<hbm>> -> memref<128x128xf32, #tpu.memory_space<hbm>>
      tpu.wait_dma2 semaphore(%run_scoped3A : memref<!tpu.dma_semaphore, #tpu.memory_space<semaphore_mem>>) src(%arg5 : memref<128x128xf32, #tpu.memory_space<vmem>>) dst(%dma_wait3A_74 : memref<128x128xf32, #tpu.memory_space<hbm>>)
      tpu.yield
    }) : () -> ()
    %mul3A_61 = arith.constant 640 : i32
    %mul3A_62 = arith.muli %arg1, %mul3A_61 : i32
    %add3A_63 = arith.constant 512 : i32
    %add3A_64 = arith.addi %mul3A_62, %add3A_63 : i32
    "tpu.region"() ({
      %run_scoped3A = tpu.sem_alloc : memref<!tpu.dma_semaphore, #tpu.memory_space<semaphore_mem>>
      %dma_start3A = arith.constant 0 : i32
      %dma_start3A_65 = tpu.memref_slice %arg6[%add3A_64, %dma_start3A] : memref<10240x128xf32, #tpu.memory_space<vmem_shared>> -> memref<128x128xf32, #tpu.memory_space<vmem_shared>>
      %dma_start3A_66 = arith.constant 0 : i32
      %dma_start3A_67 = tpu.memref_slice %arg6[%add3A_64, %dma_start3A_66] : memref<10240x128xf32, #tpu.memory_space<vmem_shared>> -> memref<128x128xf32, #tpu.memory_space<vmem_shared>>
      tpu.enqueue_dma source(%dma_start3A_67 : memref<128x128xf32, #tpu.memory_space<vmem_shared>>) target(%arg5 : memref<128x128xf32, #tpu.memory_space<vmem>>) target_semaphore(%run_scoped3A : memref<!tpu.dma_semaphore, #tpu.memory_space<semaphore_mem>>)
      %dma_wait3A = arith.constant 0 : i32
      %dma_wait3A_68 = tpu.memref_slice %arg6[%add3A_64, %dma_wait3A] : memref<10240x128xf32, #tpu.memory_space<vmem_shared>> -> memref<128x128xf32, #tpu.memory_space<vmem_shared>>
      %dma_wait3A_69 = arith.constant 0 : i32
      %dma_wait3A_70 = tpu.memref_slice %arg6[%add3A_64, %dma_wait3A_69] : memref<10240x128xf32, #tpu.memory_space<vmem_shared>> -> memref<128x128xf32, #tpu.memory_space<vmem_shared>>
      tpu.wait_dma2 semaphore(%run_scoped3A : memref<!tpu.dma_semaphore, #tpu.memory_space<semaphore_mem>>) src(%dma_wait3A_70 : memref<128x128xf32, #tpu.memory_space<vmem_shared>>) dst(%arg5 : memref<128x128xf32, #tpu.memory_space<vmem>>)
      tpu.yield
    }) : () -> ()
    "tpu.region"() ({
      %run_scoped3A = tpu.sem_alloc : memref<!tpu.dma_semaphore, #tpu.memory_space<semaphore_mem>>
      %dma_start3A = arith.constant 0 : i32
      %dma_start3A_65 = tpu.memref_slice %arg3[%arg0, %add3A_64, %dma_start3A] : memref<2x10240x128xf32, #tpu.memory_space<hbm>> -> memref<1x128x128xf32, #tpu.memory_space<hbm>>
      %dma_start3A_66 = tpu.memref_squeeze %dma_start3A_65 : memref<1x128x128xf32, #tpu.memory_space<hbm>> -> memref<128x128xf32, #tpu.memory_space<hbm>>
      %dma_start3A_67 = arith.constant 0 : i32
      %dma_start3A_68 = tpu.memref_slice %arg3[%arg0, %add3A_64, %dma_start3A_67] : memref<2x10240x128xf32, #tpu.memory_space<hbm>> -> memref<1x128x128xf32, #tpu.memory_space<hbm>>
      %dma_start3A_69 = tpu.memref_squeeze %dma_start3A_68 : memref<1x128x128xf32, #tpu.memory_space<hbm>> -> memref<128x128xf32, #tpu.memory_space<hbm>>
      tpu.enqueue_dma source(%arg5 : memref<128x128xf32, #tpu.memory_space<vmem>>) target(%dma_start3A_69 : memref<128x128xf32, #tpu.memory_space<hbm>>) target_semaphore(%run_scoped3A : memref<!tpu.dma_semaphore, #tpu.memory_space<semaphore_mem>>)
      %dma_wait3A = arith.constant 0 : i32
      %dma_wait3A_70 = tpu.memref_slice %arg3[%arg0, %add3A_64, %dma_wait3A] : memref<2x10240x128xf32, #tpu.memory_space<hbm>> -> memref<1x128x128xf32, #tpu.memory_space<hbm>>
      %dma_wait3A_71 = tpu.memref_squeeze %dma_wait3A_70 : memref<1x128x128xf32, #tpu.memory_space<hbm>> -> memref<128x128xf32, #tpu.memory_space<hbm>>
      %dma_wait3A_72 = arith.constant 0 : i32
      %dma_wait3A_73 = tpu.memref_slice %arg3[%arg0, %add3A_64, %dma_wait3A_72] : memref<2x10240x128xf32, #tpu.memory_space<hbm>> -> memref<1x128x128xf32, #tpu.memory_space<hbm>>
      %dma_wait3A_74 = tpu.memref_squeeze %dma_wait3A_73 : memref<1x128x128xf32, #tpu.memory_space<hbm>> -> memref<128x128xf32, #tpu.memory_space<hbm>>
      tpu.wait_dma2 semaphore(%run_scoped3A : memref<!tpu.dma_semaphore, #tpu.memory_space<semaphore_mem>>) src(%arg5 : memref<128x128xf32, #tpu.memory_space<vmem>>) dst(%dma_wait3A_74 : memref<128x128xf32, #tpu.memory_space<hbm>>)
      tpu.yield
    }) : () -> ()
    return
  }
}

module attributes {stable_mosaic.version = 14 : i64} {
  func.func @_kc_body(%arg0: i32, %arg1: memref<2x1000x128xf32, #tpu.memory_space<vmem>>, %arg2: memref<1000x128xf32, #tpu.memory_space<vmem>>, %arg3: memref<1000x1xf32, #tpu.memory_space<vmem>>, %arg4: memref<1x128xf32, #tpu.memory_space<vmem>>, %arg5: memref<128x128xf32, #tpu.memory_space<vmem>>, %arg6: memref<1000x128xf32, #tpu.memory_space<vmem>>) attributes {dimension_semantics = [#tpu.dimension_semantics<arbitrary>], iteration_bounds = array<i64: 10>, scalar_prefetch = 0 : i64, scratch_operands = 0 : i64, tpu.core_type = #tpu.core_type<tc>, window_params = [{transform_indices = @transform_0, window_bounds = array<i64: 2, 1000, 128>}, {transform_indices = @transform_1, window_bounds = array<i64: 1000, 128>}, {transform_indices = @transform_2, window_bounds = array<i64: 1000, 1>}, {pipeline_mode = #tpu.pipeline_mode<synchronous>, transform_indices = @transform_3, window_bounds = array<i64: 1, 128>}, {pipeline_mode = #tpu.pipeline_mode<synchronous>, transform_indices = @transform_4, window_bounds = array<i64: 128, 128>}, {transform_indices = @transform_5, window_bounds = array<i64: 1000, 128>}]} {
    %get3A = arith.constant 0 : index
    %get3A_0 = arith.constant 0 : index
    %get3A_1 = vector.load %arg3[%get3A, %get3A_0] : memref<1000x1xf32, #tpu.memory_space<vmem>>, vector<1000x1xf32>
    %get3A_2 = arith.constant 0 : index
    %get3A_3 = arith.constant 0 : index
    %get3A_4 = arith.constant 0 : index
    %get3A_5 = vector.load %arg1[%get3A_2, %get3A_3, %get3A_4] : memref<2x1000x128xf32, #tpu.memory_space<vmem>>, vector<1x1000x128xf32>
    %get3A_6 = vector.shape_cast %get3A_5 : vector<1x1000x128xf32> to vector<1000x128xf32>
    %get3A_7 = arith.constant 1 : index
    %get3A_8 = arith.constant 0 : index
    %get3A_9 = arith.constant 0 : index
    %get3A_10 = vector.load %arg1[%get3A_7, %get3A_8, %get3A_9] : memref<2x1000x128xf32, #tpu.memory_space<vmem>>, vector<1x1000x128xf32>
    %get3A_11 = vector.shape_cast %get3A_10 : vector<1x1000x128xf32> to vector<1000x128xf32>
    %add3A = arith.addf %get3A_6, %get3A_11 : vector<1000x128xf32>
    %get3A_12 = arith.constant 0 : index
    %get3A_13 = arith.constant 0 : index
    %get3A_14 = vector.load %arg2[%get3A_12, %get3A_13] : memref<1000x128xf32, #tpu.memory_space<vmem>>, vector<1000x128xf32>
    %add3A_15 = arith.addf %add3A, %get3A_14 : vector<1000x128xf32>
    %mul3A = vector.broadcast %get3A_1 : vector<1000x1xf32> to vector<1000x128xf32>
    %mul3A_16 = arith.mulf %mul3A, %add3A_15 : vector<1000x128xf32>
    %get3A_17 = arith.constant 0 : index
    %get3A_18 = arith.constant 0 : index
    %get3A_19 = vector.load %arg4[%get3A_17, %get3A_18] : memref<1x128xf32, #tpu.memory_space<vmem>>, vector<1x128xf32>
    %add3A_20 = vector.broadcast %get3A_19 : vector<1x128xf32> to vector<1000x128xf32>
    %add3A_21 = arith.addf %mul3A_16, %add3A_20 : vector<1000x128xf32>
    %max3A = arith.constant 0.000000e+00 : f32
    %max3A_22 = vector.broadcast %max3A : f32 to vector<1000x128xf32>
    %max3A_23 = arith.maximumf %add3A_21, %max3A_22 : vector<1000x128xf32>
    %get3A_24 = arith.constant 0 : index
    %get3A_25 = arith.constant 0 : index
    %get3A_26 = vector.load %arg5[%get3A_24, %get3A_25] : memref<128x128xf32, #tpu.memory_space<vmem>>, vector<128x128xf32>
    %dot_general3A = arith.constant dense<0.000000e+00> : vector<1000x128xf32>
    %dot_general3A_27 = tpu.matmul %max3A_23, %get3A_26, %dot_general3A {dimension_numbers = #tpu.dot_dimension_numbers<[1], [0], [0], [1], [0, 0, 1, 1], [], []>, transpose_lhs_hint = false} : vector<1000x128xf32>, vector<128x128xf32>, vector<1000x128xf32> -> vector<1000x128xf32>
    %mul3A_28 = vector.broadcast %get3A_1 : vector<1000x1xf32> to vector<1000x128xf32>
    %mul3A_29 = arith.mulf %dot_general3A_27, %mul3A_28 : vector<1000x128xf32>
    %swap3A = arith.constant 0 : index
    %swap3A_30 = arith.constant 0 : index
    %swap3A_31 = vector.load %arg6[%swap3A, %swap3A_30] : memref<1000x128xf32, #tpu.memory_space<vmem>>, vector<1000x128xf32>
    tpu.vector_store %arg6[%swap3A, %swap3A_30], %mul3A_29 {strides = array<i32>} : memref<1000x128xf32, #tpu.memory_space<vmem>>, vector<1000x128xf32>,
    return
  }
  func.func @transform_0(%arg0: i32) -> (i32, i32, i32) {
    %c0_i32 = arith.constant 0 : i32
    %c0_i32_0 = arith.constant 0 : i32
    %c0_i32_1 = arith.constant 0 : i32
    return %c0_i32, %arg0, %c0_i32_0 : i32, i32, i32
  }
  func.func @transform_1(%arg0: i32) -> (i32, i32) {
    %c0_i32 = arith.constant 0 : i32
    %c0_i32_0 = arith.constant 0 : i32
    return %arg0, %c0_i32 : i32, i32
  }
  func.func @transform_2(%arg0: i32) -> (i32, i32) {
    %c0_i32 = arith.constant 0 : i32
    %c0_i32_0 = arith.constant 0 : i32
    return %arg0, %c0_i32 : i32, i32
  }
  func.func @transform_3(%arg0: i32) -> (i32, i32) {
    %c0_i32 = arith.constant 0 : i32
    %c0_i32_0 = arith.constant 0 : i32
    %c0_i32_1 = arith.constant 0 : i32
    return %c0_i32, %c0_i32_0 : i32, i32
  }
  func.func @transform_4(%arg0: i32) -> (i32, i32) {
    %c0_i32 = arith.constant 0 : i32
    %c0_i32_0 = arith.constant 0 : i32
    %c0_i32_1 = arith.constant 0 : i32
    return %c0_i32, %c0_i32_0 : i32, i32
  }
  func.func @transform_5(%arg0: i32) -> (i32, i32) {
    %c0_i32 = arith.constant 0 : i32
    %c0_i32_0 = arith.constant 0 : i32
    return %arg0, %c0_i32 : i32, i32
  }
}

module attributes {stable_mosaic.version = 14 : i64} {
  func.func @_k1_body(%arg0: i32, %arg1: memref<1000x128xf32, #tpu.memory_space<vmem>>, %arg2: memref<128x128xf32, #tpu.memory_space<vmem>>, %arg3: memref<2x1000x128xf32, #tpu.memory_space<vmem>>, %arg4: memref<1000x128xf32, #tpu.memory_space<vmem>>, %arg5: memref<1000x1xf32, #tpu.memory_space<vmem>>) attributes {dimension_semantics = [#tpu.dimension_semantics<arbitrary>], iteration_bounds = array<i64: 10>, scalar_prefetch = 0 : i64, scratch_operands = 0 : i64, tpu.core_type = #tpu.core_type<tc>, window_params = [{transform_indices = @transform_0, window_bounds = array<i64: 1000, 128>}, {pipeline_mode = #tpu.pipeline_mode<synchronous>, transform_indices = @transform_1, window_bounds = array<i64: 128, 128>}, {transform_indices = @transform_2, window_bounds = array<i64: 2, 1000, 128>}, {transform_indices = @transform_3, window_bounds = array<i64: 1000, 128>}, {transform_indices = @transform_4, window_bounds = array<i64: 1000, 1>}]} {
    %get3A = arith.constant 0 : index
    %get3A_0 = arith.constant 0 : index
    %get3A_1 = arith.constant 0 : index
    %get3A_2 = vector.load %arg3[%get3A, %get3A_0, %get3A_1] : memref<2x1000x128xf32, #tpu.memory_space<vmem>>, vector<1x1000x128xf32>
    %get3A_3 = vector.shape_cast %get3A_2 : vector<1x1000x128xf32> to vector<1000x128xf32>
    %slice3A = vector.extract_strided_slice %get3A_3 {offsets = [0, 0], sizes = [1000, 1], strides = [1, 1]} : vector<1000x128xf32> to vector<1000x1xf32>
    %get3A_4 = arith.constant 1 : index
    %get3A_5 = arith.constant 0 : index
    %get3A_6 = arith.constant 0 : index
    %get3A_7 = vector.load %arg3[%get3A_4, %get3A_5, %get3A_6] : memref<2x1000x128xf32, #tpu.memory_space<vmem>>, vector<1x1000x128xf32>
    %get3A_8 = vector.shape_cast %get3A_7 : vector<1x1000x128xf32> to vector<1000x128xf32>
    %slice3A_9 = vector.extract_strided_slice %get3A_8 {offsets = [0, 0], sizes = [1000, 1], strides = [1, 1]} : vector<1000x128xf32> to vector<1000x1xf32>
    %add3A = arith.addf %slice3A, %slice3A_9 : vector<1000x1xf32>
    %add3A_10 = arith.constant 1.000000e+00 : f32
    %add3A_11 = vector.broadcast %add3A_10 : f32 to vector<1000x1xf32>
    %add3A_12 = arith.addf %add3A, %add3A_11 : vector<1000x1xf32>
    %sqrt3A = math.sqrt %add3A_12 : vector<1000x1xf32>
    %div3A = arith.constant 1.000000e+00 : f32
    %div3A_13 = vector.broadcast %div3A : f32 to vector<1000x1xf32>
    %div3A_14 = arith.divf %div3A_13, %sqrt3A : vector<1000x1xf32>
    %get3A_15 = arith.constant 0 : index
    %get3A_16 = arith.constant 0 : index
    %get3A_17 = vector.load %arg1[%get3A_15, %get3A_16] : memref<1000x128xf32, #tpu.memory_space<vmem>>, vector<1000x128xf32>
    %get3A_18 = arith.constant 0 : index
    %get3A_19 = arith.constant 0 : index
    %get3A_20 = vector.load %arg2[%get3A_18, %get3A_19] : memref<128x128xf32, #tpu.memory_space<vmem>>, vector<128x128xf32>
    %dot_general3A = arith.constant dense<0.000000e+00> : vector<1000x128xf32>
    %dot_general3A_21 = tpu.matmul %get3A_17, %get3A_20, %dot_general3A {dimension_numbers = #tpu.dot_dimension_numbers<[1], [0], [0], [1], [0, 0, 1, 1], [], []>, transpose_lhs_hint = false} : vector<1000x128xf32>, vector<128x128xf32>, vector<1000x128xf32> -> vector<1000x128xf32>
    %mul3A = vector.broadcast %div3A_14 : vector<1000x1xf32> to vector<1000x128xf32>
    %mul3A_22 = arith.mulf %dot_general3A_21, %mul3A : vector<1000x128xf32>
    %swap3A = arith.constant 0 : index
    %swap3A_23 = arith.constant 0 : index
    %swap3A_24 = vector.load %arg4[%swap3A, %swap3A_23] : memref<1000x128xf32, #tpu.memory_space<vmem>>, vector<1000x128xf32>
    tpu.vector_store %arg4[%swap3A, %swap3A_23], %mul3A_22 {strides = array<i32>} : memref<1000x128xf32, #tpu.memory_space<vmem>>, vector<1000x128xf32>,
    %swap3A_25 = arith.constant 0 : index
    %swap3A_26 = arith.constant 0 : index
    %swap3A_27 = vector.load %arg5[%swap3A_25, %swap3A_26] : memref<1000x1xf32, #tpu.memory_space<vmem>>, vector<1000x1xf32>
    tpu.vector_store %arg5[%swap3A_25, %swap3A_26], %div3A_14 {strides = array<i32>} : memref<1000x1xf32, #tpu.memory_space<vmem>>, vector<1000x1xf32>,
    return
  }
  func.func @transform_0(%arg0: i32) -> (i32, i32) {
    %c0_i32 = arith.constant 0 : i32
    %c0_i32_0 = arith.constant 0 : i32
    return %arg0, %c0_i32 : i32, i32
  }
  func.func @transform_1(%arg0: i32) -> (i32, i32) {
    %c0_i32 = arith.constant 0 : i32
    %c0_i32_0 = arith.constant 0 : i32
    %c0_i32_1 = arith.constant 0 : i32
    return %c0_i32, %c0_i32_0 : i32, i32
  }
  func.func @transform_2(%arg0: i32) -> (i32, i32, i32) {
    %c0_i32 = arith.constant 0 : i32
    %c0_i32_0 = arith.constant 0 : i32
    %c0_i32_1 = arith.constant 0 : i32
    return %c0_i32, %arg0, %c0_i32_0 : i32, i32, i32
  }
  func.func @transform_3(%arg0: i32) -> (i32, i32) {
    %c0_i32 = arith.constant 0 : i32
    %c0_i32_0 = arith.constant 0 : i32
    return %arg0, %c0_i32 : i32, i32
  }
  func.func @transform_4(%arg0: i32) -> (i32, i32) {
    %c0_i32 = arith.constant 0 : i32
    %c0_i32_0 = arith.constant 0 : i32
    return %arg0, %c0_i32 : i32, i32
  }
}

module attributes {stable_mosaic.version = 14 : i64} {
  func.func @_k7_body(%arg0: i32, %arg1: memref<2x1000x128xf32, #tpu.memory_space<vmem>>, %arg2: memref<1000x128xf32, #tpu.memory_space<vmem>>, %arg3: memref<1000x1xf32, #tpu.memory_space<vmem>>, %arg4: memref<1x128xf32, #tpu.memory_space<vmem>>, %arg5: memref<1000x1xi32, #tpu.memory_space<vmem>>, %arg6: memref<128x1xf32, #tpu.memory_space<vmem>>, %arg7: memref<1x1xf32, #tpu.memory_space<vmem>>, %arg8: memref<64x1xf32, #tpu.memory_space<vmem>>, %arg9: memref<64x128xf32, #tpu.memory_space<vmem>>, %arg10: memref<64x1xf32, #tpu.memory_space<vmem>>) attributes {dimension_semantics = [#tpu.dimension_semantics<arbitrary>], iteration_bounds = array<i64: 10>, scalar_prefetch = 0 : i64, scratch_operands = 2 : i64, tpu.core_type = #tpu.core_type<tc>, window_params = [{transform_indices = @transform_0, window_bounds = array<i64: 2, 1000, 128>}, {transform_indices = @transform_1, window_bounds = array<i64: 1000, 128>}, {transform_indices = @transform_2, window_bounds = array<i64: 1000, 1>}, {pipeline_mode = #tpu.pipeline_mode<synchronous>, transform_indices = @transform_3, window_bounds = array<i64: 1, 128>}, {transform_indices = @transform_4, window_bounds = array<i64: 1000, 1>}, {pipeline_mode = #tpu.pipeline_mode<synchronous>, transform_indices = @transform_5, window_bounds = array<i64: 128, 1>}, {pipeline_mode = #tpu.pipeline_mode<synchronous>, transform_indices = @transform_6, window_bounds = array<i64: 1, 1>}, {pipeline_mode = #tpu.pipeline_mode<synchronous>, transform_indices = @transform_7, window_bounds = array<i64: 64, 1>}]} {
    %eq3A = arith.constant 0 : i32
    %eq3A_0 = arith.cmpi eq, %arg0, %eq3A : i32
    %convert_element_type3A = arith.extui %eq3A_0 : i1 to i32
    %cond3A = arith.constant 0 : i32
    %cond3A_1 = arith.cmpi ne, %convert_element_type3A, %cond3A : i32
    scf.if %cond3A_1 {
      %broadcast_in_dim3A_56 = arith.constant 0.000000e+00 : f32
      %broadcast_in_dim3A_57 = vector.broadcast %broadcast_in_dim3A_56 : f32 to vector<64x128xf32>
      %swap3A_58 = arith.constant 0 : index
      %swap3A_59 = arith.constant 0 : index
      %swap3A_60 = vector.load %arg9[%swap3A_58, %swap3A_59] : memref<64x128xf32, #tpu.memory_space<vmem>>, vector<64x128xf32>
      tpu.vector_store %arg9[%swap3A_58, %swap3A_59], %broadcast_in_dim3A_57 {strides = array<i32>} : memref<64x128xf32, #tpu.memory_space<vmem>>, vector<64x128xf32>,
      %broadcast_in_dim3A_61 = arith.constant 0.000000e+00 : f32
      %broadcast_in_dim3A_62 = vector.broadcast %broadcast_in_dim3A_61 : f32 to vector<64x1xf32>
      %swap3A_63 = arith.constant 0 : index
      %swap3A_64 = arith.constant 0 : index
      %swap3A_65 = vector.load %arg10[%swap3A_63, %swap3A_64] : memref<64x1xf32, #tpu.memory_space<vmem>>, vector<64x1xf32>
      tpu.vector_store %arg10[%swap3A_63, %swap3A_64], %broadcast_in_dim3A_62 {strides = array<i32>} : memref<64x1xf32, #tpu.memory_space<vmem>>, vector<64x1xf32>,
    } else {
    }
    %get3A = arith.constant 0 : index
    %get3A_2 = arith.constant 0 : index
    %get3A_3 = vector.load %arg3[%get3A, %get3A_2] : memref<1000x1xf32, #tpu.memory_space<vmem>>, vector<1000x1xf32>
    %get3A_4 = arith.constant 0 : index
    %get3A_5 = arith.constant 0 : index
    %get3A_6 = arith.constant 0 : index
    %get3A_7 = vector.load %arg1[%get3A_4, %get3A_5, %get3A_6] : memref<2x1000x128xf32, #tpu.memory_space<vmem>>, vector<1x1000x128xf32>
    %get3A_8 = vector.shape_cast %get3A_7 : vector<1x1000x128xf32> to vector<1000x128xf32>
    %get3A_9 = arith.constant 1 : index
    %get3A_10 = arith.constant 0 : index
    %get3A_11 = arith.constant 0 : index
    %get3A_12 = vector.load %arg1[%get3A_9, %get3A_10, %get3A_11] : memref<2x1000x128xf32, #tpu.memory_space<vmem>>, vector<1x1000x128xf32>
    %get3A_13 = vector.shape_cast %get3A_12 : vector<1x1000x128xf32> to vector<1000x128xf32>
    %add3A = arith.addf %get3A_8, %get3A_13 : vector<1000x128xf32>
    %get3A_14 = arith.constant 0 : index
    %get3A_15 = arith.constant 0 : index
    %get3A_16 = vector.load %arg2[%get3A_14, %get3A_15] : memref<1000x128xf32, #tpu.memory_space<vmem>>, vector<1000x128xf32>
    %add3A_17 = arith.addf %add3A, %get3A_16 : vector<1000x128xf32>
    %mul3A = vector.broadcast %get3A_3 : vector<1000x1xf32> to vector<1000x128xf32>
    %mul3A_18 = arith.mulf %mul3A, %add3A_17 : vector<1000x128xf32>
    %get3A_19 = arith.constant 0 : index
    %get3A_20 = arith.constant 0 : index
    %get3A_21 = vector.load %arg4[%get3A_19, %get3A_20] : memref<1x128xf32, #tpu.memory_space<vmem>>, vector<1x128xf32>
    %add3A_22 = vector.broadcast %get3A_21 : vector<1x128xf32> to vector<1000x128xf32>
    %add3A_23 = arith.addf %mul3A_18, %add3A_22 : vector<1000x128xf32>
    %max3A = arith.constant 0.000000e+00 : f32
    %max3A_24 = vector.broadcast %max3A : f32 to vector<1000x128xf32>
    %max3A_25 = arith.maximumf %add3A_23, %max3A_24 : vector<1000x128xf32>
    %get3A_26 = arith.constant 0 : index
    %get3A_27 = arith.constant 0 : index
    %get3A_28 = vector.load %arg5[%get3A_26, %get3A_27] : memref<1000x1xi32, #tpu.memory_space<vmem>>, vector<1000x1xi32>
    %iota3A = tpu.iota {dimensions = array<i32: 1>} : vector<1x64xi32>
    %eq3A_29 = vector.broadcast %get3A_28 : vector<1000x1xi32> to vector<1000x64xi32>
    %eq3A_30 = vector.broadcast %iota3A : vector<1x64xi32> to vector<1000x64xi32>
    %eq3A_31 = arith.cmpi eq, %eq3A_29, %eq3A_30 : vector<1000x64xi32>
    %convert_element_type3A_32 = arith.extui %eq3A_31 : vector<1000x64xi1> to vector<1000x64xi32>
    %convert_element_type3A_33 = arith.sitofp %convert_element_type3A_32 : vector<1000x64xi32> to vector<1000x64xf32>
    %get3A_34 = arith.constant 0 : index
    %get3A_35 = arith.constant 0 : index
    %get3A_36 = vector.load %arg9[%get3A_34, %get3A_35] : memref<64x128xf32, #tpu.memory_space<vmem>>, vector<64x128xf32>
    %dot_general3A = arith.constant dense<0.000000e+00> : vector<64x128xf32>
    %dot_general3A_37 = tpu.matmul %convert_element_type3A_33, %max3A_25, %dot_general3A {dimension_numbers = #tpu.dot_dimension_numbers<[0], [0], [1], [1], [0, 1, 1, 1], [], []>, precision = #tpu.contract_precision<fp32>, transpose_lhs_hint = false} : vector<1000x64xf32>, vector<1000x128xf32>, vector<64x128xf32> -> vector<64x128xf32>
    %add3A_38 = arith.addf %get3A_36, %dot_general3A_37 : vector<64x128xf32>
    %swap3A = arith.constant 0 : index
    %swap3A_39 = arith.constant 0 : index
    %swap3A_40 = vector.load %arg9[%swap3A, %swap3A_39] : memref<64x128xf32, #tpu.memory_space<vmem>>, vector<64x128xf32>
    tpu.vector_store %arg9[%swap3A, %swap3A_39], %add3A_38 {strides = array<i32>} : memref<64x128xf32, #tpu.memory_space<vmem>>, vector<64x128xf32>,
    %get3A_41 = arith.constant 0 : index
    %get3A_42 = arith.constant 0 : index
    %get3A_43 = vector.load %arg10[%get3A_41, %get3A_42] : memref<64x1xf32, #tpu.memory_space<vmem>>, vector<64x1xf32>
    %broadcast_in_dim3A = arith.constant 1.000000e+00 : f32
    %broadcast_in_dim3A_44 = vector.broadcast %broadcast_in_dim3A : f32 to vector<1000x1xf32>
    %dot_general3A_45 = arith.constant dense<0.000000e+00> : vector<64x1xf32>
    %dot_general3A_46 = tpu.matmul %convert_element_type3A_33, %broadcast_in_dim3A_44, %dot_general3A_45 {dimension_numbers = #tpu.dot_dimension_numbers<[0], [0], [1], [1], [0, 1, 1, 1], [], []>, precision = #tpu.contract_precision<fp32>, transpose_lhs_hint = false} : vector<1000x64xf32>, vector<1000x1xf32>, vector<64x1xf32> -> vector<64x1xf32>
    %add3A_47 = arith.addf %get3A_43, %dot_general3A_46 : vector<64x1xf32>
    %swap3A_48 = arith.constant 0 : index
    %swap3A_49 = arith.constant 0 : index
    %swap3A_50 = vector.load %arg10[%swap3A_48, %swap3A_49] : memref<64x1xf32, #tpu.memory_space<vmem>>, vector<64x1xf32>
    tpu.vector_store %arg10[%swap3A_48, %swap3A_49], %add3A_47 {strides = array<i32>} : memref<64x1xf32, #tpu.memory_space<vmem>>, vector<64x1xf32>,
    %eq3A_51 = arith.constant 9 : i32
    %eq3A_52 = arith.cmpi eq, %arg0, %eq3A_51 : i32
    %convert_element_type3A_53 = arith.extui %eq3A_52 : i1 to i32
    %cond3A_54 = arith.constant 0 : i32
    %cond3A_55 = arith.cmpi ne, %convert_element_type3A_53, %cond3A_54 : i32
    scf.if %cond3A_55 {
      %get3A_56 = arith.constant 0 : index
      %get3A_57 = arith.constant 0 : index
      %get3A_58 = vector.load %arg9[%get3A_56, %get3A_57] : memref<64x128xf32, #tpu.memory_space<vmem>>, vector<64x128xf32>
      %get3A_59 = arith.constant 0 : index
      %get3A_60 = arith.constant 0 : index
      %get3A_61 = vector.load %arg10[%get3A_59, %get3A_60] : memref<64x1xf32, #tpu.memory_space<vmem>>, vector<64x1xf32>
      %max3A_62 = arith.constant 1.000000e+00 : f32
      %max3A_63 = vector.broadcast %max3A_62 : f32 to vector<64x1xf32>
      %max3A_64 = arith.maximumf %get3A_61, %max3A_63 : vector<64x1xf32>
      %div3A = vector.broadcast %max3A_64 : vector<64x1xf32> to vector<64x128xf32>
      %div3A_65 = arith.divf %get3A_58, %div3A : vector<64x128xf32>
      %get3A_66 = arith.constant 0 : index
      %get3A_67 = arith.constant 0 : index
      %get3A_68 = vector.load %arg6[%get3A_66, %get3A_67] : memref<128x1xf32, #tpu.memory_space<vmem>>, vector<128x1xf32>
      %dot_general3A_69 = arith.constant dense<0.000000e+00> : vector<64x1xf32>
      %dot_general3A_70 = tpu.matmul %div3A_65, %get3A_68, %dot_general3A_69 {dimension_numbers = #tpu.dot_dimension_numbers<[1], [0], [0], [1], [0, 0, 1, 1], [], []>, transpose_lhs_hint = false} : vector<64x128xf32>, vector<128x1xf32>, vector<64x1xf32> -> vector<64x1xf32>
      %get3A_71 = arith.constant 0 : index
      %get3A_72 = arith.constant 0 : index
      %get3A_73 = vector.load %arg7[%get3A_71, %get3A_72] : memref<1x1xf32, #tpu.memory_space<vmem>>, vector<1x1xf32>
      %add3A_74 = vector.broadcast %get3A_73 : vector<1x1xf32> to vector<64x1xf32>
      %add3A_75 = arith.addf %dot_general3A_70, %add3A_74 : vector<64x1xf32>
      %swap3A_76 = arith.constant 0 : index
      %swap3A_77 = arith.constant 0 : index
      %swap3A_78 = vector.load %arg8[%swap3A_76, %swap3A_77] : memref<64x1xf32, #tpu.memory_space<vmem>>, vector<64x1xf32>
      tpu.vector_store %arg8[%swap3A_76, %swap3A_77], %add3A_75 {strides = array<i32>} : memref<64x1xf32, #tpu.memory_space<vmem>>, vector<64x1xf32>,
    } else {
    }
    return
  }
  func.func @transform_0(%arg0: i32) -> (i32, i32, i32) {
    %c0_i32 = arith.constant 0 : i32
    %c0_i32_0 = arith.constant 0 : i32
    %c0_i32_1 = arith.constant 0 : i32
    return %c0_i32, %arg0, %c0_i32_0 : i32, i32, i32
  }
  func.func @transform_1(%arg0: i32) -> (i32, i32) {
    %c0_i32 = arith.constant 0 : i32
    %c0_i32_0 = arith.constant 0 : i32
    return %arg0, %c0_i32 : i32, i32
  }
  func.func @transform_2(%arg0: i32) -> (i32, i32) {
    %c0_i32 = arith.constant 0 : i32
    %c0_i32_0 = arith.constant 0 : i32
    return %arg0, %c0_i32 : i32, i32
  }
  func.func @transform_3(%arg0: i32) -> (i32, i32) {
    %c0_i32 = arith.constant 0 : i32
    %c0_i32_0 = arith.constant 0 : i32
    %c0_i32_1 = arith.constant 0 : i32
    return %c0_i32, %c0_i32_0 : i32, i32
  }
  func.func @transform_4(%arg0: i32) -> (i32, i32) {
    %c0_i32 = arith.constant 0 : i32
    %c0_i32_0 = arith.constant 0 : i32
    return %arg0, %c0_i32 : i32, i32
  }
  func.func @transform_5(%arg0: i32) -> (i32, i32) {
    %c0_i32 = arith.constant 0 : i32
    %c0_i32_0 = arith.constant 0 : i32
    %c0_i32_1 = arith.constant 0 : i32
    return %c0_i32, %c0_i32_0 : i32, i32
  }
  func.func @transform_6(%arg0: i32) -> (i32, i32) {
    %c0_i32 = arith.constant 0 : i32
    %c0_i32_0 = arith.constant 0 : i32
    %c0_i32_1 = arith.constant 0 : i32
    return %c0_i32, %c0_i32_0 : i32, i32
  }
  func.func @transform_7(%arg0: i32) -> (i32, i32) {
    %c0_i32 = arith.constant 0 : i32
    %c0_i32_0 = arith.constant 0 : i32
    %c0_i32_1 = arith.constant 0 : i32
    return %c0_i32, %c0_i32_0 : i32, i32
  }
}

</mosaic_0001>

<sc_bundles>
// kernel: kernel.10.cloned.1.call-start
scs
__scs_entry_jumppad:
0x0: {  	(pc) =	sbr.rel $0x88, $3  }
0x1: {  	(tag) =	ssettag $0x0;
	lr =	simm.s32 $0x1  }
0x2: {  	[smem:$0x3F96] =	sst lr;
	_ =	strace $0xD0000000  }
0x3: {  	_ = 	snop  }
0x4: {  	_ = 	snop  }
0x5: {  	_ = 	snop  }
0x6: {  	_ = 	snop  }
0x7: {  	_ = 	snop  }
__scs_overlays_trampoline_lowered:
0x8: {  	[smem:$0x3FA5] =	sst s0  }
0x9: {  	[smem:$0x3FA6] =	sst s1  }
0xa: {  	[smem:$0x3FA7] =	sst s2  }
0xb: {  	[smem:$0x3FA8] =	sst s3  }
0xc: {  	[smem:$0x3FA9] =	sst s4  }
0xd: {  	[smem:$0x3FAA] =	sst s5  }
0xe: {  	[smem:$0x3FAB] =	sst s6  }
0xf: {  	[smem:$0x3FAC] =	sst s7  }
0x10: {  	[smem:$0x3FAD] =	sst s8  }
0x11: {  	[smem:$0x3FAE] =	sst s9;
	s0 =	simm.s32 @!p0 $0x0  }
0x12: {  	s1 =	sld [smem:$0x3F94];
	s0 =	simm.s32 @p0 $0x1  }
0x13: {  	[smem:$0x3FAF] =	sst s0;
	s0 =	simm.s32 @!p1 $0x0  }
0x14: {  	s2 =	sld [smem:$0x3F93];
	s0 =	simm.s32 @p1 $0x1  }
0x15: {  	[smem:$0x3FB0] =	sst s0;
	s0 =	simm.s32 @!p2 $0x0  }
0x16: {  	s3 =	sld [smem:$0x3FDB];
	s0 =	simm.s32 @p2 $0x1  }
0x17: {  	s4 =	simm.s32 $0x1BF5;
	[smem:$0x3FB2] =	sst s0  }
0x18: {  	s0 =	sld [smem:$0x3F95];
	_ =	swait.ge [sflag:s4], $0x0  }
0x19: {  	s7 =	sld [smem:$0x3F96]  }
0x1a: {  	s8 =	sadd.s32 $0xFFFFE003, lr  }
0x1b: {  	s9 =	sadd.s32 $0xFFFFFEF7, lr;
	s5 =	simm.s32 $0xFFFFFFFF;
	p2 =	slt.u32 s8, $0xFFFFF086  }
0x1c: {  	p1 =	slt.u32 s9, $0xF7A;
	s5 =	simm.s32 @!p2 $0x0  }
0x1d: {  	s5 =	simm.s32 @p1 $0x1;
	p0 =	seq.s32 s7, s2  }
0x1e: {  	s7 =	smul.u32 @!p0 $0xF7A, s2;
	p2 =	seq.s32 @!p0 s5, $0x0  }
0x1f: {  	s9 =	smul.u32 $0xF7A, s1;
	s8 =	simm.s32 @!p0 $0x1BF5;
	p2 =	por !p2, p0  }
0x20: {  	[sflag:s8] =	ssyncset.s32 @!p0 $0xFFFFF086;
	s6 =	sadd.s32 @!p0 s3, s7;
	s7 =	simm.s32 @!p0 $0x108  }
0x21: {  	s3 =	sadd.s32 s3, s9;
	s6 =	sadd.s32 @!p0 $0x88, s6;
	s7 =	simm.s32 @p2 $0x1082  }
0x22: {  	[simem:s7], [sflag:s8] =	dma.local @!p0 [hbm:s6], $0xF7A  }
0x23: {  	s9 =	sor.u32 $0xD0000000, s2;
	s6 =	simm.s32 $0x108;
	_ =	swait.ge @!p0 [sflag:s8], $0x0  }
0x24: {  	s3 =	sadd.s32 $0x88, s3;
	s6 =	simm.s32 @!p1 $0x1082;
	[sflag:s4] =	ssyncset.s32 $0xFFFFF086  }
0x25: {  	[simem:s6], [sflag:s4] =	dma.local [hbm:s3], $0xF7A  }
0x26: {  	[smem:$0x3F96] =	sst s1;
	(tag) =	ssettag s2;
	_ =	strace s9  }
0x27: {  	s1 =	sld [smem:$0x3FA6]  }
0x28: {  	s2 =	sld [smem:$0x3FA7]  }
0x29: {  	s4 =	sld [smem:$0x3FA9]  }
0x2a: {  	p0 =	seq.s32 s5, $0x0;
	s5 =	sld [smem:$0x3FAA]  }
0x2b: {  	s6 =	sld [smem:$0x3FAB]  }
0x2c: {  	s7 =	sld [smem:$0x3FAC]  }
0x2d: {  	s3 =	simm.s32 $0x108;
	s8 =	sld [smem:$0x3FAD]  }
0x2e: {  	s3 =	simm.s32 @!p0 $0x1082;
	s9 =	sld [smem:$0x3FAE]  }
0x2f: {  	lr =	sadd.s32 s0, s3;
	s0 =	sld [smem:$0x3FA5]  }
0x30: {  	s3 =	sld [smem:$0x3FA8]  }
0x31: {  	[smem:$0x3FB1] =	sst s10  }
0x32: {  	s10 =	sld [smem:$0x3FAF];
	_ =	sdelay $0x3  }
0x33: {  	p0 =	seq.s32 s10, $0x1;
	s10 =	sld [smem:$0x3FB1];
	_ =	sdelay $0x3  }
0x34: {  	[smem:$0x3FB1] =	sst s10  }
0x35: {  	s10 =	sld [smem:$0x3FB0];
	_ =	sdelay $0x3  }
0x36: {  	p1 =	seq.s32 s10, $0x1;
	s10 =	sld [smem:$0x3FB1];
	_ =	sdelay $0x3  }
0x37: {  	[smem:$0x3FB1] =	sst s10  }
0x38: {  	s10 =	sld [smem:$0x3FB2]  }
0x39: {  	_ = 	snop;
	(pc) =	sbr.ind lr, $3  }
0x3a: {  	_ = 	snop  }
0x3b: {  	_ = 	snop  }
0x3c: {  	p2 =	seq.s32 s10, $0x1;
	s10 =	sld [smem:$0x3FB1]  }
0x3d: {  	_ =	shalt  }
0x3e: {  	_ =	shalt  }
0x3f: {  	_ =	shalt  }
0x40: {  	_ =	shalt  }
0x41: {  	_ =	shalt  }
0x42: {  	_ =	shalt  }
0x43: {  	_ =	shalt  }
0x44: {  	_ =	shalt  }
0x45: {  	_ =	shalt  }
0x46: {  	_ =	shalt  }
0x47: {  	_ =	shalt  }
0x48: {  	_ =	shalt  }
0x49: {  	_ =	shalt  }
0x4a: {  	_ =	shalt  }
0x4b: {  	_ =	shalt  }
0x4c: {  	_ =	shalt  }
0x4d: {  	_ =	shalt  }
0x4e: {  	_ =	shalt  }
0x4f: {  	_ =	shalt  }
0x50: {  	_ =	shalt  }
0x51: {  	_ =	shalt  }
0x52: {  	_ =	shalt  }
0x53: {  	_ =	shalt  }
0x54: {  	_ =	shalt  }
0x55: {  	_ =	shalt  }
0x56: {  	_ =	shalt  }
0x57: {  	_ =	shalt  }
0x58: {  	_ =	shalt  }
0x59: {  	_ =	shalt  }
0x5a: {  	_ =	shalt  }
0x5b: {  	_ =	shalt  }
0x5c: {  	_ =	shalt  }
0x5d: {  	_ =	shalt  }
0x5e: {  	_ =	shalt  }
0x5f: {  	_ =	shalt  }
0x60: {  	_ =	shalt  }
0x61: {  	_ =	shalt  }
0x62: {  	_ =	shalt  }
0x63: {  	_ =	shalt  }
0x64: {  	_ =	shalt  }
0x65: {  	_ =	shalt  }
0x66: {  	_ =	shalt  }
0x67: {  	_ =	shalt  }
0x68: {  	_ =	shalt  }
0x69: {  	_ =	shalt  }
0x6a: {  	_ =	shalt  }
0x6b: {  	_ =	shalt  }
0x6c: {  	_ =	shalt  }
0x6d: {  	_ =	shalt  }
0x6e: {  	_ =	shalt  }
0x6f: {  	_ =	shalt  }
0x70: {  	_ =	shalt  }
0x71: {  	_ =	shalt  }
0x72: {  	_ =	shalt  }
0x73: {  	_ =	shalt  }
0x74: {  	_ =	shalt  }
0x75: {  	_ =	shalt  }
0x76: {  	_ =	shalt  }
0x77: {  	_ =	shalt  }
0x78: {  	_ =	shalt  }
0x79: {  	_ =	shalt  }
0x7a: {  	_ =	shalt  }
0x7b: {  	_ =	shalt  }
0x7c: {  	_ =	shalt  }
0x7d: {  	_ =	shalt  }
0x7e: {  	_ =	shalt  }
0x7f: {  	_ =	shalt  }
0x80: {  	_ =	shalt  }
0x81: {  	_ =	shalt  }
0x82: {  	_ =	shalt  }
0x83: {  	_ =	shalt  }
0x84: {  	_ =	shalt  }
0x85: {  	_ =	shalt  }
0x86: {  	_ =	shalt  }
0x87: {  	_ =	shalt  }
.Lfunc_end0:
.L_simem_size_0:
called_computation_lowered:
.L_overlay_start_0:
0x88: {  	s2 =	sld [smem:$0x3FD9]  }
0x89: {  	s3 =	sld [smem:$0x3FFE];
	_ =	sdelay $0x1  }
0x8a: {  	s1 =	srdreg.scid  }
0x8b: {  	s0 =	sand.u32 $0x1, s1  }
0x8c: {  	s16 =	sshll.u32 s0, $0xA;
	s2 =	sadd.s32 s3, s2  }
0x8d: {  	s2 =	sadd.s32 s2, s16  }
0x8e: {  	[smem:$0x3FBD] =	sst s2  }
0x8f: {  	_ = 	snop  }
0x90: {  	(tm) =	ssettm $0x1  }
0x91: {  	s17 =	sld [smem:$0x3FFB];
	_ =	sdelay $0x3  }
0x92: {  	_ =	strace s17  }
0x93: {  	s2 =	sld [smem:$0x3FFC];
	_ =	sdelay $0x3  }
0x94: {  	_ =	strace s2  }
0x95: {  	s2 =	sld [smem:$0x3FFD];
	_ =	sdelay $0x3  }
0x96: {  	_ =	strace s2  }
0x97: {  	_ =	strace $0x8FFFFFFF  }
0x98: {  	s18 =	sld [smem:$0x3FDB];
	_ =	sdelay $0x1  }
0x99: {  	s19 =	simm.s32 $_scs_section_size  }
0x9a: {  	s4 =	simm.s32 $_size__tile_overlayer_lowered;
	s5 =	simm.s32 $_tile_overlayer_lowered  }
0x9b: {  	s22 =	simm.s32 $0x1BFF;
	s21 =	sshll.u32 s5, $0x1;
	s2 =	sadd.s32 s19, s18  }
0x9c: {  	s6 =	simm.s32 $0x0;
	s20 =	sshll.u32 s4, $0x1;
	s4 =	sadd.s32 s21, s2  }
0x9d: {  	[timem:s6], [sflag:s22] =	dma.local [hbm:s4], s20  }
0x9e: {  	_ =	swait.ge [sflag:s22], s20  }
0x9f: {  	s3 =	ssub.s32 $0x0, s20;
	[sflag:s22] =	ssyncset.done $0x0  }
0xa0: {  	[sflag:s22] =	ssyncadd.s32 s3;
	_ =	sdelay $0x1  }
0xa1: {  	s23 =	simm.s32 $0x1B8B  }
0xa2: {  	_ =	swait.ge [sflag:s23], $0x1  }
0xa3: {  	[sflag:s23] =	ssyncset.done $0x0  }
0xa4: {  	s25 =	simm.s32 $0x1B8E;
	s24 =	sld [smem:$0x3FFE];
	[sflag:s23] =	ssyncadd.s32 $0xFFFFFFFF  }
0xa5: {  	s26 =	simm.s32 $execute0_lowered;
	[smem:$0x3FD2] =	sst s25  }
0xa6: {  	s4 =	sshll.u32 s26, $0x1;
	_ =	strace $0x80000046;
	[dreg:$0x1] =	wrdreg $0xFFFFFFFF  }
0xa7: {  	s28 =	simm.s32 $_size_execute0_lowered;
	s2 =	sadd.s32 s2, s4;
	[dreg:$0x0] =	wrdreg $0x0  }
0xa8: {  	s4 =	sshll.u32 s28, $0x1;
	[dreg:$0x2] =	wrdreg s2  }
0xa9: {  	[dreg:$0x3] =	wrdreg s4  }
0xaa: {  	[dreg:$0x4] =	wrdreg $0xC0  }
0xab: {  	_ =	task [dreg:s6], $0x5FFFF  }
0xac: {  	[dreg:$0x1] =	wrdreg $0xFFFFFFFF  }
0xad: {  	[dreg:$0x0] =	wrdreg $0x60  }
0xae: {  	[dreg:$0x2] =	wrdreg s24  }
0xaf: {  	[dreg:$0x3] =	wrdreg $0x54000  }
0xb0: {  	[dreg:$0x4] =	wrdreg $0x9  }
0xb1: {  	_ =	task.clear_ibuf [dreg:s6], $0x5FFFF;
	_ =	strace $0x90000046  }
0xb2: {  	s29 =	simm.s32 $0x9;
	_ =	strace $0x80000048  }
0xb3: {  	_ =	swait.ge [sflag:s29], $0x1  }
0xb4: {  	[sflag:s29] =	ssyncadd.s32 $0xFFFFFFFF  }
0xb5: {  	_ =	strace $0x90000048  }
0xb6: {  	_ =	sfence  }
0xb7: {  	s30 =	sld [smem:$0x0];
	_ =	sdelay $0x2  }
0xb8: {  	s31 =	sshll.u32 s1, $0xD;
	s1 =	sshrl.u32 s1, $0x2  }
0xb9: {  	s3 =	sand.u32 $0x4000, s31;
	s1 =	sadd.s32 s1, s30  }
0xba: {  	s0 =	sor.u32 s3, s0;
	s1 =	sshll.u32 s1, $0x11  }
0xbb: {  	s0 =	sor.u32 s1, s0  }
0xbc: {  	s0 =	sadd.s32 $0x8F2B, s0  }
0xbd: {  	[sflag:s0] =	ssyncadd.remote.s32 $0x1  }
0xbe: {  	_ =	sfence.sel $0xFFFF  }
0xbf: {  	[dreg:$0x0] =	wrdreg $0xFFFFFFFF;
	(pc) =	sbr.abs _section_cstart, $3  }
0xc0: {  	[dreg:$0x1] =	wrdreg $0xFFFFFFFF  }
0xc1: {  	_ =	task.clear_ibuf [dreg:s6], $0x2FFFF;
	_ =	strace $0x9FFFFFFF  }
0xc2: {  	(tm) =	ssettm $0x7FFFFFFF  }
0xc3: {  	_ =	shalt  }
tec
execute0_lowered:
.L_overlay_start_1:
0x0: {  	(tag) =	ssettag $0x1  }
0x1: {  	s0 =	srdreg.scid;
	s4 =	rddreg [dreg:$0x0]  }
0x2: {  	s2 =	rddreg [dreg:$0x1];
	s1 =	stileid.u32  }
0x3: {  	s3 =	simm.s32 $0x0;
	s20 =	simm.s32 $0x1;
	s21 =	simm.s32 $0x2  }
0x4: {  	s6 =	sand.u32 $0x1, s0;
	s0 =	rddreg [dreg:$0x2];
	s7 =	smul.u32 $0x50000, s1  }
0x5: {  	s22 =	simm.s32 $0x0;
	[smem:$0x7FF] =	sst s3;
	s10 =	smul.u32 $0x14000, s1  }
0x6: {  	s15 =	sadd.s32 $0xC800, s4;
	s5 =	sshll.u32 s6, $0x4;
	_ =	strace $0x80000047  }
0x7: {  	s8 =	ssub.s32 $0x2, s6;
	s18 =	smul.u32 $0x140000, s6;
	s5 =	sor.u32 s1, s5  }
0x8: {  	s29 =	sshrl.u32 s8, $0x1;
	s30 =	sshrl.u32 s7, $0x2;
	s12 =	sadd.s32 $0x4000, s10  }
0x9: {  	s13 =	sadd.s32 $0x8000, s10;
	s14 =	sadd.s32 $0xC000, s10;
	s17 =	sadd.s32 $0x10000, s10  }
0xa: {  	s5 =	smul.u32 $0x2800, s5;
	s16 =	ssub.s32 s8, s29;
	s6 =	sadd.s32 s13, s2  }
0xb: {  	s7 =	sadd.s32 s14, s2;
	s8 =	sadd.s32 s17, s2;
	s19 =	sadd.s32 s10, s18  }
0xc: {  	s13 =	sadd.s32 s18, s13;
	s14 =	sadd.s32 s18, s14;
	s17 =	sadd.s32 s18, s17  }
0xd: {  	s31 =	sshrl.u32 s19, $0x3;
	s13 =	sshrl.u32 s13, $0x3;
	s14 =	sshrl.u32 s14, $0x3  }
0xe: {  	s17 =	sshrl.u32 s17, $0x3;
	s16 =	smax.u32 s16, $0x1;
	s19 =	simm.s32 $0x80  }
0xf: {  	s5 =	sshrl.u32 s5, $0x3;
	s13 =	sadd.s32 s15, s13;
	s14 =	sadd.s32 s15, s14  }
0x10: {  	s11 =	sadd.s32 s5, s4;
	s4 =	sadd.s32 s30, s2;
	s5 =	sadd.s32 s12, s2  }
0x11: {  	s12 =	sadd.s32 s18, s12;
	s18 =	simm.s32 $0x3;
	s9 =	sadd.s32 $0x2800, s11  }
0x12: {  	s10 =	sadd.s32 $0x2A80, s11;
	s12 =	sshrl.u32 s12, $0x3;
	s11 =	sadd.s32 s15, s31  }
0x13: {  	v0 =	vimm.f32 $0.0e+00;
	v1 =	vimm.f32 $1.000000000e+00;
	s12 =	sadd.s32 s15, s12;
	s15 =	sadd.s32 s15, s17;
	s17 =	simm.s32 $0x1400  }
.LBB2_1:
0x14: {  	s23 =	simm.s32 $0x0;
	s24 =	simm.s32 $0x200  }
.LBB2_2:
0x15: {  	p0 =	sne.s32 s24, $0xFE00;
	[tilespmem:s23+$0x1470] =	vst v0  }
0x16: {  	[tilespmem:s23+$0x1400] =	vst v0  }
0x17: {  	[tilespmem:s23+$0x1410] =	vst v0  }
.Ltmp0:
0x18: {  	[tilespmem:s23+$0x1420] =	vst v0;
	(pc) =	sbr.rel @p0 .LBB2_2-.Ltmp0, $4  }
0x19: {  	[tilespmem:s23+$0x1430] =	vst v0  }
0x1a: {  	[tilespmem:s23+$0x1440] =	vst v0  }
0x1b: {  	[tilespmem:s23+$0x1450] =	vst v0  }
0x1c: {  	[tilespmem:s23+$0x1460] =	vst v0;
	s23 =	sshra.s32 s24, $0x2;
	s24 =	sadd.s32 $0x200, s24  }
0x1d: {  	[tilespmem:s23+$0x1470] =	vst v0  }
0x1e: {  	[tilespmem:s23+$0x1400] =	vst v0  }
0x1f: {  	[tilespmem:s23+$0x1410] =	vst v0  }
0x20: {  	[tilespmem:s23+$0x1420] =	vst v0  }
0x21: {  	[tilespmem:s23+$0x1430] =	vst v0  }
0x22: {  	[tilespmem:s23+$0x1440] =	vst v0  }
0x23: {  	[tilespmem:s23+$0x1450] =	vst v0  }
0x24: {  	[tilespmem:s23+$0x1460] =	vst v0  }
0x25: {  	[spmem:s4] =	stream.linear.scatter [tilespmem:s17], [sflag:$0x3], $0x4000, $0x38;
	[tilespmem:$0x19400] =	vst v63  }
0x26: {  	_ =	swait.ge [sflag:s18], $0x4000  }
0x27: {  	[sflag:s18] =	ssyncset.done $0x0  }
0x28: {  	[sflag:s18] =	ssyncadd.s32 $0xFFFFC000  }
0x29: {  	[spmem:s5] =	stream.linear.scatter [tilespmem:s17], [sflag:$0x3], $0x4000, $0x38;
	[tilespmem:$0x19400] =	vst v63  }
0x2a: {  	_ =	swait.ge [sflag:s18], $0x4000  }
0x2b: {  	[sflag:s18] =	ssyncset.done $0x0  }
0x2c: {  	[sflag:s18] =	ssyncadd.s32 $0xFFFFC000  }
0x2d: {  	[spmem:s6] =	stream.linear.scatter [tilespmem:s17], [sflag:$0x3], $0x4000, $0x38;
	[tilespmem:$0x19400] =	vst v63  }
0x2e: {  	_ =	swait.ge [sflag:s18], $0x4000  }
0x2f: {  	[sflag:s18] =	ssyncset.done $0x0  }
0x30: {  	[sflag:s18] =	ssyncadd.s32 $0xFFFFC000  }
0x31: {  	[spmem:s7] =	stream.linear.scatter [tilespmem:s17], [sflag:$0x3], $0x4000, $0x38;
	[tilespmem:$0x19400] =	vst v63  }
0x32: {  	_ =	swait.ge [sflag:s18], $0x4000  }
0x33: {  	[sflag:s18] =	ssyncset.done $0x0  }
0x34: {  	[sflag:s18] =	ssyncadd.s32 $0xFFFFC000  }
0x35: {  	[spmem:s8] =	stream.linear.scatter [tilespmem:s17], [sflag:$0x3], $0x4000, $0x38;
	[tilespmem:$0x19400] =	vst v63  }
0x36: {  	_ =	swait.ge [sflag:s18], $0x4000  }
0x37: {  	[sflag:s18] =	ssyncset.done $0x0  }
0x38: {  	s23 =	simm.s32 $0x0;
	s24 =	simm.s32 $0x200;
	[sflag:s18] =	ssyncadd.s32 $0xFFFFC000  }
.LBB2_4:
0x39: {  	p0 =	sne.s32 s24, $0xFE00;
	[tilespmem:s23+$0x1470] =	vst v1  }
0x3a: {  	[tilespmem:s23+$0x1400] =	vst v1  }
0x3b: {  	[tilespmem:s23+$0x1410] =	vst v1  }
.Ltmp1:
0x3c: {  	[tilespmem:s23+$0x1420] =	vst v1;
	(pc) =	sbr.rel @p0 .LBB2_4-.Ltmp1, $4  }
0x3d: {  	[tilespmem:s23+$0x1430] =	vst v1  }
0x3e: {  	[tilespmem:s23+$0x1440] =	vst v1  }
0x3f: {  	[tilespmem:s23+$0x1450] =	vst v1  }
0x40: {  	[tilespmem:s23+$0x1460] =	vst v1;
	s23 =	sshra.s32 s24, $0x2;
	s24 =	sadd.s32 $0x200, s24  }
0x41: {  	[tilespmem:s23+$0x1470] =	vst v1  }
0x42: {  	[tilespmem:s23+$0x1400] =	vst v1  }
0x43: {  	[tilespmem:s23+$0x1410] =	vst v1  }
0x44: {  	[tilespmem:s23+$0x1420] =	vst v1  }
0x45: {  	[tilespmem:s23+$0x1430] =	vst v1  }
0x46: {  	[tilespmem:s23+$0x1440] =	vst v1  }
0x47: {  	[tilespmem:s23+$0x1450] =	vst v1  }
0x48: {  	[tilespmem:s23+$0x1460] =	vst v1  }
0x49: {  	s29 =	simm.s32 $0x0;
	[bflag:$0x0] =	sbarrier.arrive $0xFFFF  }
0x4a: {  	[tilespmem:s29], [sflag:$0x3] =	stream.linear.gather [hbm4b:s9+s29], $0x1400, $0x38;
	[tilespmem:$0x19400] =	vst v63  }
0x4b: {  	_ =	swait.ge [sflag:s18], $0x1400  }
0x4c: {  	[sflag:s18] =	ssyncset.done $0x0  }
0x4d: {  	s30 =	simm.s32 $0x0;
	[sflag:s18] =	ssyncadd.s32 $0xFFFFEC00  }
0x4e: {  	[spmem:s2] =	stream.indirect.scatter.add.f32 [tilespmem:s17], [sflag:$0x1], $0x80, s30, s19, $0xb8;
	[tilespmem:$0x19400] =	vst v63  }
0x4f: {  	s31 =	simm.s32 $0x80  }
0x50: {  	[spmem:s2] =	stream.indirect.scatter.add.f32 [tilespmem:s17], [sflag:$0x2], $0x80, s31, s19, $0xb8;
	[tilespmem:$0x19400] =	vst v63  }
0x51: {  	_ =	swait.ge [sflag:s20], $0x4000  }
0x52: {  	[sflag:s20] =	ssyncset.done $0x0  }
0x53: {  	[sflag:s20] =	ssyncadd.s32 $0xFFFFC000  }
0x54: {  	_ =	swait.ge [sflag:s21], $0x4000  }
0x55: {  	s23 =	simm.s32 $0x400;
	s24 =	simm.s32 $0x800;
	[sflag:s21] =	ssyncset.done $0x0  }
.LBB2_6:
0x56: {  	s25 =	sshra.s32 s23, $0x2  }
0x57: {  	[sflag:s21] =	ssyncadd.s32 $0xFFFFC000;
	s23 =	smov.u32 s24;
	s26 =	sadd.s32 $0x400, s24  }
0x58: {  	[spmem:s2] =	stream.indirect.scatter.add.f32 [tilespmem:s17], [sflag:$0x1], $0x80, s25, s19, $0xb8;
	[tilespmem:$0x19400] =	vst v63  }
0x59: {  	p0 =	sne.s32 s24, $0x4C00;
	s24 =	sadd.s32 $0x80, s25  }
0x5a: {  	[spmem:s2] =	stream.indirect.scatter.add.f32 [tilespmem:s17], [sflag:$0x2], $0x80, s24, s19, $0xb8;
	[tilespmem:$0x19400] =	vst v63  }
.Ltmp2:
0x5b: {  	_ =	swait.ge [sflag:s20], $0x4000;
	(pc) =	sbr.rel @p0 .LBB2_6-.Ltmp2, $4  }
0x5c: {  	[sflag:s20] =	ssyncset.done $0x0  }
0x5d: {  	[sflag:s20] =	ssyncadd.s32 $0xFFFFC000  }
0x5e: {  	_ =	swait.ge [sflag:s21], $0x4000  }
0x5f: {  	s24 =	smov.u32 s26;
	[sflag:s21] =	ssyncset.done $0x0  }
0x60: {  	s23 =	sshra.s32 s23, $0x2;
	[sflag:s21] =	ssyncadd.s32 $0xFFFFC000  }
0x61: {  	[spmem:s2] =	stream.indirect.scatter.add.f32 [tilespmem:s17], [sflag:$0x1], $0x80, s23, s19, $0xb8;
	[tilespmem:$0x19400] =	vst v63  }
0x62: {  	s23 =	sadd.s32 $0x80, s23  }
0x63: {  	[spmem:s2] =	stream.indirect.scatter.add.f32 [tilespmem:s17], [sflag:$0x2], $0x80, s23, s19, $0xb8;
	[tilespmem:$0x19400] =	vst v63  }
0x64: {  	_ =	swait.ge [sflag:s20], $0x4000  }
0x65: {  	[sflag:s20] =	ssyncset.done $0x0  }
0x66: {  	[sflag:s20] =	ssyncadd.s32 $0xFFFFC000  }
0x67: {  	_ =	swait.ge [sflag:s21], $0x4000  }
0x68: {  	[sflag:s21] =	ssyncset.done $0x0  }
0x69: {  	s29 =	simm.s32 $0x0;
	[sflag:s21] =	ssyncadd.s32 $0xFFFFC000  }
0x6a: {  	[tilespmem:s29], [sflag:$0x3] =	stream.linear.gather [hbm4b:s10+s29], $0x1400, $0x38;
	[tilespmem:$0x19400] =	vst v63  }
0x6b: {  	_ =	swait.ge [sflag:s18], $0x1400  }
0x6c: {  	[sflag:s18] =	ssyncset.done $0x0  }
0x6d: {  	s30 =	simm.s32 $0x0;
	[sflag:s18] =	ssyncadd.s32 $0xFFFFEC00  }
0x6e: {  	[spmem:s2] =	stream.indirect.scatter.add.f32 [tilespmem:s17], [sflag:$0x1], $0x80, s30, s19, $0xb8;
	[tilespmem:$0x19400] =	vst v63  }
0x6f: {  	s31 =	simm.s32 $0x80  }
0x70: {  	[spmem:s2] =	stream.indirect.scatter.add.f32 [tilespmem:s17], [sflag:$0x2], $0x80, s31, s19, $0xb8;
	[tilespmem:$0x19400] =	vst v63  }
0x71: {  	_ =	swait.ge [sflag:s20], $0x4000  }
0x72: {  	[sflag:s20] =	ssyncset.done $0x0  }
0x73: {  	[sflag:s20] =	ssyncadd.s32 $0xFFFFC000  }
0x74: {  	_ =	swait.ge [sflag:s21], $0x4000  }
0x75: {  	s24 =	simm.s32 $0x800;
	s23 =	simm.s32 $0x400;
	[sflag:s21] =	ssyncset.done $0x0  }
.LBB2_8:
0x76: {  	s25 =	sshra.s32 s23, $0x2  }
0x77: {  	[sflag:s21] =	ssyncadd.s32 $0xFFFFC000;
	s23 =	smov.u32 s24;
	s26 =	sadd.s32 $0x400, s24  }
0x78: {  	[spmem:s2] =	stream.indirect.scatter.add.f32 [tilespmem:s17], [sflag:$0x1], $0x80, s25, s19, $0xb8;
	[tilespmem:$0x19400] =	vst v63  }
0x79: {  	p0 =	sne.s32 s24, $0x4C00;
	s24 =	sadd.s32 $0x80, s25  }
0x7a: {  	[spmem:s2] =	stream.indirect.scatter.add.f32 [tilespmem:s17], [sflag:$0x2], $0x80, s24, s19, $0xb8;
	[tilespmem:$0x19400] =	vst v63  }
.Ltmp3:
0x7b: {  	_ =	swait.ge [sflag:s20], $0x4000;
	(pc) =	sbr.rel @p0 .LBB2_8-.Ltmp3, $4  }
0x7c: {  	[sflag:s20] =	ssyncset.done $0x0  }
0x7d: {  	[sflag:s20] =	ssyncadd.s32 $0xFFFFC000  }
0x7e: {  	_ =	swait.ge [sflag:s21], $0x4000  }
0x7f: {  	s24 =	smov.u32 s26;
	[sflag:s21] =	ssyncset.done $0x0  }
0x80: {  	s23 =	sshra.s32 s23, $0x2;
	[sflag:s21] =	ssyncadd.s32 $0xFFFFC000  }
0x81: {  	[spmem:s2] =	stream.indirect.scatter.add.f32 [tilespmem:s17], [sflag:$0x1], $0x80, s23, s19, $0xb8;
	[tilespmem:$0x19400] =	vst v63  }
0x82: {  	s23 =	sadd.s32 $0x80, s23  }
0x83: {  	[spmem:s2] =	stream.indirect.scatter.add.f32 [tilespmem:s17], [sflag:$0x2], $0x80, s23, s19, $0xb8;
	[tilespmem:$0x19400] =	vst v63  }
0x84: {  	_ =	swait.ge [sflag:s20], $0x4000  }
0x85: {  	[sflag:s20] =	ssyncset.done $0x0  }
0x86: {  	[sflag:s20] =	ssyncadd.s32 $0xFFFFC000  }
0x87: {  	_ =	swait.ge [sflag:s21], $0x4000  }
0x88: {  	[sflag:s21] =	ssyncset.done $0x0  }
0x89: {  	[sflag:s21] =	ssyncadd.s32 $0xFFFFC000  }
0x8a: {  	[bflag:$0x0] =	sbarrier.arrive $0xFFFF  }
0x8b: {  	[tilespmem:s17], [sflag:$0x3] =	stream.linear.gather [spmem:s4], $0x4000, $0x38;
	[tilespmem:$0x19400] =	vst v63  }
0x8c: {  	_ =	swait.ge [sflag:s18], $0x4000  }
0x8d: {  	[sflag:s18] =	ssyncset.done $0x0  }
0x8e: {  	[sflag:s18] =	ssyncadd.s32 $0xFFFFC000  }
0x8f: {  	[hbm4b:s11+s3] =	stream.linear.scatter [tilespmem:s17], [sflag:$0x3], $0x4000, $0x38;
	[tilespmem:$0x19400] =	vst v63  }
0x90: {  	_ =	swait.ge [sflag:s18], $0x4000  }
0x91: {  	[sflag:s18] =	ssyncset.done $0x0  }
0x92: {  	[sflag:s18] =	ssyncadd.s32 $0xFFFFC000  }
0x93: {  	[tilespmem:s17], [sflag:$0x3] =	stream.linear.gather [spmem:s5], $0x4000, $0x38;
	[tilespmem:$0x19400] =	vst v63  }
0x94: {  	_ =	swait.ge [sflag:s18], $0x4000  }
0x95: {  	[sflag:s18] =	ssyncset.done $0x0  }
0x96: {  	[sflag:s18] =	ssyncadd.s32 $0xFFFFC000  }
0x97: {  	[hbm4b:s12+s3] =	stream.linear.scatter [tilespmem:s17], [sflag:$0x3], $0x4000, $0x38;
	[tilespmem:$0x19400] =	vst v63  }
0x98: {  	_ =	swait.ge [sflag:s18], $0x4000  }
0x99: {  	[sflag:s18] =	ssyncset.done $0x0  }
0x9a: {  	[sflag:s18] =	ssyncadd.s32 $0xFFFFC000  }
0x9b: {  	[tilespmem:s17], [sflag:$0x3] =	stream.linear.gather [spmem:s6], $0x4000, $0x38;
	[tilespmem:$0x19400] =	vst v63  }
0x9c: {  	_ =	swait.ge [sflag:s18], $0x4000  }
0x9d: {  	[sflag:s18] =	ssyncset.done $0x0  }
0x9e: {  	[sflag:s18] =	ssyncadd.s32 $0xFFFFC000  }
0x9f: {  	[hbm4b:s13+s3] =	stream.linear.scatter [tilespmem:s17], [sflag:$0x3], $0x4000, $0x38;
	[tilespmem:$0x19400] =	vst v63  }
0xa0: {  	_ =	swait.ge [sflag:s18], $0x4000  }
0xa1: {  	[sflag:s18] =	ssyncset.done $0x0  }
0xa2: {  	[sflag:s18] =	ssyncadd.s32 $0xFFFFC000  }
0xa3: {  	[tilespmem:s17], [sflag:$0x3] =	stream.linear.gather [spmem:s7], $0x4000, $0x38;
	[tilespmem:$0x19400] =	vst v63  }
0xa4: {  	_ =	swait.ge [sflag:s18], $0x4000  }
0xa5: {  	[sflag:s18] =	ssyncset.done $0x0  }
0xa6: {  	[sflag:s18] =	ssyncadd.s32 $0xFFFFC000  }
0xa7: {  	[hbm4b:s14+s3] =	stream.linear.scatter [tilespmem:s17], [sflag:$0x3], $0x4000, $0x38;
	[tilespmem:$0x19400] =	vst v63  }
0xa8: {  	_ =	swait.ge [sflag:s18], $0x4000  }
0xa9: {  	[sflag:s18] =	ssyncset.done $0x0  }
0xaa: {  	[sflag:s18] =	ssyncadd.s32 $0xFFFFC000  }
0xab: {  	[tilespmem:s17], [sflag:$0x3] =	stream.linear.gather [spmem:s8], $0x4000, $0x38;
	[tilespmem:$0x19400] =	vst v63  }
0xac: {  	s22 =	sadd.s32 $0x1, s22;
	_ =	swait.ge [sflag:s18], $0x4000  }
0xad: {  	p0 =	sne.s32 s22, s16;
	[sflag:s18] =	ssyncset.done $0x0  }
.Ltmp4:
0xae: {  	[sflag:s18] =	ssyncadd.s32 $0xFFFFC000;
	(pc) =	sbr.rel @p0 .LBB2_1-.Ltmp4, $4  }
0xaf: {  	[hbm4b:s15+s3] =	stream.linear.scatter [tilespmem:s17], [sflag:$0x3], $0x4000, $0x38;
	[tilespmem:$0x19400] =	vst v63  }
0xb0: {  	_ =	swait.ge [sflag:s18], $0x4000  }
0xb1: {  	[sflag:s18] =	ssyncset.done $0x0  }
0xb2: {  	[sflag:s18] =	ssyncadd.s32 $0xFFFFC000  }
0xb3: {  	_ =	sfence.sel $0x180000  }
0xb4: {  	[bflag:$0x0] =	sbarrier.arrive $0xFFFF  }
0xb5: {  	p0 =	sne.s32 s1, $0x0;
	_ =	strace $0x90000047  }
0xb6: {  	s0 =	sadd.s32 @!p0 $0x100000, s0;
	[bflag:$0x2] =	sbarrier.arrive $0xFFFF  }
0xb7: {  	[sflag:s0] =	ssyncadd.tile.s32 @!p0 $0x1;
	_ =	shalt  }
.Lfunc_end2:
_tile_overlayer_lowered:
.L_overlay_start_2:
0xb8: {  	(tag) =	ssettag $0x2  }
0xb9: {  	s0 =	rddreg [dreg:$0x0];
	s2 =	stileid.u32  }
0xba: {  	s1 =	rddreg [dreg:$0x1];
	p0 =	sne.s32 s2, $0x0  }
0xbb: {  	s3 =	rddreg [dreg:$0x2];
	[bflag:$0x3] =	sbarrier.arrive $0xFFFF;
	s2 =	simm.s32 @!p0 $0x1C03  }
0xbc: {  	[timem:s3], [sflag:s2] =	dma.local @!p0 [hbm:s0], s1  }
0xbd: {  	s0 =	simm.s32 @!p0 $0x3  }
0xbe: {  	_ =	swait.ge @!p0 [sflag:s0], s1  }
0xbf: {  	s1 =	ssub.s32 @!p0 $0x0, s1;
	[sflag:s0] =	ssyncset.done @!p0 $0x0  }
0xc0: {  	[sflag:s0] =	ssyncadd.s32 @!p0 s1  }
0xc1: {  	[bflag:$0x3] =	sbarrier.arrive $0xFFFF  }
0xc2: {  	_ =	shalt  }

// kernel: kernel.13.cloned.1.call-start
scs
__scs_entry_jumppad:
0x0: {  	(pc) =	sbr.rel $0x88, $3  }
0x1: {  	(tag) =	ssettag $0x0;
	lr =	simm.s32 $0x1  }
0x2: {  	[smem:$0x3F96] =	sst lr;
	_ =	strace $0xD0000000  }
0x3: {  	_ = 	snop  }
0x4: {  	_ = 	snop  }
0x5: {  	_ = 	snop  }
0x6: {  	_ = 	snop  }
0x7: {  	_ = 	snop  }
__scs_overlays_trampoline_lowered:
0x8: {  	[smem:$0x3FA5] =	sst s0  }
0x9: {  	[smem:$0x3FA6] =	sst s1  }
0xa: {  	[smem:$0x3FA7] =	sst s2  }
0xb: {  	[smem:$0x3FA8] =	sst s3  }
0xc: {  	[smem:$0x3FA9] =	sst s4  }
0xd: {  	[smem:$0x3FAA] =	sst s5  }
0xe: {  	[smem:$0x3FAB] =	sst s6  }
0xf: {  	[smem:$0x3FAC] =	sst s7  }
0x10: {  	[smem:$0x3FAD] =	sst s8  }
0x11: {  	[smem:$0x3FAE] =	sst s9;
	s0 =	simm.s32 @!p0 $0x0  }
0x12: {  	s1 =	sld [smem:$0x3F94];
	s0 =	simm.s32 @p0 $0x1  }
0x13: {  	[smem:$0x3FAF] =	sst s0;
	s0 =	simm.s32 @!p1 $0x0  }
0x14: {  	s2 =	sld [smem:$0x3F93];
	s0 =	simm.s32 @p1 $0x1  }
0x15: {  	[smem:$0x3FB0] =	sst s0;
	s0 =	simm.s32 @!p2 $0x0  }
0x16: {  	s3 =	sld [smem:$0x3FDB];
	s0 =	simm.s32 @p2 $0x1  }
0x17: {  	s4 =	simm.s32 $0x1BF5;
	[smem:$0x3FB2] =	sst s0  }
0x18: {  	s0 =	sld [smem:$0x3F95];
	_ =	swait.ge [sflag:s4], $0x0  }
0x19: {  	s7 =	sld [smem:$0x3F96]  }
0x1a: {  	s8 =	sadd.s32 $0xFFFFE003, lr  }
0x1b: {  	s9 =	sadd.s32 $0xFFFFFEF7, lr;
	s5 =	simm.s32 $0xFFFFFFFF;
	p2 =	slt.u32 s8, $0xFFFFF086  }
0x1c: {  	p1 =	slt.u32 s9, $0xF7A;
	s5 =	simm.s32 @!p2 $0x0  }
0x1d: {  	s5 =	simm.s32 @p1 $0x1;
	p0 =	seq.s32 s7, s2  }
0x1e: {  	s7 =	smul.u32 @!p0 $0xF7A, s2;
	p2 =	seq.s32 @!p0 s5, $0x0  }
0x1f: {  	s9 =	smul.u32 $0xF7A, s1;
	s8 =	simm.s32 @!p0 $0x1BF5;
	p2 =	por !p2, p0  }
0x20: {  	[sflag:s8] =	ssyncset.s32 @!p0 $0xFFFFF086;
	s6 =	sadd.s32 @!p0 s3, s7;
	s7 =	simm.s32 @!p0 $0x108  }
0x21: {  	s3 =	sadd.s32 s3, s9;
	s6 =	sadd.s32 @!p0 $0x88, s6;
	s7 =	simm.s32 @p2 $0x1082  }
0x22: {  	[simem:s7], [sflag:s8] =	dma.local @!p0 [hbm:s6], $0xF7A  }
0x23: {  	s9 =	sor.u32 $0xD0000000, s2;
	s6 =	simm.s32 $0x108;
	_ =	swait.ge @!p0 [sflag:s8], $0x0  }
0x24: {  	s3 =	sadd.s32 $0x88, s3;
	s6 =	simm.s32 @!p1 $0x1082;
	[sflag:s4] =	ssyncset.s32 $0xFFFFF086  }
0x25: {  	[simem:s6], [sflag:s4] =	dma.local [hbm:s3], $0xF7A  }
0x26: {  	[smem:$0x3F96] =	sst s1;
	(tag) =	ssettag s2;
	_ =	strace s9  }
0x27: {  	s1 =	sld [smem:$0x3FA6]  }
0x28: {  	s2 =	sld [smem:$0x3FA7]  }
0x29: {  	s4 =	sld [smem:$0x3FA9]  }
0x2a: {  	p0 =	seq.s32 s5, $0x0;
	s5 =	sld [smem:$0x3FAA]  }
0x2b: {  	s6 =	sld [smem:$0x3FAB]  }
0x2c: {  	s7 =	sld [smem:$0x3FAC]  }
0x2d: {  	s3 =	simm.s32 $0x108;
	s8 =	sld [smem:$0x3FAD]  }
0x2e: {  	s3 =	simm.s32 @!p0 $0x1082;
	s9 =	sld [smem:$0x3FAE]  }
0x2f: {  	lr =	sadd.s32 s0, s3;
	s0 =	sld [smem:$0x3FA5]  }
0x30: {  	s3 =	sld [smem:$0x3FA8]  }
0x31: {  	[smem:$0x3FB1] =	sst s10  }
0x32: {  	s10 =	sld [smem:$0x3FAF];
	_ =	sdelay $0x3  }
0x33: {  	p0 =	seq.s32 s10, $0x1;
	s10 =	sld [smem:$0x3FB1];
	_ =	sdelay $0x3  }
0x34: {  	[smem:$0x3FB1] =	sst s10  }
0x35: {  	s10 =	sld [smem:$0x3FB0];
	_ =	sdelay $0x3  }
0x36: {  	p1 =	seq.s32 s10, $0x1;
	s10 =	sld [smem:$0x3FB1];
	_ =	sdelay $0x3  }
0x37: {  	[smem:$0x3FB1] =	sst s10  }
0x38: {  	s10 =	sld [smem:$0x3FB2]  }
0x39: {  	_ = 	snop;
	(pc) =	sbr.ind lr, $3  }
0x3a: {  	_ = 	snop  }
0x3b: {  	_ = 	snop  }
0x3c: {  	p2 =	seq.s32 s10, $0x1;
	s10 =	sld [smem:$0x3FB1]  }
0x3d: {  	_ =	shalt  }
0x3e: {  	_ =	shalt  }
0x3f: {  	_ =	shalt  }
0x40: {  	_ =	shalt  }
0x41: {  	_ =	shalt  }
0x42: {  	_ =	shalt  }
0x43: {  	_ =	shalt  }
0x44: {  	_ =	shalt  }
0x45: {  	_ =	shalt  }
0x46: {  	_ =	shalt  }
0x47: {  	_ =	shalt  }
0x48: {  	_ =	shalt  }
0x49: {  	_ =	shalt  }
0x4a: {  	_ =	shalt  }
0x4b: {  	_ =	shalt  }
0x4c: {  	_ =	shalt  }
0x4d: {  	_ =	shalt  }
0x4e: {  	_ =	shalt  }
0x4f: {  	_ =	shalt  }
0x50: {  	_ =	shalt  }
0x51: {  	_ =	shalt  }
0x52: {  	_ =	shalt  }
0x53: {  	_ =	shalt  }
0x54: {  	_ =	shalt  }
0x55: {  	_ =	shalt  }
0x56: {  	_ =	shalt  }
0x57: {  	_ =	shalt  }
0x58: {  	_ =	shalt  }
0x59: {  	_ =	shalt  }
0x5a: {  	_ =	shalt  }
0x5b: {  	_ =	shalt  }
0x5c: {  	_ =	shalt  }
0x5d: {  	_ =	shalt  }
0x5e: {  	_ =	shalt  }
0x5f: {  	_ =	shalt  }
0x60: {  	_ =	shalt  }
0x61: {  	_ =	shalt  }
0x62: {  	_ =	shalt  }
0x63: {  	_ =	shalt  }
0x64: {  	_ =	shalt  }
0x65: {  	_ =	shalt  }
0x66: {  	_ =	shalt  }
0x67: {  	_ =	shalt  }
0x68: {  	_ =	shalt  }
0x69: {  	_ =	shalt  }
0x6a: {  	_ =	shalt  }
0x6b: {  	_ =	shalt  }
0x6c: {  	_ =	shalt  }
0x6d: {  	_ =	shalt  }
0x6e: {  	_ =	shalt  }
0x6f: {  	_ =	shalt  }
0x70: {  	_ =	shalt  }
0x71: {  	_ =	shalt  }
0x72: {  	_ =	shalt  }
0x73: {  	_ =	shalt  }
0x74: {  	_ =	shalt  }
0x75: {  	_ =	shalt  }
0x76: {  	_ =	shalt  }
0x77: {  	_ =	shalt  }
0x78: {  	_ =	shalt  }
0x79: {  	_ =	shalt  }
0x7a: {  	_ =	shalt  }
0x7b: {  	_ =	shalt  }
0x7c: {  	_ =	shalt  }
0x7d: {  	_ =	shalt  }
0x7e: {  	_ =	shalt  }
0x7f: {  	_ =	shalt  }
0x80: {  	_ =	shalt  }
0x81: {  	_ =	shalt  }
0x82: {  	_ =	shalt  }
0x83: {  	_ =	shalt  }
0x84: {  	_ =	shalt  }
0x85: {  	_ =	shalt  }
0x86: {  	_ =	shalt  }
0x87: {  	_ =	shalt  }
.Lfunc_end0:
.L_simem_size_0:
called_computation.1_lowered:
.L_overlay_start_0:
0x88: {  	s2 =	sld [smem:$0x3FD9]  }
0x89: {  	s3 =	sld [smem:$0x3FFE];
	_ =	sdelay $0x1  }
0x8a: {  	s1 =	srdreg.scid  }
0x8b: {  	s0 =	sand.u32 $0x1, s1  }
0x8c: {  	s16 =	sshll.u32 s0, $0xA;
	s2 =	sadd.s32 s3, s2  }
0x8d: {  	s2 =	sadd.s32 s2, s16  }
0x8e: {  	[smem:$0x3FBD] =	sst s2  }
0x8f: {  	_ = 	snop  }
0x90: {  	(tm) =	ssettm $0x1  }
0x91: {  	s17 =	sld [smem:$0x3FFB];
	_ =	sdelay $0x3  }
0x92: {  	_ =	strace s17  }
0x93: {  	s2 =	sld [smem:$0x3FFC];
	_ =	sdelay $0x3  }
0x94: {  	_ =	strace s2  }
0x95: {  	s2 =	sld [smem:$0x3FFD];
	_ =	sdelay $0x3  }
0x96: {  	_ =	strace s2  }
0x97: {  	_ =	strace $0x8FFFFFFF  }
0x98: {  	s18 =	sld [smem:$0x3FDB];
	_ =	sdelay $0x1  }
0x99: {  	s19 =	simm.s32 $_scs_section_size  }
0x9a: {  	s4 =	simm.s32 $_size__tile_overlayer_lowered;
	s5 =	simm.s32 $_tile_overlayer_lowered  }
0x9b: {  	s22 =	simm.s32 $0x1BFF;
	s21 =	sshll.u32 s5, $0x1;
	s2 =	sadd.s32 s19, s18  }
0x9c: {  	s6 =	simm.s32 $0x0;
	s20 =	sshll.u32 s4, $0x1;
	s4 =	sadd.s32 s21, s2  }
0x9d: {  	[timem:s6], [sflag:s22] =	dma.local [hbm:s4], s20  }
0x9e: {  	_ =	swait.ge [sflag:s22], s20  }
0x9f: {  	s3 =	ssub.s32 $0x0, s20;
	[sflag:s22] =	ssyncset.done $0x0  }
0xa0: {  	[sflag:s22] =	ssyncadd.s32 s3;
	_ =	sdelay $0x1  }
0xa1: {  	s23 =	simm.s32 $0x1B8B  }
0xa2: {  	_ =	swait.ge [sflag:s23], $0x1  }
0xa3: {  	[sflag:s23] =	ssyncset.done $0x0  }
0xa4: {  	s25 =	simm.s32 $0x1B8E;
	s24 =	sld [smem:$0x3FFE];
	[sflag:s23] =	ssyncadd.s32 $0xFFFFFFFF  }
0xa5: {  	s26 =	simm.s32 $execute0_lowered;
	[smem:$0x3FD2] =	sst s25  }
0xa6: {  	s4 =	sshll.u32 s26, $0x1;
	_ =	strace $0x80000049;
	[dreg:$0x1] =	wrdreg $0xFFFFFFFF  }
0xa7: {  	s28 =	simm.s32 $_size_execute0_lowered;
	s2 =	sadd.s32 s2, s4;
	[dreg:$0x0] =	wrdreg $0x0  }
0xa8: {  	s4 =	sshll.u32 s28, $0x1;
	[dreg:$0x2] =	wrdreg s2  }
0xa9: {  	[dreg:$0x3] =	wrdreg s4  }
0xaa: {  	[dreg:$0x4] =	wrdreg $0xC0  }
0xab: {  	_ =	task [dreg:s6], $0x5FFFF  }
0xac: {  	[dreg:$0x1] =	wrdreg $0xFFFFFFFF  }
0xad: {  	[dreg:$0x0] =	wrdreg $0x60  }
0xae: {  	[dreg:$0x2] =	wrdreg s24  }
0xaf: {  	[dreg:$0x3] =	wrdreg $0xA8000  }
0xb0: {  	[dreg:$0x4] =	wrdreg $0x9  }
0xb1: {  	_ =	task.clear_ibuf [dreg:s6], $0x5FFFF;
	_ =	strace $0x90000049  }
0xb2: {  	s29 =	simm.s32 $0x9;
	_ =	strace $0x8000004B  }
0xb3: {  	_ =	swait.ge [sflag:s29], $0x1  }
0xb4: {  	[sflag:s29] =	ssyncadd.s32 $0xFFFFFFFF  }
0xb5: {  	_ =	strace $0x9000004B  }
0xb6: {  	_ =	sfence  }
0xb7: {  	s30 =	sld [smem:$0x0];
	_ =	sdelay $0x2  }
0xb8: {  	s31 =	sshll.u32 s1, $0xD;
	s1 =	sshrl.u32 s1, $0x2  }
0xb9: {  	s3 =	sand.u32 $0x4000, s31;
	s1 =	sadd.s32 s1, s30  }
0xba: {  	s0 =	sor.u32 s3, s0;
	s1 =	sshll.u32 s1, $0x11  }
0xbb: {  	s0 =	sor.u32 s1, s0  }
0xbc: {  	s0 =	sadd.s32 $0x8F2B, s0  }
0xbd: {  	[sflag:s0] =	ssyncadd.remote.s32 $0x1  }
0xbe: {  	_ =	sfence.sel $0xFFFF  }
0xbf: {  	[dreg:$0x0] =	wrdreg $0xFFFFFFFF;
	(pc) =	sbr.abs _section_cstart, $3  }
0xc0: {  	[dreg:$0x1] =	wrdreg $0xFFFFFFFF  }
0xc1: {  	_ =	task.clear_ibuf [dreg:s6], $0x2FFFF;
	_ =	strace $0x9FFFFFFF  }
0xc2: {  	(tm) =	ssettm $0x7FFFFFFF  }
0xc3: {  	_ =	shalt  }
tec
execute0_lowered:
.L_overlay_start_1:
0x0: {  	(tag) =	ssettag $0x1  }
0x1: {  	s0 =	rddreg [dreg:$0x0]  }
0x2: {  	s1 =	rddreg [dreg:$0x1];
	s3 =	simm.s32 $0x0;
	s2 =	srdreg.scid  }
0x3: {  	s8 =	stileid.u32;
	s28 =	simm.s32 $0x3;
	s29 =	simm.s32 $0x4  }
0x4: {  	s30 =	simm.s32 $0x2700;
	s31 =	simm.s32 $0x2780;
	[smem:$0x7FF] =	sst s3  }
0x5: {  	s2 =	sand.u32 $0x1, s2;
	s4 =	sadd.s32 $0xC800, s0;
	s6 =	smul.u32 $0x50000, s8  }
0x6: {  	s10 =	sadd.s32 $0x5C800, s0;
	s13 =	smul.u32 $0x14000, s8;
	s14 =	sadd.s32 $0x2800, s0  }
0x7: {  	s0 =	sadd.s32 $0x66800, s0;
	_ =	strace $0x8000004A;
	s5 =	ssub.s32 $0x2, s2  }
0x8: {  	s21 =	sshll.u32 s2, $0x4;
	s2 =	smul.u32 $0x140000, s2;
	s7 =	sshrl.u32 s5, $0x1  }
0x9: {  	s6 =	sshrl.u32 s6, $0x2;
	s15 =	sadd.s32 $0x4000, s13;
	s22 =	sor.u32 s8, s21  }
0xa: {  	s16 =	sadd.s32 $0x8000, s13;
	s17 =	sadd.s32 $0xC000, s13;
	s18 =	sadd.s32 $0x10000, s13  }
0xb: {  	s21 =	simm.s32 $0x5;
	s19 =	ssub.s32 s5, s7;
	s5 =	sadd.s32 s6, s1  }
0xc: {  	s6 =	sadd.s32 s15, s1;
	s11 =	smul.u32 $0x2800, s22;
	s7 =	sadd.s32 s16, s1  }
0xd: {  	s8 =	sadd.s32 s17, s1;
	s9 =	sadd.s32 s18, s1;
	s24 =	sadd.s32 s13, s2  }
0xe: {  	s15 =	sadd.s32 s2, s15;
	s25 =	sadd.s32 s2, s16;
	s17 =	sadd.s32 s2, s17  }
0xf: {  	s2 =	sadd.s32 s2, s18;
	s22 =	simm.s32 $0x1400;
	s15 =	sshrl.u32 s15, $0x3  }
0x10: {  	s26 =	sshrl.u32 s17, $0x3;
	s2 =	sshrl.u32 s2, $0x3;
	s19 =	smax.u32 s19, $0x1  }
0x11: {  	s12 =	sshrl.u32 s11, $0x3;
	s15 =	sadd.s32 s0, s15;
	s17 =	sadd.s32 s0, s26  }
0x12: {  	s18 =	sadd.s32 s0, s2;
	s26 =	simm.s32 $0x2;
	s11 =	sadd.s32 s10, s12  }
0x13: {  	s23 =	sadd.s32 s14, s12;
	s20 =	sadd.s32 $0x280, s12;
	[dreg:$0x3] =	wrdreg s11  }
0x14: {  	[dreg:$0x4] =	wrdreg s23;
	s12 =	sadd.s32 s10, s20;
	s13 =	sadd.s32 s14, s20  }
0x15: {  	s10 =	sshrl.u32 s24, $0x3;
	s20 =	simm.s32 $0x2800;
	s23 =	simm.s32 $0x80  }
0x16: {  	s24 =	simm.s32 $0x6800;
	s14 =	sadd.s32 s0, s10;
	s10 =	sshrl.u32 s25, $0x3  }
0x17: {  	v0 =	vimm.f32 $0.0e+00;
	s25 =	simm.s32 $0x1;
	s16 =	sadd.s32 s0, s10;
	s0 =	simm.s32 $0x0  }
.LBB2_1:
0x18: {  	s2 =	simm.s32 $0x0;
	s10 =	simm.s32 $0x200  }
.LBB2_2:
0x19: {  	p0 =	sne.s32 s10, $0xFE00;
	[tilespmem:s2+$0x2870] =	vst v0  }
0x1a: {  	[tilespmem:s2+$0x2800] =	vst v0  }
0x1b: {  	[tilespmem:s2+$0x2810] =	vst v0  }
.Ltmp0:
0x1c: {  	[tilespmem:s2+$0x2820] =	vst v0;
	(pc) =	sbr.rel @p0 .LBB2_2-.Ltmp0, $4  }
0x1d: {  	[tilespmem:s2+$0x2830] =	vst v0  }
0x1e: {  	[tilespmem:s2+$0x2840] =	vst v0  }
0x1f: {  	[tilespmem:s2+$0x2850] =	vst v0  }
0x20: {  	[tilespmem:s2+$0x2860] =	vst v0;
	s2 =	sshra.s32 s10, $0x2;
	s10 =	sadd.s32 $0x200, s10  }
0x21: {  	[tilespmem:s2+$0x2870] =	vst v0  }
0x22: {  	[tilespmem:s2+$0x2800] =	vst v0  }
0x23: {  	[tilespmem:s2+$0x2810] =	vst v0  }
0x24: {  	[tilespmem:s2+$0x2820] =	vst v0  }
0x25: {  	[tilespmem:s2+$0x2830] =	vst v0  }
0x26: {  	[tilespmem:s2+$0x2840] =	vst v0  }
0x27: {  	[tilespmem:s2+$0x2850] =	vst v0  }
0x28: {  	[tilespmem:s2+$0x2860] =	vst v0  }
0x29: {  	[spmem:s5] =	stream.linear.scatter [tilespmem:s20], [sflag:$0x5], $0x4000, $0x38;
	[tilespmem:$0x1E800] =	vst v63  }
0x2a: {  	_ =	swait.ge [sflag:s21], $0x4000  }
0x2b: {  	[sflag:s21] =	ssyncset.done $0x0  }
0x2c: {  	[sflag:s21] =	ssyncadd.s32 $0xFFFFC000  }
0x2d: {  	[spmem:s6] =	stream.linear.scatter [tilespmem:s20], [sflag:$0x5], $0x4000, $0x38;
	[tilespmem:$0x1E800] =	vst v63  }
0x2e: {  	_ =	swait.ge [sflag:s21], $0x4000  }
0x2f: {  	[sflag:s21] =	ssyncset.done $0x0  }
0x30: {  	[sflag:s21] =	ssyncadd.s32 $0xFFFFC000  }
0x31: {  	[spmem:s7] =	stream.linear.scatter [tilespmem:s20], [sflag:$0x5], $0x4000, $0x38;
	[tilespmem:$0x1E800] =	vst v63  }
0x32: {  	_ =	swait.ge [sflag:s21], $0x4000  }
0x33: {  	[sflag:s21] =	ssyncset.done $0x0  }
0x34: {  	[sflag:s21] =	ssyncadd.s32 $0xFFFFC000  }
0x35: {  	[spmem:s8] =	stream.linear.scatter [tilespmem:s20], [sflag:$0x5], $0x4000, $0x38;
	[tilespmem:$0x1E800] =	vst v63  }
0x36: {  	_ =	swait.ge [sflag:s21], $0x4000  }
0x37: {  	[sflag:s21] =	ssyncset.done $0x0  }
0x38: {  	[sflag:s21] =	ssyncadd.s32 $0xFFFFC000  }
0x39: {  	[spmem:s9] =	stream.linear.scatter [tilespmem:s20], [sflag:$0x5], $0x4000, $0x38;
	[tilespmem:$0x1E800] =	vst v63  }
0x3a: {  	_ =	swait.ge [sflag:s21], $0x4000  }
0x3b: {  	[sflag:s21] =	ssyncset.done $0x0  }
0x3c: {  	[sflag:s21] =	ssyncadd.s32 $0xFFFFC000  }
0x3d: {  	[bflag:$0x0] =	sbarrier.arrive $0xFFFF  }
0x3e: {  	s2 =	simm.s32 $0x0;
	s10 =	rddreg [dreg:$0x3]  }
0x3f: {  	[tilespmem:s2], [sflag:$0x5] =	stream.linear.gather [hbm4b:s10+s2], $0x1400, $0x38;
	[tilespmem:$0x1E800] =	vst v63  }
0x40: {  	_ =	swait.ge [sflag:s21], $0x1400  }
0x41: {  	[sflag:s21] =	ssyncset.done $0x0  }
0x42: {  	s11 =	rddreg [dreg:$0x4];
	[sflag:s21] =	ssyncadd.s32 $0xFFFFEC00  }
0x43: {  	[tilespmem:s22], [sflag:$0x5] =	stream.linear.gather [hbm4b:s11+s2], $0x1400, $0x38;
	[tilespmem:$0x1E800] =	vst v63  }
0x44: {  	_ =	swait.ge [sflag:s21], $0x1400  }
0x45: {  	[sflag:s21] =	ssyncset.done $0x0  }
0x46: {  	[sflag:s21] =	ssyncadd.s32 $0xFFFFEC00  }
0x47: {  	[tilespmem:s20], [sflag:$0x1] =	stream.indirect.gather [hbm4b:s4+s23], $0x80, s2, s23, $0xb8;
	[tilespmem:$0x1E800] =	vst v63  }
0x48: {  	_ = 	snop  }
0x49: {  	[tilespmem:s24], [sflag:$0x2] =	stream.indirect.gather [hbm4b:s4+s23], $0x80, s23, s23, $0xb8;
	[tilespmem:$0x1E800] =	vst v63  }
0x4a: {  	_ =	swait.ge [sflag:s25], $0x4000  }
0x4b: {  	[sflag:s25] =	ssyncset.done $0x0  }
0x4c: {  	s11 =	simm.s32 $0x1400;
	[sflag:s25] =	ssyncadd.s32 $0xFFFFC000  }
0x4d: {  	[spmem:s1] =	stream.indirect.scatter.add.f32 [tilespmem:s20], [sflag:$0x3], $0x80, s11, s23, $0xb8;
	[tilespmem:$0x1E800] =	vst v63  }
0x4e: {  	_ =	swait.ge [sflag:s26], $0x4000  }
0x4f: {  	[sflag:s26] =	ssyncset.done $0x0  }
0x50: {  	s10 =	simm.s32 $0x1480;
	[sflag:s26] =	ssyncadd.s32 $0xFFFFC000  }
0x51: {  	[spmem:s1] =	stream.indirect.scatter.add.f32 [tilespmem:s24], [sflag:$0x4], $0x80, s10, s23, $0xb8;
	[tilespmem:$0x1E800] =	vst v63  }
0x52: {  	_ =	swait.ge [sflag:s28], $0x4000  }
0x53: {  	[sflag:s28] =	ssyncset.done $0x0  }
0x54: {  	s11 =	simm.s32 $0x100;
	[sflag:s28] =	ssyncadd.s32 $0xFFFFC000  }
0x55: {  	[tilespmem:s20], [sflag:$0x1] =	stream.indirect.gather [hbm4b:s4+s23], $0x80, s11, s23, $0xb8;
	[tilespmem:$0x1E800] =	vst v63  }
0x56: {  	_ =	swait.ge [sflag:s29], $0x4000  }
0x57: {  	[sflag:s29] =	ssyncset.done $0x0  }
0x58: {  	s2 =	simm.s32 $0x400;
	s10 =	simm.s32 $0x180;
	[sflag:s29] =	ssyncadd.s32 $0xFFFFC000  }
.LBB2_4:
0x59: {  	[tilespmem:s24], [sflag:$0x2] =	stream.indirect.gather [hbm4b:s4+s23], $0x80, s10, s23, $0xb8;
	[tilespmem:$0x1E800] =	vst v63  }
0x5a: {  	s10 =	smov.u32 s2  }
0x5b: {  	p0 =	sne.s32 s2, $0x4800;
	s2 =	sadd.s32 $0x400, s2;
	_ =	swait.ge [sflag:s25], $0x4000  }
0x5c: {  	s10 =	sshra.s32 s10, $0x2;
	[sflag:s25] =	ssyncset.done $0x0  }
0x5d: {  	s11 =	sadd.s32 $0x1400, s10;
	[sflag:s25] =	ssyncadd.s32 $0xFFFFC000  }
0x5e: {  	[spmem:s1] =	stream.indirect.scatter.add.f32 [tilespmem:s20], [sflag:$0x3], $0x80, s11, s23, $0xb8;
	[tilespmem:$0x1E800] =	vst v63  }
0x5f: {  	_ =	swait.ge [sflag:s26], $0x4000  }
0x60: {  	[sflag:s26] =	ssyncset.done $0x0  }
0x61: {  	s11 =	sadd.s32 $0x1480, s10;
	[sflag:s26] =	ssyncadd.s32 $0xFFFFC000  }
0x62: {  	[spmem:s1] =	stream.indirect.scatter.add.f32 [tilespmem:s24], [sflag:$0x4], $0x80, s11, s23, $0xb8;
	[tilespmem:$0x1E800] =	vst v63  }
0x63: {  	_ =	swait.ge [sflag:s28], $0x4000  }
0x64: {  	[sflag:s28] =	ssyncset.done $0x0  }
.Ltmp1:
0x65: {  	s11 =	sadd.s32 $0x100, s10;
	[sflag:s28] =	ssyncadd.s32 $0xFFFFC000;
	(pc) =	sbr.rel @p0 .LBB2_4-.Ltmp1, $4  }
0x66: {  	[tilespmem:s20], [sflag:$0x1] =	stream.indirect.gather [hbm4b:s4+s23], $0x80, s11, s23, $0xb8;
	[tilespmem:$0x1E800] =	vst v63  }
0x67: {  	_ =	swait.ge [sflag:s29], $0x4000  }
0x68: {  	[sflag:s29] =	ssyncset.done $0x0  }
0x69: {  	s10 =	sadd.s32 $0x180, s10;
	[sflag:s29] =	ssyncadd.s32 $0xFFFFC000  }
0x6a: {  	[tilespmem:s24], [sflag:$0x2] =	stream.indirect.gather [hbm4b:s4+s23], $0x80, s10, s23, $0xb8;
	[tilespmem:$0x1E800] =	vst v63  }
0x6b: {  	_ =	swait.ge [sflag:s25], $0x4000  }
0x6c: {  	[sflag:s25] =	ssyncset.done $0x0  }
0x6d: {  	[sflag:s25] =	ssyncadd.s32 $0xFFFFC000  }
0x6e: {  	[spmem:s1] =	stream.indirect.scatter.add.f32 [tilespmem:s20], [sflag:$0x3], $0x80, s30, s23, $0xb8;
	[tilespmem:$0x1E800] =	vst v63  }
0x6f: {  	_ =	swait.ge [sflag:s26], $0x4000  }
0x70: {  	[sflag:s26] =	ssyncset.done $0x0  }
0x71: {  	[sflag:s26] =	ssyncadd.s32 $0xFFFFC000  }
0x72: {  	[spmem:s1] =	stream.indirect.scatter.add.f32 [tilespmem:s24], [sflag:$0x4], $0x80, s31, s23, $0xb8;
	[tilespmem:$0x1E800] =	vst v63  }
0x73: {  	_ =	swait.ge [sflag:s28], $0x4000  }
0x74: {  	[sflag:s28] =	ssyncset.done $0x0  }
0x75: {  	[sflag:s28] =	ssyncadd.s32 $0xFFFFC000  }
0x76: {  	_ =	swait.ge [sflag:s29], $0x4000  }
0x77: {  	[sflag:s29] =	ssyncset.done $0x0  }
0x78: {  	s2 =	simm.s32 $0x0;
	[sflag:s29] =	ssyncadd.s32 $0xFFFFC000  }
0x79: {  	[tilespmem:s2], [sflag:$0x5] =	stream.linear.gather [hbm4b:s12+s2], $0x1400, $0x38;
	[tilespmem:$0x1E800] =	vst v63  }
0x7a: {  	_ =	swait.ge [sflag:s21], $0x1400  }
0x7b: {  	[sflag:s21] =	ssyncset.done $0x0  }
0x7c: {  	[sflag:s21] =	ssyncadd.s32 $0xFFFFEC00  }
0x7d: {  	[tilespmem:s22], [sflag:$0x5] =	stream.linear.gather [hbm4b:s13+s2], $0x1400, $0x38;
	[tilespmem:$0x1E800] =	vst v63  }
0x7e: {  	_ =	swait.ge [sflag:s21], $0x1400  }
0x7f: {  	[sflag:s21] =	ssyncset.done $0x0  }
0x80: {  	[sflag:s21] =	ssyncadd.s32 $0xFFFFEC00  }
0x81: {  	[tilespmem:s20], [sflag:$0x1] =	stream.indirect.gather [hbm4b:s4+s23], $0x80, s2, s23, $0xb8;
	[tilespmem:$0x1E800] =	vst v63  }
0x82: {  	_ = 	snop  }
0x83: {  	[tilespmem:s24], [sflag:$0x2] =	stream.indirect.gather [hbm4b:s4+s23], $0x80, s23, s23, $0xb8;
	[tilespmem:$0x1E800] =	vst v63  }
0x84: {  	_ =	swait.ge [sflag:s25], $0x4000  }
0x85: {  	[sflag:s25] =	ssyncset.done $0x0  }
0x86: {  	s11 =	simm.s32 $0x1400;
	[sflag:s25] =	ssyncadd.s32 $0xFFFFC000  }
0x87: {  	[spmem:s1] =	stream.indirect.scatter.add.f32 [tilespmem:s20], [sflag:$0x3], $0x80, s11, s23, $0xb8;
	[tilespmem:$0x1E800] =	vst v63  }
0x88: {  	_ =	swait.ge [sflag:s26], $0x4000  }
0x89: {  	[sflag:s26] =	ssyncset.done $0x0  }
0x8a: {  	s10 =	simm.s32 $0x1480;
	[sflag:s26] =	ssyncadd.s32 $0xFFFFC000  }
0x8b: {  	[spmem:s1] =	stream.indirect.scatter.add.f32 [tilespmem:s24], [sflag:$0x4], $0x80, s10, s23, $0xb8;
	[tilespmem:$0x1E800] =	vst v63  }
0x8c: {  	_ =	swait.ge [sflag:s28], $0x4000  }
0x8d: {  	[sflag:s28] =	ssyncset.done $0x0  }
0x8e: {  	s11 =	simm.s32 $0x100;
	[sflag:s28] =	ssyncadd.s32 $0xFFFFC000  }
0x8f: {  	[tilespmem:s20], [sflag:$0x1] =	stream.indirect.gather [hbm4b:s4+s23], $0x80, s11, s23, $0xb8;
	[tilespmem:$0x1E800] =	vst v63  }
0x90: {  	_ =	swait.ge [sflag:s29], $0x4000  }
0x91: {  	[sflag:s29] =	ssyncset.done $0x0  }
0x92: {  	s2 =	simm.s32 $0x400;
	s10 =	simm.s32 $0x180;
	[sflag:s29] =	ssyncadd.s32 $0xFFFFC000  }
.LBB2_6:
0x93: {  	[tilespmem:s24], [sflag:$0x2] =	stream.indirect.gather [hbm4b:s4+s23], $0x80, s10, s23, $0xb8;
	[tilespmem:$0x1E800] =	vst v63  }
0x94: {  	s10 =	smov.u32 s2  }
0x95: {  	p0 =	sne.s32 s2, $0x4800;
	s2 =	sadd.s32 $0x400, s2;
	_ =	swait.ge [sflag:s25], $0x4000  }
0x96: {  	s10 =	sshra.s32 s10, $0x2;
	[sflag:s25] =	ssyncset.done $0x0  }
0x97: {  	s11 =	sadd.s32 $0x1400, s10;
	[sflag:s25] =	ssyncadd.s32 $0xFFFFC000  }
0x98: {  	[spmem:s1] =	stream.indirect.scatter.add.f32 [tilespmem:s20], [sflag:$0x3], $0x80, s11, s23, $0xb8;
	[tilespmem:$0x1E800] =	vst v63  }
0x99: {  	_ =	swait.ge [sflag:s26], $0x4000  }
0x9a: {  	[sflag:s26] =	ssyncset.done $0x0  }
0x9b: {  	s11 =	sadd.s32 $0x1480, s10;
	[sflag:s26] =	ssyncadd.s32 $0xFFFFC000  }
0x9c: {  	[spmem:s1] =	stream.indirect.scatter.add.f32 [tilespmem:s24], [sflag:$0x4], $0x80, s11, s23, $0xb8;
	[tilespmem:$0x1E800] =	vst v63  }
0x9d: {  	_ =	swait.ge [sflag:s28], $0x4000  }
0x9e: {  	[sflag:s28] =	ssyncset.done $0x0  }
.Ltmp2:
0x9f: {  	s11 =	sadd.s32 $0x100, s10;
	[sflag:s28] =	ssyncadd.s32 $0xFFFFC000;
	(pc) =	sbr.rel @p0 .LBB2_6-.Ltmp2, $4  }
0xa0: {  	[tilespmem:s20], [sflag:$0x1] =	stream.indirect.gather [hbm4b:s4+s23], $0x80, s11, s23, $0xb8;
	[tilespmem:$0x1E800] =	vst v63  }
0xa1: {  	_ =	swait.ge [sflag:s29], $0x4000  }
0xa2: {  	[sflag:s29] =	ssyncset.done $0x0  }
0xa3: {  	s10 =	sadd.s32 $0x180, s10;
	[sflag:s29] =	ssyncadd.s32 $0xFFFFC000  }
0xa4: {  	[tilespmem:s24], [sflag:$0x2] =	stream.indirect.gather [hbm4b:s4+s23], $0x80, s10, s23, $0xb8;
	[tilespmem:$0x1E800] =	vst v63  }
0xa5: {  	_ =	swait.ge [sflag:s25], $0x4000  }
0xa6: {  	[sflag:s25] =	ssyncset.done $0x0  }
0xa7: {  	[sflag:s25] =	ssyncadd.s32 $0xFFFFC000  }
0xa8: {  	[spmem:s1] =	stream.indirect.scatter.add.f32 [tilespmem:s20], [sflag:$0x3], $0x80, s30, s23, $0xb8;
	[tilespmem:$0x1E800] =	vst v63  }
0xa9: {  	_ =	swait.ge [sflag:s26], $0x4000  }
0xaa: {  	[sflag:s26] =	ssyncset.done $0x0  }
0xab: {  	[sflag:s26] =	ssyncadd.s32 $0xFFFFC000  }
0xac: {  	[spmem:s1] =	stream.indirect.scatter.add.f32 [tilespmem:s24], [sflag:$0x4], $0x80, s31, s23, $0xb8;
	[tilespmem:$0x1E800] =	vst v63  }
0xad: {  	_ =	swait.ge [sflag:s28], $0x4000  }
0xae: {  	[sflag:s28] =	ssyncset.done $0x0  }
0xaf: {  	[sflag:s28] =	ssyncadd.s32 $0xFFFFC000  }
0xb0: {  	_ =	swait.ge [sflag:s29], $0x4000  }
0xb1: {  	[sflag:s29] =	ssyncset.done $0x0  }
0xb2: {  	[sflag:s29] =	ssyncadd.s32 $0xFFFFC000  }
0xb3: {  	[bflag:$0x0] =	sbarrier.arrive $0xFFFF  }
0xb4: {  	[tilespmem:s20], [sflag:$0x5] =	stream.linear.gather [spmem:s5], $0x4000, $0x38;
	[tilespmem:$0x1E800] =	vst v63  }
0xb5: {  	_ =	swait.ge [sflag:s21], $0x4000  }
0xb6: {  	[sflag:s21] =	ssyncset.done $0x0  }
0xb7: {  	[sflag:s21] =	ssyncadd.s32 $0xFFFFC000  }
0xb8: {  	[hbm4b:s14+s3] =	stream.linear.scatter [tilespmem:s20], [sflag:$0x5], $0x4000, $0x38;
	[tilespmem:$0x1E800] =	vst v63  }
0xb9: {  	_ =	swait.ge [sflag:s21], $0x4000  }
0xba: {  	[sflag:s21] =	ssyncset.done $0x0  }
0xbb: {  	[sflag:s21] =	ssyncadd.s32 $0xFFFFC000  }
0xbc: {  	[tilespmem:s20], [sflag:$0x5] =	stream.linear.gather [spmem:s6], $0x4000, $0x38;
	[tilespmem:$0x1E800] =	vst v63  }
0xbd: {  	_ =	swait.ge [sflag:s21], $0x4000  }
0xbe: {  	[sflag:s21] =	ssyncset.done $0x0  }
0xbf: {  	[sflag:s21] =	ssyncadd.s32 $0xFFFFC000  }
0xc0: {  	[hbm4b:s15+s3] =	stream.linear.scatter [tilespmem:s20], [sflag:$0x5], $0x4000, $0x38;
	[tilespmem:$0x1E800] =	vst v63  }
0xc1: {  	_ =	swait.ge [sflag:s21], $0x4000  }
0xc2: {  	[sflag:s21] =	ssyncset.done $0x0  }
0xc3: {  	[sflag:s21] =	ssyncadd.s32 $0xFFFFC000  }
0xc4: {  	[tilespmem:s20], [sflag:$0x5] =	stream.linear.gather [spmem:s7], $0x4000, $0x38;
	[tilespmem:$0x1E800] =	vst v63  }
0xc5: {  	_ =	swait.ge [sflag:s21], $0x4000  }
0xc6: {  	[sflag:s21] =	ssyncset.done $0x0  }
0xc7: {  	[sflag:s21] =	ssyncadd.s32 $0xFFFFC000  }
0xc8: {  	[hbm4b:s16+s3] =	stream.linear.scatter [tilespmem:s20], [sflag:$0x5], $0x4000, $0x38;
	[tilespmem:$0x1E800] =	vst v63  }
0xc9: {  	_ =	swait.ge [sflag:s21], $0x4000  }
0xca: {  	[sflag:s21] =	ssyncset.done $0x0  }
0xcb: {  	[sflag:s21] =	ssyncadd.s32 $0xFFFFC000  }
0xcc: {  	[tilespmem:s20], [sflag:$0x5] =	stream.linear.gather [spmem:s8], $0x4000, $0x38;
	[tilespmem:$0x1E800] =	vst v63  }
0xcd: {  	_ =	swait.ge [sflag:s21], $0x4000  }
0xce: {  	[sflag:s21] =	ssyncset.done $0x0  }
0xcf: {  	[sflag:s21] =	ssyncadd.s32 $0xFFFFC000  }
0xd0: {  	[hbm4b:s17+s3] =	stream.linear.scatter [tilespmem:s20], [sflag:$0x5], $0x4000, $0x38;
	[tilespmem:$0x1E800] =	vst v63  }
0xd1: {  	_ =	swait.ge [sflag:s21], $0x4000  }
0xd2: {  	[sflag:s21] =	ssyncset.done $0x0  }
0xd3: {  	[sflag:s21] =	ssyncadd.s32 $0xFFFFC000  }
0xd4: {  	[tilespmem:s20], [sflag:$0x5] =	stream.linear.gather [spmem:s9], $0x4000, $0x38;
	[tilespmem:$0x1E800] =	vst v63  }
0xd5: {  	s0 =	sadd.s32 $0x1, s0;
	_ =	swait.ge [sflag:s21], $0x4000  }
0xd6: {  	p0 =	sne.s32 s0, s19;
	[sflag:s21] =	ssyncset.done $0x0  }
.Ltmp3:
0xd7: {  	[sflag:s21] =	ssyncadd.s32 $0xFFFFC000;
	(pc) =	sbr.rel @p0 .LBB2_1-.Ltmp3, $4  }
0xd8: {  	[hbm4b:s18+s3] =	stream.linear.scatter [tilespmem:s20], [sflag:$0x5], $0x4000, $0x38;
	[tilespmem:$0x1E800] =	vst v63  }
0xd9: {  	_ =	swait.ge [sflag:s21], $0x4000  }
0xda: {  	[sflag:s21] =	ssyncset.done $0x0  }
0xdb: {  	[sflag:s21] =	ssyncadd.s32 $0xFFFFC000  }
0xdc: {  	_ =	sfence.sel $0x180000  }
0xdd: {  	[bflag:$0x0] =	sbarrier.arrive $0xFFFF  }
0xde: {  	_ =	strace $0x9000004A  }
0xdf: {  	s0 =	stileid.u32;
	[bflag:$0x2] =	sbarrier.arrive $0xFFFF  }
0xe0: {  	p0 =	sne.s32 s0, $0x0;
	s0 =	rddreg [dreg:$0x2]  }
0xe1: {  	s0 =	sadd.s32 @!p0 $0x100000, s0  }
0xe2: {  	[sflag:s0] =	ssyncadd.tile.s32 @!p0 $0x1;
	_ =	shalt  }
.Lfunc_end2:
_tile_overlayer_lowered:
.L_overlay_start_2:
0xe3: {  	(tag) =	ssettag $0x2  }
0xe4: {  	s0 =	rddreg [dreg:$0x0];
	s2 =	stileid.u32  }
0xe5: {  	s1 =	rddreg [dreg:$0x1];
	p0 =	sne.s32 s2, $0x0  }
0xe6: {  	s3 =	rddreg [dreg:$0x2];
	[bflag:$0x3] =	sbarrier.arrive $0xFFFF;
	s2 =	simm.s32 @!p0 $0x1C05  }
0xe7: {  	[timem:s3], [sflag:s2] =	dma.local @!p0 [hbm:s0], s1  }
0xe8: {  	s0 =	simm.s32 @!p0 $0x5  }
0xe9: {  	_ =	swait.ge @!p0 [sflag:s0], s1  }
0xea: {  	s1 =	ssub.s32 @!p0 $0x0, s1;
	[sflag:s0] =	ssyncset.done @!p0 $0x0  }
0xeb: {  	[sflag:s0] =	ssyncadd.s32 @!p0 s1  }
0xec: {  	[bflag:$0x3] =	sbarrier.arrive $0xFFFF  }
0xed: {  	_ =	shalt  }

// kernel: kernel.16.cloned.1.call-start
scs
__scs_entry_jumppad:
0x0: {  	(pc) =	sbr.rel $0x88, $3  }
0x1: {  	(tag) =	ssettag $0x0;
	lr =	simm.s32 $0x1  }
0x2: {  	[smem:$0x3F96] =	sst lr;
	_ =	strace $0xD0000000  }
0x3: {  	_ = 	snop  }
0x4: {  	_ = 	snop  }
0x5: {  	_ = 	snop  }
0x6: {  	_ = 	snop  }
0x7: {  	_ = 	snop  }
__scs_overlays_trampoline_lowered:
0x8: {  	[smem:$0x3FA5] =	sst s0  }
0x9: {  	[smem:$0x3FA6] =	sst s1  }
0xa: {  	[smem:$0x3FA7] =	sst s2  }
0xb: {  	[smem:$0x3FA8] =	sst s3  }
0xc: {  	[smem:$0x3FA9] =	sst s4  }
0xd: {  	[smem:$0x3FAA] =	sst s5  }
0xe: {  	[smem:$0x3FAB] =	sst s6  }
0xf: {  	[smem:$0x3FAC] =	sst s7  }
0x10: {  	[smem:$0x3FAD] =	sst s8  }
0x11: {  	[smem:$0x3FAE] =	sst s9;
	s0 =	simm.s32 @!p0 $0x0  }
0x12: {  	s1 =	sld [smem:$0x3F94];
	s0 =	simm.s32 @p0 $0x1  }
0x13: {  	[smem:$0x3FAF] =	sst s0;
	s0 =	simm.s32 @!p1 $0x0  }
0x14: {  	s2 =	sld [smem:$0x3F93];
	s0 =	simm.s32 @p1 $0x1  }
0x15: {  	[smem:$0x3FB0] =	sst s0;
	s0 =	simm.s32 @!p2 $0x0  }
0x16: {  	s3 =	sld [smem:$0x3FDB];
	s0 =	simm.s32 @p2 $0x1  }
0x17: {  	s4 =	simm.s32 $0x1BF5;
	[smem:$0x3FB2] =	sst s0  }
0x18: {  	s0 =	sld [smem:$0x3F95];
	_ =	swait.ge [sflag:s4], $0x0  }
0x19: {  	s7 =	sld [smem:$0x3F96]  }
0x1a: {  	s8 =	sadd.s32 $0xFFFFE003, lr  }
0x1b: {  	s9 =	sadd.s32 $0xFFFFFEF7, lr;
	s5 =	simm.s32 $0xFFFFFFFF;
	p2 =	slt.u32 s8, $0xFFFFF086  }
0x1c: {  	p1 =	slt.u32 s9, $0xF7A;
	s5 =	simm.s32 @!p2 $0x0  }
0x1d: {  	s5 =	simm.s32 @p1 $0x1;
	p0 =	seq.s32 s7, s2  }
0x1e: {  	s7 =	smul.u32 @!p0 $0xF7A, s2;
	p2 =	seq.s32 @!p0 s5, $0x0  }
0x1f: {  	s9 =	smul.u32 $0xF7A, s1;
	s8 =	simm.s32 @!p0 $0x1BF5;
	p2 =	por !p2, p0  }
0x20: {  	[sflag:s8] =	ssyncset.s32 @!p0 $0xFFFFF086;
	s6 =	sadd.s32 @!p0 s3, s7;
	s7 =	simm.s32 @!p0 $0x108  }
0x21: {  	s3 =	sadd.s32 s3, s9;
	s6 =	sadd.s32 @!p0 $0x88, s6;
	s7 =	simm.s32 @p2 $0x1082  }
0x22: {  	[simem:s7], [sflag:s8] =	dma.local @!p0 [hbm:s6], $0xF7A  }
0x23: {  	s9 =	sor.u32 $0xD0000000, s2;
	s6 =	simm.s32 $0x108;
	_ =	swait.ge @!p0 [sflag:s8], $0x0  }
0x24: {  	s3 =	sadd.s32 $0x88, s3;
	s6 =	simm.s32 @!p1 $0x1082;
	[sflag:s4] =	ssyncset.s32 $0xFFFFF086  }
0x25: {  	[simem:s6], [sflag:s4] =	dma.local [hbm:s3], $0xF7A  }
0x26: {  	[smem:$0x3F96] =	sst s1;
	(tag) =	ssettag s2;
	_ =	strace s9  }
0x27: {  	s1 =	sld [smem:$0x3FA6]  }
0x28: {  	s2 =	sld [smem:$0x3FA7]  }
0x29: {  	s4 =	sld [smem:$0x3FA9]  }
0x2a: {  	p0 =	seq.s32 s5, $0x0;
	s5 =	sld [smem:$0x3FAA]  }
0x2b: {  	s6 =	sld [smem:$0x3FAB]  }
0x2c: {  	s7 =	sld [smem:$0x3FAC]  }
0x2d: {  	s3 =	simm.s32 $0x108;
	s8 =	sld [smem:$0x3FAD]  }
0x2e: {  	s3 =	simm.s32 @!p0 $0x1082;
	s9 =	sld [smem:$0x3FAE]  }
0x2f: {  	lr =	sadd.s32 s0, s3;
	s0 =	sld [smem:$0x3FA5]  }
0x30: {  	s3 =	sld [smem:$0x3FA8]  }
0x31: {  	[smem:$0x3FB1] =	sst s10  }
0x32: {  	s10 =	sld [smem:$0x3FAF];
	_ =	sdelay $0x3  }
0x33: {  	p0 =	seq.s32 s10, $0x1;
	s10 =	sld [smem:$0x3FB1];
	_ =	sdelay $0x3  }
0x34: {  	[smem:$0x3FB1] =	sst s10  }
0x35: {  	s10 =	sld [smem:$0x3FB0];
	_ =	sdelay $0x3  }
0x36: {  	p1 =	seq.s32 s10, $0x1;
	s10 =	sld [smem:$0x3FB1];
	_ =	sdelay $0x3  }
0x37: {  	[smem:$0x3FB1] =	sst s10  }
0x38: {  	s10 =	sld [smem:$0x3FB2]  }
0x39: {  	_ = 	snop;
	(pc) =	sbr.ind lr, $3  }
0x3a: {  	_ = 	snop  }
0x3b: {  	_ = 	snop  }
0x3c: {  	p2 =	seq.s32 s10, $0x1;
	s10 =	sld [smem:$0x3FB1]  }
0x3d: {  	_ =	shalt  }
0x3e: {  	_ =	shalt  }
0x3f: {  	_ =	shalt  }
0x40: {  	_ =	shalt  }
0x41: {  	_ =	shalt  }
0x42: {  	_ =	shalt  }
0x43: {  	_ =	shalt  }
0x44: {  	_ =	shalt  }
0x45: {  	_ =	shalt  }
0x46: {  	_ =	shalt  }
0x47: {  	_ =	shalt  }
0x48: {  	_ =	shalt  }
0x49: {  	_ =	shalt  }
0x4a: {  	_ =	shalt  }
0x4b: {  	_ =	shalt  }
0x4c: {  	_ =	shalt  }
0x4d: {  	_ =	shalt  }
0x4e: {  	_ =	shalt  }
0x4f: {  	_ =	shalt  }
0x50: {  	_ =	shalt  }
0x51: {  	_ =	shalt  }
0x52: {  	_ =	shalt  }
0x53: {  	_ =	shalt  }
0x54: {  	_ =	shalt  }
0x55: {  	_ =	shalt  }
0x56: {  	_ =	shalt  }
0x57: {  	_ =	shalt  }
0x58: {  	_ =	shalt  }
0x59: {  	_ =	shalt  }
0x5a: {  	_ =	shalt  }
0x5b: {  	_ =	shalt  }
0x5c: {  	_ =	shalt  }
0x5d: {  	_ =	shalt  }
0x5e: {  	_ =	shalt  }
0x5f: {  	_ =	shalt  }
0x60: {  	_ =	shalt  }
0x61: {  	_ =	shalt  }
0x62: {  	_ =	shalt  }
0x63: {  	_ =	shalt  }
0x64: {  	_ =	shalt  }
0x65: {  	_ =	shalt  }
0x66: {  	_ =	shalt  }
0x67: {  	_ =	shalt  }
0x68: {  	_ =	shalt  }
0x69: {  	_ =	shalt  }
0x6a: {  	_ =	shalt  }
0x6b: {  	_ =	shalt  }
0x6c: {  	_ =	shalt  }
0x6d: {  	_ =	shalt  }
0x6e: {  	_ =	shalt  }
0x6f: {  	_ =	shalt  }
0x70: {  	_ =	shalt  }
0x71: {  	_ =	shalt  }
0x72: {  	_ =	shalt  }
0x73: {  	_ =	shalt  }
0x74: {  	_ =	shalt  }
0x75: {  	_ =	shalt  }
0x76: {  	_ =	shalt  }
0x77: {  	_ =	shalt  }
0x78: {  	_ =	shalt  }
0x79: {  	_ =	shalt  }
0x7a: {  	_ =	shalt  }
0x7b: {  	_ =	shalt  }
0x7c: {  	_ =	shalt  }
0x7d: {  	_ =	shalt  }
0x7e: {  	_ =	shalt  }
0x7f: {  	_ =	shalt  }
0x80: {  	_ =	shalt  }
0x81: {  	_ =	shalt  }
0x82: {  	_ =	shalt  }
0x83: {  	_ =	shalt  }
0x84: {  	_ =	shalt  }
0x85: {  	_ =	shalt  }
0x86: {  	_ =	shalt  }
0x87: {  	_ =	shalt  }
.Lfunc_end0:
.L_simem_size_0:
called_computation.2_lowered:
.L_overlay_start_0:
0x88: {  	s2 =	sld [smem:$0x3FD9]  }
0x89: {  	s3 =	sld [smem:$0x3FFE];
	_ =	sdelay $0x1  }
0x8a: {  	s1 =	srdreg.scid  }
0x8b: {  	s0 =	sand.u32 $0x1, s1  }
0x8c: {  	s16 =	sshll.u32 s0, $0xA;
	s2 =	sadd.s32 s3, s2  }
0x8d: {  	s2 =	sadd.s32 s2, s16  }
0x8e: {  	[smem:$0x3FBD] =	sst s2  }
0x8f: {  	_ = 	snop  }
0x90: {  	(tm) =	ssettm $0x1  }
0x91: {  	s17 =	sld [smem:$0x3FFB];
	_ =	sdelay $0x3  }
0x92: {  	_ =	strace s17  }
0x93: {  	s2 =	sld [smem:$0x3FFC];
	_ =	sdelay $0x3  }
0x94: {  	_ =	strace s2  }
0x95: {  	s2 =	sld [smem:$0x3FFD];
	_ =	sdelay $0x3  }
0x96: {  	_ =	strace s2  }
0x97: {  	_ =	strace $0x8FFFFFFF  }
0x98: {  	s18 =	sld [smem:$0x3FDB];
	_ =	sdelay $0x1  }
0x99: {  	s19 =	simm.s32 $_scs_section_size  }
0x9a: {  	s4 =	simm.s32 $_size__tile_overlayer_lowered;
	s5 =	simm.s32 $_tile_overlayer_lowered  }
0x9b: {  	s22 =	simm.s32 $0x1BFF;
	s21 =	sshll.u32 s5, $0x1;
	s2 =	sadd.s32 s19, s18  }
0x9c: {  	s6 =	simm.s32 $0x0;
	s20 =	sshll.u32 s4, $0x1;
	s4 =	sadd.s32 s21, s2  }
0x9d: {  	[timem:s6], [sflag:s22] =	dma.local [hbm:s4], s20  }
0x9e: {  	_ =	swait.ge [sflag:s22], s20  }
0x9f: {  	s3 =	ssub.s32 $0x0, s20;
	[sflag:s22] =	ssyncset.done $0x0  }
0xa0: {  	[sflag:s22] =	ssyncadd.s32 s3;
	_ =	sdelay $0x1  }
0xa1: {  	s23 =	simm.s32 $0x1B8B  }
0xa2: {  	_ =	swait.ge [sflag:s23], $0x1  }
0xa3: {  	[sflag:s23] =	ssyncset.done $0x0  }
0xa4: {  	s25 =	simm.s32 $0x1B8E;
	s24 =	sld [smem:$0x3FFE];
	[sflag:s23] =	ssyncadd.s32 $0xFFFFFFFF  }
0xa5: {  	s26 =	simm.s32 $execute0_lowered;
	[smem:$0x3FD2] =	sst s25  }
0xa6: {  	s4 =	sshll.u32 s26, $0x1;
	_ =	strace $0x8000004C;
	[dreg:$0x1] =	wrdreg $0xFFFFFFFF  }
0xa7: {  	s28 =	simm.s32 $_size_execute0_lowered;
	s2 =	sadd.s32 s2, s4;
	[dreg:$0x0] =	wrdreg $0x0  }
0xa8: {  	s4 =	sshll.u32 s28, $0x1;
	[dreg:$0x2] =	wrdreg s2  }
0xa9: {  	[dreg:$0x3] =	wrdreg s4  }
0xaa: {  	[dreg:$0x4] =	wrdreg $0xC0  }
0xab: {  	_ =	task [dreg:s6], $0x5FFFF  }
0xac: {  	[dreg:$0x1] =	wrdreg $0xFFFFFFFF  }
0xad: {  	[dreg:$0x0] =	wrdreg $0x60  }
0xae: {  	[dreg:$0x2] =	wrdreg s24  }
0xaf: {  	[dreg:$0x3] =	wrdreg $0xA8000  }
0xb0: {  	[dreg:$0x4] =	wrdreg $0x9  }
0xb1: {  	_ =	task.clear_ibuf [dreg:s6], $0x5FFFF;
	_ =	strace $0x9000004C  }
0xb2: {  	s29 =	simm.s32 $0x9;
	_ =	strace $0x8000004E  }
0xb3: {  	_ =	swait.ge [sflag:s29], $0x1  }
0xb4: {  	[sflag:s29] =	ssyncadd.s32 $0xFFFFFFFF  }
0xb5: {  	_ =	strace $0x9000004E  }
0xb6: {  	_ =	sfence  }
0xb7: {  	s30 =	sld [smem:$0x0];
	_ =	sdelay $0x2  }
0xb8: {  	s31 =	sshll.u32 s1, $0xD;
	s1 =	sshrl.u32 s1, $0x2  }
0xb9: {  	s3 =	sand.u32 $0x4000, s31;
	s1 =	sadd.s32 s1, s30  }
0xba: {  	s0 =	sor.u32 s3, s0;
	s1 =	sshll.u32 s1, $0x11  }
0xbb: {  	s0 =	sor.u32 s1, s0  }
0xbc: {  	s0 =	sadd.s32 $0x8F2B, s0  }
0xbd: {  	[sflag:s0] =	ssyncadd.remote.s32 $0x1  }
0xbe: {  	_ =	sfence.sel $0xFFFF  }
0xbf: {  	[dreg:$0x0] =	wrdreg $0xFFFFFFFF;
	(pc) =	sbr.abs _section_cstart, $3  }
0xc0: {  	[dreg:$0x1] =	wrdreg $0xFFFFFFFF  }
0xc1: {  	_ =	task.clear_ibuf [dreg:s6], $0x2FFFF;
	_ =	strace $0x9FFFFFFF  }
0xc2: {  	(tm) =	ssettm $0x7FFFFFFF  }
0xc3: {  	_ =	shalt  }
tec
execute0_lowered:
.L_overlay_start_1:
0x0: {  	(tag) =	ssettag $0x1  }
0x1: {  	s0 =	rddreg [dreg:$0x0]  }
0x2: {  	s1 =	rddreg [dreg:$0x1];
	s3 =	simm.s32 $0x0;
	s2 =	srdreg.scid  }
0x3: {  	s8 =	stileid.u32;
	s28 =	simm.s32 $0x3;
	s29 =	simm.s32 $0x4  }
0x4: {  	s30 =	simm.s32 $0x2700;
	s31 =	simm.s32 $0x2780;
	[smem:$0x7FF] =	sst s3  }
0x5: {  	s2 =	sand.u32 $0x1, s2;
	s4 =	sadd.s32 $0xC800, s0;
	s6 =	smul.u32 $0x50000, s8  }
0x6: {  	s10 =	sadd.s32 $0x5C800, s0;
	s13 =	smul.u32 $0x14000, s8;
	s14 =	sadd.s32 $0x2800, s0  }
0x7: {  	s0 =	sadd.s32 $0x66800, s0;
	_ =	strace $0x8000004D;
	s5 =	ssub.s32 $0x2, s2  }
0x8: {  	s21 =	sshll.u32 s2, $0x4;
	s2 =	smul.u32 $0x140000, s2;
	s7 =	sshrl.u32 s5, $0x1  }
0x9: {  	s6 =	sshrl.u32 s6, $0x2;
	s15 =	sadd.s32 $0x4000, s13;
	s22 =	sor.u32 s8, s21  }
0xa: {  	s16 =	sadd.s32 $0x8000, s13;
	s17 =	sadd.s32 $0xC000, s13;
	s18 =	sadd.s32 $0x10000, s13  }
0xb: {  	s21 =	simm.s32 $0x5;
	s19 =	ssub.s32 s5, s7;
	s5 =	sadd.s32 s6, s1  }
0xc: {  	s6 =	sadd.s32 s15, s1;
	s11 =	smul.u32 $0x2800, s22;
	s7 =	sadd.s32 s16, s1  }
0xd: {  	s8 =	sadd.s32 s17, s1;
	s9 =	sadd.s32 s18, s1;
	s24 =	sadd.s32 s13, s2  }
0xe: {  	s15 =	sadd.s32 s2, s15;
	s25 =	sadd.s32 s2, s16;
	s17 =	sadd.s32 s2, s17  }
0xf: {  	s2 =	sadd.s32 s2, s18;
	s22 =	simm.s32 $0x1400;
	s15 =	sshrl.u32 s15, $0x3  }
0x10: {  	s26 =	sshrl.u32 s17, $0x3;
	s2 =	sshrl.u32 s2, $0x3;
	s19 =	smax.u32 s19, $0x1  }
0x11: {  	s12 =	sshrl.u32 s11, $0x3;
	s15 =	sadd.s32 s0, s15;
	s17 =	sadd.s32 s0, s26  }
0x12: {  	s18 =	sadd.s32 s0, s2;
	s26 =	simm.s32 $0x2;
	s11 =	sadd.s32 s10, s12  }
0x13: {  	s23 =	sadd.s32 s14, s12;
	s20 =	sadd.s32 $0x280, s12;
	[dreg:$0x3] =	wrdreg s11  }
0x14: {  	[dreg:$0x4] =	wrdreg s23;
	s12 =	sadd.s32 s10, s20;
	s13 =	sadd.s32 s14, s20  }
0x15: {  	s10 =	sshrl.u32 s24, $0x3;
	s20 =	simm.s32 $0x2800;
	s23 =	simm.s32 $0x80  }
0x16: {  	s24 =	simm.s32 $0x6800;
	s14 =	sadd.s32 s0, s10;
	s10 =	sshrl.u32 s25, $0x3  }
0x17: {  	v0 =	vimm.f32 $0.0e+00;
	s25 =	simm.s32 $0x1;
	s16 =	sadd.s32 s0, s10;
	s0 =	simm.s32 $0x0  }
.LBB2_1:
0x18: {  	s2 =	simm.s32 $0x0;
	s10 =	simm.s32 $0x200  }
.LBB2_2:
0x19: {  	p0 =	sne.s32 s10, $0xFE00;
	[tilespmem:s2+$0x2870] =	vst v0  }
0x1a: {  	[tilespmem:s2+$0x2800] =	vst v0  }
0x1b: {  	[tilespmem:s2+$0x2810] =	vst v0  }
.Ltmp0:
0x1c: {  	[tilespmem:s2+$0x2820] =	vst v0;
	(pc) =	sbr.rel @p0 .LBB2_2-.Ltmp0, $4  }
0x1d: {  	[tilespmem:s2+$0x2830] =	vst v0  }
0x1e: {  	[tilespmem:s2+$0x2840] =	vst v0  }
0x1f: {  	[tilespmem:s2+$0x2850] =	vst v0  }
0x20: {  	[tilespmem:s2+$0x2860] =	vst v0;
	s2 =	sshra.s32 s10, $0x2;
	s10 =	sadd.s32 $0x200, s10  }
0x21: {  	[tilespmem:s2+$0x2870] =	vst v0  }
0x22: {  	[tilespmem:s2+$0x2800] =	vst v0  }
0x23: {  	[tilespmem:s2+$0x2810] =	vst v0  }
0x24: {  	[tilespmem:s2+$0x2820] =	vst v0  }
0x25: {  	[tilespmem:s2+$0x2830] =	vst v0  }
0x26: {  	[tilespmem:s2+$0x2840] =	vst v0  }
0x27: {  	[tilespmem:s2+$0x2850] =	vst v0  }
0x28: {  	[tilespmem:s2+$0x2860] =	vst v0  }
0x29: {  	[spmem:s5] =	stream.linear.scatter [tilespmem:s20], [sflag:$0x5], $0x4000, $0x38;
	[tilespmem:$0x1E800] =	vst v63  }
0x2a: {  	_ =	swait.ge [sflag:s21], $0x4000  }
0x2b: {  	[sflag:s21] =	ssyncset.done $0x0  }
0x2c: {  	[sflag:s21] =	ssyncadd.s32 $0xFFFFC000  }
0x2d: {  	[spmem:s6] =	stream.linear.scatter [tilespmem:s20], [sflag:$0x5], $0x4000, $0x38;
	[tilespmem:$0x1E800] =	vst v63  }
0x2e: {  	_ =	swait.ge [sflag:s21], $0x4000  }
0x2f: {  	[sflag:s21] =	ssyncset.done $0x0  }
0x30: {  	[sflag:s21] =	ssyncadd.s32 $0xFFFFC000  }
0x31: {  	[spmem:s7] =	stream.linear.scatter [tilespmem:s20], [sflag:$0x5], $0x4000, $0x38;
	[tilespmem:$0x1E800] =	vst v63  }
0x32: {  	_ =	swait.ge [sflag:s21], $0x4000  }
0x33: {  	[sflag:s21] =	ssyncset.done $0x0  }
0x34: {  	[sflag:s21] =	ssyncadd.s32 $0xFFFFC000  }
0x35: {  	[spmem:s8] =	stream.linear.scatter [tilespmem:s20], [sflag:$0x5], $0x4000, $0x38;
	[tilespmem:$0x1E800] =	vst v63  }
0x36: {  	_ =	swait.ge [sflag:s21], $0x4000  }
0x37: {  	[sflag:s21] =	ssyncset.done $0x0  }
0x38: {  	[sflag:s21] =	ssyncadd.s32 $0xFFFFC000  }
0x39: {  	[spmem:s9] =	stream.linear.scatter [tilespmem:s20], [sflag:$0x5], $0x4000, $0x38;
	[tilespmem:$0x1E800] =	vst v63  }
0x3a: {  	_ =	swait.ge [sflag:s21], $0x4000  }
0x3b: {  	[sflag:s21] =	ssyncset.done $0x0  }
0x3c: {  	[sflag:s21] =	ssyncadd.s32 $0xFFFFC000  }
0x3d: {  	[bflag:$0x0] =	sbarrier.arrive $0xFFFF  }
0x3e: {  	s2 =	simm.s32 $0x0;
	s10 =	rddreg [dreg:$0x3]  }
0x3f: {  	[tilespmem:s2], [sflag:$0x5] =	stream.linear.gather [hbm4b:s10+s2], $0x1400, $0x38;
	[tilespmem:$0x1E800] =	vst v63  }
0x40: {  	_ =	swait.ge [sflag:s21], $0x1400  }
0x41: {  	[sflag:s21] =	ssyncset.done $0x0  }
0x42: {  	s11 =	rddreg [dreg:$0x4];
	[sflag:s21] =	ssyncadd.s32 $0xFFFFEC00  }
0x43: {  	[tilespmem:s22], [sflag:$0x5] =	stream.linear.gather [hbm4b:s11+s2], $0x1400, $0x38;
	[tilespmem:$0x1E800] =	vst v63  }
0x44: {  	_ =	swait.ge [sflag:s21], $0x1400  }
0x45: {  	[sflag:s21] =	ssyncset.done $0x0  }
0x46: {  	[sflag:s21] =	ssyncadd.s32 $0xFFFFEC00  }
0x47: {  	[tilespmem:s20], [sflag:$0x1] =	stream.indirect.gather [hbm4b:s4+s23], $0x80, s2, s23, $0xb8;
	[tilespmem:$0x1E800] =	vst v63  }
0x48: {  	_ = 	snop  }
0x49: {  	[tilespmem:s24], [sflag:$0x2] =	stream.indirect.gather [hbm4b:s4+s23], $0x80, s23, s23, $0xb8;
	[tilespmem:$0x1E800] =	vst v63  }
0x4a: {  	_ =	swait.ge [sflag:s25], $0x4000  }
0x4b: {  	[sflag:s25] =	ssyncset.done $0x0  }
0x4c: {  	s11 =	simm.s32 $0x1400;
	[sflag:s25] =	ssyncadd.s32 $0xFFFFC000  }
0x4d: {  	[spmem:s1] =	stream.indirect.scatter.add.f32 [tilespmem:s20], [sflag:$0x3], $0x80, s11, s23, $0xb8;
	[tilespmem:$0x1E800] =	vst v63  }
0x4e: {  	_ =	swait.ge [sflag:s26], $0x4000  }
0x4f: {  	[sflag:s26] =	ssyncset.done $0x0  }
0x50: {  	s10 =	simm.s32 $0x1480;
	[sflag:s26] =	ssyncadd.s32 $0xFFFFC000  }
0x51: {  	[spmem:s1] =	stream.indirect.scatter.add.f32 [tilespmem:s24], [sflag:$0x4], $0x80, s10, s23, $0xb8;
	[tilespmem:$0x1E800] =	vst v63  }
0x52: {  	_ =	swait.ge [sflag:s28], $0x4000  }
0x53: {  	[sflag:s28] =	ssyncset.done $0x0  }
0x54: {  	s11 =	simm.s32 $0x100;
	[sflag:s28] =	ssyncadd.s32 $0xFFFFC000  }
0x55: {  	[tilespmem:s20], [sflag:$0x1] =	stream.indirect.gather [hbm4b:s4+s23], $0x80, s11, s23, $0xb8;
	[tilespmem:$0x1E800] =	vst v63  }
0x56: {  	_ =	swait.ge [sflag:s29], $0x4000  }
0x57: {  	[sflag:s29] =	ssyncset.done $0x0  }
0x58: {  	s2 =	simm.s32 $0x400;
	s10 =	simm.s32 $0x180;
	[sflag:s29] =	ssyncadd.s32 $0xFFFFC000  }
.LBB2_4:
0x59: {  	[tilespmem:s24], [sflag:$0x2] =	stream.indirect.gather [hbm4b:s4+s23], $0x80, s10, s23, $0xb8;
	[tilespmem:$0x1E800] =	vst v63  }
0x5a: {  	s10 =	smov.u32 s2  }
0x5b: {  	p0 =	sne.s32 s2, $0x4800;
	s2 =	sadd.s32 $0x400, s2;
	_ =	swait.ge [sflag:s25], $0x4000  }
0x5c: {  	s10 =	sshra.s32 s10, $0x2;
	[sflag:s25] =	ssyncset.done $0x0  }
0x5d: {  	s11 =	sadd.s32 $0x1400, s10;
	[sflag:s25] =	ssyncadd.s32 $0xFFFFC000  }
0x5e: {  	[spmem:s1] =	stream.indirect.scatter.add.f32 [tilespmem:s20], [sflag:$0x3], $0x80, s11, s23, $0xb8;
	[tilespmem:$0x1E800] =	vst v63  }
0x5f: {  	_ =	swait.ge [sflag:s26], $0x4000  }
0x60: {  	[sflag:s26] =	ssyncset.done $0x0  }
0x61: {  	s11 =	sadd.s32 $0x1480, s10;
	[sflag:s26] =	ssyncadd.s32 $0xFFFFC000  }
0x62: {  	[spmem:s1] =	stream.indirect.scatter.add.f32 [tilespmem:s24], [sflag:$0x4], $0x80, s11, s23, $0xb8;
	[tilespmem:$0x1E800] =	vst v63  }
0x63: {  	_ =	swait.ge [sflag:s28], $0x4000  }
0x64: {  	[sflag:s28] =	ssyncset.done $0x0  }
.Ltmp1:
0x65: {  	s11 =	sadd.s32 $0x100, s10;
	[sflag:s28] =	ssyncadd.s32 $0xFFFFC000;
	(pc) =	sbr.rel @p0 .LBB2_4-.Ltmp1, $4  }
0x66: {  	[tilespmem:s20], [sflag:$0x1] =	stream.indirect.gather [hbm4b:s4+s23], $0x80, s11, s23, $0xb8;
	[tilespmem:$0x1E800] =	vst v63  }
0x67: {  	_ =	swait.ge [sflag:s29], $0x4000  }
0x68: {  	[sflag:s29] =	ssyncset.done $0x0  }
0x69: {  	s10 =	sadd.s32 $0x180, s10;
	[sflag:s29] =	ssyncadd.s32 $0xFFFFC000  }
0x6a: {  	[tilespmem:s24], [sflag:$0x2] =	stream.indirect.gather [hbm4b:s4+s23], $0x80, s10, s23, $0xb8;
	[tilespmem:$0x1E800] =	vst v63  }
0x6b: {  	_ =	swait.ge [sflag:s25], $0x4000  }
0x6c: {  	[sflag:s25] =	ssyncset.done $0x0  }
0x6d: {  	[sflag:s25] =	ssyncadd.s32 $0xFFFFC000  }
0x6e: {  	[spmem:s1] =	stream.indirect.scatter.add.f32 [tilespmem:s20], [sflag:$0x3], $0x80, s30, s23, $0xb8;
	[tilespmem:$0x1E800] =	vst v63  }
0x6f: {  	_ =	swait.ge [sflag:s26], $0x4000  }
0x70: {  	[sflag:s26] =	ssyncset.done $0x0  }
0x71: {  	[sflag:s26] =	ssyncadd.s32 $0xFFFFC000  }
0x72: {  	[spmem:s1] =	stream.indirect.scatter.add.f32 [tilespmem:s24], [sflag:$0x4], $0x80, s31, s23, $0xb8;
	[tilespmem:$0x1E800] =	vst v63  }
0x73: {  	_ =	swait.ge [sflag:s28], $0x4000  }
0x74: {  	[sflag:s28] =	ssyncset.done $0x0  }
0x75: {  	[sflag:s28] =	ssyncadd.s32 $0xFFFFC000  }
0x76: {  	_ =	swait.ge [sflag:s29], $0x4000  }
0x77: {  	[sflag:s29] =	ssyncset.done $0x0  }
0x78: {  	s2 =	simm.s32 $0x0;
	[sflag:s29] =	ssyncadd.s32 $0xFFFFC000  }
0x79: {  	[tilespmem:s2], [sflag:$0x5] =	stream.linear.gather [hbm4b:s12+s2], $0x1400, $0x38;
	[tilespmem:$0x1E800] =	vst v63  }
0x7a: {  	_ =	swait.ge [sflag:s21], $0x1400  }
0x7b: {  	[sflag:s21] =	ssyncset.done $0x0  }
0x7c: {  	[sflag:s21] =	ssyncadd.s32 $0xFFFFEC00  }
0x7d: {  	[tilespmem:s22], [sflag:$0x5] =	stream.linear.gather [hbm4b:s13+s2], $0x1400, $0x38;
	[tilespmem:$0x1E800] =	vst v63  }
0x7e: {  	_ =	swait.ge [sflag:s21], $0x1400  }
0x7f: {  	[sflag:s21] =	ssyncset.done $0x0  }
0x80: {  	[sflag:s21] =	ssyncadd.s32 $0xFFFFEC00  }
0x81: {  	[tilespmem:s20], [sflag:$0x1] =	stream.indirect.gather [hbm4b:s4+s23], $0x80, s2, s23, $0xb8;
	[tilespmem:$0x1E800] =	vst v63  }
0x82: {  	_ = 	snop  }
0x83: {  	[tilespmem:s24], [sflag:$0x2] =	stream.indirect.gather [hbm4b:s4+s23], $0x80, s23, s23, $0xb8;
	[tilespmem:$0x1E800] =	vst v63  }
0x84: {  	_ =	swait.ge [sflag:s25], $0x4000  }
0x85: {  	[sflag:s25] =	ssyncset.done $0x0  }
0x86: {  	s11 =	simm.s32 $0x1400;
	[sflag:s25] =	ssyncadd.s32 $0xFFFFC000  }
0x87: {  	[spmem:s1] =	stream.indirect.scatter.add.f32 [tilespmem:s20], [sflag:$0x3], $0x80, s11, s23, $0xb8;
	[tilespmem:$0x1E800] =	vst v63  }
0x88: {  	_ =	swait.ge [sflag:s26], $0x4000  }
0x89: {  	[sflag:s26] =	ssyncset.done $0x0  }
0x8a: {  	s10 =	simm.s32 $0x1480;
	[sflag:s26] =	ssyncadd.s32 $0xFFFFC000  }
0x8b: {  	[spmem:s1] =	stream.indirect.scatter.add.f32 [tilespmem:s24], [sflag:$0x4], $0x80, s10, s23, $0xb8;
	[tilespmem:$0x1E800] =	vst v63  }
0x8c: {  	_ =	swait.ge [sflag:s28], $0x4000  }
0x8d: {  	[sflag:s28] =	ssyncset.done $0x0  }
0x8e: {  	s11 =	simm.s32 $0x100;
	[sflag:s28] =	ssyncadd.s32 $0xFFFFC000  }
0x8f: {  	[tilespmem:s20], [sflag:$0x1] =	stream.indirect.gather [hbm4b:s4+s23], $0x80, s11, s23, $0xb8;
	[tilespmem:$0x1E800] =	vst v63  }
0x90: {  	_ =	swait.ge [sflag:s29], $0x4000  }
0x91: {  	[sflag:s29] =	ssyncset.done $0x0  }
0x92: {  	s2 =	simm.s32 $0x400;
	s10 =	simm.s32 $0x180;
	[sflag:s29] =	ssyncadd.s32 $0xFFFFC000  }
.LBB2_6:
0x93: {  	[tilespmem:s24], [sflag:$0x2] =	stream.indirect.gather [hbm4b:s4+s23], $0x80, s10, s23, $0xb8;
	[tilespmem:$0x1E800] =	vst v63  }
0x94: {  	s10 =	smov.u32 s2  }
0x95: {  	p0 =	sne.s32 s2, $0x4800;
	s2 =	sadd.s32 $0x400, s2;
	_ =	swait.ge [sflag:s25], $0x4000  }
0x96: {  	s10 =	sshra.s32 s10, $0x2;
	[sflag:s25] =	ssyncset.done $0x0  }
0x97: {  	s11 =	sadd.s32 $0x1400, s10;
	[sflag:s25] =	ssyncadd.s32 $0xFFFFC000  }
0x98: {  	[spmem:s1] =	stream.indirect.scatter.add.f32 [tilespmem:s20], [sflag:$0x3], $0x80, s11, s23, $0xb8;
	[tilespmem:$0x1E800] =	vst v63  }
0x99: {  	_ =	swait.ge [sflag:s26], $0x4000  }
0x9a: {  	[sflag:s26] =	ssyncset.done $0x0  }
0x9b: {  	s11 =	sadd.s32 $0x1480, s10;
	[sflag:s26] =	ssyncadd.s32 $0xFFFFC000  }
0x9c: {  	[spmem:s1] =	stream.indirect.scatter.add.f32 [tilespmem:s24], [sflag:$0x4], $0x80, s11, s23, $0xb8;
	[tilespmem:$0x1E800] =	vst v63  }
0x9d: {  	_ =	swait.ge [sflag:s28], $0x4000  }
0x9e: {  	[sflag:s28] =	ssyncset.done $0x0  }
.Ltmp2:
0x9f: {  	s11 =	sadd.s32 $0x100, s10;
	[sflag:s28] =	ssyncadd.s32 $0xFFFFC000;
	(pc) =	sbr.rel @p0 .LBB2_6-.Ltmp2, $4  }
0xa0: {  	[tilespmem:s20], [sflag:$0x1] =	stream.indirect.gather [hbm4b:s4+s23], $0x80, s11, s23, $0xb8;
	[tilespmem:$0x1E800] =	vst v63  }
0xa1: {  	_ =	swait.ge [sflag:s29], $0x4000  }
0xa2: {  	[sflag:s29] =	ssyncset.done $0x0  }
0xa3: {  	s10 =	sadd.s32 $0x180, s10;
	[sflag:s29] =	ssyncadd.s32 $0xFFFFC000  }
0xa4: {  	[tilespmem:s24], [sflag:$0x2] =	stream.indirect.gather [hbm4b:s4+s23], $0x80, s10, s23, $0xb8;
	[tilespmem:$0x1E800] =	vst v63  }
0xa5: {  	_ =	swait.ge [sflag:s25], $0x4000  }
0xa6: {  	[sflag:s25] =	ssyncset.done $0x0  }
0xa7: {  	[sflag:s25] =	ssyncadd.s32 $0xFFFFC000  }
0xa8: {  	[spmem:s1] =	stream.indirect.scatter.add.f32 [tilespmem:s20], [sflag:$0x3], $0x80, s30, s23, $0xb8;
	[tilespmem:$0x1E800] =	vst v63  }
0xa9: {  	_ =	swait.ge [sflag:s26], $0x4000  }
0xaa: {  	[sflag:s26] =	ssyncset.done $0x0  }
0xab: {  	[sflag:s26] =	ssyncadd.s32 $0xFFFFC000  }
0xac: {  	[spmem:s1] =	stream.indirect.scatter.add.f32 [tilespmem:s24], [sflag:$0x4], $0x80, s31, s23, $0xb8;
	[tilespmem:$0x1E800] =	vst v63  }
0xad: {  	_ =	swait.ge [sflag:s28], $0x4000  }
0xae: {  	[sflag:s28] =	ssyncset.done $0x0  }
0xaf: {  	[sflag:s28] =	ssyncadd.s32 $0xFFFFC000  }
0xb0: {  	_ =	swait.ge [sflag:s29], $0x4000  }
0xb1: {  	[sflag:s29] =	ssyncset.done $0x0  }
0xb2: {  	[sflag:s29] =	ssyncadd.s32 $0xFFFFC000  }
0xb3: {  	[bflag:$0x0] =	sbarrier.arrive $0xFFFF  }
0xb4: {  	[tilespmem:s20], [sflag:$0x5] =	stream.linear.gather [spmem:s5], $0x4000, $0x38;
	[tilespmem:$0x1E800] =	vst v63  }
0xb5: {  	_ =	swait.ge [sflag:s21], $0x4000  }
0xb6: {  	[sflag:s21] =	ssyncset.done $0x0  }
0xb7: {  	[sflag:s21] =	ssyncadd.s32 $0xFFFFC000  }
0xb8: {  	[hbm4b:s14+s3] =	stream.linear.scatter [tilespmem:s20], [sflag:$0x5], $0x4000, $0x38;
	[tilespmem:$0x1E800] =	vst v63  }
0xb9: {  	_ =	swait.ge [sflag:s21], $0x4000  }
0xba: {  	[sflag:s21] =	ssyncset.done $0x0  }
0xbb: {  	[sflag:s21] =	ssyncadd.s32 $0xFFFFC000  }
0xbc: {  	[tilespmem:s20], [sflag:$0x5] =	stream.linear.gather [spmem:s6], $0x4000, $0x38;
	[tilespmem:$0x1E800] =	vst v63  }
0xbd: {  	_ =	swait.ge [sflag:s21], $0x4000  }
0xbe: {  	[sflag:s21] =	ssyncset.done $0x0  }
0xbf: {  	[sflag:s21] =	ssyncadd.s32 $0xFFFFC000  }
0xc0: {  	[hbm4b:s15+s3] =	stream.linear.scatter [tilespmem:s20], [sflag:$0x5], $0x4000, $0x38;
	[tilespmem:$0x1E800] =	vst v63  }
0xc1: {  	_ =	swait.ge [sflag:s21], $0x4000  }
0xc2: {  	[sflag:s21] =	ssyncset.done $0x0  }
0xc3: {  	[sflag:s21] =	ssyncadd.s32 $0xFFFFC000  }
0xc4: {  	[tilespmem:s20], [sflag:$0x5] =	stream.linear.gather [spmem:s7], $0x4000, $0x38;
	[tilespmem:$0x1E800] =	vst v63  }
0xc5: {  	_ =	swait.ge [sflag:s21], $0x4000  }
0xc6: {  	[sflag:s21] =	ssyncset.done $0x0  }
0xc7: {  	[sflag:s21] =	ssyncadd.s32 $0xFFFFC000  }
0xc8: {  	[hbm4b:s16+s3] =	stream.linear.scatter [tilespmem:s20], [sflag:$0x5], $0x4000, $0x38;
	[tilespmem:$0x1E800] =	vst v63  }
0xc9: {  	_ =	swait.ge [sflag:s21], $0x4000  }
0xca: {  	[sflag:s21] =	ssyncset.done $0x0  }
0xcb: {  	[sflag:s21] =	ssyncadd.s32 $0xFFFFC000  }
0xcc: {  	[tilespmem:s20], [sflag:$0x5] =	stream.linear.gather [spmem:s8], $0x4000, $0x38;
	[tilespmem:$0x1E800] =	vst v63  }
0xcd: {  	_ =	swait.ge [sflag:s21], $0x4000  }
0xce: {  	[sflag:s21] =	ssyncset.done $0x0  }
0xcf: {  	[sflag:s21] =	ssyncadd.s32 $0xFFFFC000  }
0xd0: {  	[hbm4b:s17+s3] =	stream.linear.scatter [tilespmem:s20], [sflag:$0x5], $0x4000, $0x38;
	[tilespmem:$0x1E800] =	vst v63  }
0xd1: {  	_ =	swait.ge [sflag:s21], $0x4000  }
0xd2: {  	[sflag:s21] =	ssyncset.done $0x0  }
0xd3: {  	[sflag:s21] =	ssyncadd.s32 $0xFFFFC000  }
0xd4: {  	[tilespmem:s20], [sflag:$0x5] =	stream.linear.gather [spmem:s9], $0x4000, $0x38;
	[tilespmem:$0x1E800] =	vst v63  }
0xd5: {  	s0 =	sadd.s32 $0x1, s0;
	_ =	swait.ge [sflag:s21], $0x4000  }
0xd6: {  	p0 =	sne.s32 s0, s19;
	[sflag:s21] =	ssyncset.done $0x0  }
.Ltmp3:
0xd7: {  	[sflag:s21] =	ssyncadd.s32 $0xFFFFC000;
	(pc) =	sbr.rel @p0 .LBB2_1-.Ltmp3, $4  }
0xd8: {  	[hbm4b:s18+s3] =	stream.linear.scatter [tilespmem:s20], [sflag:$0x5], $0x4000, $0x38;
	[tilespmem:$0x1E800] =	vst v63  }
0xd9: {  	_ =	swait.ge [sflag:s21], $0x4000  }
0xda: {  	[sflag:s21] =	ssyncset.done $0x0  }
0xdb: {  	[sflag:s21] =	ssyncadd.s32 $0xFFFFC000  }
0xdc: {  	_ =	sfence.sel $0x180000  }
0xdd: {  	[bflag:$0x0] =	sbarrier.arrive $0xFFFF  }
0xde: {  	_ =	strace $0x9000004D  }
0xdf: {  	s0 =	stileid.u32;
	[bflag:$0x2] =	sbarrier.arrive $0xFFFF  }
0xe0: {  	p0 =	sne.s32 s0, $0x0;
	s0 =	rddreg [dreg:$0x2]  }
0xe1: {  	s0 =	sadd.s32 @!p0 $0x100000, s0  }
0xe2: {  	[sflag:s0] =	ssyncadd.tile.s32 @!p0 $0x1;
	_ =	shalt  }
.Lfunc_end2:
_tile_overlayer_lowered:
.L_overlay_start_2:
0xe3: {  	(tag) =	ssettag $0x2  }
0xe4: {  	s0 =	rddreg [dreg:$0x0];
	s2 =	stileid.u32  }
0xe5: {  	s1 =	rddreg [dreg:$0x1];
	p0 =	sne.s32 s2, $0x0  }
0xe6: {  	s3 =	rddreg [dreg:$0x2];
	[bflag:$0x3] =	sbarrier.arrive $0xFFFF;
	s2 =	simm.s32 @!p0 $0x1C05  }
0xe7: {  	[timem:s3], [sflag:s2] =	dma.local @!p0 [hbm:s0], s1  }
0xe8: {  	s0 =	simm.s32 @!p0 $0x5  }
0xe9: {  	_ =	swait.ge @!p0 [sflag:s0], s1  }
0xea: {  	s1 =	ssub.s32 @!p0 $0x0, s1;
	[sflag:s0] =	ssyncset.done @!p0 $0x0  }
0xeb: {  	[sflag:s0] =	ssyncadd.s32 @!p0 s1  }
0xec: {  	[bflag:$0x3] =	sbarrier.arrive $0xFFFF  }
0xed: {  	_ =	shalt  }

// kernel: kernel.19.cloned.1.call-start
scs
__scs_entry_jumppad:
0x0: {  	(pc) =	sbr.rel $0x88, $3  }
0x1: {  	(tag) =	ssettag $0x0;
	lr =	simm.s32 $0x1  }
0x2: {  	[smem:$0x3F96] =	sst lr;
	_ =	strace $0xD0000000  }
0x3: {  	_ = 	snop  }
0x4: {  	_ = 	snop  }
0x5: {  	_ = 	snop  }
0x6: {  	_ = 	snop  }
0x7: {  	_ = 	snop  }
__scs_overlays_trampoline_lowered:
0x8: {  	[smem:$0x3FA5] =	sst s0  }
0x9: {  	[smem:$0x3FA6] =	sst s1  }
0xa: {  	[smem:$0x3FA7] =	sst s2  }
0xb: {  	[smem:$0x3FA8] =	sst s3  }
0xc: {  	[smem:$0x3FA9] =	sst s4  }
0xd: {  	[smem:$0x3FAA] =	sst s5  }
0xe: {  	[smem:$0x3FAB] =	sst s6  }
0xf: {  	[smem:$0x3FAC] =	sst s7  }
0x10: {  	[smem:$0x3FAD] =	sst s8  }
0x11: {  	[smem:$0x3FAE] =	sst s9;
	s0 =	simm.s32 @!p0 $0x0  }
0x12: {  	s1 =	sld [smem:$0x3F94];
	s0 =	simm.s32 @p0 $0x1  }
0x13: {  	[smem:$0x3FAF] =	sst s0;
	s0 =	simm.s32 @!p1 $0x0  }
0x14: {  	s2 =	sld [smem:$0x3F93];
	s0 =	simm.s32 @p1 $0x1  }
0x15: {  	[smem:$0x3FB0] =	sst s0;
	s0 =	simm.s32 @!p2 $0x0  }
0x16: {  	s3 =	sld [smem:$0x3FDB];
	s0 =	simm.s32 @p2 $0x1  }
0x17: {  	s4 =	simm.s32 $0x1BF5;
	[smem:$0x3FB2] =	sst s0  }
0x18: {  	s0 =	sld [smem:$0x3F95];
	_ =	swait.ge [sflag:s4], $0x0  }
0x19: {  	s7 =	sld [smem:$0x3F96]  }
0x1a: {  	s8 =	sadd.s32 $0xFFFFE003, lr  }
0x1b: {  	s9 =	sadd.s32 $0xFFFFFEF7, lr;
	s5 =	simm.s32 $0xFFFFFFFF;
	p2 =	slt.u32 s8, $0xFFFFF086  }
0x1c: {  	p1 =	slt.u32 s9, $0xF7A;
	s5 =	simm.s32 @!p2 $0x0  }
0x1d: {  	s5 =	simm.s32 @p1 $0x1;
	p0 =	seq.s32 s7, s2  }
0x1e: {  	s7 =	smul.u32 @!p0 $0xF7A, s2;
	p2 =	seq.s32 @!p0 s5, $0x0  }
0x1f: {  	s9 =	smul.u32 $0xF7A, s1;
	s8 =	simm.s32 @!p0 $0x1BF5;
	p2 =	por !p2, p0  }
0x20: {  	[sflag:s8] =	ssyncset.s32 @!p0 $0xFFFFF086;
	s6 =	sadd.s32 @!p0 s3, s7;
	s7 =	simm.s32 @!p0 $0x108  }
0x21: {  	s3 =	sadd.s32 s3, s9;
	s6 =	sadd.s32 @!p0 $0x88, s6;
	s7 =	simm.s32 @p2 $0x1082  }
0x22: {  	[simem:s7], [sflag:s8] =	dma.local @!p0 [hbm:s6], $0xF7A  }
0x23: {  	s9 =	sor.u32 $0xD0000000, s2;
	s6 =	simm.s32 $0x108;
	_ =	swait.ge @!p0 [sflag:s8], $0x0  }
0x24: {  	s3 =	sadd.s32 $0x88, s3;
	s6 =	simm.s32 @!p1 $0x1082;
	[sflag:s4] =	ssyncset.s32 $0xFFFFF086  }
0x25: {  	[simem:s6], [sflag:s4] =	dma.local [hbm:s3], $0xF7A  }
0x26: {  	[smem:$0x3F96] =	sst s1;
	(tag) =	ssettag s2;
	_ =	strace s9  }
0x27: {  	s1 =	sld [smem:$0x3FA6]  }
0x28: {  	s2 =	sld [smem:$0x3FA7]  }
0x29: {  	s4 =	sld [smem:$0x3FA9]  }
0x2a: {  	p0 =	seq.s32 s5, $0x0;
	s5 =	sld [smem:$0x3FAA]  }
0x2b: {  	s6 =	sld [smem:$0x3FAB]  }
0x2c: {  	s7 =	sld [smem:$0x3FAC]  }
0x2d: {  	s3 =	simm.s32 $0x108;
	s8 =	sld [smem:$0x3FAD]  }
0x2e: {  	s3 =	simm.s32 @!p0 $0x1082;
	s9 =	sld [smem:$0x3FAE]  }
0x2f: {  	lr =	sadd.s32 s0, s3;
	s0 =	sld [smem:$0x3FA5]  }
0x30: {  	s3 =	sld [smem:$0x3FA8]  }
0x31: {  	[smem:$0x3FB1] =	sst s10  }
0x32: {  	s10 =	sld [smem:$0x3FAF];
	_ =	sdelay $0x3  }
0x33: {  	p0 =	seq.s32 s10, $0x1;
	s10 =	sld [smem:$0x3FB1];
	_ =	sdelay $0x3  }
0x34: {  	[smem:$0x3FB1] =	sst s10  }
0x35: {  	s10 =	sld [smem:$0x3FB0];
	_ =	sdelay $0x3  }
0x36: {  	p1 =	seq.s32 s10, $0x1;
	s10 =	sld [smem:$0x3FB1];
	_ =	sdelay $0x3  }
0x37: {  	[smem:$0x3FB1] =	sst s10  }
0x38: {  	s10 =	sld [smem:$0x3FB2]  }
0x39: {  	_ = 	snop;
	(pc) =	sbr.ind lr, $3  }
0x3a: {  	_ = 	snop  }
0x3b: {  	_ = 	snop  }
0x3c: {  	p2 =	seq.s32 s10, $0x1;
	s10 =	sld [smem:$0x3FB1]  }
0x3d: {  	_ =	shalt  }
0x3e: {  	_ =	shalt  }
0x3f: {  	_ =	shalt  }
0x40: {  	_ =	shalt  }
0x41: {  	_ =	shalt  }
0x42: {  	_ =	shalt  }
0x43: {  	_ =	shalt  }
0x44: {  	_ =	shalt  }
0x45: {  	_ =	shalt  }
0x46: {  	_ =	shalt  }
0x47: {  	_ =	shalt  }
0x48: {  	_ =	shalt  }
0x49: {  	_ =	shalt  }
0x4a: {  	_ =	shalt  }
0x4b: {  	_ =	shalt  }
0x4c: {  	_ =	shalt  }
0x4d: {  	_ =	shalt  }
0x4e: {  	_ =	shalt  }
0x4f: {  	_ =	shalt  }
0x50: {  	_ =	shalt  }
0x51: {  	_ =	shalt  }
0x52: {  	_ =	shalt  }
0x53: {  	_ =	shalt  }
0x54: {  	_ =	shalt  }
0x55: {  	_ =	shalt  }
0x56: {  	_ =	shalt  }
0x57: {  	_ =	shalt  }
0x58: {  	_ =	shalt  }
0x59: {  	_ =	shalt  }
0x5a: {  	_ =	shalt  }
0x5b: {  	_ =	shalt  }
0x5c: {  	_ =	shalt  }
0x5d: {  	_ =	shalt  }
0x5e: {  	_ =	shalt  }
0x5f: {  	_ =	shalt  }
0x60: {  	_ =	shalt  }
0x61: {  	_ =	shalt  }
0x62: {  	_ =	shalt  }
0x63: {  	_ =	shalt  }
0x64: {  	_ =	shalt  }
0x65: {  	_ =	shalt  }
0x66: {  	_ =	shalt  }
0x67: {  	_ =	shalt  }
0x68: {  	_ =	shalt  }
0x69: {  	_ =	shalt  }
0x6a: {  	_ =	shalt  }
0x6b: {  	_ =	shalt  }
0x6c: {  	_ =	shalt  }
0x6d: {  	_ =	shalt  }
0x6e: {  	_ =	shalt  }
0x6f: {  	_ =	shalt  }
0x70: {  	_ =	shalt  }
0x71: {  	_ =	shalt  }
0x72: {  	_ =	shalt  }
0x73: {  	_ =	shalt  }
0x74: {  	_ =	shalt  }
0x75: {  	_ =	shalt  }
0x76: {  	_ =	shalt  }
0x77: {  	_ =	shalt  }
0x78: {  	_ =	shalt  }
0x79: {  	_ =	shalt  }
0x7a: {  	_ =	shalt  }
0x7b: {  	_ =	shalt  }
0x7c: {  	_ =	shalt  }
0x7d: {  	_ =	shalt  }
0x7e: {  	_ =	shalt  }
0x7f: {  	_ =	shalt  }
0x80: {  	_ =	shalt  }
0x81: {  	_ =	shalt  }
0x82: {  	_ =	shalt  }
0x83: {  	_ =	shalt  }
0x84: {  	_ =	shalt  }
0x85: {  	_ =	shalt  }
0x86: {  	_ =	shalt  }
0x87: {  	_ =	shalt  }
.Lfunc_end0:
.L_simem_size_0:
called_computation.3_lowered:
.L_overlay_start_0:
0x88: {  	s2 =	sld [smem:$0x3FD9]  }
0x89: {  	s3 =	sld [smem:$0x3FFE];
	_ =	sdelay $0x1  }
0x8a: {  	s1 =	srdreg.scid  }
0x8b: {  	s0 =	sand.u32 $0x1, s1  }
0x8c: {  	s16 =	sshll.u32 s0, $0xA;
	s2 =	sadd.s32 s3, s2  }
0x8d: {  	s2 =	sadd.s32 s2, s16  }
0x8e: {  	[smem:$0x3FBD] =	sst s2  }
0x8f: {  	_ = 	snop  }
0x90: {  	(tm) =	ssettm $0x1  }
0x91: {  	s17 =	sld [smem:$0x3FFB];
	_ =	sdelay $0x3  }
0x92: {  	_ =	strace s17  }
0x93: {  	s2 =	sld [smem:$0x3FFC];
	_ =	sdelay $0x3  }
0x94: {  	_ =	strace s2  }
0x95: {  	s2 =	sld [smem:$0x3FFD];
	_ =	sdelay $0x3  }
0x96: {  	_ =	strace s2  }
0x97: {  	_ =	strace $0x8FFFFFFF  }
0x98: {  	s18 =	sld [smem:$0x3FDB];
	_ =	sdelay $0x1  }
0x99: {  	s19 =	simm.s32 $_scs_section_size  }
0x9a: {  	s4 =	simm.s32 $_size__tile_overlayer_lowered;
	s5 =	simm.s32 $_tile_overlayer_lowered  }
0x9b: {  	s22 =	simm.s32 $0x1BFF;
	s21 =	sshll.u32 s5, $0x1;
	s2 =	sadd.s32 s19, s18  }
0x9c: {  	s6 =	simm.s32 $0x0;
	s20 =	sshll.u32 s4, $0x1;
	s4 =	sadd.s32 s21, s2  }
0x9d: {  	[timem:s6], [sflag:s22] =	dma.local [hbm:s4], s20  }
0x9e: {  	_ =	swait.ge [sflag:s22], s20  }
0x9f: {  	s3 =	ssub.s32 $0x0, s20;
	[sflag:s22] =	ssyncset.done $0x0  }
0xa0: {  	[sflag:s22] =	ssyncadd.s32 s3;
	_ =	sdelay $0x1  }
0xa1: {  	s23 =	simm.s32 $0x1B8B  }
0xa2: {  	_ =	swait.ge [sflag:s23], $0x1  }
0xa3: {  	[sflag:s23] =	ssyncset.done $0x0  }
0xa4: {  	s25 =	simm.s32 $0x1B8E;
	s24 =	sld [smem:$0x3FFE];
	[sflag:s23] =	ssyncadd.s32 $0xFFFFFFFF  }
0xa5: {  	s26 =	simm.s32 $execute0_lowered;
	[smem:$0x3FD2] =	sst s25  }
0xa6: {  	s4 =	sshll.u32 s26, $0x1;
	_ =	strace $0x8000004F;
	[dreg:$0x1] =	wrdreg $0xFFFFFFFF  }
0xa7: {  	s28 =	simm.s32 $_size_execute0_lowered;
	s2 =	sadd.s32 s2, s4;
	[dreg:$0x0] =	wrdreg $0x0  }
0xa8: {  	s4 =	sshll.u32 s28, $0x1;
	[dreg:$0x2] =	wrdreg s2  }
0xa9: {  	[dreg:$0x3] =	wrdreg s4  }
0xaa: {  	[dreg:$0x4] =	wrdreg $0xC0  }
0xab: {  	_ =	task [dreg:s6], $0x5FFFF  }
0xac: {  	[dreg:$0x1] =	wrdreg $0xFFFFFFFF  }
0xad: {  	[dreg:$0x0] =	wrdreg $0x60  }
0xae: {  	[dreg:$0x2] =	wrdreg s24  }
0xaf: {  	[dreg:$0x3] =	wrdreg $0xA8000  }
0xb0: {  	[dreg:$0x4] =	wrdreg $0x9  }
0xb1: {  	_ =	task.clear_ibuf [dreg:s6], $0x5FFFF;
	_ =	strace $0x9000004F  }
0xb2: {  	s29 =	simm.s32 $0x9;
	_ =	strace $0x80000051  }
0xb3: {  	_ =	swait.ge [sflag:s29], $0x1  }
0xb4: {  	[sflag:s29] =	ssyncadd.s32 $0xFFFFFFFF  }
0xb5: {  	_ =	strace $0x90000051  }
0xb6: {  	_ =	sfence  }
0xb7: {  	s30 =	sld [smem:$0x0];
	_ =	sdelay $0x2  }
0xb8: {  	s31 =	sshll.u32 s1, $0xD;
	s1 =	sshrl.u32 s1, $0x2  }
0xb9: {  	s3 =	sand.u32 $0x4000, s31;
	s1 =	sadd.s32 s1, s30  }
0xba: {  	s0 =	sor.u32 s3, s0;
	s1 =	sshll.u32 s1, $0x11  }
0xbb: {  	s0 =	sor.u32 s1, s0  }
0xbc: {  	s0 =	sadd.s32 $0x8F2B, s0  }
0xbd: {  	[sflag:s0] =	ssyncadd.remote.s32 $0x1  }
0xbe: {  	_ =	sfence.sel $0xFFFF  }
0xbf: {  	[dreg:$0x0] =	wrdreg $0xFFFFFFFF;
	(pc) =	sbr.abs _section_cstart, $3  }
0xc0: {  	[dreg:$0x1] =	wrdreg $0xFFFFFFFF  }
0xc1: {  	_ =	task.clear_ibuf [dreg:s6], $0x2FFFF;
	_ =	strace $0x9FFFFFFF  }
0xc2: {  	(tm) =	ssettm $0x7FFFFFFF  }
0xc3: {  	_ =	shalt  }
tec
execute0_lowered:
.L_overlay_start_1:
0x0: {  	(tag) =	ssettag $0x1  }
0x1: {  	s0 =	rddreg [dreg:$0x0]  }
0x2: {  	s1 =	rddreg [dreg:$0x1];
	s3 =	simm.s32 $0x0;
	s2 =	srdreg.scid  }
0x3: {  	s8 =	stileid.u32;
	s28 =	simm.s32 $0x3;
	s29 =	simm.s32 $0x4  }
0x4: {  	s30 =	simm.s32 $0x2700;
	s31 =	simm.s32 $0x2780;
	[smem:$0x7FF] =	sst s3  }
0x5: {  	s2 =	sand.u32 $0x1, s2;
	s4 =	sadd.s32 $0xC800, s0;
	s6 =	smul.u32 $0x50000, s8  }
0x6: {  	s10 =	sadd.s32 $0x5C800, s0;
	s13 =	smul.u32 $0x14000, s8;
	s14 =	sadd.s32 $0x2800, s0  }
0x7: {  	s0 =	sadd.s32 $0x66800, s0;
	_ =	strace $0x80000050;
	s5 =	ssub.s32 $0x2, s2  }
0x8: {  	s21 =	sshll.u32 s2, $0x4;
	s2 =	smul.u32 $0x140000, s2;
	s7 =	sshrl.u32 s5, $0x1  }
0x9: {  	s6 =	sshrl.u32 s6, $0x2;
	s15 =	sadd.s32 $0x4000, s13;
	s22 =	sor.u32 s8, s21  }
0xa: {  	s16 =	sadd.s32 $0x8000, s13;
	s17 =	sadd.s32 $0xC000, s13;
	s18 =	sadd.s32 $0x10000, s13  }
0xb: {  	s21 =	simm.s32 $0x5;
	s19 =	ssub.s32 s5, s7;
	s5 =	sadd.s32 s6, s1  }
0xc: {  	s6 =	sadd.s32 s15, s1;
	s11 =	smul.u32 $0x2800, s22;
	s7 =	sadd.s32 s16, s1  }
0xd: {  	s8 =	sadd.s32 s17, s1;
	s9 =	sadd.s32 s18, s1;
	s24 =	sadd.s32 s13, s2  }
0xe: {  	s15 =	sadd.s32 s2, s15;
	s25 =	sadd.s32 s2, s16;
	s17 =	sadd.s32 s2, s17  }
0xf: {  	s2 =	sadd.s32 s2, s18;
	s22 =	simm.s32 $0x1400;
	s15 =	sshrl.u32 s15, $0x3  }
0x10: {  	s26 =	sshrl.u32 s17, $0x3;
	s2 =	sshrl.u32 s2, $0x3;
	s19 =	smax.u32 s19, $0x1  }
0x11: {  	s12 =	sshrl.u32 s11, $0x3;
	s15 =	sadd.s32 s0, s15;
	s17 =	sadd.s32 s0, s26  }
0x12: {  	s18 =	sadd.s32 s0, s2;
	s26 =	simm.s32 $0x2;
	s11 =	sadd.s32 s10, s12  }
0x13: {  	s23 =	sadd.s32 s14, s12;
	s20 =	sadd.s32 $0x280, s12;
	[dreg:$0x3] =	wrdreg s11  }
0x14: {  	[dreg:$0x4] =	wrdreg s23;
	s12 =	sadd.s32 s10, s20;
	s13 =	sadd.s32 s14, s20  }
0x15: {  	s10 =	sshrl.u32 s24, $0x3;
	s20 =	simm.s32 $0x2800;
	s23 =	simm.s32 $0x80  }
0x16: {  	s24 =	simm.s32 $0x6800;
	s14 =	sadd.s32 s0, s10;
	s10 =	sshrl.u32 s25, $0x3  }
0x17: {  	v0 =	vimm.f32 $0.0e+00;
	s25 =	simm.s32 $0x1;
	s16 =	sadd.s32 s0, s10;
	s0 =	simm.s32 $0x0  }
.LBB2_1:
0x18: {  	s2 =	simm.s32 $0x0;
	s10 =	simm.s32 $0x200  }
.LBB2_2:
0x19: {  	p0 =	sne.s32 s10, $0xFE00;
	[tilespmem:s2+$0x2870] =	vst v0  }
0x1a: {  	[tilespmem:s2+$0x2800] =	vst v0  }
0x1b: {  	[tilespmem:s2+$0x2810] =	vst v0  }
.Ltmp0:
0x1c: {  	[tilespmem:s2+$0x2820] =	vst v0;
	(pc) =	sbr.rel @p0 .LBB2_2-.Ltmp0, $4  }
0x1d: {  	[tilespmem:s2+$0x2830] =	vst v0  }
0x1e: {  	[tilespmem:s2+$0x2840] =	vst v0  }
0x1f: {  	[tilespmem:s2+$0x2850] =	vst v0  }
0x20: {  	[tilespmem:s2+$0x2860] =	vst v0;
	s2 =	sshra.s32 s10, $0x2;
	s10 =	sadd.s32 $0x200, s10  }
0x21: {  	[tilespmem:s2+$0x2870] =	vst v0  }
0x22: {  	[tilespmem:s2+$0x2800] =	vst v0  }
0x23: {  	[tilespmem:s2+$0x2810] =	vst v0  }
0x24: {  	[tilespmem:s2+$0x2820] =	vst v0  }
0x25: {  	[tilespmem:s2+$0x2830] =	vst v0  }
0x26: {  	[tilespmem:s2+$0x2840] =	vst v0  }
0x27: {  	[tilespmem:s2+$0x2850] =	vst v0  }
0x28: {  	[tilespmem:s2+$0x2860] =	vst v0  }
0x29: {  	[spmem:s5] =	stream.linear.scatter [tilespmem:s20], [sflag:$0x5], $0x4000, $0x38;
	[tilespmem:$0x1E800] =	vst v63  }
0x2a: {  	_ =	swait.ge [sflag:s21], $0x4000  }
0x2b: {  	[sflag:s21] =	ssyncset.done $0x0  }
0x2c: {  	[sflag:s21] =	ssyncadd.s32 $0xFFFFC000  }
0x2d: {  	[spmem:s6] =	stream.linear.scatter [tilespmem:s20], [sflag:$0x5], $0x4000, $0x38;
	[tilespmem:$0x1E800] =	vst v63  }
0x2e: {  	_ =	swait.ge [sflag:s21], $0x4000  }
0x2f: {  	[sflag:s21] =	ssyncset.done $0x0  }
0x30: {  	[sflag:s21] =	ssyncadd.s32 $0xFFFFC000  }
0x31: {  	[spmem:s7] =	stream.linear.scatter [tilespmem:s20], [sflag:$0x5], $0x4000, $0x38;
	[tilespmem:$0x1E800] =	vst v63  }
0x32: {  	_ =	swait.ge [sflag:s21], $0x4000  }
0x33: {  	[sflag:s21] =	ssyncset.done $0x0  }
0x34: {  	[sflag:s21] =	ssyncadd.s32 $0xFFFFC000  }
0x35: {  	[spmem:s8] =	stream.linear.scatter [tilespmem:s20], [sflag:$0x5], $0x4000, $0x38;
	[tilespmem:$0x1E800] =	vst v63  }
0x36: {  	_ =	swait.ge [sflag:s21], $0x4000  }
0x37: {  	[sflag:s21] =	ssyncset.done $0x0  }
0x38: {  	[sflag:s21] =	ssyncadd.s32 $0xFFFFC000  }
0x39: {  	[spmem:s9] =	stream.linear.scatter [tilespmem:s20], [sflag:$0x5], $0x4000, $0x38;
	[tilespmem:$0x1E800] =	vst v63  }
0x3a: {  	_ =	swait.ge [sflag:s21], $0x4000  }
0x3b: {  	[sflag:s21] =	ssyncset.done $0x0  }
0x3c: {  	[sflag:s21] =	ssyncadd.s32 $0xFFFFC000  }
0x3d: {  	[bflag:$0x0] =	sbarrier.arrive $0xFFFF  }
0x3e: {  	s2 =	simm.s32 $0x0;
	s10 =	rddreg [dreg:$0x3]  }
0x3f: {  	[tilespmem:s2], [sflag:$0x5] =	stream.linear.gather [hbm4b:s10+s2], $0x1400, $0x38;
	[tilespmem:$0x1E800] =	vst v63  }
0x40: {  	_ =	swait.ge [sflag:s21], $0x1400  }
0x41: {  	[sflag:s21] =	ssyncset.done $0x0  }
0x42: {  	s11 =	rddreg [dreg:$0x4];
	[sflag:s21] =	ssyncadd.s32 $0xFFFFEC00  }
0x43: {  	[tilespmem:s22], [sflag:$0x5] =	stream.linear.gather [hbm4b:s11+s2], $0x1400, $0x38;
	[tilespmem:$0x1E800] =	vst v63  }
0x44: {  	_ =	swait.ge [sflag:s21], $0x1400  }
0x45: {  	[sflag:s21] =	ssyncset.done $0x0  }
0x46: {  	[sflag:s21] =	ssyncadd.s32 $0xFFFFEC00  }
0x47: {  	[tilespmem:s20], [sflag:$0x1] =	stream.indirect.gather [hbm4b:s4+s23], $0x80, s2, s23, $0xb8;
	[tilespmem:$0x1E800] =	vst v63  }
0x48: {  	_ = 	snop  }
0x49: {  	[tilespmem:s24], [sflag:$0x2] =	stream.indirect.gather [hbm4b:s4+s23], $0x80, s23, s23, $0xb8;
	[tilespmem:$0x1E800] =	vst v63  }
0x4a: {  	_ =	swait.ge [sflag:s25], $0x4000  }
0x4b: {  	[sflag:s25] =	ssyncset.done $0x0  }
0x4c: {  	s11 =	simm.s32 $0x1400;
	[sflag:s25] =	ssyncadd.s32 $0xFFFFC000  }
0x4d: {  	[spmem:s1] =	stream.indirect.scatter.add.f32 [tilespmem:s20], [sflag:$0x3], $0x80, s11, s23, $0xb8;
	[tilespmem:$0x1E800] =	vst v63  }
0x4e: {  	_ =	swait.ge [sflag:s26], $0x4000  }
0x4f: {  	[sflag:s26] =	ssyncset.done $0x0  }
0x50: {  	s10 =	simm.s32 $0x1480;
	[sflag:s26] =	ssyncadd.s32 $0xFFFFC000  }
0x51: {  	[spmem:s1] =	stream.indirect.scatter.add.f32 [tilespmem:s24], [sflag:$0x4], $0x80, s10, s23, $0xb8;
	[tilespmem:$0x1E800] =	vst v63  }
0x52: {  	_ =	swait.ge [sflag:s28], $0x4000  }
0x53: {  	[sflag:s28] =	ssyncset.done $0x0  }
0x54: {  	s11 =	simm.s32 $0x100;
	[sflag:s28] =	ssyncadd.s32 $0xFFFFC000  }
0x55: {  	[tilespmem:s20], [sflag:$0x1] =	stream.indirect.gather [hbm4b:s4+s23], $0x80, s11, s23, $0xb8;
	[tilespmem:$0x1E800] =	vst v63  }
0x56: {  	_ =	swait.ge [sflag:s29], $0x4000  }
0x57: {  	[sflag:s29] =	ssyncset.done $0x0  }
0x58: {  	s2 =	simm.s32 $0x400;
	s10 =	simm.s32 $0x180;
	[sflag:s29] =	ssyncadd.s32 $0xFFFFC000  }
.LBB2_4:
0x59: {  	[tilespmem:s24], [sflag:$0x2] =	stream.indirect.gather [hbm4b:s4+s23], $0x80, s10, s23, $0xb8;
	[tilespmem:$0x1E800] =	vst v63  }
0x5a: {  	s10 =	smov.u32 s2  }
0x5b: {  	p0 =	sne.s32 s2, $0x4800;
	s2 =	sadd.s32 $0x400, s2;
	_ =	swait.ge [sflag:s25], $0x4000  }
0x5c: {  	s10 =	sshra.s32 s10, $0x2;
	[sflag:s25] =	ssyncset.done $0x0  }
0x5d: {  	s11 =	sadd.s32 $0x1400, s10;
	[sflag:s25] =	ssyncadd.s32 $0xFFFFC000  }
0x5e: {  	[spmem:s1] =	stream.indirect.scatter.add.f32 [tilespmem:s20], [sflag:$0x3], $0x80, s11, s23, $0xb8;
	[tilespmem:$0x1E800] =	vst v63  }
0x5f: {  	_ =	swait.ge [sflag:s26], $0x4000  }
0x60: {  	[sflag:s26] =	ssyncset.done $0x0  }
0x61: {  	s11 =	sadd.s32 $0x1480, s10;
	[sflag:s26] =	ssyncadd.s32 $0xFFFFC000  }
0x62: {  	[spmem:s1] =	stream.indirect.scatter.add.f32 [tilespmem:s24], [sflag:$0x4], $0x80, s11, s23, $0xb8;
	[tilespmem:$0x1E800] =	vst v63  }
0x63: {  	_ =	swait.ge [sflag:s28], $0x4000  }
0x64: {  	[sflag:s28] =	ssyncset.done $0x0  }
.Ltmp1:
0x65: {  	s11 =	sadd.s32 $0x100, s10;
	[sflag:s28] =	ssyncadd.s32 $0xFFFFC000;
	(pc) =	sbr.rel @p0 .LBB2_4-.Ltmp1, $4  }
0x66: {  	[tilespmem:s20], [sflag:$0x1] =	stream.indirect.gather [hbm4b:s4+s23], $0x80, s11, s23, $0xb8;
	[tilespmem:$0x1E800] =	vst v63  }
0x67: {  	_ =	swait.ge [sflag:s29], $0x4000  }
0x68: {  	[sflag:s29] =	ssyncset.done $0x0  }
0x69: {  	s10 =	sadd.s32 $0x180, s10;
	[sflag:s29] =	ssyncadd.s32 $0xFFFFC000  }
0x6a: {  	[tilespmem:s24], [sflag:$0x2] =	stream.indirect.gather [hbm4b:s4+s23], $0x80, s10, s23, $0xb8;
	[tilespmem:$0x1E800] =	vst v63  }
0x6b: {  	_ =	swait.ge [sflag:s25], $0x4000  }
0x6c: {  	[sflag:s25] =	ssyncset.done $0x0  }
0x6d: {  	[sflag:s25] =	ssyncadd.s32 $0xFFFFC000  }
0x6e: {  	[spmem:s1] =	stream.indirect.scatter.add.f32 [tilespmem:s20], [sflag:$0x3], $0x80, s30, s23, $0xb8;
	[tilespmem:$0x1E800] =	vst v63  }
0x6f: {  	_ =	swait.ge [sflag:s26], $0x4000  }
0x70: {  	[sflag:s26] =	ssyncset.done $0x0  }
0x71: {  	[sflag:s26] =	ssyncadd.s32 $0xFFFFC000  }
0x72: {  	[spmem:s1] =	stream.indirect.scatter.add.f32 [tilespmem:s24], [sflag:$0x4], $0x80, s31, s23, $0xb8;
	[tilespmem:$0x1E800] =	vst v63  }
0x73: {  	_ =	swait.ge [sflag:s28], $0x4000  }
0x74: {  	[sflag:s28] =	ssyncset.done $0x0  }
0x75: {  	[sflag:s28] =	ssyncadd.s32 $0xFFFFC000  }
0x76: {  	_ =	swait.ge [sflag:s29], $0x4000  }
0x77: {  	[sflag:s29] =	ssyncset.done $0x0  }
0x78: {  	s2 =	simm.s32 $0x0;
	[sflag:s29] =	ssyncadd.s32 $0xFFFFC000  }
0x79: {  	[tilespmem:s2], [sflag:$0x5] =	stream.linear.gather [hbm4b:s12+s2], $0x1400, $0x38;
	[tilespmem:$0x1E800] =	vst v63  }
0x7a: {  	_ =	swait.ge [sflag:s21], $0x1400  }
0x7b: {  	[sflag:s21] =	ssyncset.done $0x0  }
0x7c: {  	[sflag:s21] =	ssyncadd.s32 $0xFFFFEC00  }
0x7d: {  	[tilespmem:s22], [sflag:$0x5] =	stream.linear.gather [hbm4b:s13+s2], $0x1400, $0x38;
	[tilespmem:$0x1E800] =	vst v63  }
0x7e: {  	_ =	swait.ge [sflag:s21], $0x1400  }
0x7f: {  	[sflag:s21] =	ssyncset.done $0x0  }
0x80: {  	[sflag:s21] =	ssyncadd.s32 $0xFFFFEC00  }
0x81: {  	[tilespmem:s20], [sflag:$0x1] =	stream.indirect.gather [hbm4b:s4+s23], $0x80, s2, s23, $0xb8;
	[tilespmem:$0x1E800] =	vst v63  }
0x82: {  	_ = 	snop  }
0x83: {  	[tilespmem:s24], [sflag:$0x2] =	stream.indirect.gather [hbm4b:s4+s23], $0x80, s23, s23, $0xb8;
	[tilespmem:$0x1E800] =	vst v63  }
0x84: {  	_ =	swait.ge [sflag:s25], $0x4000  }
0x85: {  	[sflag:s25] =	ssyncset.done $0x0  }
0x86: {  	s11 =	simm.s32 $0x1400;
	[sflag:s25] =	ssyncadd.s32 $0xFFFFC000  }
0x87: {  	[spmem:s1] =	stream.indirect.scatter.add.f32 [tilespmem:s20], [sflag:$0x3], $0x80, s11, s23, $0xb8;
	[tilespmem:$0x1E800] =	vst v63  }
0x88: {  	_ =	swait.ge [sflag:s26], $0x4000  }
0x89: {  	[sflag:s26] =	ssyncset.done $0x0  }
0x8a: {  	s10 =	simm.s32 $0x1480;
	[sflag:s26] =	ssyncadd.s32 $0xFFFFC000  }
0x8b: {  	[spmem:s1] =	stream.indirect.scatter.add.f32 [tilespmem:s24], [sflag:$0x4], $0x80, s10, s23, $0xb8;
	[tilespmem:$0x1E800] =	vst v63  }
0x8c: {  	_ =	swait.ge [sflag:s28], $0x4000  }
0x8d: {  	[sflag:s28] =	ssyncset.done $0x0  }
0x8e: {  	s11 =	simm.s32 $0x100;
	[sflag:s28] =	ssyncadd.s32 $0xFFFFC000  }
0x8f: {  	[tilespmem:s20], [sflag:$0x1] =	stream.indirect.gather [hbm4b:s4+s23], $0x80, s11, s23, $0xb8;
	[tilespmem:$0x1E800] =	vst v63  }
0x90: {  	_ =	swait.ge [sflag:s29], $0x4000  }
0x91: {  	[sflag:s29] =	ssyncset.done $0x0  }
0x92: {  	s2 =	simm.s32 $0x400;
	s10 =	simm.s32 $0x180;
	[sflag:s29] =	ssyncadd.s32 $0xFFFFC000  }
.LBB2_6:
0x93: {  	[tilespmem:s24], [sflag:$0x2] =	stream.indirect.gather [hbm4b:s4+s23], $0x80, s10, s23, $0xb8;
	[tilespmem:$0x1E800] =	vst v63  }
0x94: {  	s10 =	smov.u32 s2  }
0x95: {  	p0 =	sne.s32 s2, $0x4800;
	s2 =	sadd.s32 $0x400, s2;
	_ =	swait.ge [sflag:s25], $0x4000  }
0x96: {  	s10 =	sshra.s32 s10, $0x2;
	[sflag:s25] =	ssyncset.done $0x0  }
0x97: {  	s11 =	sadd.s32 $0x1400, s10;
	[sflag:s25] =	ssyncadd.s32 $0xFFFFC000  }
0x98: {  	[spmem:s1] =	stream.indirect.scatter.add.f32 [tilespmem:s20], [sflag:$0x3], $0x80, s11, s23, $0xb8;
	[tilespmem:$0x1E800] =	vst v63  }
0x99: {  	_ =	swait.ge [sflag:s26], $0x4000  }
0x9a: {  	[sflag:s26] =	ssyncset.done $0x0  }
0x9b: {  	s11 =	sadd.s32 $0x1480, s10;
	[sflag:s26] =	ssyncadd.s32 $0xFFFFC000  }
0x9c: {  	[spmem:s1] =	stream.indirect.scatter.add.f32 [tilespmem:s24], [sflag:$0x4], $0x80, s11, s23, $0xb8;
	[tilespmem:$0x1E800] =	vst v63  }
0x9d: {  	_ =	swait.ge [sflag:s28], $0x4000  }
0x9e: {  	[sflag:s28] =	ssyncset.done $0x0  }
.Ltmp2:
0x9f: {  	s11 =	sadd.s32 $0x100, s10;
	[sflag:s28] =	ssyncadd.s32 $0xFFFFC000;
	(pc) =	sbr.rel @p0 .LBB2_6-.Ltmp2, $4  }
0xa0: {  	[tilespmem:s20], [sflag:$0x1] =	stream.indirect.gather [hbm4b:s4+s23], $0x80, s11, s23, $0xb8;
	[tilespmem:$0x1E800] =	vst v63  }
0xa1: {  	_ =	swait.ge [sflag:s29], $0x4000  }
0xa2: {  	[sflag:s29] =	ssyncset.done $0x0  }
0xa3: {  	s10 =	sadd.s32 $0x180, s10;
	[sflag:s29] =	ssyncadd.s32 $0xFFFFC000  }
0xa4: {  	[tilespmem:s24], [sflag:$0x2] =	stream.indirect.gather [hbm4b:s4+s23], $0x80, s10, s23, $0xb8;
	[tilespmem:$0x1E800] =	vst v63  }
0xa5: {  	_ =	swait.ge [sflag:s25], $0x4000  }
0xa6: {  	[sflag:s25] =	ssyncset.done $0x0  }
0xa7: {  	[sflag:s25] =	ssyncadd.s32 $0xFFFFC000  }
0xa8: {  	[spmem:s1] =	stream.indirect.scatter.add.f32 [tilespmem:s20], [sflag:$0x3], $0x80, s30, s23, $0xb8;
	[tilespmem:$0x1E800] =	vst v63  }
0xa9: {  	_ =	swait.ge [sflag:s26], $0x4000  }
0xaa: {  	[sflag:s26] =	ssyncset.done $0x0  }
0xab: {  	[sflag:s26] =	ssyncadd.s32 $0xFFFFC000  }
0xac: {  	[spmem:s1] =	stream.indirect.scatter.add.f32 [tilespmem:s24], [sflag:$0x4], $0x80, s31, s23, $0xb8;
	[tilespmem:$0x1E800] =	vst v63  }
0xad: {  	_ =	swait.ge [sflag:s28], $0x4000  }
0xae: {  	[sflag:s28] =	ssyncset.done $0x0  }
0xaf: {  	[sflag:s28] =	ssyncadd.s32 $0xFFFFC000  }
0xb0: {  	_ =	swait.ge [sflag:s29], $0x4000  }
0xb1: {  	[sflag:s29] =	ssyncset.done $0x0  }
0xb2: {  	[sflag:s29] =	ssyncadd.s32 $0xFFFFC000  }
0xb3: {  	[bflag:$0x0] =	sbarrier.arrive $0xFFFF  }
0xb4: {  	[tilespmem:s20], [sflag:$0x5] =	stream.linear.gather [spmem:s5], $0x4000, $0x38;
	[tilespmem:$0x1E800] =	vst v63  }
0xb5: {  	_ =	swait.ge [sflag:s21], $0x4000  }
0xb6: {  	[sflag:s21] =	ssyncset.done $0x0  }
0xb7: {  	[sflag:s21] =	ssyncadd.s32 $0xFFFFC000  }
0xb8: {  	[hbm4b:s14+s3] =	stream.linear.scatter [tilespmem:s20], [sflag:$0x5], $0x4000, $0x38;
	[tilespmem:$0x1E800] =	vst v63  }
0xb9: {  	_ =	swait.ge [sflag:s21], $0x4000  }
0xba: {  	[sflag:s21] =	ssyncset.done $0x0  }
0xbb: {  	[sflag:s21] =	ssyncadd.s32 $0xFFFFC000  }
0xbc: {  	[tilespmem:s20], [sflag:$0x5] =	stream.linear.gather [spmem:s6], $0x4000, $0x38;
	[tilespmem:$0x1E800] =	vst v63  }
0xbd: {  	_ =	swait.ge [sflag:s21], $0x4000  }
0xbe: {  	[sflag:s21] =	ssyncset.done $0x0  }
0xbf: {  	[sflag:s21] =	ssyncadd.s32 $0xFFFFC000  }
0xc0: {  	[hbm4b:s15+s3] =	stream.linear.scatter [tilespmem:s20], [sflag:$0x5], $0x4000, $0x38;
	[tilespmem:$0x1E800] =	vst v63  }
0xc1: {  	_ =	swait.ge [sflag:s21], $0x4000  }
0xc2: {  	[sflag:s21] =	ssyncset.done $0x0  }
0xc3: {  	[sflag:s21] =	ssyncadd.s32 $0xFFFFC000  }
0xc4: {  	[tilespmem:s20], [sflag:$0x5] =	stream.linear.gather [spmem:s7], $0x4000, $0x38;
	[tilespmem:$0x1E800] =	vst v63  }
0xc5: {  	_ =	swait.ge [sflag:s21], $0x4000  }
0xc6: {  	[sflag:s21] =	ssyncset.done $0x0  }
0xc7: {  	[sflag:s21] =	ssyncadd.s32 $0xFFFFC000  }
0xc8: {  	[hbm4b:s16+s3] =	stream.linear.scatter [tilespmem:s20], [sflag:$0x5], $0x4000, $0x38;
	[tilespmem:$0x1E800] =	vst v63  }
0xc9: {  	_ =	swait.ge [sflag:s21], $0x4000  }
0xca: {  	[sflag:s21] =	ssyncset.done $0x0  }
0xcb: {  	[sflag:s21] =	ssyncadd.s32 $0xFFFFC000  }
0xcc: {  	[tilespmem:s20], [sflag:$0x5] =	stream.linear.gather [spmem:s8], $0x4000, $0x38;
	[tilespmem:$0x1E800] =	vst v63  }
0xcd: {  	_ =	swait.ge [sflag:s21], $0x4000  }
0xce: {  	[sflag:s21] =	ssyncset.done $0x0  }
0xcf: {  	[sflag:s21] =	ssyncadd.s32 $0xFFFFC000  }
0xd0: {  	[hbm4b:s17+s3] =	stream.linear.scatter [tilespmem:s20], [sflag:$0x5], $0x4000, $0x38;
	[tilespmem:$0x1E800] =	vst v63  }
0xd1: {  	_ =	swait.ge [sflag:s21], $0x4000  }
0xd2: {  	[sflag:s21] =	ssyncset.done $0x0  }
0xd3: {  	[sflag:s21] =	ssyncadd.s32 $0xFFFFC000  }
0xd4: {  	[tilespmem:s20], [sflag:$0x5] =	stream.linear.gather [spmem:s9], $0x4000, $0x38;
	[tilespmem:$0x1E800] =	vst v63  }
0xd5: {  	s0 =	sadd.s32 $0x1, s0;
	_ =	swait.ge [sflag:s21], $0x4000  }
0xd6: {  	p0 =	sne.s32 s0, s19;
	[sflag:s21] =	ssyncset.done $0x0  }
.Ltmp3:
0xd7: {  	[sflag:s21] =	ssyncadd.s32 $0xFFFFC000;
	(pc) =	sbr.rel @p0 .LBB2_1-.Ltmp3, $4  }
0xd8: {  	[hbm4b:s18+s3] =	stream.linear.scatter [tilespmem:s20], [sflag:$0x5], $0x4000, $0x38;
	[tilespmem:$0x1E800] =	vst v63  }
0xd9: {  	_ =	swait.ge [sflag:s21], $0x4000  }
0xda: {  	[sflag:s21] =	ssyncset.done $0x0  }
0xdb: {  	[sflag:s21] =	ssyncadd.s32 $0xFFFFC000  }
0xdc: {  	_ =	sfence.sel $0x180000  }
0xdd: {  	[bflag:$0x0] =	sbarrier.arrive $0xFFFF  }
0xde: {  	_ =	strace $0x90000050  }
0xdf: {  	s0 =	stileid.u32;
	[bflag:$0x2] =	sbarrier.arrive $0xFFFF  }
0xe0: {  	p0 =	sne.s32 s0, $0x0;
	s0 =	rddreg [dreg:$0x2]  }
0xe1: {  	s0 =	sadd.s32 @!p0 $0x100000, s0  }
0xe2: {  	[sflag:s0] =	ssyncadd.tile.s32 @!p0 $0x1;
	_ =	shalt  }
.Lfunc_end2:
_tile_overlayer_lowered:
.L_overlay_start_2:
0xe3: {  	(tag) =	ssettag $0x2  }
0xe4: {  	s0 =	rddreg [dreg:$0x0];
	s2 =	stileid.u32  }
0xe5: {  	s1 =	rddreg [dreg:$0x1];
	p0 =	sne.s32 s2, $0x0  }
0xe6: {  	s3 =	rddreg [dreg:$0x2];
	[bflag:$0x3] =	sbarrier.arrive $0xFFFF;
	s2 =	simm.s32 @!p0 $0x1C05  }
0xe7: {  	[timem:s3], [sflag:s2] =	dma.local @!p0 [hbm:s0], s1  }
0xe8: {  	s0 =	simm.s32 @!p0 $0x5  }
0xe9: {  	_ =	swait.ge @!p0 [sflag:s0], s1  }
0xea: {  	s1 =	ssub.s32 @!p0 $0x0, s1;
	[sflag:s0] =	ssyncset.done @!p0 $0x0  }
0xeb: {  	[sflag:s0] =	ssyncadd.s32 @!p0 s1  }
0xec: {  	[bflag:$0x3] =	sbarrier.arrive $0xFFFF  }
0xed: {  	_ =	shalt  }

</sc_bundles>
